<compile_context>
chip_gen: v7x
topology: tpu7x:2x2x1
jax: 0.10.2.dev20260603
libtpu: 0.0.44.dev20260713+nightly
codegen_flags: <defaults>
</compile_context>

<pallas_src>
import functools

import jax
import jax.numpy as jnp
import numpy as np
from jax import lax
from jax.experimental import pallas as pl
from jax.experimental.pallas import tpu as pltpu
from jax.experimental.pallas import tpu_sc as plsc

N = 10000
E = 320000
D = 128
NC = 2
NS = 16
NW = NC * NS
CHUNK = 128
EPT = 10240
NCHUNK = EPT // CHUNK
IRD = 4
E_PAD = EPT * NW
_PERM = np.zeros(D, np.int32)
for _g in range(D // 32):
    for _i in range(16):
        _PERM[_g * 32 + 2 * _i] = _g * 32 + _i
        _PERM[_g * 32 + 2 * _i + 1] = _g * 32 + 16 + _i
SLAB = 632
SLAB_LAST = N - SLAB * (NS - 1)
ACC_ROWS = N


def _mm_body(x_ref, w_ref, b_ref, o_ref):
    o_ref[...] = (
        lax.dot_general(
            x_ref[...], w_ref[...], (((1,), (1,)), ((), ())),
            preferred_element_type=jnp.float32,
        )
        + b_ref[...]
    ).astype(jnp.bfloat16)


def _linear(x, W, b2):
    rblk = 2000
    nr = N // rblk
    return pl.pallas_call(
        _mm_body,
        grid=(nr,),
        in_specs=[
            pl.BlockSpec((rblk, D), lambda r: (r, 0)),
            pl.BlockSpec((D, D), lambda r: (0, 0)),
            pl.BlockSpec((1, D), lambda r: (0, 0)),
        ],
        out_specs=pl.BlockSpec((rblk, D), lambda r: (r, 0)),
        out_shape=jax.ShapeDtypeStruct((N, D), jnp.bfloat16),
    )(x, W, b2)


def _add_body(a_ref, b_ref, o_ref):
    o_ref[...] = a_ref[...] + b_ref[...]


def _combine(p):
    rblk = 2000
    nr = N // rblk
    return pl.pallas_call(
        _add_body,
        grid=(nr,),
        in_specs=[
            pl.BlockSpec((rblk, D), lambda r: (r, 0)),
            pl.BlockSpec((rblk, D), lambda r: (r + N // rblk, 0)),
        ],
        out_specs=pl.BlockSpec((rblk, D), lambda r: (r, 0)),
        out_shape=jax.ShapeDtypeStruct((N, D), jnp.float32),
    )(p, p)


def _sc_body(table, edata, out, iring, gbufs, pbufs, accum, gsem, isem):
    core = lax.axis_index("c")
    sid = lax.axis_index("s")
    wid = core * NS + sid
    ebase = wid * NCHUNK

    zero16 = jnp.zeros((16,), jnp.float32)

    def _zrow(i, _):
        for f in range(D // 16):
            pbufs[i, pl.ds(f * 16, 16)] = zero16
        return _

    lax.fori_loop(0, CHUNK, _zrow, None, unroll=2)
    zbase = pl.multiple_of(sid * SLAB, 8)

    @pl.when(sid < NS - 1)
    def _zfull():
        for off in range(0, SLAB, CHUNK):
            n = min(CHUNK, SLAB - off)
            pltpu.sync_copy(pbufs.at[pl.ds(0, n)],
                            accum.at[pl.ds(pl.multiple_of(zbase + off, 8), n)])

    @pl.when(sid == NS - 1)
    def _zlast():
        for off in range(0, SLAB_LAST, CHUNK):
            n = min(CHUNK, SLAB_LAST - off)
            pltpu.sync_copy(pbufs.at[pl.ds(0, n)],
                            accum.at[pl.ds(pl.multiple_of(zbase + off, 8), n)])

    plsc.subcore_barrier()

    def _stage(j, s):
        pltpu.async_copy(edata.at[ebase + j], iring.at[pl.ds(3 * s, 3)],
                         isem.at[s])

    def _gather(j, s, b):
        pltpu.make_async_copy(edata.at[ebase + j], iring.at[pl.ds(3 * s, 3)],
                              isem.at[s]).wait()
        pltpu.async_copy(table.at[iring.at[3 * s]], gbufs.at[b], gsem.at[b])

    for s in range(IRD):
        _stage(s, s)
    _gather(0, 0, 0)
    _gather(1, 1, 1)
    _gather(2, 2, 2)

    def _chunkgrp(jg, _):
        for u in range(IRD):
            s = u
            j = jg * IRD + u
            pltpu.make_async_copy(table.at[iring.at[3 * s]], gbufs.at[s],
                                  gsem.at[s]).wait()

            def _edge(e, _c):
                sv = jnp.full((16,), 3 * s + 2, jnp.int32)
                ev = jnp.full((16,), e, jnp.int32)
                splat = plsc.bitcast(
                    plsc.load_gather(iring, [sv, ev]), jnp.float32)
                for g in range(D // 32):
                    v = plsc.bitcast(gbufs[s, e, pl.ds(g * 16, 16)],
                                     jnp.bfloat16)
                    av, bv = plsc.unpack(v, format=plsc.PackFormat.INTERLEAVED)
                    pbufs[e, pl.ds(g * 32, 16)] = av * splat
                    pbufs[e, pl.ds(g * 32 + 16, 16)] = bv * splat
                return _c

            lax.fori_loop(0, CHUNK, _edge, None, unroll=8)
            pltpu.sync_copy(pbufs, accum.at[iring.at[3 * s + 1]], add=True)

            @pl.when(j + IRD < NCHUNK)
            def _restage():
                _stage(j + IRD, s)

            @pl.when(j + 3 < NCHUNK)
            def _next():
                _gather(j + 3, (s + 3) % IRD, (s + 3) % IRD)
        return _

    lax.fori_loop(0, NCHUNK // IRD, _chunkgrp, None)
    plsc.subcore_barrier()

    src = pl.multiple_of(sid * SLAB, 8)
    dst = pl.multiple_of(core * N + sid * SLAB, 8)

    @pl.when(sid < NS - 1)
    def _full():
        pltpu.sync_copy(accum.at[pl.ds(src, SLAB)], out.at[pl.ds(dst, SLAB)])

    @pl.when(sid == NS - 1)
    def _last():
        pltpu.sync_copy(accum.at[pl.ds(src, SLAB_LAST)],
                        out.at[pl.ds(dst, SLAB_LAST)])


@functools.cache
def _sc_aggregate():
    @functools.partial(
        pl.kernel,
        out_type=jax.ShapeDtypeStruct((NC * N, D), jnp.float32),
        mesh=plsc.VectorSubcoreMesh(core_axis_name="c", subcore_axis_name="s",
                                    num_cores=NC, num_subcores=NS),
        compiler_params=pltpu.CompilerParams(needs_layout_passes=False,
                                             use_tc_tiling_on_sc=False),
        scratch_types=[
            pltpu.VMEM((IRD * 3, CHUNK), jnp.int32),
            pltpu.VMEM((IRD, CHUNK, D // 2), jnp.int32),
            pltpu.VMEM((CHUNK, D), jnp.float32),
            pltpu.VMEM_SHARED((ACC_ROWS, D), jnp.float32),
            pltpu.SemaphoreType.DMA((IRD,)),
            pltpu.SemaphoreType.DMA((IRD,)),
        ],
    )
    def agg(table, edata, out, *scratch):
        _sc_body(table, edata, out, *scratch)

    return agg


def kernel(input_features, adj_edge_index, adj_values, W, b):
    table_bf16 = _linear(input_features, W[_PERM], b[_PERM].reshape(1, D))
    table = lax.bitcast_convert_type(
        table_bf16.reshape(N, D // 2, 2), jnp.int32)

    col = adj_edge_index[1]
    row = adj_edge_index[0]
    pad = E_PAD - E
    spread = jnp.arange(pad, dtype=jnp.int32) * 37 % N
    col_p = jnp.concatenate([col, spread])
    row_p = jnp.concatenate([row, spread])
    val_p = jnp.pad(adj_values, (0, pad))
    valbits = lax.bitcast_convert_type(val_p, jnp.int32)
    edata = jnp.stack(
        [col_p.reshape(NW, NCHUNK, CHUNK),
         row_p.reshape(NW, NCHUNK, CHUNK),
         valbits.reshape(NW, NCHUNK, CHUNK)], axis=2,
    ).reshape(NW * NCHUNK, 3, CHUNK)

    partials = _sc_aggregate()(table, edata)
    return _combine(partials)

# --- scband reference (transcript-rebuilt; emitter-appended) ---
"""Pipeline reference for scband-gcnlayer-65403761983574 (READ-ONLY COPY).

The authoritative reference and input builder live on the scoring server;
editing this copy changes nothing except your own understanding.
"""

import jax, jax.numpy as jnp
import numpy as np

N_NODES = 10000
N_EDGES = 320000
D_IN = 128
D_OUT = 128


def setup_inputs(seed: int = 0) -> dict:
    key = jax.random.key(seed)
    k1, k2, k3, k4, k5 = jax.random.split(key, 5)
    input_features = jax.random.normal(k1, (N_NODES, D_IN), dtype=jnp.float32)
    adj_edge_index = jax.random.randint(k2, (2, N_EDGES), 0, N_NODES, dtype=jnp.int64 if jax.config.jax_enable_x64 else jnp.int32).astype(jnp.int32)
    adj_values = jax.random.uniform(k3, (N_EDGES,), dtype=jnp.float32)
    # Learned parameters of nn.Linear(in_features, out_features, bias=True)
    bound = 1.0 / np.sqrt(D_IN)
    W = jax.random.uniform(k4, (D_OUT, D_IN), minval=-bound, maxval=bound, dtype=jnp.float32)
    b = jax.random.uniform(k5, (D_OUT,), minval=-bound, maxval=bound, dtype=jnp.float32)
    return {
        "input_features": input_features,
        "adj_edge_index": adj_edge_index,
        "adj_values": adj_values,
        "W": W,
        "b": b,
    }


def reference(input_features, adj_edge_index, adj_values, W, b):
    # transformed_features = self.linear(input_features)
    transformed = input_features @ W.T + b
    # output = torch.sparse.mm(adj, transformed_features)
    # adj is COO: row = adj_edge_index[0], col = adj_edge_index[1], val = adj_values
    # out[r] += val * transformed[c]  (gather from src col, scatter-add to dst row)
    row = adj_edge_index[0]
    col = adj_edge_index[1]
    gathered = jnp.take(transformed, col, axis=0) * adj_values[:, None]
    output = jnp.zeros((N_NODES, D_OUT), dtype=transformed.dtype).at[row].add(gathered)
    return output

if __name__ == "__main__":
    import jax
    _d = setup_inputs()
    print(jax.jit(kernel)(*tuple(_d.values())))

</pallas_src>

<mosaic_0001>
#map = affine_map<(d0, d1) -> (0, 0)>
#map1 = affine_map<(d0, d1) -> (0, 0, 0)>
module attributes {stable_mosaic.version = 14 : i64} {
  func.func @agg(%arg0: i32, %arg1: i32, %arg2: memref<10000x64xi32, #tpu.memory_space<hbm>>, %arg3: memref<2560x3x128xi32, #tpu.memory_space<hbm>>, %arg4: memref<20000x128xf32, #tpu.memory_space<hbm>>, %arg5: memref<12x128xi32, #tpu.memory_space<vmem>>, %arg6: memref<4x128x64xi32, #tpu.memory_space<vmem>>, %arg7: memref<128x128xf32, #tpu.memory_space<vmem>>, %arg8: memref<10000x128xf32, #tpu.memory_space<vmem_shared>>, %arg9: memref<4x!tpu.dma_semaphore, #tpu.memory_space<semaphore_mem>>, %arg10: memref<4x!tpu.dma_semaphore, #tpu.memory_space<semaphore_mem>>) attributes {dimension_semantics = [#tpu.dimension_semantics<core_parallel>, #tpu.dimension_semantics<subcore_parallel>], iteration_bounds = array<i64: 2, 16>, scalar_prefetch = 0 : i64, scratch_operands = 6 : i64, tpu.core_type = #tpu.core_type<sc_vector_subcore>, window_params = [{transform_indices = #map}, {transform_indices = #map1}, {transform_indices = #map}]} {
    %mul3A = arith.constant 16 : i32
    %mul3A_0 = arith.muli %arg0, %mul3A : i32
    %add3A = arith.addi %mul3A_0, %arg1 : i32
    %mul3A_1 = arith.constant 80 : i32
    %mul3A_2 = arith.muli %add3A, %mul3A_1 : i32
    %broadcast_in_dim3A = arith.constant 0.000000e+00 : f32
    %broadcast_in_dim3A_3 = vector.broadcast %broadcast_in_dim3A : f32 to vector<16xf32>
    %scan3A = arith.constant 0 : i32
    %scan3A_4 = arith.constant 128 : i32
    %scan3A_5 = arith.addi %scan3A, %scan3A_4 : i32
    %scan3A_6 = arith.constant 2 : i32
    scf.for %scan3A_217 = %scan3A to %scan3A_5 step %scan3A_6  : i32 {
      %swap3A = arith.index_cast %scan3A_217 : i32 to index
      %swap3A_218 = arith.constant 0 : index
      %swap3A_219 = tpu.vector_load %arg7[%swap3A, %swap3A_218] {strides = array<i32>} : memref<128x128xf32, #tpu.memory_space<vmem>>, vector<16xf32>,
      tpu.vector_store %arg7[%swap3A, %swap3A_218], %broadcast_in_dim3A_3 {strides = array<i32>} : memref<128x128xf32, #tpu.memory_space<vmem>>, vector<16xf32>,
      %swap3A_220 = arith.index_cast %scan3A_217 : i32 to index
      %swap3A_221 = arith.constant 16 : index
      %swap3A_222 = tpu.vector_load %arg7[%swap3A_220, %swap3A_221] {strides = array<i32>} : memref<128x128xf32, #tpu.memory_space<vmem>>, vector<16xf32>,
      tpu.vector_store %arg7[%swap3A_220, %swap3A_221], %broadcast_in_dim3A_3 {strides = array<i32>} : memref<128x128xf32, #tpu.memory_space<vmem>>, vector<16xf32>,
      %swap3A_223 = arith.index_cast %scan3A_217 : i32 to index
      %swap3A_224 = arith.constant 32 : index
      %swap3A_225 = tpu.vector_load %arg7[%swap3A_223, %swap3A_224] {strides = array<i32>} : memref<128x128xf32, #tpu.memory_space<vmem>>, vector<16xf32>,
      tpu.vector_store %arg7[%swap3A_223, %swap3A_224], %broadcast_in_dim3A_3 {strides = array<i32>} : memref<128x128xf32, #tpu.memory_space<vmem>>, vector<16xf32>,
      %swap3A_226 = arith.index_cast %scan3A_217 : i32 to index
      %swap3A_227 = arith.constant 48 : index
      %swap3A_228 = tpu.vector_load %arg7[%swap3A_226, %swap3A_227] {strides = array<i32>} : memref<128x128xf32, #tpu.memory_space<vmem>>, vector<16xf32>,
      tpu.vector_store %arg7[%swap3A_226, %swap3A_227], %broadcast_in_dim3A_3 {strides = array<i32>} : memref<128x128xf32, #tpu.memory_space<vmem>>, vector<16xf32>,
      %swap3A_229 = arith.index_cast %scan3A_217 : i32 to index
      %swap3A_230 = arith.constant 64 : index
      %swap3A_231 = tpu.vector_load %arg7[%swap3A_229, %swap3A_230] {strides = array<i32>} : memref<128x128xf32, #tpu.memory_space<vmem>>, vector<16xf32>,
      tpu.vector_store %arg7[%swap3A_229, %swap3A_230], %broadcast_in_dim3A_3 {strides = array<i32>} : memref<128x128xf32, #tpu.memory_space<vmem>>, vector<16xf32>,
      %swap3A_232 = arith.index_cast %scan3A_217 : i32 to index
      %swap3A_233 = arith.constant 80 : index
      %swap3A_234 = tpu.vector_load %arg7[%swap3A_232, %swap3A_233] {strides = array<i32>} : memref<128x128xf32, #tpu.memory_space<vmem>>, vector<16xf32>,
      tpu.vector_store %arg7[%swap3A_232, %swap3A_233], %broadcast_in_dim3A_3 {strides = array<i32>} : memref<128x128xf32, #tpu.memory_space<vmem>>, vector<16xf32>,
      %swap3A_235 = arith.index_cast %scan3A_217 : i32 to index
      %swap3A_236 = arith.constant 96 : index
      %swap3A_237 = tpu.vector_load %arg7[%swap3A_235, %swap3A_236] {strides = array<i32>} : memref<128x128xf32, #tpu.memory_space<vmem>>, vector<16xf32>,
      tpu.vector_store %arg7[%swap3A_235, %swap3A_236], %broadcast_in_dim3A_3 {strides = array<i32>} : memref<128x128xf32, #tpu.memory_space<vmem>>, vector<16xf32>,
      %swap3A_238 = arith.index_cast %scan3A_217 : i32 to index
      %swap3A_239 = arith.constant 112 : index
      %swap3A_240 = tpu.vector_load %arg7[%swap3A_238, %swap3A_239] {strides = array<i32>} : memref<128x128xf32, #tpu.memory_space<vmem>>, vector<16xf32>,
      tpu.vector_store %arg7[%swap3A_238, %swap3A_239], %broadcast_in_dim3A_3 {strides = array<i32>} : memref<128x128xf32, #tpu.memory_space<vmem>>, vector<16xf32>,
      %scan3A_241 = arith.constant 1 : i32
      %scan3A_242 = arith.addi %scan3A_217, %scan3A_241 : i32
      %swap3A_243 = arith.index_cast %scan3A_242 : i32 to index
      %swap3A_244 = arith.constant 0 : index
      %swap3A_245 = tpu.vector_load %arg7[%swap3A_243, %swap3A_244] {strides = array<i32>} : memref<128x128xf32, #tpu.memory_space<vmem>>, vector<16xf32>,
      tpu.vector_store %arg7[%swap3A_243, %swap3A_244], %broadcast_in_dim3A_3 {strides = array<i32>} : memref<128x128xf32, #tpu.memory_space<vmem>>, vector<16xf32>,
      %swap3A_246 = arith.index_cast %scan3A_242 : i32 to index
      %swap3A_247 = arith.constant 16 : index
      %swap3A_248 = tpu.vector_load %arg7[%swap3A_246, %swap3A_247] {strides = array<i32>} : memref<128x128xf32, #tpu.memory_space<vmem>>, vector<16xf32>,
      tpu.vector_store %arg7[%swap3A_246, %swap3A_247], %broadcast_in_dim3A_3 {strides = array<i32>} : memref<128x128xf32, #tpu.memory_space<vmem>>, vector<16xf32>,
      %swap3A_249 = arith.index_cast %scan3A_242 : i32 to index
      %swap3A_250 = arith.constant 32 : index
      %swap3A_251 = tpu.vector_load %arg7[%swap3A_249, %swap3A_250] {strides = array<i32>} : memref<128x128xf32, #tpu.memory_space<vmem>>, vector<16xf32>,
      tpu.vector_store %arg7[%swap3A_249, %swap3A_250], %broadcast_in_dim3A_3 {strides = array<i32>} : memref<128x128xf32, #tpu.memory_space<vmem>>, vector<16xf32>,
      %swap3A_252 = arith.index_cast %scan3A_242 : i32 to index
      %swap3A_253 = arith.constant 48 : index
      %swap3A_254 = tpu.vector_load %arg7[%swap3A_252, %swap3A_253] {strides = array<i32>} : memref<128x128xf32, #tpu.memory_space<vmem>>, vector<16xf32>,
      tpu.vector_store %arg7[%swap3A_252, %swap3A_253], %broadcast_in_dim3A_3 {strides = array<i32>} : memref<128x128xf32, #tpu.memory_space<vmem>>, vector<16xf32>,
      %swap3A_255 = arith.index_cast %scan3A_242 : i32 to index
      %swap3A_256 = arith.constant 64 : index
      %swap3A_257 = tpu.vector_load %arg7[%swap3A_255, %swap3A_256] {strides = array<i32>} : memref<128x128xf32, #tpu.memory_space<vmem>>, vector<16xf32>,
      tpu.vector_store %arg7[%swap3A_255, %swap3A_256], %broadcast_in_dim3A_3 {strides = array<i32>} : memref<128x128xf32, #tpu.memory_space<vmem>>, vector<16xf32>,
      %swap3A_258 = arith.index_cast %scan3A_242 : i32 to index
      %swap3A_259 = arith.constant 80 : index
      %swap3A_260 = tpu.vector_load %arg7[%swap3A_258, %swap3A_259] {strides = array<i32>} : memref<128x128xf32, #tpu.memory_space<vmem>>, vector<16xf32>,
      tpu.vector_store %arg7[%swap3A_258, %swap3A_259], %broadcast_in_dim3A_3 {strides = array<i32>} : memref<128x128xf32, #tpu.memory_space<vmem>>, vector<16xf32>,
      %swap3A_261 = arith.index_cast %scan3A_242 : i32 to index
      %swap3A_262 = arith.constant 96 : index
      %swap3A_263 = tpu.vector_load %arg7[%swap3A_261, %swap3A_262] {strides = array<i32>} : memref<128x128xf32, #tpu.memory_space<vmem>>, vector<16xf32>,
      tpu.vector_store %arg7[%swap3A_261, %swap3A_262], %broadcast_in_dim3A_3 {strides = array<i32>} : memref<128x128xf32, #tpu.memory_space<vmem>>, vector<16xf32>,
      %swap3A_264 = arith.index_cast %scan3A_242 : i32 to index
      %swap3A_265 = arith.constant 112 : index
      %swap3A_266 = tpu.vector_load %arg7[%swap3A_264, %swap3A_265] {strides = array<i32>} : memref<128x128xf32, #tpu.memory_space<vmem>>, vector<16xf32>,
      tpu.vector_store %arg7[%swap3A_264, %swap3A_265], %broadcast_in_dim3A_3 {strides = array<i32>} : memref<128x128xf32, #tpu.memory_space<vmem>>, vector<16xf32>,
    }
    %scan3A_7 = arith.constant 128 : i32
    %mul3A_8 = arith.constant 632 : i32
    %mul3A_9 = arith.muli %arg1, %mul3A_8 : i32
    %multiple_of3A = tpu.assume_multiple %mul3A_9, 8 : i32
    %lt3A = arith.constant 15 : i32
    %lt3A_10 = arith.cmpi slt, %arg1, %lt3A : i32
    %convert_element_type3A = arith.extui %lt3A_10 : i1 to i32
    %cond3A = arith.constant 0 : i32
    %cond3A_11 = arith.cmpi ne, %convert_element_type3A, %cond3A : i32
    scf.if %cond3A_11 {
      %add3A_217 = arith.constant 0 : i32
      %add3A_218 = arith.addi %multiple_of3A, %add3A_217 : i32
      %multiple_of3A_219 = tpu.assume_multiple %add3A_218, 8 : i32
      "tpu.region"() ({
        %run_scoped3A = tpu.sem_alloc : memref<!tpu.dma_semaphore, #tpu.memory_space<semaphore_mem>>
        %dma_start3A_232 = arith.constant 0 : i32
        %dma_start3A_233 = arith.constant 0 : i32
        %dma_start3A_234 = tpu.memref_slice %arg7[%dma_start3A_232, %dma_start3A_233] : memref<128x128xf32, #tpu.memory_space<vmem>> -> memref<128x128xf32, #tpu.memory_space<vmem>>
        %dma_start3A_235 = arith.constant 0 : i32
        %dma_start3A_236 = tpu.memref_slice %arg8[%multiple_of3A_219, %dma_start3A_235] : memref<10000x128xf32, #tpu.memory_space<vmem_shared>> -> memref<128x128xf32, #tpu.memory_space<vmem_shared>>
        %dma_start3A_237 = arith.constant 0 : i32
        %dma_start3A_238 = tpu.memref_slice %arg8[%multiple_of3A_219, %dma_start3A_237] : memref<10000x128xf32, #tpu.memory_space<vmem_shared>> -> memref<128x128xf32, #tpu.memory_space<vmem_shared>>
        %dma_start3A_239 = arith.constant 0 : i32
        %dma_start3A_240 = arith.constant 0 : i32
        %dma_start3A_241 = tpu.memref_slice %arg7[%dma_start3A_239, %dma_start3A_240] : memref<128x128xf32, #tpu.memory_space<vmem>> -> memref<128x128xf32, #tpu.memory_space<vmem>>
        tpu.enqueue_dma source(%dma_start3A_241 : memref<128x128xf32, #tpu.memory_space<vmem>>) target(%dma_start3A_238 : memref<128x128xf32, #tpu.memory_space<vmem_shared>>) target_semaphore(%run_scoped3A : memref<!tpu.dma_semaphore, #tpu.memory_space<semaphore_mem>>)
        %dma_wait3A_242 = arith.constant 0 : i32
        %dma_wait3A_243 = arith.constant 0 : i32
        %dma_wait3A_244 = tpu.memref_slice %arg7[%dma_wait3A_242, %dma_wait3A_243] : memref<128x128xf32, #tpu.memory_space<vmem>> -> memref<128x128xf32, #tpu.memory_space<vmem>>
        %dma_wait3A_245 = arith.constant 0 : i32
        %dma_wait3A_246 = tpu.memref_slice %arg8[%multiple_of3A_219, %dma_wait3A_245] : memref<10000x128xf32, #tpu.memory_space<vmem_shared>> -> memref<128x128xf32, #tpu.memory_space<vmem_shared>>
        %dma_wait3A_247 = arith.constant 0 : i32
        %dma_wait3A_248 = tpu.memref_slice %arg8[%multiple_of3A_219, %dma_wait3A_247] : memref<10000x128xf32, #tpu.memory_space<vmem_shared>> -> memref<128x128xf32, #tpu.memory_space<vmem_shared>>
        %dma_wait3A_249 = arith.constant 0 : i32
        %dma_wait3A_250 = arith.constant 0 : i32
        %dma_wait3A_251 = tpu.memref_slice %arg7[%dma_wait3A_249, %dma_wait3A_250] : memref<128x128xf32, #tpu.memory_space<vmem>> -> memref<128x128xf32, #tpu.memory_space<vmem>>
        tpu.wait_dma2 semaphore(%run_scoped3A : memref<!tpu.dma_semaphore, #tpu.memory_space<semaphore_mem>>) src(%dma_wait3A_251 : memref<128x128xf32, #tpu.memory_space<vmem>>) dst(%dma_wait3A_248 : memref<128x128xf32, #tpu.memory_space<vmem_shared>>)
        tpu.yield
      }) : () -> ()
      %add3A_220 = arith.constant 128 : i32
      %add3A_221 = arith.addi %multiple_of3A, %add3A_220 : i32
      %multiple_of3A_222 = tpu.assume_multiple %add3A_221, 8 : i32
      "tpu.region"() ({
        %run_scoped3A = tpu.sem_alloc : memref<!tpu.dma_semaphore, #tpu.memory_space<semaphore_mem>>
        %dma_start3A_232 = arith.constant 0 : i32
        %dma_start3A_233 = arith.constant 0 : i32
        %dma_start3A_234 = tpu.memref_slice %arg7[%dma_start3A_232, %dma_start3A_233] : memref<128x128xf32, #tpu.memory_space<vmem>> -> memref<128x128xf32, #tpu.memory_space<vmem>>
        %dma_start3A_235 = arith.constant 0 : i32
        %dma_start3A_236 = tpu.memref_slice %arg8[%multiple_of3A_222, %dma_start3A_235] : memref<10000x128xf32, #tpu.memory_space<vmem_shared>> -> memref<128x128xf32, #tpu.memory_space<vmem_shared>>
        %dma_start3A_237 = arith.constant 0 : i32
        %dma_start3A_238 = tpu.memref_slice %arg8[%multiple_of3A_222, %dma_start3A_237] : memref<10000x128xf32, #tpu.memory_space<vmem_shared>> -> memref<128x128xf32, #tpu.memory_space<vmem_shared>>
        %dma_start3A_239 = arith.constant 0 : i32
        %dma_start3A_240 = arith.constant 0 : i32
        %dma_start3A_241 = tpu.memref_slice %arg7[%dma_start3A_239, %dma_start3A_240] : memref<128x128xf32, #tpu.memory_space<vmem>> -> memref<128x128xf32, #tpu.memory_space<vmem>>
        tpu.enqueue_dma source(%dma_start3A_241 : memref<128x128xf32, #tpu.memory_space<vmem>>) target(%dma_start3A_238 : memref<128x128xf32, #tpu.memory_space<vmem_shared>>) target_semaphore(%run_scoped3A : memref<!tpu.dma_semaphore, #tpu.memory_space<semaphore_mem>>)
        %dma_wait3A_242 = arith.constant 0 : i32
        %dma_wait3A_243 = arith.constant 0 : i32
        %dma_wait3A_244 = tpu.memref_slice %arg7[%dma_wait3A_242, %dma_wait3A_243] : memref<128x128xf32, #tpu.memory_space<vmem>> -> memref<128x128xf32, #tpu.memory_space<vmem>>
        %dma_wait3A_245 = arith.constant 0 : i32
        %dma_wait3A_246 = tpu.memref_slice %arg8[%multiple_of3A_222, %dma_wait3A_245] : memref<10000x128xf32, #tpu.memory_space<vmem_shared>> -> memref<128x128xf32, #tpu.memory_space<vmem_shared>>
        %dma_wait3A_247 = arith.constant 0 : i32
        %dma_wait3A_248 = tpu.memref_slice %arg8[%multiple_of3A_222, %dma_wait3A_247] : memref<10000x128xf32, #tpu.memory_space<vmem_shared>> -> memref<128x128xf32, #tpu.memory_space<vmem_shared>>
        %dma_wait3A_249 = arith.constant 0 : i32
        %dma_wait3A_250 = arith.constant 0 : i32
        %dma_wait3A_251 = tpu.memref_slice %arg7[%dma_wait3A_249, %dma_wait3A_250] : memref<128x128xf32, #tpu.memory_space<vmem>> -> memref<128x128xf32, #tpu.memory_space<vmem>>
        tpu.wait_dma2 semaphore(%run_scoped3A : memref<!tpu.dma_semaphore, #tpu.memory_space<semaphore_mem>>) src(%dma_wait3A_251 : memref<128x128xf32, #tpu.memory_space<vmem>>) dst(%dma_wait3A_248 : memref<128x128xf32, #tpu.memory_space<vmem_shared>>)
        tpu.yield
      }) : () -> ()
      %add3A_223 = arith.constant 256 : i32
      %add3A_224 = arith.addi %multiple_of3A, %add3A_223 : i32
      %multiple_of3A_225 = tpu.assume_multiple %add3A_224, 8 : i32
      "tpu.region"() ({
        %run_scoped3A = tpu.sem_alloc : memref<!tpu.dma_semaphore, #tpu.memory_space<semaphore_mem>>
        %dma_start3A_232 = arith.constant 0 : i32
        %dma_start3A_233 = arith.constant 0 : i32
        %dma_start3A_234 = tpu.memref_slice %arg7[%dma_start3A_232, %dma_start3A_233] : memref<128x128xf32, #tpu.memory_space<vmem>> -> memref<128x128xf32, #tpu.memory_space<vmem>>
        %dma_start3A_235 = arith.constant 0 : i32
        %dma_start3A_236 = tpu.memref_slice %arg8[%multiple_of3A_225, %dma_start3A_235] : memref<10000x128xf32, #tpu.memory_space<vmem_shared>> -> memref<128x128xf32, #tpu.memory_space<vmem_shared>>
        %dma_start3A_237 = arith.constant 0 : i32
        %dma_start3A_238 = tpu.memref_slice %arg8[%multiple_of3A_225, %dma_start3A_237] : memref<10000x128xf32, #tpu.memory_space<vmem_shared>> -> memref<128x128xf32, #tpu.memory_space<vmem_shared>>
        %dma_start3A_239 = arith.constant 0 : i32
        %dma_start3A_240 = arith.constant 0 : i32
        %dma_start3A_241 = tpu.memref_slice %arg7[%dma_start3A_239, %dma_start3A_240] : memref<128x128xf32, #tpu.memory_space<vmem>> -> memref<128x128xf32, #tpu.memory_space<vmem>>
        tpu.enqueue_dma source(%dma_start3A_241 : memref<128x128xf32, #tpu.memory_space<vmem>>) target(%dma_start3A_238 : memref<128x128xf32, #tpu.memory_space<vmem_shared>>) target_semaphore(%run_scoped3A : memref<!tpu.dma_semaphore, #tpu.memory_space<semaphore_mem>>)
        %dma_wait3A_242 = arith.constant 0 : i32
        %dma_wait3A_243 = arith.constant 0 : i32
        %dma_wait3A_244 = tpu.memref_slice %arg7[%dma_wait3A_242, %dma_wait3A_243] : memref<128x128xf32, #tpu.memory_space<vmem>> -> memref<128x128xf32, #tpu.memory_space<vmem>>
        %dma_wait3A_245 = arith.constant 0 : i32
        %dma_wait3A_246 = tpu.memref_slice %arg8[%multiple_of3A_225, %dma_wait3A_245] : memref<10000x128xf32, #tpu.memory_space<vmem_shared>> -> memref<128x128xf32, #tpu.memory_space<vmem_shared>>
        %dma_wait3A_247 = arith.constant 0 : i32
        %dma_wait3A_248 = tpu.memref_slice %arg8[%multiple_of3A_225, %dma_wait3A_247] : memref<10000x128xf32, #tpu.memory_space<vmem_shared>> -> memref<128x128xf32, #tpu.memory_space<vmem_shared>>
        %dma_wait3A_249 = arith.constant 0 : i32
        %dma_wait3A_250 = arith.constant 0 : i32
        %dma_wait3A_251 = tpu.memref_slice %arg7[%dma_wait3A_249, %dma_wait3A_250] : memref<128x128xf32, #tpu.memory_space<vmem>> -> memref<128x128xf32, #tpu.memory_space<vmem>>
        tpu.wait_dma2 semaphore(%run_scoped3A : memref<!tpu.dma_semaphore, #tpu.memory_space<semaphore_mem>>) src(%dma_wait3A_251 : memref<128x128xf32, #tpu.memory_space<vmem>>) dst(%dma_wait3A_248 : memref<128x128xf32, #tpu.memory_space<vmem_shared>>)
        tpu.yield
      }) : () -> ()
      %add3A_226 = arith.constant 384 : i32
      %add3A_227 = arith.addi %multiple_of3A, %add3A_226 : i32
      %multiple_of3A_228 = tpu.assume_multiple %add3A_227, 8 : i32
      "tpu.region"() ({
        %run_scoped3A = tpu.sem_alloc : memref<!tpu.dma_semaphore, #tpu.memory_space<semaphore_mem>>
        %dma_start3A_232 = arith.constant 0 : i32
        %dma_start3A_233 = arith.constant 0 : i32
        %dma_start3A_234 = tpu.memref_slice %arg7[%dma_start3A_232, %dma_start3A_233] : memref<128x128xf32, #tpu.memory_space<vmem>> -> memref<128x128xf32, #tpu.memory_space<vmem>>
        %dma_start3A_235 = arith.constant 0 : i32
        %dma_start3A_236 = tpu.memref_slice %arg8[%multiple_of3A_228, %dma_start3A_235] : memref<10000x128xf32, #tpu.memory_space<vmem_shared>> -> memref<128x128xf32, #tpu.memory_space<vmem_shared>>
        %dma_start3A_237 = arith.constant 0 : i32
        %dma_start3A_238 = tpu.memref_slice %arg8[%multiple_of3A_228, %dma_start3A_237] : memref<10000x128xf32, #tpu.memory_space<vmem_shared>> -> memref<128x128xf32, #tpu.memory_space<vmem_shared>>
        %dma_start3A_239 = arith.constant 0 : i32
        %dma_start3A_240 = arith.constant 0 : i32
        %dma_start3A_241 = tpu.memref_slice %arg7[%dma_start3A_239, %dma_start3A_240] : memref<128x128xf32, #tpu.memory_space<vmem>> -> memref<128x128xf32, #tpu.memory_space<vmem>>
        tpu.enqueue_dma source(%dma_start3A_241 : memref<128x128xf32, #tpu.memory_space<vmem>>) target(%dma_start3A_238 : memref<128x128xf32, #tpu.memory_space<vmem_shared>>) target_semaphore(%run_scoped3A : memref<!tpu.dma_semaphore, #tpu.memory_space<semaphore_mem>>)
        %dma_wait3A_242 = arith.constant 0 : i32
        %dma_wait3A_243 = arith.constant 0 : i32
        %dma_wait3A_244 = tpu.memref_slice %arg7[%dma_wait3A_242, %dma_wait3A_243] : memref<128x128xf32, #tpu.memory_space<vmem>> -> memref<128x128xf32, #tpu.memory_space<vmem>>
        %dma_wait3A_245 = arith.constant 0 : i32
        %dma_wait3A_246 = tpu.memref_slice %arg8[%multiple_of3A_228, %dma_wait3A_245] : memref<10000x128xf32, #tpu.memory_space<vmem_shared>> -> memref<128x128xf32, #tpu.memory_space<vmem_shared>>
        %dma_wait3A_247 = arith.constant 0 : i32
        %dma_wait3A_248 = tpu.memref_slice %arg8[%multiple_of3A_228, %dma_wait3A_247] : memref<10000x128xf32, #tpu.memory_space<vmem_shared>> -> memref<128x128xf32, #tpu.memory_space<vmem_shared>>
        %dma_wait3A_249 = arith.constant 0 : i32
        %dma_wait3A_250 = arith.constant 0 : i32
        %dma_wait3A_251 = tpu.memref_slice %arg7[%dma_wait3A_249, %dma_wait3A_250] : memref<128x128xf32, #tpu.memory_space<vmem>> -> memref<128x128xf32, #tpu.memory_space<vmem>>
        tpu.wait_dma2 semaphore(%run_scoped3A : memref<!tpu.dma_semaphore, #tpu.memory_space<semaphore_mem>>) src(%dma_wait3A_251 : memref<128x128xf32, #tpu.memory_space<vmem>>) dst(%dma_wait3A_248 : memref<128x128xf32, #tpu.memory_space<vmem_shared>>)
        tpu.yield
      }) : () -> ()
      %add3A_229 = arith.constant 512 : i32
      %add3A_230 = arith.addi %multiple_of3A, %add3A_229 : i32
      %multiple_of3A_231 = tpu.assume_multiple %add3A_230, 8 : i32
      "tpu.region"() ({
        %run_scoped3A = tpu.sem_alloc : memref<!tpu.dma_semaphore, #tpu.memory_space<semaphore_mem>>
        %dma_start3A_232 = arith.constant 0 : i32
        %dma_start3A_233 = arith.constant 0 : i32
        %dma_start3A_234 = tpu.memref_slice %arg7[%dma_start3A_232, %dma_start3A_233] : memref<128x128xf32, #tpu.memory_space<vmem>> -> memref<120x128xf32, #tpu.memory_space<vmem>>
        %dma_start3A_235 = arith.constant 0 : i32
        %dma_start3A_236 = tpu.memref_slice %arg8[%multiple_of3A_231, %dma_start3A_235] : memref<10000x128xf32, #tpu.memory_space<vmem_shared>> -> memref<120x128xf32, #tpu.memory_space<vmem_shared>>
        %dma_start3A_237 = arith.constant 0 : i32
        %dma_start3A_238 = tpu.memref_slice %arg8[%multiple_of3A_231, %dma_start3A_237] : memref<10000x128xf32, #tpu.memory_space<vmem_shared>> -> memref<120x128xf32, #tpu.memory_space<vmem_shared>>
        %dma_start3A_239 = arith.constant 0 : i32
        %dma_start3A_240 = arith.constant 0 : i32
        %dma_start3A_241 = tpu.memref_slice %arg7[%dma_start3A_239, %dma_start3A_240] : memref<128x128xf32, #tpu.memory_space<vmem>> -> memref<120x128xf32, #tpu.memory_space<vmem>>
        tpu.enqueue_dma source(%dma_start3A_241 : memref<120x128xf32, #tpu.memory_space<vmem>>) target(%dma_start3A_238 : memref<120x128xf32, #tpu.memory_space<vmem_shared>>) target_semaphore(%run_scoped3A : memref<!tpu.dma_semaphore, #tpu.memory_space<semaphore_mem>>)
        %dma_wait3A_242 = arith.constant 0 : i32
        %dma_wait3A_243 = arith.constant 0 : i32
        %dma_wait3A_244 = tpu.memref_slice %arg7[%dma_wait3A_242, %dma_wait3A_243] : memref<128x128xf32, #tpu.memory_space<vmem>> -> memref<120x128xf32, #tpu.memory_space<vmem>>
        %dma_wait3A_245 = arith.constant 0 : i32
        %dma_wait3A_246 = tpu.memref_slice %arg8[%multiple_of3A_231, %dma_wait3A_245] : memref<10000x128xf32, #tpu.memory_space<vmem_shared>> -> memref<120x128xf32, #tpu.memory_space<vmem_shared>>
        %dma_wait3A_247 = arith.constant 0 : i32
        %dma_wait3A_248 = tpu.memref_slice %arg8[%multiple_of3A_231, %dma_wait3A_247] : memref<10000x128xf32, #tpu.memory_space<vmem_shared>> -> memref<120x128xf32, #tpu.memory_space<vmem_shared>>
        %dma_wait3A_249 = arith.constant 0 : i32
        %dma_wait3A_250 = arith.constant 0 : i32
        %dma_wait3A_251 = tpu.memref_slice %arg7[%dma_wait3A_249, %dma_wait3A_250] : memref<128x128xf32, #tpu.memory_space<vmem>> -> memref<120x128xf32, #tpu.memory_space<vmem>>
        tpu.wait_dma2 semaphore(%run_scoped3A : memref<!tpu.dma_semaphore, #tpu.memory_space<semaphore_mem>>) src(%dma_wait3A_251 : memref<120x128xf32, #tpu.memory_space<vmem>>) dst(%dma_wait3A_248 : memref<120x128xf32, #tpu.memory_space<vmem_shared>>)
        tpu.yield
      }) : () -> ()
    } else {
    }
    %eq3A = arith.constant 15 : i32
    %eq3A_12 = arith.cmpi eq, %arg1, %eq3A : i32
    %convert_element_type3A_13 = arith.extui %eq3A_12 : i1 to i32
    %cond3A_14 = arith.constant 0 : i32
    %cond3A_15 = arith.cmpi ne, %convert_element_type3A_13, %cond3A_14 : i32
    scf.if %cond3A_15 {
      %add3A_217 = arith.constant 0 : i32
      %add3A_218 = arith.addi %multiple_of3A, %add3A_217 : i32
      %multiple_of3A_219 = tpu.assume_multiple %add3A_218, 8 : i32
      "tpu.region"() ({
        %run_scoped3A = tpu.sem_alloc : memref<!tpu.dma_semaphore, #tpu.memory_space<semaphore_mem>>
        %dma_start3A_232 = arith.constant 0 : i32
        %dma_start3A_233 = arith.constant 0 : i32
        %dma_start3A_234 = tpu.memref_slice %arg7[%dma_start3A_232, %dma_start3A_233] : memref<128x128xf32, #tpu.memory_space<vmem>> -> memref<128x128xf32, #tpu.memory_space<vmem>>
        %dma_start3A_235 = arith.constant 0 : i32
        %dma_start3A_236 = tpu.memref_slice %arg8[%multiple_of3A_219, %dma_start3A_235] : memref<10000x128xf32, #tpu.memory_space<vmem_shared>> -> memref<128x128xf32, #tpu.memory_space<vmem_shared>>
        %dma_start3A_237 = arith.constant 0 : i32
        %dma_start3A_238 = tpu.memref_slice %arg8[%multiple_of3A_219, %dma_start3A_237] : memref<10000x128xf32, #tpu.memory_space<vmem_shared>> -> memref<128x128xf32, #tpu.memory_space<vmem_shared>>
        %dma_start3A_239 = arith.constant 0 : i32
        %dma_start3A_240 = arith.constant 0 : i32
        %dma_start3A_241 = tpu.memref_slice %arg7[%dma_start3A_239, %dma_start3A_240] : memref<128x128xf32, #tpu.memory_space<vmem>> -> memref<128x128xf32, #tpu.memory_space<vmem>>
        tpu.enqueue_dma source(%dma_start3A_241 : memref<128x128xf32, #tpu.memory_space<vmem>>) target(%dma_start3A_238 : memref<128x128xf32, #tpu.memory_space<vmem_shared>>) target_semaphore(%run_scoped3A : memref<!tpu.dma_semaphore, #tpu.memory_space<semaphore_mem>>)
        %dma_wait3A_242 = arith.constant 0 : i32
        %dma_wait3A_243 = arith.constant 0 : i32
        %dma_wait3A_244 = tpu.memref_slice %arg7[%dma_wait3A_242, %dma_wait3A_243] : memref<128x128xf32, #tpu.memory_space<vmem>> -> memref<128x128xf32, #tpu.memory_space<vmem>>
        %dma_wait3A_245 = arith.constant 0 : i32
        %dma_wait3A_246 = tpu.memref_slice %arg8[%multiple_of3A_219, %dma_wait3A_245] : memref<10000x128xf32, #tpu.memory_space<vmem_shared>> -> memref<128x128xf32, #tpu.memory_space<vmem_shared>>
        %dma_wait3A_247 = arith.constant 0 : i32
        %dma_wait3A_248 = tpu.memref_slice %arg8[%multiple_of3A_219, %dma_wait3A_247] : memref<10000x128xf32, #tpu.memory_space<vmem_shared>> -> memref<128x128xf32, #tpu.memory_space<vmem_shared>>
        %dma_wait3A_249 = arith.constant 0 : i32
        %dma_wait3A_250 = arith.constant 0 : i32
        %dma_wait3A_251 = tpu.memref_slice %arg7[%dma_wait3A_249, %dma_wait3A_250] : memref<128x128xf32, #tpu.memory_space<vmem>> -> memref<128x128xf32, #tpu.memory_space<vmem>>
        tpu.wait_dma2 semaphore(%run_scoped3A : memref<!tpu.dma_semaphore, #tpu.memory_space<semaphore_mem>>) src(%dma_wait3A_251 : memref<128x128xf32, #tpu.memory_space<vmem>>) dst(%dma_wait3A_248 : memref<128x128xf32, #tpu.memory_space<vmem_shared>>)
        tpu.yield
      }) : () -> ()
      %add3A_220 = arith.constant 128 : i32
      %add3A_221 = arith.addi %multiple_of3A, %add3A_220 : i32
      %multiple_of3A_222 = tpu.assume_multiple %add3A_221, 8 : i32
      "tpu.region"() ({
        %run_scoped3A = tpu.sem_alloc : memref<!tpu.dma_semaphore, #tpu.memory_space<semaphore_mem>>
        %dma_start3A_232 = arith.constant 0 : i32
        %dma_start3A_233 = arith.constant 0 : i32
        %dma_start3A_234 = tpu.memref_slice %arg7[%dma_start3A_232, %dma_start3A_233] : memref<128x128xf32, #tpu.memory_space<vmem>> -> memref<128x128xf32, #tpu.memory_space<vmem>>
        %dma_start3A_235 = arith.constant 0 : i32
        %dma_start3A_236 = tpu.memref_slice %arg8[%multiple_of3A_222, %dma_start3A_235] : memref<10000x128xf32, #tpu.memory_space<vmem_shared>> -> memref<128x128xf32, #tpu.memory_space<vmem_shared>>
        %dma_start3A_237 = arith.constant 0 : i32
        %dma_start3A_238 = tpu.memref_slice %arg8[%multiple_of3A_222, %dma_start3A_237] : memref<10000x128xf32, #tpu.memory_space<vmem_shared>> -> memref<128x128xf32, #tpu.memory_space<vmem_shared>>
        %dma_start3A_239 = arith.constant 0 : i32
        %dma_start3A_240 = arith.constant 0 : i32
        %dma_start3A_241 = tpu.memref_slice %arg7[%dma_start3A_239, %dma_start3A_240] : memref<128x128xf32, #tpu.memory_space<vmem>> -> memref<128x128xf32, #tpu.memory_space<vmem>>
        tpu.enqueue_dma source(%dma_start3A_241 : memref<128x128xf32, #tpu.memory_space<vmem>>) target(%dma_start3A_238 : memref<128x128xf32, #tpu.memory_space<vmem_shared>>) target_semaphore(%run_scoped3A : memref<!tpu.dma_semaphore, #tpu.memory_space<semaphore_mem>>)
        %dma_wait3A_242 = arith.constant 0 : i32
        %dma_wait3A_243 = arith.constant 0 : i32
        %dma_wait3A_244 = tpu.memref_slice %arg7[%dma_wait3A_242, %dma_wait3A_243] : memref<128x128xf32, #tpu.memory_space<vmem>> -> memref<128x128xf32, #tpu.memory_space<vmem>>
        %dma_wait3A_245 = arith.constant 0 : i32
        %dma_wait3A_246 = tpu.memref_slice %arg8[%multiple_of3A_222, %dma_wait3A_245] : memref<10000x128xf32, #tpu.memory_space<vmem_shared>> -> memref<128x128xf32, #tpu.memory_space<vmem_shared>>
        %dma_wait3A_247 = arith.constant 0 : i32
        %dma_wait3A_248 = tpu.memref_slice %arg8[%multiple_of3A_222, %dma_wait3A_247] : memref<10000x128xf32, #tpu.memory_space<vmem_shared>> -> memref<128x128xf32, #tpu.memory_space<vmem_shared>>
        %dma_wait3A_249 = arith.constant 0 : i32
        %dma_wait3A_250 = arith.constant 0 : i32
        %dma_wait3A_251 = tpu.memref_slice %arg7[%dma_wait3A_249, %dma_wait3A_250] : memref<128x128xf32, #tpu.memory_space<vmem>> -> memref<128x128xf32, #tpu.memory_space<vmem>>
        tpu.wait_dma2 semaphore(%run_scoped3A : memref<!tpu.dma_semaphore, #tpu.memory_space<semaphore_mem>>) src(%dma_wait3A_251 : memref<128x128xf32, #tpu.memory_space<vmem>>) dst(%dma_wait3A_248 : memref<128x128xf32, #tpu.memory_space<vmem_shared>>)
        tpu.yield
      }) : () -> ()
      %add3A_223 = arith.constant 256 : i32
      %add3A_224 = arith.addi %multiple_of3A, %add3A_223 : i32
      %multiple_of3A_225 = tpu.assume_multiple %add3A_224, 8 : i32
      "tpu.region"() ({
        %run_scoped3A = tpu.sem_alloc : memref<!tpu.dma_semaphore, #tpu.memory_space<semaphore_mem>>
        %dma_start3A_232 = arith.constant 0 : i32
        %dma_start3A_233 = arith.constant 0 : i32
        %dma_start3A_234 = tpu.memref_slice %arg7[%dma_start3A_232, %dma_start3A_233] : memref<128x128xf32, #tpu.memory_space<vmem>> -> memref<128x128xf32, #tpu.memory_space<vmem>>
        %dma_start3A_235 = arith.constant 0 : i32
        %dma_start3A_236 = tpu.memref_slice %arg8[%multiple_of3A_225, %dma_start3A_235] : memref<10000x128xf32, #tpu.memory_space<vmem_shared>> -> memref<128x128xf32, #tpu.memory_space<vmem_shared>>
        %dma_start3A_237 = arith.constant 0 : i32
        %dma_start3A_238 = tpu.memref_slice %arg8[%multiple_of3A_225, %dma_start3A_237] : memref<10000x128xf32, #tpu.memory_space<vmem_shared>> -> memref<128x128xf32, #tpu.memory_space<vmem_shared>>
        %dma_start3A_239 = arith.constant 0 : i32
        %dma_start3A_240 = arith.constant 0 : i32
        %dma_start3A_241 = tpu.memref_slice %arg7[%dma_start3A_239, %dma_start3A_240] : memref<128x128xf32, #tpu.memory_space<vmem>> -> memref<128x128xf32, #tpu.memory_space<vmem>>
        tpu.enqueue_dma source(%dma_start3A_241 : memref<128x128xf32, #tpu.memory_space<vmem>>) target(%dma_start3A_238 : memref<128x128xf32, #tpu.memory_space<vmem_shared>>) target_semaphore(%run_scoped3A : memref<!tpu.dma_semaphore, #tpu.memory_space<semaphore_mem>>)
        %dma_wait3A_242 = arith.constant 0 : i32
        %dma_wait3A_243 = arith.constant 0 : i32
        %dma_wait3A_244 = tpu.memref_slice %arg7[%dma_wait3A_242, %dma_wait3A_243] : memref<128x128xf32, #tpu.memory_space<vmem>> -> memref<128x128xf32, #tpu.memory_space<vmem>>
        %dma_wait3A_245 = arith.constant 0 : i32
        %dma_wait3A_246 = tpu.memref_slice %arg8[%multiple_of3A_225, %dma_wait3A_245] : memref<10000x128xf32, #tpu.memory_space<vmem_shared>> -> memref<128x128xf32, #tpu.memory_space<vmem_shared>>
        %dma_wait3A_247 = arith.constant 0 : i32
        %dma_wait3A_248 = tpu.memref_slice %arg8[%multiple_of3A_225, %dma_wait3A_247] : memref<10000x128xf32, #tpu.memory_space<vmem_shared>> -> memref<128x128xf32, #tpu.memory_space<vmem_shared>>
        %dma_wait3A_249 = arith.constant 0 : i32
        %dma_wait3A_250 = arith.constant 0 : i32
        %dma_wait3A_251 = tpu.memref_slice %arg7[%dma_wait3A_249, %dma_wait3A_250] : memref<128x128xf32, #tpu.memory_space<vmem>> -> memref<128x128xf32, #tpu.memory_space<vmem>>
        tpu.wait_dma2 semaphore(%run_scoped3A : memref<!tpu.dma_semaphore, #tpu.memory_space<semaphore_mem>>) src(%dma_wait3A_251 : memref<128x128xf32, #tpu.memory_space<vmem>>) dst(%dma_wait3A_248 : memref<128x128xf32, #tpu.memory_space<vmem_shared>>)
        tpu.yield
      }) : () -> ()
      %add3A_226 = arith.constant 384 : i32
      %add3A_227 = arith.addi %multiple_of3A, %add3A_226 : i32
      %multiple_of3A_228 = tpu.assume_multiple %add3A_227, 8 : i32
      "tpu.region"() ({
        %run_scoped3A = tpu.sem_alloc : memref<!tpu.dma_semaphore, #tpu.memory_space<semaphore_mem>>
        %dma_start3A_232 = arith.constant 0 : i32
        %dma_start3A_233 = arith.constant 0 : i32
        %dma_start3A_234 = tpu.memref_slice %arg7[%dma_start3A_232, %dma_start3A_233] : memref<128x128xf32, #tpu.memory_space<vmem>> -> memref<128x128xf32, #tpu.memory_space<vmem>>
        %dma_start3A_235 = arith.constant 0 : i32
        %dma_start3A_236 = tpu.memref_slice %arg8[%multiple_of3A_228, %dma_start3A_235] : memref<10000x128xf32, #tpu.memory_space<vmem_shared>> -> memref<128x128xf32, #tpu.memory_space<vmem_shared>>
        %dma_start3A_237 = arith.constant 0 : i32
        %dma_start3A_238 = tpu.memref_slice %arg8[%multiple_of3A_228, %dma_start3A_237] : memref<10000x128xf32, #tpu.memory_space<vmem_shared>> -> memref<128x128xf32, #tpu.memory_space<vmem_shared>>
        %dma_start3A_239 = arith.constant 0 : i32
        %dma_start3A_240 = arith.constant 0 : i32
        %dma_start3A_241 = tpu.memref_slice %arg7[%dma_start3A_239, %dma_start3A_240] : memref<128x128xf32, #tpu.memory_space<vmem>> -> memref<128x128xf32, #tpu.memory_space<vmem>>
        tpu.enqueue_dma source(%dma_start3A_241 : memref<128x128xf32, #tpu.memory_space<vmem>>) target(%dma_start3A_238 : memref<128x128xf32, #tpu.memory_space<vmem_shared>>) target_semaphore(%run_scoped3A : memref<!tpu.dma_semaphore, #tpu.memory_space<semaphore_mem>>)
        %dma_wait3A_242 = arith.constant 0 : i32
        %dma_wait3A_243 = arith.constant 0 : i32
        %dma_wait3A_244 = tpu.memref_slice %arg7[%dma_wait3A_242, %dma_wait3A_243] : memref<128x128xf32, #tpu.memory_space<vmem>> -> memref<128x128xf32, #tpu.memory_space<vmem>>
        %dma_wait3A_245 = arith.constant 0 : i32
        %dma_wait3A_246 = tpu.memref_slice %arg8[%multiple_of3A_228, %dma_wait3A_245] : memref<10000x128xf32, #tpu.memory_space<vmem_shared>> -> memref<128x128xf32, #tpu.memory_space<vmem_shared>>
        %dma_wait3A_247 = arith.constant 0 : i32
        %dma_wait3A_248 = tpu.memref_slice %arg8[%multiple_of3A_228, %dma_wait3A_247] : memref<10000x128xf32, #tpu.memory_space<vmem_shared>> -> memref<128x128xf32, #tpu.memory_space<vmem_shared>>
        %dma_wait3A_249 = arith.constant 0 : i32
        %dma_wait3A_250 = arith.constant 0 : i32
        %dma_wait3A_251 = tpu.memref_slice %arg7[%dma_wait3A_249, %dma_wait3A_250] : memref<128x128xf32, #tpu.memory_space<vmem>> -> memref<128x128xf32, #tpu.memory_space<vmem>>
        tpu.wait_dma2 semaphore(%run_scoped3A : memref<!tpu.dma_semaphore, #tpu.memory_space<semaphore_mem>>) src(%dma_wait3A_251 : memref<128x128xf32, #tpu.memory_space<vmem>>) dst(%dma_wait3A_248 : memref<128x128xf32, #tpu.memory_space<vmem_shared>>)
        tpu.yield
      }) : () -> ()
      %add3A_229 = arith.constant 512 : i32
      %add3A_230 = arith.addi %multiple_of3A, %add3A_229 : i32
      %multiple_of3A_231 = tpu.assume_multiple %add3A_230, 8 : i32
      "tpu.region"() ({
        %run_scoped3A = tpu.sem_alloc : memref<!tpu.dma_semaphore, #tpu.memory_space<semaphore_mem>>
        %dma_start3A_232 = arith.constant 0 : i32
        %dma_start3A_233 = arith.constant 0 : i32
        %dma_start3A_234 = tpu.memref_slice %arg7[%dma_start3A_232, %dma_start3A_233] : memref<128x128xf32, #tpu.memory_space<vmem>> -> memref<8x128xf32, #tpu.memory_space<vmem>>
        %dma_start3A_235 = arith.constant 0 : i32
        %dma_start3A_236 = tpu.memref_slice %arg8[%multiple_of3A_231, %dma_start3A_235] : memref<10000x128xf32, #tpu.memory_space<vmem_shared>> -> memref<8x128xf32, #tpu.memory_space<vmem_shared>>
        %dma_start3A_237 = arith.constant 0 : i32
        %dma_start3A_238 = tpu.memref_slice %arg8[%multiple_of3A_231, %dma_start3A_237] : memref<10000x128xf32, #tpu.memory_space<vmem_shared>> -> memref<8x128xf32, #tpu.memory_space<vmem_shared>>
        %dma_start3A_239 = arith.constant 0 : i32
        %dma_start3A_240 = arith.constant 0 : i32
        %dma_start3A_241 = tpu.memref_slice %arg7[%dma_start3A_239, %dma_start3A_240] : memref<128x128xf32, #tpu.memory_space<vmem>> -> memref<8x128xf32, #tpu.memory_space<vmem>>
        tpu.enqueue_dma source(%dma_start3A_241 : memref<8x128xf32, #tpu.memory_space<vmem>>) target(%dma_start3A_238 : memref<8x128xf32, #tpu.memory_space<vmem_shared>>) target_semaphore(%run_scoped3A : memref<!tpu.dma_semaphore, #tpu.memory_space<semaphore_mem>>)
        %dma_wait3A_242 = arith.constant 0 : i32
        %dma_wait3A_243 = arith.constant 0 : i32
        %dma_wait3A_244 = tpu.memref_slice %arg7[%dma_wait3A_242, %dma_wait3A_243] : memref<128x128xf32, #tpu.memory_space<vmem>> -> memref<8x128xf32, #tpu.memory_space<vmem>>
        %dma_wait3A_245 = arith.constant 0 : i32
        %dma_wait3A_246 = tpu.memref_slice %arg8[%multiple_of3A_231, %dma_wait3A_245] : memref<10000x128xf32, #tpu.memory_space<vmem_shared>> -> memref<8x128xf32, #tpu.memory_space<vmem_shared>>
        %dma_wait3A_247 = arith.constant 0 : i32
        %dma_wait3A_248 = tpu.memref_slice %arg8[%multiple_of3A_231, %dma_wait3A_247] : memref<10000x128xf32, #tpu.memory_space<vmem_shared>> -> memref<8x128xf32, #tpu.memory_space<vmem_shared>>
        %dma_wait3A_249 = arith.constant 0 : i32
        %dma_wait3A_250 = arith.constant 0 : i32
        %dma_wait3A_251 = tpu.memref_slice %arg7[%dma_wait3A_249, %dma_wait3A_250] : memref<128x128xf32, #tpu.memory_space<vmem>> -> memref<8x128xf32, #tpu.memory_space<vmem>>
        tpu.wait_dma2 semaphore(%run_scoped3A : memref<!tpu.dma_semaphore, #tpu.memory_space<semaphore_mem>>) src(%dma_wait3A_251 : memref<8x128xf32, #tpu.memory_space<vmem>>) dst(%dma_wait3A_248 : memref<8x128xf32, #tpu.memory_space<vmem_shared>>)
        tpu.yield
      }) : () -> ()
    } else {
    }
    %barrier3A = arith.constant 0 : index
    tpu.barrier barrier_id(%barrier3A)
    %add3A_16 = arith.constant 0 : i32
    %add3A_17 = arith.addi %mul3A_2, %add3A_16 : i32
    %dma_start3A = arith.constant 0 : i32
    %dma_start3A_18 = arith.constant 0 : i32
    %dma_start3A_19 = arith.constant 0 : i32
    %dma_start3A_20 = tpu.memref_slice %arg5[%dma_start3A_18, %dma_start3A_19] : memref<12x128xi32, #tpu.memory_space<vmem>> -> memref<3x128xi32, #tpu.memory_space<vmem>>
    %dma_start3A_21 = arith.constant 0 : i32
    %dma_start3A_22 = arith.constant 0 : i32
    %dma_start3A_23 = tpu.memref_slice %arg3[%add3A_17, %dma_start3A_21, %dma_start3A_22] : memref<2560x3x128xi32, #tpu.memory_space<hbm>> -> memref<1x3x128xi32, #tpu.memory_space<hbm>>
    %dma_start3A_24 = tpu.memref_squeeze %dma_start3A_23 : memref<1x3x128xi32, #tpu.memory_space<hbm>> -> memref<3x128xi32, #tpu.memory_space<hbm>>
    %dma_start3A_25 = tpu.memref_slice %arg10[%dma_start3A] : memref<4x!tpu.dma_semaphore, #tpu.memory_space<semaphore_mem>> -> memref<1x!tpu.dma_semaphore, #tpu.memory_space<semaphore_mem>>
    %dma_start3A_26 = tpu.memref_squeeze %dma_start3A_25 : memref<1x!tpu.dma_semaphore, #tpu.memory_space<semaphore_mem>> -> memref<!tpu.dma_semaphore, #tpu.memory_space<semaphore_mem>>
    %dma_start3A_27 = arith.constant 0 : i32
    %dma_start3A_28 = arith.constant 0 : i32
    %dma_start3A_29 = tpu.memref_slice %arg5[%dma_start3A_27, %dma_start3A_28] : memref<12x128xi32, #tpu.memory_space<vmem>> -> memref<3x128xi32, #tpu.memory_space<vmem>>
    %dma_start3A_30 = arith.constant 0 : i32
    %dma_start3A_31 = arith.constant 0 : i32
    %dma_start3A_32 = tpu.memref_slice %arg3[%add3A_17, %dma_start3A_30, %dma_start3A_31] : memref<2560x3x128xi32, #tpu.memory_space<hbm>> -> memref<1x3x128xi32, #tpu.memory_space<hbm>>
    %dma_start3A_33 = tpu.memref_squeeze %dma_start3A_32 : memref<1x3x128xi32, #tpu.memory_space<hbm>> -> memref<3x128xi32, #tpu.memory_space<hbm>>
    tpu.enqueue_dma source(%dma_start3A_33 : memref<3x128xi32, #tpu.memory_space<hbm>>) target(%dma_start3A_29 : memref<3x128xi32, #tpu.memory_space<vmem>>) target_semaphore(%dma_start3A_26 : memref<!tpu.dma_semaphore, #tpu.memory_space<semaphore_mem>>)
    %add3A_34 = arith.constant 1 : i32
    %add3A_35 = arith.addi %mul3A_2, %add3A_34 : i32
    %dma_start3A_36 = arith.constant 1 : i32
    %dma_start3A_37 = arith.constant 3 : i32
    %dma_start3A_38 = arith.constant 0 : i32
    %dma_start3A_39 = tpu.memref_slice %arg5[%dma_start3A_37, %dma_start3A_38] : memref<12x128xi32, #tpu.memory_space<vmem>> -> memref<3x128xi32, #tpu.memory_space<vmem>>
    %dma_start3A_40 = arith.constant 0 : i32
    %dma_start3A_41 = arith.constant 0 : i32
    %dma_start3A_42 = tpu.memref_slice %arg3[%add3A_35, %dma_start3A_40, %dma_start3A_41] : memref<2560x3x128xi32, #tpu.memory_space<hbm>> -> memref<1x3x128xi32, #tpu.memory_space<hbm>>
    %dma_start3A_43 = tpu.memref_squeeze %dma_start3A_42 : memref<1x3x128xi32, #tpu.memory_space<hbm>> -> memref<3x128xi32, #tpu.memory_space<hbm>>
    %dma_start3A_44 = tpu.memref_slice %arg10[%dma_start3A_36] : memref<4x!tpu.dma_semaphore, #tpu.memory_space<semaphore_mem>> -> memref<1x!tpu.dma_semaphore, #tpu.memory_space<semaphore_mem>>
    %dma_start3A_45 = tpu.memref_squeeze %dma_start3A_44 : memref<1x!tpu.dma_semaphore, #tpu.memory_space<semaphore_mem>> -> memref<!tpu.dma_semaphore, #tpu.memory_space<semaphore_mem>>
    %dma_start3A_46 = arith.constant 3 : i32
    %dma_start3A_47 = arith.constant 0 : i32
    %dma_start3A_48 = tpu.memref_slice %arg5[%dma_start3A_46, %dma_start3A_47] : memref<12x128xi32, #tpu.memory_space<vmem>> -> memref<3x128xi32, #tpu.memory_space<vmem>>
    %dma_start3A_49 = arith.constant 0 : i32
    %dma_start3A_50 = arith.constant 0 : i32
    %dma_start3A_51 = tpu.memref_slice %arg3[%add3A_35, %dma_start3A_49, %dma_start3A_50] : memref<2560x3x128xi32, #tpu.memory_space<hbm>> -> memref<1x3x128xi32, #tpu.memory_space<hbm>>
    %dma_start3A_52 = tpu.memref_squeeze %dma_start3A_51 : memref<1x3x128xi32, #tpu.memory_space<hbm>> -> memref<3x128xi32, #tpu.memory_space<hbm>>
    tpu.enqueue_dma source(%dma_start3A_52 : memref<3x128xi32, #tpu.memory_space<hbm>>) target(%dma_start3A_48 : memref<3x128xi32, #tpu.memory_space<vmem>>) target_semaphore(%dma_start3A_45 : memref<!tpu.dma_semaphore, #tpu.memory_space<semaphore_mem>>)
    %add3A_53 = arith.constant 2 : i32
    %add3A_54 = arith.addi %mul3A_2, %add3A_53 : i32
    %dma_start3A_55 = arith.constant 2 : i32
    %dma_start3A_56 = arith.constant 6 : i32
    %dma_start3A_57 = arith.constant 0 : i32
    %dma_start3A_58 = tpu.memref_slice %arg5[%dma_start3A_56, %dma_start3A_57] : memref<12x128xi32, #tpu.memory_space<vmem>> -> memref<3x128xi32, #tpu.memory_space<vmem>>
    %dma_start3A_59 = arith.constant 0 : i32
    %dma_start3A_60 = arith.constant 0 : i32
    %dma_start3A_61 = tpu.memref_slice %arg3[%add3A_54, %dma_start3A_59, %dma_start3A_60] : memref<2560x3x128xi32, #tpu.memory_space<hbm>> -> memref<1x3x128xi32, #tpu.memory_space<hbm>>
    %dma_start3A_62 = tpu.memref_squeeze %dma_start3A_61 : memref<1x3x128xi32, #tpu.memory_space<hbm>> -> memref<3x128xi32, #tpu.memory_space<hbm>>
    %dma_start3A_63 = tpu.memref_slice %arg10[%dma_start3A_55] : memref<4x!tpu.dma_semaphore, #tpu.memory_space<semaphore_mem>> -> memref<1x!tpu.dma_semaphore, #tpu.memory_space<semaphore_mem>>
    %dma_start3A_64 = tpu.memref_squeeze %dma_start3A_63 : memref<1x!tpu.dma_semaphore, #tpu.memory_space<semaphore_mem>> -> memref<!tpu.dma_semaphore, #tpu.memory_space<semaphore_mem>>
    %dma_start3A_65 = arith.constant 6 : i32
    %dma_start3A_66 = arith.constant 0 : i32
    %dma_start3A_67 = tpu.memref_slice %arg5[%dma_start3A_65, %dma_start3A_66] : memref<12x128xi32, #tpu.memory_space<vmem>> -> memref<3x128xi32, #tpu.memory_space<vmem>>
    %dma_start3A_68 = arith.constant 0 : i32
    %dma_start3A_69 = arith.constant 0 : i32
    %dma_start3A_70 = tpu.memref_slice %arg3[%add3A_54, %dma_start3A_68, %dma_start3A_69] : memref<2560x3x128xi32, #tpu.memory_space<hbm>> -> memref<1x3x128xi32, #tpu.memory_space<hbm>>
    %dma_start3A_71 = tpu.memref_squeeze %dma_start3A_70 : memref<1x3x128xi32, #tpu.memory_space<hbm>> -> memref<3x128xi32, #tpu.memory_space<hbm>>
    tpu.enqueue_dma source(%dma_start3A_71 : memref<3x128xi32, #tpu.memory_space<hbm>>) target(%dma_start3A_67 : memref<3x128xi32, #tpu.memory_space<vmem>>) target_semaphore(%dma_start3A_64 : memref<!tpu.dma_semaphore, #tpu.memory_space<semaphore_mem>>)
    %add3A_72 = arith.constant 3 : i32
    %add3A_73 = arith.addi %mul3A_2, %add3A_72 : i32
    %dma_start3A_74 = arith.constant 3 : i32
    %dma_start3A_75 = arith.constant 9 : i32
    %dma_start3A_76 = arith.constant 0 : i32
    %dma_start3A_77 = tpu.memref_slice %arg5[%dma_start3A_75, %dma_start3A_76] : memref<12x128xi32, #tpu.memory_space<vmem>> -> memref<3x128xi32, #tpu.memory_space<vmem>>
    %dma_start3A_78 = arith.constant 0 : i32
    %dma_start3A_79 = arith.constant 0 : i32
    %dma_start3A_80 = tpu.memref_slice %arg3[%add3A_73, %dma_start3A_78, %dma_start3A_79] : memref<2560x3x128xi32, #tpu.memory_space<hbm>> -> memref<1x3x128xi32, #tpu.memory_space<hbm>>
    %dma_start3A_81 = tpu.memref_squeeze %dma_start3A_80 : memref<1x3x128xi32, #tpu.memory_space<hbm>> -> memref<3x128xi32, #tpu.memory_space<hbm>>
    %dma_start3A_82 = tpu.memref_slice %arg10[%dma_start3A_74] : memref<4x!tpu.dma_semaphore, #tpu.memory_space<semaphore_mem>> -> memref<1x!tpu.dma_semaphore, #tpu.memory_space<semaphore_mem>>
    %dma_start3A_83 = tpu.memref_squeeze %dma_start3A_82 : memref<1x!tpu.dma_semaphore, #tpu.memory_space<semaphore_mem>> -> memref<!tpu.dma_semaphore, #tpu.memory_space<semaphore_mem>>
    %dma_start3A_84 = arith.constant 9 : i32
    %dma_start3A_85 = arith.constant 0 : i32
    %dma_start3A_86 = tpu.memref_slice %arg5[%dma_start3A_84, %dma_start3A_85] : memref<12x128xi32, #tpu.memory_space<vmem>> -> memref<3x128xi32, #tpu.memory_space<vmem>>
    %dma_start3A_87 = arith.constant 0 : i32
    %dma_start3A_88 = arith.constant 0 : i32
    %dma_start3A_89 = tpu.memref_slice %arg3[%add3A_73, %dma_start3A_87, %dma_start3A_88] : memref<2560x3x128xi32, #tpu.memory_space<hbm>> -> memref<1x3x128xi32, #tpu.memory_space<hbm>>
    %dma_start3A_90 = tpu.memref_squeeze %dma_start3A_89 : memref<1x3x128xi32, #tpu.memory_space<hbm>> -> memref<3x128xi32, #tpu.memory_space<hbm>>
    tpu.enqueue_dma source(%dma_start3A_90 : memref<3x128xi32, #tpu.memory_space<hbm>>) target(%dma_start3A_86 : memref<3x128xi32, #tpu.memory_space<vmem>>) target_semaphore(%dma_start3A_83 : memref<!tpu.dma_semaphore, #tpu.memory_space<semaphore_mem>>)
    %add3A_91 = arith.constant 0 : i32
    %add3A_92 = arith.addi %mul3A_2, %add3A_91 : i32
    %dma_wait3A = arith.constant 0 : i32
    %dma_wait3A_93 = arith.constant 0 : i32
    %dma_wait3A_94 = arith.constant 0 : i32
    %dma_wait3A_95 = tpu.memref_slice %arg5[%dma_wait3A_93, %dma_wait3A_94] : memref<12x128xi32, #tpu.memory_space<vmem>> -> memref<3x128xi32, #tpu.memory_space<vmem>>
    %dma_wait3A_96 = arith.constant 0 : i32
    %dma_wait3A_97 = arith.constant 0 : i32
    %dma_wait3A_98 = tpu.memref_slice %arg3[%add3A_92, %dma_wait3A_96, %dma_wait3A_97] : memref<2560x3x128xi32, #tpu.memory_space<hbm>> -> memref<1x3x128xi32, #tpu.memory_space<hbm>>
    %dma_wait3A_99 = tpu.memref_squeeze %dma_wait3A_98 : memref<1x3x128xi32, #tpu.memory_space<hbm>> -> memref<3x128xi32, #tpu.memory_space<hbm>>
    %dma_wait3A_100 = tpu.memref_slice %arg10[%dma_wait3A] : memref<4x!tpu.dma_semaphore, #tpu.memory_space<semaphore_mem>> -> memref<1x!tpu.dma_semaphore, #tpu.memory_space<semaphore_mem>>
    %dma_wait3A_101 = tpu.memref_squeeze %dma_wait3A_100 : memref<1x!tpu.dma_semaphore, #tpu.memory_space<semaphore_mem>> -> memref<!tpu.dma_semaphore, #tpu.memory_space<semaphore_mem>>
    %dma_wait3A_102 = arith.constant 0 : i32
    %dma_wait3A_103 = arith.constant 0 : i32
    %dma_wait3A_104 = tpu.memref_slice %arg5[%dma_wait3A_102, %dma_wait3A_103] : memref<12x128xi32, #tpu.memory_space<vmem>> -> memref<3x128xi32, #tpu.memory_space<vmem>>
    %dma_wait3A_105 = arith.constant 0 : i32
    %dma_wait3A_106 = arith.constant 0 : i32
    %dma_wait3A_107 = tpu.memref_slice %arg3[%add3A_92, %dma_wait3A_105, %dma_wait3A_106] : memref<2560x3x128xi32, #tpu.memory_space<hbm>> -> memref<1x3x128xi32, #tpu.memory_space<hbm>>
    %dma_wait3A_108 = tpu.memref_squeeze %dma_wait3A_107 : memref<1x3x128xi32, #tpu.memory_space<hbm>> -> memref<3x128xi32, #tpu.memory_space<hbm>>
    tpu.wait_dma2 semaphore(%dma_wait3A_101 : memref<!tpu.dma_semaphore, #tpu.memory_space<semaphore_mem>>) src(%dma_wait3A_108 : memref<3x128xi32, #tpu.memory_space<hbm>>) dst(%dma_wait3A_104 : memref<3x128xi32, #tpu.memory_space<vmem>>)
    %dma_start3A_109 = arith.constant 0 : i32
    %dma_start3A_110 = arith.constant 0 : i32
    %dma_start3A_111 = arith.constant 0 : i32
    %dma_start3A_112 = arith.constant 0 : i32
    %dma_start3A_113 = arith.constant 0 : i32
    %dma_start3A_114 = tpu.memref_slice %arg6[%dma_start3A_110, %dma_start3A_112, %dma_start3A_113] : memref<4x128x64xi32, #tpu.memory_space<vmem>> -> memref<1x128x64xi32, #tpu.memory_space<vmem>>
    %dma_start3A_115 = tpu.memref_squeeze %dma_start3A_114 : memref<1x128x64xi32, #tpu.memory_space<vmem>> -> memref<128x64xi32, #tpu.memory_space<vmem>>
    %dma_start3A_116 = arith.constant 0 : i32
    %dma_start3A_117 = tpu.memref_slice %arg5[%dma_start3A_109, %dma_start3A_116] : memref<12x128xi32, #tpu.memory_space<vmem>> -> memref<1x128xi32, #tpu.memory_space<vmem>>
    %dma_start3A_118 = tpu.memref_squeeze %dma_start3A_117 : memref<1x128xi32, #tpu.memory_space<vmem>> -> memref<128xi32, #tpu.memory_space<vmem>>
    %dma_start3A_119 = arith.constant 0 : i32
    %dma_start3A_120 = arith.constant 0 : i32
    %dma_start3A_121 = tpu.memref_slice %arg2[%dma_start3A_119, %dma_start3A_120] : memref<10000x64xi32, #tpu.memory_space<hbm>> -> memref<10000x64xi32, #tpu.memory_space<hbm>>
    %dma_start3A_122 = tpu.memref_slice %arg9[%dma_start3A_111] : memref<4x!tpu.dma_semaphore, #tpu.memory_space<semaphore_mem>> -> memref<1x!tpu.dma_semaphore, #tpu.memory_space<semaphore_mem>>
    %dma_start3A_123 = tpu.memref_squeeze %dma_start3A_122 : memref<1x!tpu.dma_semaphore, #tpu.memory_space<semaphore_mem>> -> memref<!tpu.dma_semaphore, #tpu.memory_space<semaphore_mem>>
    tpu.enqueue_indirect_dma source(%dma_start3A_121 : memref<10000x64xi32, #tpu.memory_space<hbm>>) target(%dma_start3A_115 : memref<128x64xi32, #tpu.memory_space<vmem>>) offsets(%dma_start3A_118 : memref<128xi32, #tpu.memory_space<vmem>>) semaphore(%dma_start3A_123 : memref<!tpu.dma_semaphore, #tpu.memory_space<semaphore_mem>>)
    %add3A_124 = arith.constant 1 : i32
    %add3A_125 = arith.addi %mul3A_2, %add3A_124 : i32
    %dma_wait3A_126 = arith.constant 1 : i32
    %dma_wait3A_127 = arith.constant 3 : i32
    %dma_wait3A_128 = arith.constant 0 : i32
    %dma_wait3A_129 = tpu.memref_slice %arg5[%dma_wait3A_127, %dma_wait3A_128] : memref<12x128xi32, #tpu.memory_space<vmem>> -> memref<3x128xi32, #tpu.memory_space<vmem>>
    %dma_wait3A_130 = arith.constant 0 : i32
    %dma_wait3A_131 = arith.constant 0 : i32
    %dma_wait3A_132 = tpu.memref_slice %arg3[%add3A_125, %dma_wait3A_130, %dma_wait3A_131] : memref<2560x3x128xi32, #tpu.memory_space<hbm>> -> memref<1x3x128xi32, #tpu.memory_space<hbm>>
    %dma_wait3A_133 = tpu.memref_squeeze %dma_wait3A_132 : memref<1x3x128xi32, #tpu.memory_space<hbm>> -> memref<3x128xi32, #tpu.memory_space<hbm>>
    %dma_wait3A_134 = tpu.memref_slice %arg10[%dma_wait3A_126] : memref<4x!tpu.dma_semaphore, #tpu.memory_space<semaphore_mem>> -> memref<1x!tpu.dma_semaphore, #tpu.memory_space<semaphore_mem>>
    %dma_wait3A_135 = tpu.memref_squeeze %dma_wait3A_134 : memref<1x!tpu.dma_semaphore, #tpu.memory_space<semaphore_mem>> -> memref<!tpu.dma_semaphore, #tpu.memory_space<semaphore_mem>>
    %dma_wait3A_136 = arith.constant 3 : i32
    %dma_wait3A_137 = arith.constant 0 : i32
    %dma_wait3A_138 = tpu.memref_slice %arg5[%dma_wait3A_136, %dma_wait3A_137] : memref<12x128xi32, #tpu.memory_space<vmem>> -> memref<3x128xi32, #tpu.memory_space<vmem>>
    %dma_wait3A_139 = arith.constant 0 : i32
    %dma_wait3A_140 = arith.constant 0 : i32
    %dma_wait3A_141 = tpu.memref_slice %arg3[%add3A_125, %dma_wait3A_139, %dma_wait3A_140] : memref<2560x3x128xi32, #tpu.memory_space<hbm>> -> memref<1x3x128xi32, #tpu.memory_space<hbm>>
    %dma_wait3A_142 = tpu.memref_squeeze %dma_wait3A_141 : memref<1x3x128xi32, #tpu.memory_space<hbm>> -> memref<3x128xi32, #tpu.memory_space<hbm>>
    tpu.wait_dma2 semaphore(%dma_wait3A_135 : memref<!tpu.dma_semaphore, #tpu.memory_space<semaphore_mem>>) src(%dma_wait3A_142 : memref<3x128xi32, #tpu.memory_space<hbm>>) dst(%dma_wait3A_138 : memref<3x128xi32, #tpu.memory_space<vmem>>)
    %dma_start3A_143 = arith.constant 3 : i32
    %dma_start3A_144 = arith.constant 1 : i32
    %dma_start3A_145 = arith.constant 1 : i32
    %dma_start3A_146 = arith.constant 0 : i32
    %dma_start3A_147 = arith.constant 0 : i32
    %dma_start3A_148 = tpu.memref_slice %arg6[%dma_start3A_144, %dma_start3A_146, %dma_start3A_147] : memref<4x128x64xi32, #tpu.memory_space<vmem>> -> memref<1x128x64xi32, #tpu.memory_space<vmem>>
    %dma_start3A_149 = tpu.memref_squeeze %dma_start3A_148 : memref<1x128x64xi32, #tpu.memory_space<vmem>> -> memref<128x64xi32, #tpu.memory_space<vmem>>
    %dma_start3A_150 = arith.constant 0 : i32
    %dma_start3A_151 = tpu.memref_slice %arg5[%dma_start3A_143, %dma_start3A_150] : memref<12x128xi32, #tpu.memory_space<vmem>> -> memref<1x128xi32, #tpu.memory_space<vmem>>
    %dma_start3A_152 = tpu.memref_squeeze %dma_start3A_151 : memref<1x128xi32, #tpu.memory_space<vmem>> -> memref<128xi32, #tpu.memory_space<vmem>>
    %dma_start3A_153 = arith.constant 0 : i32
    %dma_start3A_154 = arith.constant 0 : i32
    %dma_start3A_155 = tpu.memref_slice %arg2[%dma_start3A_153, %dma_start3A_154] : memref<10000x64xi32, #tpu.memory_space<hbm>> -> memref<10000x64xi32, #tpu.memory_space<hbm>>
    %dma_start3A_156 = tpu.memref_slice %arg9[%dma_start3A_145] : memref<4x!tpu.dma_semaphore, #tpu.memory_space<semaphore_mem>> -> memref<1x!tpu.dma_semaphore, #tpu.memory_space<semaphore_mem>>
    %dma_start3A_157 = tpu.memref_squeeze %dma_start3A_156 : memref<1x!tpu.dma_semaphore, #tpu.memory_space<semaphore_mem>> -> memref<!tpu.dma_semaphore, #tpu.memory_space<semaphore_mem>>
    tpu.enqueue_indirect_dma source(%dma_start3A_155 : memref<10000x64xi32, #tpu.memory_space<hbm>>) target(%dma_start3A_149 : memref<128x64xi32, #tpu.memory_space<vmem>>) offsets(%dma_start3A_152 : memref<128xi32, #tpu.memory_space<vmem>>) semaphore(%dma_start3A_157 : memref<!tpu.dma_semaphore, #tpu.memory_space<semaphore_mem>>)
    %add3A_158 = arith.constant 2 : i32
    %add3A_159 = arith.addi %mul3A_2, %add3A_158 : i32
    %dma_wait3A_160 = arith.constant 2 : i32
    %dma_wait3A_161 = arith.constant 6 : i32
    %dma_wait3A_162 = arith.constant 0 : i32
    %dma_wait3A_163 = tpu.memref_slice %arg5[%dma_wait3A_161, %dma_wait3A_162] : memref<12x128xi32, #tpu.memory_space<vmem>> -> memref<3x128xi32, #tpu.memory_space<vmem>>
    %dma_wait3A_164 = arith.constant 0 : i32
    %dma_wait3A_165 = arith.constant 0 : i32
    %dma_wait3A_166 = tpu.memref_slice %arg3[%add3A_159, %dma_wait3A_164, %dma_wait3A_165] : memref<2560x3x128xi32, #tpu.memory_space<hbm>> -> memref<1x3x128xi32, #tpu.memory_space<hbm>>
    %dma_wait3A_167 = tpu.memref_squeeze %dma_wait3A_166 : memref<1x3x128xi32, #tpu.memory_space<hbm>> -> memref<3x128xi32, #tpu.memory_space<hbm>>
    %dma_wait3A_168 = tpu.memref_slice %arg10[%dma_wait3A_160] : memref<4x!tpu.dma_semaphore, #tpu.memory_space<semaphore_mem>> -> memref<1x!tpu.dma_semaphore, #tpu.memory_space<semaphore_mem>>
    %dma_wait3A_169 = tpu.memref_squeeze %dma_wait3A_168 : memref<1x!tpu.dma_semaphore, #tpu.memory_space<semaphore_mem>> -> memref<!tpu.dma_semaphore, #tpu.memory_space<semaphore_mem>>
    %dma_wait3A_170 = arith.constant 6 : i32
    %dma_wait3A_171 = arith.constant 0 : i32
    %dma_wait3A_172 = tpu.memref_slice %arg5[%dma_wait3A_170, %dma_wait3A_171] : memref<12x128xi32, #tpu.memory_space<vmem>> -> memref<3x128xi32, #tpu.memory_space<vmem>>
    %dma_wait3A_173 = arith.constant 0 : i32
    %dma_wait3A_174 = arith.constant 0 : i32
    %dma_wait3A_175 = tpu.memref_slice %arg3[%add3A_159, %dma_wait3A_173, %dma_wait3A_174] : memref<2560x3x128xi32, #tpu.memory_space<hbm>> -> memref<1x3x128xi32, #tpu.memory_space<hbm>>
    %dma_wait3A_176 = tpu.memref_squeeze %dma_wait3A_175 : memref<1x3x128xi32, #tpu.memory_space<hbm>> -> memref<3x128xi32, #tpu.memory_space<hbm>>
    tpu.wait_dma2 semaphore(%dma_wait3A_169 : memref<!tpu.dma_semaphore, #tpu.memory_space<semaphore_mem>>) src(%dma_wait3A_176 : memref<3x128xi32, #tpu.memory_space<hbm>>) dst(%dma_wait3A_172 : memref<3x128xi32, #tpu.memory_space<vmem>>)
    %dma_start3A_177 = arith.constant 6 : i32
    %dma_start3A_178 = arith.constant 2 : i32
    %dma_start3A_179 = arith.constant 2 : i32
    %dma_start3A_180 = arith.constant 0 : i32
    %dma_start3A_181 = arith.constant 0 : i32
    %dma_start3A_182 = tpu.memref_slice %arg6[%dma_start3A_178, %dma_start3A_180, %dma_start3A_181] : memref<4x128x64xi32, #tpu.memory_space<vmem>> -> memref<1x128x64xi32, #tpu.memory_space<vmem>>
    %dma_start3A_183 = tpu.memref_squeeze %dma_start3A_182 : memref<1x128x64xi32, #tpu.memory_space<vmem>> -> memref<128x64xi32, #tpu.memory_space<vmem>>
    %dma_start3A_184 = arith.constant 0 : i32
    %dma_start3A_185 = tpu.memref_slice %arg5[%dma_start3A_177, %dma_start3A_184] : memref<12x128xi32, #tpu.memory_space<vmem>> -> memref<1x128xi32, #tpu.memory_space<vmem>>
    %dma_start3A_186 = tpu.memref_squeeze %dma_start3A_185 : memref<1x128xi32, #tpu.memory_space<vmem>> -> memref<128xi32, #tpu.memory_space<vmem>>
    %dma_start3A_187 = arith.constant 0 : i32
    %dma_start3A_188 = arith.constant 0 : i32
    %dma_start3A_189 = tpu.memref_slice %arg2[%dma_start3A_187, %dma_start3A_188] : memref<10000x64xi32, #tpu.memory_space<hbm>> -> memref<10000x64xi32, #tpu.memory_space<hbm>>
    %dma_start3A_190 = tpu.memref_slice %arg9[%dma_start3A_179] : memref<4x!tpu.dma_semaphore, #tpu.memory_space<semaphore_mem>> -> memref<1x!tpu.dma_semaphore, #tpu.memory_space<semaphore_mem>>
    %dma_start3A_191 = tpu.memref_squeeze %dma_start3A_190 : memref<1x!tpu.dma_semaphore, #tpu.memory_space<semaphore_mem>> -> memref<!tpu.dma_semaphore, #tpu.memory_space<semaphore_mem>>
    tpu.enqueue_indirect_dma source(%dma_start3A_189 : memref<10000x64xi32, #tpu.memory_space<hbm>>) target(%dma_start3A_183 : memref<128x64xi32, #tpu.memory_space<vmem>>) offsets(%dma_start3A_186 : memref<128xi32, #tpu.memory_space<vmem>>) semaphore(%dma_start3A_191 : memref<!tpu.dma_semaphore, #tpu.memory_space<semaphore_mem>>)
    %scan3A_192 = arith.constant 0 : i32
    %scan3A_193 = arith.constant 20 : i32
    %scan3A_194 = arith.addi %scan3A_192, %scan3A_193 : i32
    %scan3A_195 = arith.constant 1 : i32
    scf.for %scan3A_217 = %scan3A_192 to %scan3A_194 step %scan3A_195  : i32 {
      %mul3A_218 = arith.constant 4 : i32
      %mul3A_219 = arith.muli %scan3A_217, %mul3A_218 : i32
      %add3A_220 = arith.constant 0 : i32
      %add3A_221 = arith.addi %mul3A_219, %add3A_220 : i32
      %dma_wait3A_222 = arith.constant 0 : i32
      %dma_wait3A_223 = arith.constant 0 : i32
      %dma_wait3A_224 = arith.constant 0 : i32
      %dma_wait3A_225 = arith.constant 0 : i32
      %dma_wait3A_226 = arith.constant 0 : i32
      %dma_wait3A_227 = tpu.memref_slice %arg6[%dma_wait3A_223, %dma_wait3A_225, %dma_wait3A_226] : memref<4x128x64xi32, #tpu.memory_space<vmem>> -> memref<1x128x64xi32, #tpu.memory_space<vmem>>
      %dma_wait3A_228 = tpu.memref_squeeze %dma_wait3A_227 : memref<1x128x64xi32, #tpu.memory_space<vmem>> -> memref<128x64xi32, #tpu.memory_space<vmem>>
      %dma_wait3A_229 = arith.constant 0 : i32
      %dma_wait3A_230 = tpu.memref_slice %arg5[%dma_wait3A_222, %dma_wait3A_229] : memref<12x128xi32, #tpu.memory_space<vmem>> -> memref<1x128xi32, #tpu.memory_space<vmem>>
      %dma_wait3A_231 = tpu.memref_squeeze %dma_wait3A_230 : memref<1x128xi32, #tpu.memory_space<vmem>> -> memref<128xi32, #tpu.memory_space<vmem>>
      %dma_wait3A_232 = arith.constant 0 : i32
      %dma_wait3A_233 = arith.constant 0 : i32
      %dma_wait3A_234 = tpu.memref_slice %arg2[%dma_wait3A_232, %dma_wait3A_233] : memref<10000x64xi32, #tpu.memory_space<hbm>> -> memref<10000x64xi32, #tpu.memory_space<hbm>>
      %dma_wait3A_235 = tpu.memref_slice %arg9[%dma_wait3A_224] : memref<4x!tpu.dma_semaphore, #tpu.memory_space<semaphore_mem>> -> memref<1x!tpu.dma_semaphore, #tpu.memory_space<semaphore_mem>>
      %dma_wait3A_236 = tpu.memref_squeeze %dma_wait3A_235 : memref<1x!tpu.dma_semaphore, #tpu.memory_space<semaphore_mem>> -> memref<!tpu.dma_semaphore, #tpu.memory_space<semaphore_mem>>
      tpu.wait_indirect_dma semaphore(%dma_wait3A_236 : memref<!tpu.dma_semaphore, #tpu.memory_space<semaphore_mem>>) src(%dma_wait3A_234 : memref<10000x64xi32, #tpu.memory_space<hbm>>) dst(%dma_wait3A_228 : memref<128x64xi32, #tpu.memory_space<vmem>>)
      %scan3A_237 = arith.constant 0 : i32
      %scan3A_238 = arith.constant 128 : i32
      %scan3A_239 = arith.addi %scan3A_237, %scan3A_238 : i32
      %scan3A_240 = arith.constant 8 : i32
      scf.for %scan3A_373 = %scan3A_237 to %scan3A_239 step %scan3A_240  : i32 {
        %broadcast_in_dim3A_374 = arith.constant 2 : i32
        %broadcast_in_dim3A_375 = vector.broadcast %broadcast_in_dim3A_374 : i32 to vector<16xi32>
        %broadcast_in_dim3A_376 = vector.broadcast %scan3A_373 : i32 to vector<16xi32>
        %gather3A = tpu.vector_load_idx %arg5[%broadcast_in_dim3A_375, %broadcast_in_dim3A_376] : memref<12x128xi32, #tpu.memory_space<vmem>>[vector<16xi32>, vector<16xi32>], vector<16xi32>,
        %bitcast3A = vector.bitcast %gather3A : vector<16xi32> to vector<16xf32>
        %get3A = arith.constant 0 : i32
        %get3A_377 = arith.index_cast %get3A : i32 to index
        %get3A_378 = arith.index_cast %scan3A_373 : i32 to index
        %get3A_379 = arith.constant 0 : index
        %get3A_380 = tpu.vector_load %arg6[%get3A_377, %get3A_378, %get3A_379] {strides = array<i32>} : memref<4x128x64xi32, #tpu.memory_space<vmem>>, vector<16xi32>,
        %bitcast3A_381 = vector.bitcast %get3A_380 : vector<16xi32> to vector<32xbf16>
        %unpack3A = tpu.unpack_subelements %bitcast3A_381, 0 {pack_format = #tpu.pack_format<interleaved>} : vector<32xbf16> -> vector<16xf32>
        %unpack3A_382 = tpu.unpack_subelements %bitcast3A_381, 1 {pack_format = #tpu.pack_format<interleaved>} : vector<32xbf16> -> vector<16xf32>
        %mul3A_383 = arith.mulf %unpack3A, %bitcast3A : vector<16xf32>
        %swap3A = arith.index_cast %scan3A_373 : i32 to index
        %swap3A_384 = arith.constant 0 : index
        %swap3A_385 = tpu.vector_load %arg7[%swap3A, %swap3A_384] {strides = array<i32>} : memref<128x128xf32, #tpu.memory_space<vmem>>, vector<16xf32>,
        tpu.vector_store %arg7[%swap3A, %swap3A_384], %mul3A_383 {strides = array<i32>} : memref<128x128xf32, #tpu.memory_space<vmem>>, vector<16xf32>,
        %mul3A_386 = arith.mulf %unpack3A_382, %bitcast3A : vector<16xf32>
        %swap3A_387 = arith.index_cast %scan3A_373 : i32 to index
        %swap3A_388 = arith.constant 16 : index
        %swap3A_389 = tpu.vector_load %arg7[%swap3A_387, %swap3A_388] {strides = array<i32>} : memref<128x128xf32, #tpu.memory_space<vmem>>, vector<16xf32>,
        tpu.vector_store %arg7[%swap3A_387, %swap3A_388], %mul3A_386 {strides = array<i32>} : memref<128x128xf32, #tpu.memory_space<vmem>>, vector<16xf32>,
        %get3A_390 = arith.constant 0 : i32
        %get3A_391 = arith.index_cast %get3A_390 : i32 to index
        %get3A_392 = arith.index_cast %scan3A_373 : i32 to index
        %get3A_393 = arith.constant 16 : index
        %get3A_394 = tpu.vector_load %arg6[%get3A_391, %get3A_392, %get3A_393] {strides = array<i32>} : memref<4x128x64xi32, #tpu.memory_space<vmem>>, vector<16xi32>,
        %bitcast3A_395 = vector.bitcast %get3A_394 : vector<16xi32> to vector<32xbf16>
        %unpack3A_396 = tpu.unpack_subelements %bitcast3A_395, 0 {pack_format = #tpu.pack_format<interleaved>} : vector<32xbf16> -> vector<16xf32>
        %unpack3A_397 = tpu.unpack_subelements %bitcast3A_395, 1 {pack_format = #tpu.pack_format<interleaved>} : vector<32xbf16> -> vector<16xf32>
        %mul3A_398 = arith.mulf %unpack3A_396, %bitcast3A : vector<16xf32>
        %swap3A_399 = arith.index_cast %scan3A_373 : i32 to index
        %swap3A_400 = arith.constant 32 : index
        %swap3A_401 = tpu.vector_load %arg7[%swap3A_399, %swap3A_400] {strides = array<i32>} : memref<128x128xf32, #tpu.memory_space<vmem>>, vector<16xf32>,
        tpu.vector_store %arg7[%swap3A_399, %swap3A_400], %mul3A_398 {strides = array<i32>} : memref<128x128xf32, #tpu.memory_space<vmem>>, vector<16xf32>,
        %mul3A_402 = arith.mulf %unpack3A_397, %bitcast3A : vector<16xf32>
        %swap3A_403 = arith.index_cast %scan3A_373 : i32 to index
        %swap3A_404 = arith.constant 48 : index
        %swap3A_405 = tpu.vector_load %arg7[%swap3A_403, %swap3A_404] {strides = array<i32>} : memref<128x128xf32, #tpu.memory_space<vmem>>, vector<16xf32>,
        tpu.vector_store %arg7[%swap3A_403, %swap3A_404], %mul3A_402 {strides = array<i32>} : memref<128x128xf32, #tpu.memory_space<vmem>>, vector<16xf32>,
        %get3A_406 = arith.constant 0 : i32
        %get3A_407 = arith.index_cast %get3A_406 : i32 to index
        %get3A_408 = arith.index_cast %scan3A_373 : i32 to index
        %get3A_409 = arith.constant 32 : index
        %get3A_410 = tpu.vector_load %arg6[%get3A_407, %get3A_408, %get3A_409] {strides = array<i32>} : memref<4x128x64xi32, #tpu.memory_space<vmem>>, vector<16xi32>,
        %bitcast3A_411 = vector.bitcast %get3A_410 : vector<16xi32> to vector<32xbf16>
        %unpack3A_412 = tpu.unpack_subelements %bitcast3A_411, 0 {pack_format = #tpu.pack_format<interleaved>} : vector<32xbf16> -> vector<16xf32>
        %unpack3A_413 = tpu.unpack_subelements %bitcast3A_411, 1 {pack_format = #tpu.pack_format<interleaved>} : vector<32xbf16> -> vector<16xf32>
        %mul3A_414 = arith.mulf %unpack3A_412, %bitcast3A : vector<16xf32>
        %swap3A_415 = arith.index_cast %scan3A_373 : i32 to index
        %swap3A_416 = arith.constant 64 : index
        %swap3A_417 = tpu.vector_load %arg7[%swap3A_415, %swap3A_416] {strides = array<i32>} : memref<128x128xf32, #tpu.memory_space<vmem>>, vector<16xf32>,
        tpu.vector_store %arg7[%swap3A_415, %swap3A_416], %mul3A_414 {strides = array<i32>} : memref<128x128xf32, #tpu.memory_space<vmem>>, vector<16xf32>,
        %mul3A_418 = arith.mulf %unpack3A_413, %bitcast3A : vector<16xf32>
        %swap3A_419 = arith.index_cast %scan3A_373 : i32 to index
        %swap3A_420 = arith.constant 80 : index
        %swap3A_421 = tpu.vector_load %arg7[%swap3A_419, %swap3A_420] {strides = array<i32>} : memref<128x128xf32, #tpu.memory_space<vmem>>, vector<16xf32>,
        tpu.vector_store %arg7[%swap3A_419, %swap3A_420], %mul3A_418 {strides = array<i32>} : memref<128x128xf32, #tpu.memory_space<vmem>>, vector<16xf32>,
        %get3A_422 = arith.constant 0 : i32
        %get3A_423 = arith.index_cast %get3A_422 : i32 to index
        %get3A_424 = arith.index_cast %scan3A_373 : i32 to index
        %get3A_425 = arith.constant 48 : index
        %get3A_426 = tpu.vector_load %arg6[%get3A_423, %get3A_424, %get3A_425] {strides = array<i32>} : memref<4x128x64xi32, #tpu.memory_space<vmem>>, vector<16xi32>,
        %bitcast3A_427 = vector.bitcast %get3A_426 : vector<16xi32> to vector<32xbf16>
        %unpack3A_428 = tpu.unpack_subelements %bitcast3A_427, 0 {pack_format = #tpu.pack_format<interleaved>} : vector<32xbf16> -> vector<16xf32>
        %unpack3A_429 = tpu.unpack_subelements %bitcast3A_427, 1 {pack_format = #tpu.pack_format<interleaved>} : vector<32xbf16> -> vector<16xf32>
        %mul3A_430 = arith.mulf %unpack3A_428, %bitcast3A : vector<16xf32>
        %swap3A_431 = arith.index_cast %scan3A_373 : i32 to index
        %swap3A_432 = arith.constant 96 : index
        %swap3A_433 = tpu.vector_load %arg7[%swap3A_431, %swap3A_432] {strides = array<i32>} : memref<128x128xf32, #tpu.memory_space<vmem>>, vector<16xf32>,
        tpu.vector_store %arg7[%swap3A_431, %swap3A_432], %mul3A_430 {strides = array<i32>} : memref<128x128xf32, #tpu.memory_space<vmem>>, vector<16xf32>,
        %mul3A_434 = arith.mulf %unpack3A_429, %bitcast3A : vector<16xf32>
        %swap3A_435 = arith.index_cast %scan3A_373 : i32 to index
        %swap3A_436 = arith.constant 112 : index
        %swap3A_437 = tpu.vector_load %arg7[%swap3A_435, %swap3A_436] {strides = array<i32>} : memref<128x128xf32, #tpu.memory_space<vmem>>, vector<16xf32>,
        tpu.vector_store %arg7[%swap3A_435, %swap3A_436], %mul3A_434 {strides = array<i32>} : memref<128x128xf32, #tpu.memory_space<vmem>>, vector<16xf32>,
        %scan3A_438 = arith.constant 1 : i32
        %scan3A_439 = arith.addi %scan3A_373, %scan3A_438 : i32
        %broadcast_in_dim3A_440 = arith.constant 2 : i32
        %broadcast_in_dim3A_441 = vector.broadcast %broadcast_in_dim3A_440 : i32 to vector<16xi32>
        %broadcast_in_dim3A_442 = vector.broadcast %scan3A_439 : i32 to vector<16xi32>
        %gather3A_443 = tpu.vector_load_idx %arg5[%broadcast_in_dim3A_441, %broadcast_in_dim3A_442] : memref<12x128xi32, #tpu.memory_space<vmem>>[vector<16xi32>, vector<16xi32>], vector<16xi32>,
        %bitcast3A_444 = vector.bitcast %gather3A_443 : vector<16xi32> to vector<16xf32>
        %get3A_445 = arith.constant 0 : i32
        %get3A_446 = arith.index_cast %get3A_445 : i32 to index
        %get3A_447 = arith.index_cast %scan3A_439 : i32 to index
        %get3A_448 = arith.constant 0 : index
        %get3A_449 = tpu.vector_load %arg6[%get3A_446, %get3A_447, %get3A_448] {strides = array<i32>} : memref<4x128x64xi32, #tpu.memory_space<vmem>>, vector<16xi32>,
        %bitcast3A_450 = vector.bitcast %get3A_449 : vector<16xi32> to vector<32xbf16>
        %unpack3A_451 = tpu.unpack_subelements %bitcast3A_450, 0 {pack_format = #tpu.pack_format<interleaved>} : vector<32xbf16> -> vector<16xf32>
        %unpack3A_452 = tpu.unpack_subelements %bitcast3A_450, 1 {pack_format = #tpu.pack_format<interleaved>} : vector<32xbf16> -> vector<16xf32>
        %mul3A_453 = arith.mulf %unpack3A_451, %bitcast3A_444 : vector<16xf32>
        %swap3A_454 = arith.index_cast %scan3A_439 : i32 to index
        %swap3A_455 = arith.constant 0 : index
        %swap3A_456 = tpu.vector_load %arg7[%swap3A_454, %swap3A_455] {strides = array<i32>} : memref<128x128xf32, #tpu.memory_space<vmem>>, vector<16xf32>,
        tpu.vector_store %arg7[%swap3A_454, %swap3A_455], %mul3A_453 {strides = array<i32>} : memref<128x128xf32, #tpu.memory_space<vmem>>, vector<16xf32>,
        %mul3A_457 = arith.mulf %unpack3A_452, %bitcast3A_444 : vector<16xf32>
        %swap3A_458 = arith.index_cast %scan3A_439 : i32 to index
        %swap3A_459 = arith.constant 16 : index
        %swap3A_460 = tpu.vector_load %arg7[%swap3A_458, %swap3A_459] {strides = array<i32>} : memref<128x128xf32, #tpu.memory_space<vmem>>, vector<16xf32>,
        tpu.vector_store %arg7[%swap3A_458, %swap3A_459], %mul3A_457 {strides = array<i32>} : memref<128x128xf32, #tpu.memory_space<vmem>>, vector<16xf32>,
        %get3A_461 = arith.constant 0 : i32
        %get3A_462 = arith.index_cast %get3A_461 : i32 to index
        %get3A_463 = arith.index_cast %scan3A_439 : i32 to index
        %get3A_464 = arith.constant 16 : index
        %get3A_465 = tpu.vector_load %arg6[%get3A_462, %get3A_463, %get3A_464] {strides = array<i32>} : memref<4x128x64xi32, #tpu.memory_space<vmem>>, vector<16xi32>,
        %bitcast3A_466 = vector.bitcast %get3A_465 : vector<16xi32> to vector<32xbf16>
        %unpack3A_467 = tpu.unpack_subelements %bitcast3A_466, 0 {pack_format = #tpu.pack_format<interleaved>} : vector<32xbf16> -> vector<16xf32>
        %unpack3A_468 = tpu.unpack_subelements %bitcast3A_466, 1 {pack_format = #tpu.pack_format<interleaved>} : vector<32xbf16> -> vector<16xf32>
        %mul3A_469 = arith.mulf %unpack3A_467, %bitcast3A_444 : vector<16xf32>
        %swap3A_470 = arith.index_cast %scan3A_439 : i32 to index
        %swap3A_471 = arith.constant 32 : index
        %swap3A_472 = tpu.vector_load %arg7[%swap3A_470, %swap3A_471] {strides = array<i32>} : memref<128x128xf32, #tpu.memory_space<vmem>>, vector<16xf32>,
        tpu.vector_store %arg7[%swap3A_470, %swap3A_471], %mul3A_469 {strides = array<i32>} : memref<128x128xf32, #tpu.memory_space<vmem>>, vector<16xf32>,
        %mul3A_473 = arith.mulf %unpack3A_468, %bitcast3A_444 : vector<16xf32>
        %swap3A_474 = arith.index_cast %scan3A_439 : i32 to index
        %swap3A_475 = arith.constant 48 : index
        %swap3A_476 = tpu.vector_load %arg7[%swap3A_474, %swap3A_475] {strides = array<i32>} : memref<128x128xf32, #tpu.memory_space<vmem>>, vector<16xf32>,
        tpu.vector_store %arg7[%swap3A_474, %swap3A_475], %mul3A_473 {strides = array<i32>} : memref<128x128xf32, #tpu.memory_space<vmem>>, vector<16xf32>,
        %get3A_477 = arith.constant 0 : i32
        %get3A_478 = arith.index_cast %get3A_477 : i32 to index
        %get3A_479 = arith.index_cast %scan3A_439 : i32 to index
        %get3A_480 = arith.constant 32 : index
        %get3A_481 = tpu.vector_load %arg6[%get3A_478, %get3A_479, %get3A_480] {strides = array<i32>} : memref<4x128x64xi32, #tpu.memory_space<vmem>>, vector<16xi32>,
        %bitcast3A_482 = vector.bitcast %get3A_481 : vector<16xi32> to vector<32xbf16>
        %unpack3A_483 = tpu.unpack_subelements %bitcast3A_482, 0 {pack_format = #tpu.pack_format<interleaved>} : vector<32xbf16> -> vector<16xf32>
        %unpack3A_484 = tpu.unpack_subelements %bitcast3A_482, 1 {pack_format = #tpu.pack_format<interleaved>} : vector<32xbf16> -> vector<16xf32>
        %mul3A_485 = arith.mulf %unpack3A_483, %bitcast3A_444 : vector<16xf32>
        %swap3A_486 = arith.index_cast %scan3A_439 : i32 to index
        %swap3A_487 = arith.constant 64 : index
        %swap3A_488 = tpu.vector_load %arg7[%swap3A_486, %swap3A_487] {strides = array<i32>} : memref<128x128xf32, #tpu.memory_space<vmem>>, vector<16xf32>,
        tpu.vector_store %arg7[%swap3A_486, %swap3A_487], %mul3A_485 {strides = array<i32>} : memref<128x128xf32, #tpu.memory_space<vmem>>, vector<16xf32>,
        %mul3A_489 = arith.mulf %unpack3A_484, %bitcast3A_444 : vector<16xf32>
        %swap3A_490 = arith.index_cast %scan3A_439 : i32 to index
        %swap3A_491 = arith.constant 80 : index
        %swap3A_492 = tpu.vector_load %arg7[%swap3A_490, %swap3A_491] {strides = array<i32>} : memref<128x128xf32, #tpu.memory_space<vmem>>, vector<16xf32>,
        tpu.vector_store %arg7[%swap3A_490, %swap3A_491], %mul3A_489 {strides = array<i32>} : memref<128x128xf32, #tpu.memory_space<vmem>>, vector<16xf32>,
        %get3A_493 = arith.constant 0 : i32
        %get3A_494 = arith.index_cast %get3A_493 : i32 to index
        %get3A_495 = arith.index_cast %scan3A_439 : i32 to index
        %get3A_496 = arith.constant 48 : index
        %get3A_497 = tpu.vector_load %arg6[%get3A_494, %get3A_495, %get3A_496] {strides = array<i32>} : memref<4x128x64xi32, #tpu.memory_space<vmem>>, vector<16xi32>,
        %bitcast3A_498 = vector.bitcast %get3A_497 : vector<16xi32> to vector<32xbf16>
        %unpack3A_499 = tpu.unpack_subelements %bitcast3A_498, 0 {pack_format = #tpu.pack_format<interleaved>} : vector<32xbf16> -> vector<16xf32>
        %unpack3A_500 = tpu.unpack_subelements %bitcast3A_498, 1 {pack_format = #tpu.pack_format<interleaved>} : vector<32xbf16> -> vector<16xf32>
        %mul3A_501 = arith.mulf %unpack3A_499, %bitcast3A_444 : vector<16xf32>
        %swap3A_502 = arith.index_cast %scan3A_439 : i32 to index
        %swap3A_503 = arith.constant 96 : index
        %swap3A_504 = tpu.vector_load %arg7[%swap3A_502, %swap3A_503] {strides = array<i32>} : memref<128x128xf32, #tpu.memory_space<vmem>>, vector<16xf32>,
        tpu.vector_store %arg7[%swap3A_502, %swap3A_503], %mul3A_501 {strides = array<i32>} : memref<128x128xf32, #tpu.memory_space<vmem>>, vector<16xf32>,
        %mul3A_505 = arith.mulf %unpack3A_500, %bitcast3A_444 : vector<16xf32>
        %swap3A_506 = arith.index_cast %scan3A_439 : i32 to index
        %swap3A_507 = arith.constant 112 : index
        %swap3A_508 = tpu.vector_load %arg7[%swap3A_506, %swap3A_507] {strides = array<i32>} : memref<128x128xf32, #tpu.memory_space<vmem>>, vector<16xf32>,
        tpu.vector_store %arg7[%swap3A_506, %swap3A_507], %mul3A_505 {strides = array<i32>} : memref<128x128xf32, #tpu.memory_space<vmem>>, vector<16xf32>,
        %scan3A_509 = arith.constant 2 : i32
        %scan3A_510 = arith.addi %scan3A_373, %scan3A_509 : i32
        %broadcast_in_dim3A_511 = arith.constant 2 : i32
        %broadcast_in_dim3A_512 = vector.broadcast %broadcast_in_dim3A_511 : i32 to vector<16xi32>
        %broadcast_in_dim3A_513 = vector.broadcast %scan3A_510 : i32 to vector<16xi32>
        %gather3A_514 = tpu.vector_load_idx %arg5[%broadcast_in_dim3A_512, %broadcast_in_dim3A_513] : memref<12x128xi32, #tpu.memory_space<vmem>>[vector<16xi32>, vector<16xi32>], vector<16xi32>,
        %bitcast3A_515 = vector.bitcast %gather3A_514 : vector<16xi32> to vector<16xf32>
        %get3A_516 = arith.constant 0 : i32
        %get3A_517 = arith.index_cast %get3A_516 : i32 to index
        %get3A_518 = arith.index_cast %scan3A_510 : i32 to index
        %get3A_519 = arith.constant 0 : index
        %get3A_520 = tpu.vector_load %arg6[%get3A_517, %get3A_518, %get3A_519] {strides = array<i32>} : memref<4x128x64xi32, #tpu.memory_space<vmem>>, vector<16xi32>,
        %bitcast3A_521 = vector.bitcast %get3A_520 : vector<16xi32> to vector<32xbf16>
        %unpack3A_522 = tpu.unpack_subelements %bitcast3A_521, 0 {pack_format = #tpu.pack_format<interleaved>} : vector<32xbf16> -> vector<16xf32>
        %unpack3A_523 = tpu.unpack_subelements %bitcast3A_521, 1 {pack_format = #tpu.pack_format<interleaved>} : vector<32xbf16> -> vector<16xf32>
        %mul3A_524 = arith.mulf %unpack3A_522, %bitcast3A_515 : vector<16xf32>
        %swap3A_525 = arith.index_cast %scan3A_510 : i32 to index
        %swap3A_526 = arith.constant 0 : index
        %swap3A_527 = tpu.vector_load %arg7[%swap3A_525, %swap3A_526] {strides = array<i32>} : memref<128x128xf32, #tpu.memory_space<vmem>>, vector<16xf32>,
        tpu.vector_store %arg7[%swap3A_525, %swap3A_526], %mul3A_524 {strides = array<i32>} : memref<128x128xf32, #tpu.memory_space<vmem>>, vector<16xf32>,
        %mul3A_528 = arith.mulf %unpack3A_523, %bitcast3A_515 : vector<16xf32>
        %swap3A_529 = arith.index_cast %scan3A_510 : i32 to index
        %swap3A_530 = arith.constant 16 : index
        %swap3A_531 = tpu.vector_load %arg7[%swap3A_529, %swap3A_530] {strides = array<i32>} : memref<128x128xf32, #tpu.memory_space<vmem>>, vector<16xf32>,
        tpu.vector_store %arg7[%swap3A_529, %swap3A_530], %mul3A_528 {strides = array<i32>} : memref<128x128xf32, #tpu.memory_space<vmem>>, vector<16xf32>,
        %get3A_532 = arith.constant 0 : i32
        %get3A_533 = arith.index_cast %get3A_532 : i32 to index
        %get3A_534 = arith.index_cast %scan3A_510 : i32 to index
        %get3A_535 = arith.constant 16 : index
        %get3A_536 = tpu.vector_load %arg6[%get3A_533, %get3A_534, %get3A_535] {strides = array<i32>} : memref<4x128x64xi32, #tpu.memory_space<vmem>>, vector<16xi32>,
        %bitcast3A_537 = vector.bitcast %get3A_536 : vector<16xi32> to vector<32xbf16>
        %unpack3A_538 = tpu.unpack_subelements %bitcast3A_537, 0 {pack_format = #tpu.pack_format<interleaved>} : vector<32xbf16> -> vector<16xf32>
        %unpack3A_539 = tpu.unpack_subelements %bitcast3A_537, 1 {pack_format = #tpu.pack_format<interleaved>} : vector<32xbf16> -> vector<16xf32>
        %mul3A_540 = arith.mulf %unpack3A_538, %bitcast3A_515 : vector<16xf32>
        %swap3A_541 = arith.index_cast %scan3A_510 : i32 to index
        %swap3A_542 = arith.constant 32 : index
        %swap3A_543 = tpu.vector_load %arg7[%swap3A_541, %swap3A_542] {strides = array<i32>} : memref<128x128xf32, #tpu.memory_space<vmem>>, vector<16xf32>,
        tpu.vector_store %arg7[%swap3A_541, %swap3A_542], %mul3A_540 {strides = array<i32>} : memref<128x128xf32, #tpu.memory_space<vmem>>, vector<16xf32>,
        %mul3A_544 = arith.mulf %unpack3A_539, %bitcast3A_515 : vector<16xf32>
        %swap3A_545 = arith.index_cast %scan3A_510 : i32 to index
        %swap3A_546 = arith.constant 48 : index
        %swap3A_547 = tpu.vector_load %arg7[%swap3A_545, %swap3A_546] {strides = array<i32>} : memref<128x128xf32, #tpu.memory_space<vmem>>, vector<16xf32>,
        tpu.vector_store %arg7[%swap3A_545, %swap3A_546], %mul3A_544 {strides = array<i32>} : memref<128x128xf32, #tpu.memory_space<vmem>>, vector<16xf32>,
        %get3A_548 = arith.constant 0 : i32
        %get3A_549 = arith.index_cast %get3A_548 : i32 to index
        %get3A_550 = arith.index_cast %scan3A_510 : i32 to index
        %get3A_551 = arith.constant 32 : index
        %get3A_552 = tpu.vector_load %arg6[%get3A_549, %get3A_550, %get3A_551] {strides = array<i32>} : memref<4x128x64xi32, #tpu.memory_space<vmem>>, vector<16xi32>,
        %bitcast3A_553 = vector.bitcast %get3A_552 : vector<16xi32> to vector<32xbf16>
        %unpack3A_554 = tpu.unpack_subelements %bitcast3A_553, 0 {pack_format = #tpu.pack_format<interleaved>} : vector<32xbf16> -> vector<16xf32>
        %unpack3A_555 = tpu.unpack_subelements %bitcast3A_553, 1 {pack_format = #tpu.pack_format<interleaved>} : vector<32xbf16> -> vector<16xf32>
        %mul3A_556 = arith.mulf %unpack3A_554, %bitcast3A_515 : vector<16xf32>
        %swap3A_557 = arith.index_cast %scan3A_510 : i32 to index
        %swap3A_558 = arith.constant 64 : index
        %swap3A_559 = tpu.vector_load %arg7[%swap3A_557, %swap3A_558] {strides = array<i32>} : memref<128x128xf32, #tpu.memory_space<vmem>>, vector<16xf32>,
        tpu.vector_store %arg7[%swap3A_557, %swap3A_558], %mul3A_556 {strides = array<i32>} : memref<128x128xf32, #tpu.memory_space<vmem>>, vector<16xf32>,
        %mul3A_560 = arith.mulf %unpack3A_555, %bitcast3A_515 : vector<16xf32>
        %swap3A_561 = arith.index_cast %scan3A_510 : i32 to index
        %swap3A_562 = arith.constant 80 : index
        %swap3A_563 = tpu.vector_load %arg7[%swap3A_561, %swap3A_562] {strides = array<i32>} : memref<128x128xf32, #tpu.memory_space<vmem>>, vector<16xf32>,
        tpu.vector_store %arg7[%swap3A_561, %swap3A_562], %mul3A_560 {strides = array<i32>} : memref<128x128xf32, #tpu.memory_space<vmem>>, vector<16xf32>,
        %get3A_564 = arith.constant 0 : i32
        %get3A_565 = arith.index_cast %get3A_564 : i32 to index
        %get3A_566 = arith.index_cast %scan3A_510 : i32 to index
        %get3A_567 = arith.constant 48 : index
        %get3A_568 = tpu.vector_load %arg6[%get3A_565, %get3A_566, %get3A_567] {strides = array<i32>} : memref<4x128x64xi32, #tpu.memory_space<vmem>>, vector<16xi32>,
        %bitcast3A_569 = vector.bitcast %get3A_568 : vector<16xi32> to vector<32xbf16>
        %unpack3A_570 = tpu.unpack_subelements %bitcast3A_569, 0 {pack_format = #tpu.pack_format<interleaved>} : vector<32xbf16> -> vector<16xf32>
        %unpack3A_571 = tpu.unpack_subelements %bitcast3A_569, 1 {pack_format = #tpu.pack_format<interleaved>} : vector<32xbf16> -> vector<16xf32>
        %mul3A_572 = arith.mulf %unpack3A_570, %bitcast3A_515 : vector<16xf32>
        %swap3A_573 = arith.index_cast %scan3A_510 : i32 to index
        %swap3A_574 = arith.constant 96 : index
        %swap3A_575 = tpu.vector_load %arg7[%swap3A_573, %swap3A_574] {strides = array<i32>} : memref<128x128xf32, #tpu.memory_space<vmem>>, vector<16xf32>,
        tpu.vector_store %arg7[%swap3A_573, %swap3A_574], %mul3A_572 {strides = array<i32>} : memref<128x128xf32, #tpu.memory_space<vmem>>, vector<16xf32>,
        %mul3A_576 = arith.mulf %unpack3A_571, %bitcast3A_515 : vector<16xf32>
        %swap3A_577 = arith.index_cast %scan3A_510 : i32 to index
        %swap3A_578 = arith.constant 112 : index
        %swap3A_579 = tpu.vector_load %arg7[%swap3A_577, %swap3A_578] {strides = array<i32>} : memref<128x128xf32, #tpu.memory_space<vmem>>, vector<16xf32>,
        tpu.vector_store %arg7[%swap3A_577, %swap3A_578], %mul3A_576 {strides = array<i32>} : memref<128x128xf32, #tpu.memory_space<vmem>>, vector<16xf32>,
        %scan3A_580 = arith.constant 3 : i32
        %scan3A_581 = arith.addi %scan3A_373, %scan3A_580 : i32
        %broadcast_in_dim3A_582 = arith.constant 2 : i32
        %broadcast_in_dim3A_583 = vector.broadcast %broadcast_in_dim3A_582 : i32 to vector<16xi32>
        %broadcast_in_dim3A_584 = vector.broadcast %scan3A_581 : i32 to vector<16xi32>
        %gather3A_585 = tpu.vector_load_idx %arg5[%broadcast_in_dim3A_583, %broadcast_in_dim3A_584] : memref<12x128xi32, #tpu.memory_space<vmem>>[vector<16xi32>, vector<16xi32>], vector<16xi32>,
        %bitcast3A_586 = vector.bitcast %gather3A_585 : vector<16xi32> to vector<16xf32>
        %get3A_587 = arith.constant 0 : i32
        %get3A_588 = arith.index_cast %get3A_587 : i32 to index
        %get3A_589 = arith.index_cast %scan3A_581 : i32 to index
        %get3A_590 = arith.constant 0 : index
        %get3A_591 = tpu.vector_load %arg6[%get3A_588, %get3A_589, %get3A_590] {strides = array<i32>} : memref<4x128x64xi32, #tpu.memory_space<vmem>>, vector<16xi32>,
        %bitcast3A_592 = vector.bitcast %get3A_591 : vector<16xi32> to vector<32xbf16>
        %unpack3A_593 = tpu.unpack_subelements %bitcast3A_592, 0 {pack_format = #tpu.pack_format<interleaved>} : vector<32xbf16> -> vector<16xf32>
        %unpack3A_594 = tpu.unpack_subelements %bitcast3A_592, 1 {pack_format = #tpu.pack_format<interleaved>} : vector<32xbf16> -> vector<16xf32>
        %mul3A_595 = arith.mulf %unpack3A_593, %bitcast3A_586 : vector<16xf32>
        %swap3A_596 = arith.index_cast %scan3A_581 : i32 to index
        %swap3A_597 = arith.constant 0 : index
        %swap3A_598 = tpu.vector_load %arg7[%swap3A_596, %swap3A_597] {strides = array<i32>} : memref<128x128xf32, #tpu.memory_space<vmem>>, vector<16xf32>,
        tpu.vector_store %arg7[%swap3A_596, %swap3A_597], %mul3A_595 {strides = array<i32>} : memref<128x128xf32, #tpu.memory_space<vmem>>, vector<16xf32>,
        %mul3A_599 = arith.mulf %unpack3A_594, %bitcast3A_586 : vector<16xf32>
        %swap3A_600 = arith.index_cast %scan3A_581 : i32 to index
        %swap3A_601 = arith.constant 16 : index
        %swap3A_602 = tpu.vector_load %arg7[%swap3A_600, %swap3A_601] {strides = array<i32>} : memref<128x128xf32, #tpu.memory_space<vmem>>, vector<16xf32>,
        tpu.vector_store %arg7[%swap3A_600, %swap3A_601], %mul3A_599 {strides = array<i32>} : memref<128x128xf32, #tpu.memory_space<vmem>>, vector<16xf32>,
        %get3A_603 = arith.constant 0 : i32
        %get3A_604 = arith.index_cast %get3A_603 : i32 to index
        %get3A_605 = arith.index_cast %scan3A_581 : i32 to index
        %get3A_606 = arith.constant 16 : index
        %get3A_607 = tpu.vector_load %arg6[%get3A_604, %get3A_605, %get3A_606] {strides = array<i32>} : memref<4x128x64xi32, #tpu.memory_space<vmem>>, vector<16xi32>,
        %bitcast3A_608 = vector.bitcast %get3A_607 : vector<16xi32> to vector<32xbf16>
        %unpack3A_609 = tpu.unpack_subelements %bitcast3A_608, 0 {pack_format = #tpu.pack_format<interleaved>} : vector<32xbf16> -> vector<16xf32>
        %unpack3A_610 = tpu.unpack_subelements %bitcast3A_608, 1 {pack_format = #tpu.pack_format<interleaved>} : vector<32xbf16> -> vector<16xf32>
        %mul3A_611 = arith.mulf %unpack3A_609, %bitcast3A_586 : vector<16xf32>
        %swap3A_612 = arith.index_cast %scan3A_581 : i32 to index
        %swap3A_613 = arith.constant 32 : index
        %swap3A_614 = tpu.vector_load %arg7[%swap3A_612, %swap3A_613] {strides = array<i32>} : memref<128x128xf32, #tpu.memory_space<vmem>>, vector<16xf32>,
        tpu.vector_store %arg7[%swap3A_612, %swap3A_613], %mul3A_611 {strides = array<i32>} : memref<128x128xf32, #tpu.memory_space<vmem>>, vector<16xf32>,
        %mul3A_615 = arith.mulf %unpack3A_610, %bitcast3A_586 : vector<16xf32>
        %swap3A_616 = arith.index_cast %scan3A_581 : i32 to index
        %swap3A_617 = arith.constant 48 : index
        %swap3A_618 = tpu.vector_load %arg7[%swap3A_616, %swap3A_617] {strides = array<i32>} : memref<128x128xf32, #tpu.memory_space<vmem>>, vector<16xf32>,
        tpu.vector_store %arg7[%swap3A_616, %swap3A_617], %mul3A_615 {strides = array<i32>} : memref<128x128xf32, #tpu.memory_space<vmem>>, vector<16xf32>,
        %get3A_619 = arith.constant 0 : i32
        %get3A_620 = arith.index_cast %get3A_619 : i32 to index
        %get3A_621 = arith.index_cast %scan3A_581 : i32 to index
        %get3A_622 = arith.constant 32 : index
        %get3A_623 = tpu.vector_load %arg6[%get3A_620, %get3A_621, %get3A_622] {strides = array<i32>} : memref<4x128x64xi32, #tpu.memory_space<vmem>>, vector<16xi32>,
        %bitcast3A_624 = vector.bitcast %get3A_623 : vector<16xi32> to vector<32xbf16>
        %unpack3A_625 = tpu.unpack_subelements %bitcast3A_624, 0 {pack_format = #tpu.pack_format<interleaved>} : vector<32xbf16> -> vector<16xf32>
        %unpack3A_626 = tpu.unpack_subelements %bitcast3A_624, 1 {pack_format = #tpu.pack_format<interleaved>} : vector<32xbf16> -> vector<16xf32>
        %mul3A_627 = arith.mulf %unpack3A_625, %bitcast3A_586 : vector<16xf32>
        %swap3A_628 = arith.index_cast %scan3A_581 : i32 to index
        %swap3A_629 = arith.constant 64 : index
        %swap3A_630 = tpu.vector_load %arg7[%swap3A_628, %swap3A_629] {strides = array<i32>} : memref<128x128xf32, #tpu.memory_space<vmem>>, vector<16xf32>,
        tpu.vector_store %arg7[%swap3A_628, %swap3A_629], %mul3A_627 {strides = array<i32>} : memref<128x128xf32, #tpu.memory_space<vmem>>, vector<16xf32>,
        %mul3A_631 = arith.mulf %unpack3A_626, %bitcast3A_586 : vector<16xf32>
        %swap3A_632 = arith.index_cast %scan3A_581 : i32 to index
        %swap3A_633 = arith.constant 80 : index
        %swap3A_634 = tpu.vector_load %arg7[%swap3A_632, %swap3A_633] {strides = array<i32>} : memref<128x128xf32, #tpu.memory_space<vmem>>, vector<16xf32>,
        tpu.vector_store %arg7[%swap3A_632, %swap3A_633], %mul3A_631 {strides = array<i32>} : memref<128x128xf32, #tpu.memory_space<vmem>>, vector<16xf32>,
        %get3A_635 = arith.constant 0 : i32
        %get3A_636 = arith.index_cast %get3A_635 : i32 to index
        %get3A_637 = arith.index_cast %scan3A_581 : i32 to index
        %get3A_638 = arith.constant 48 : index
        %get3A_639 = tpu.vector_load %arg6[%get3A_636, %get3A_637, %get3A_638] {strides = array<i32>} : memref<4x128x64xi32, #tpu.memory_space<vmem>>, vector<16xi32>,
        %bitcast3A_640 = vector.bitcast %get3A_639 : vector<16xi32> to vector<32xbf16>
        %unpack3A_641 = tpu.unpack_subelements %bitcast3A_640, 0 {pack_format = #tpu.pack_format<interleaved>} : vector<32xbf16> -> vector<16xf32>
        %unpack3A_642 = tpu.unpack_subelements %bitcast3A_640, 1 {pack_format = #tpu.pack_format<interleaved>} : vector<32xbf16> -> vector<16xf32>
        %mul3A_643 = arith.mulf %unpack3A_641, %bitcast3A_586 : vector<16xf32>
        %swap3A_644 = arith.index_cast %scan3A_581 : i32 to index
        %swap3A_645 = arith.constant 96 : index
        %swap3A_646 = tpu.vector_load %arg7[%swap3A_644, %swap3A_645] {strides = array<i32>} : memref<128x128xf32, #tpu.memory_space<vmem>>, vector<16xf32>,
        tpu.vector_store %arg7[%swap3A_644, %swap3A_645], %mul3A_643 {strides = array<i32>} : memref<128x128xf32, #tpu.memory_space<vmem>>, vector<16xf32>,
        %mul3A_647 = arith.mulf %unpack3A_642, %bitcast3A_586 : vector<16xf32>
        %swap3A_648 = arith.index_cast %scan3A_581 : i32 to index
        %swap3A_649 = arith.constant 112 : index
        %swap3A_650 = tpu.vector_load %arg7[%swap3A_648, %swap3A_649] {strides = array<i32>} : memref<128x128xf32, #tpu.memory_space<vmem>>, vector<16xf32>,
        tpu.vector_store %arg7[%swap3A_648, %swap3A_649], %mul3A_647 {strides = array<i32>} : memref<128x128xf32, #tpu.memory_space<vmem>>, vector<16xf32>,
        %scan3A_651 = arith.constant 4 : i32
        %scan3A_652 = arith.addi %scan3A_373, %scan3A_651 : i32
        %broadcast_in_dim3A_653 = arith.constant 2 : i32
        %broadcast_in_dim3A_654 = vector.broadcast %broadcast_in_dim3A_653 : i32 to vector<16xi32>
        %broadcast_in_dim3A_655 = vector.broadcast %scan3A_652 : i32 to vector<16xi32>
        %gather3A_656 = tpu.vector_load_idx %arg5[%broadcast_in_dim3A_654, %broadcast_in_dim3A_655] : memref<12x128xi32, #tpu.memory_space<vmem>>[vector<16xi32>, vector<16xi32>], vector<16xi32>,
        %bitcast3A_657 = vector.bitcast %gather3A_656 : vector<16xi32> to vector<16xf32>
        %get3A_658 = arith.constant 0 : i32
        %get3A_659 = arith.index_cast %get3A_658 : i32 to index
        %get3A_660 = arith.index_cast %scan3A_652 : i32 to index
        %get3A_661 = arith.constant 0 : index
        %get3A_662 = tpu.vector_load %arg6[%get3A_659, %get3A_660, %get3A_661] {strides = array<i32>} : memref<4x128x64xi32, #tpu.memory_space<vmem>>, vector<16xi32>,
        %bitcast3A_663 = vector.bitcast %get3A_662 : vector<16xi32> to vector<32xbf16>
        %unpack3A_664 = tpu.unpack_subelements %bitcast3A_663, 0 {pack_format = #tpu.pack_format<interleaved>} : vector<32xbf16> -> vector<16xf32>
        %unpack3A_665 = tpu.unpack_subelements %bitcast3A_663, 1 {pack_format = #tpu.pack_format<interleaved>} : vector<32xbf16> -> vector<16xf32>
        %mul3A_666 = arith.mulf %unpack3A_664, %bitcast3A_657 : vector<16xf32>
        %swap3A_667 = arith.index_cast %scan3A_652 : i32 to index
        %swap3A_668 = arith.constant 0 : index
        %swap3A_669 = tpu.vector_load %arg7[%swap3A_667, %swap3A_668] {strides = array<i32>} : memref<128x128xf32, #tpu.memory_space<vmem>>, vector<16xf32>,
        tpu.vector_store %arg7[%swap3A_667, %swap3A_668], %mul3A_666 {strides = array<i32>} : memref<128x128xf32, #tpu.memory_space<vmem>>, vector<16xf32>,
        %mul3A_670 = arith.mulf %unpack3A_665, %bitcast3A_657 : vector<16xf32>
        %swap3A_671 = arith.index_cast %scan3A_652 : i32 to index
        %swap3A_672 = arith.constant 16 : index
        %swap3A_673 = tpu.vector_load %arg7[%swap3A_671, %swap3A_672] {strides = array<i32>} : memref<128x128xf32, #tpu.memory_space<vmem>>, vector<16xf32>,
        tpu.vector_store %arg7[%swap3A_671, %swap3A_672], %mul3A_670 {strides = array<i32>} : memref<128x128xf32, #tpu.memory_space<vmem>>, vector<16xf32>,
        %get3A_674 = arith.constant 0 : i32
        %get3A_675 = arith.index_cast %get3A_674 : i32 to index
        %get3A_676 = arith.index_cast %scan3A_652 : i32 to index
        %get3A_677 = arith.constant 16 : index
        %get3A_678 = tpu.vector_load %arg6[%get3A_675, %get3A_676, %get3A_677] {strides = array<i32>} : memref<4x128x64xi32, #tpu.memory_space<vmem>>, vector<16xi32>,
        %bitcast3A_679 = vector.bitcast %get3A_678 : vector<16xi32> to vector<32xbf16>
        %unpack3A_680 = tpu.unpack_subelements %bitcast3A_679, 0 {pack_format = #tpu.pack_format<interleaved>} : vector<32xbf16> -> vector<16xf32>
        %unpack3A_681 = tpu.unpack_subelements %bitcast3A_679, 1 {pack_format = #tpu.pack_format<interleaved>} : vector<32xbf16> -> vector<16xf32>
        %mul3A_682 = arith.mulf %unpack3A_680, %bitcast3A_657 : vector<16xf32>
        %swap3A_683 = arith.index_cast %scan3A_652 : i32 to index
        %swap3A_684 = arith.constant 32 : index
        %swap3A_685 = tpu.vector_load %arg7[%swap3A_683, %swap3A_684] {strides = array<i32>} : memref<128x128xf32, #tpu.memory_space<vmem>>, vector<16xf32>,
        tpu.vector_store %arg7[%swap3A_683, %swap3A_684], %mul3A_682 {strides = array<i32>} : memref<128x128xf32, #tpu.memory_space<vmem>>, vector<16xf32>,
        %mul3A_686 = arith.mulf %unpack3A_681, %bitcast3A_657 : vector<16xf32>
        %swap3A_687 = arith.index_cast %scan3A_652 : i32 to index
        %swap3A_688 = arith.constant 48 : index
        %swap3A_689 = tpu.vector_load %arg7[%swap3A_687, %swap3A_688] {strides = array<i32>} : memref<128x128xf32, #tpu.memory_space<vmem>>, vector<16xf32>,
        tpu.vector_store %arg7[%swap3A_687, %swap3A_688], %mul3A_686 {strides = array<i32>} : memref<128x128xf32, #tpu.memory_space<vmem>>, vector<16xf32>,
        %get3A_690 = arith.constant 0 : i32
        %get3A_691 = arith.index_cast %get3A_690 : i32 to index
        %get3A_692 = arith.index_cast %scan3A_652 : i32 to index
        %get3A_693 = arith.constant 32 : index
        %get3A_694 = tpu.vector_load %arg6[%get3A_691, %get3A_692, %get3A_693] {strides = array<i32>} : memref<4x128x64xi32, #tpu.memory_space<vmem>>, vector<16xi32>,
        %bitcast3A_695 = vector.bitcast %get3A_694 : vector<16xi32> to vector<32xbf16>
        %unpack3A_696 = tpu.unpack_subelements %bitcast3A_695, 0 {pack_format = #tpu.pack_format<interleaved>} : vector<32xbf16> -> vector<16xf32>
        %unpack3A_697 = tpu.unpack_subelements %bitcast3A_695, 1 {pack_format = #tpu.pack_format<interleaved>} : vector<32xbf16> -> vector<16xf32>
        %mul3A_698 = arith.mulf %unpack3A_696, %bitcast3A_657 : vector<16xf32>
        %swap3A_699 = arith.index_cast %scan3A_652 : i32 to index
        %swap3A_700 = arith.constant 64 : index
        %swap3A_701 = tpu.vector_load %arg7[%swap3A_699, %swap3A_700] {strides = array<i32>} : memref<128x128xf32, #tpu.memory_space<vmem>>, vector<16xf32>,
        tpu.vector_store %arg7[%swap3A_699, %swap3A_700], %mul3A_698 {strides = array<i32>} : memref<128x128xf32, #tpu.memory_space<vmem>>, vector<16xf32>,
        %mul3A_702 = arith.mulf %unpack3A_697, %bitcast3A_657 : vector<16xf32>
        %swap3A_703 = arith.index_cast %scan3A_652 : i32 to index
        %swap3A_704 = arith.constant 80 : index
        %swap3A_705 = tpu.vector_load %arg7[%swap3A_703, %swap3A_704] {strides = array<i32>} : memref<128x128xf32, #tpu.memory_space<vmem>>, vector<16xf32>,
        tpu.vector_store %arg7[%swap3A_703, %swap3A_704], %mul3A_702 {strides = array<i32>} : memref<128x128xf32, #tpu.memory_space<vmem>>, vector<16xf32>,
        %get3A_706 = arith.constant 0 : i32
        %get3A_707 = arith.index_cast %get3A_706 : i32 to index
        %get3A_708 = arith.index_cast %scan3A_652 : i32 to index
        %get3A_709 = arith.constant 48 : index
        %get3A_710 = tpu.vector_load %arg6[%get3A_707, %get3A_708, %get3A_709] {strides = array<i32>} : memref<4x128x64xi32, #tpu.memory_space<vmem>>, vector<16xi32>,
        %bitcast3A_711 = vector.bitcast %get3A_710 : vector<16xi32> to vector<32xbf16>
        %unpack3A_712 = tpu.unpack_subelements %bitcast3A_711, 0 {pack_format = #tpu.pack_format<interleaved>} : vector<32xbf16> -> vector<16xf32>
        %unpack3A_713 = tpu.unpack_subelements %bitcast3A_711, 1 {pack_format = #tpu.pack_format<interleaved>} : vector<32xbf16> -> vector<16xf32>
        %mul3A_714 = arith.mulf %unpack3A_712, %bitcast3A_657 : vector<16xf32>
        %swap3A_715 = arith.index_cast %scan3A_652 : i32 to index
        %swap3A_716 = arith.constant 96 : index
        %swap3A_717 = tpu.vector_load %arg7[%swap3A_715, %swap3A_716] {strides = array<i32>} : memref<128x128xf32, #tpu.memory_space<vmem>>, vector<16xf32>,
        tpu.vector_store %arg7[%swap3A_715, %swap3A_716], %mul3A_714 {strides = array<i32>} : memref<128x128xf32, #tpu.memory_space<vmem>>, vector<16xf32>,
        %mul3A_718 = arith.mulf %unpack3A_713, %bitcast3A_657 : vector<16xf32>
        %swap3A_719 = arith.index_cast %scan3A_652 : i32 to index
        %swap3A_720 = arith.constant 112 : index
        %swap3A_721 = tpu.vector_load %arg7[%swap3A_719, %swap3A_720] {strides = array<i32>} : memref<128x128xf32, #tpu.memory_space<vmem>>, vector<16xf32>,
        tpu.vector_store %arg7[%swap3A_719, %swap3A_720], %mul3A_718 {strides = array<i32>} : memref<128x128xf32, #tpu.memory_space<vmem>>, vector<16xf32>,
        %scan3A_722 = arith.constant 5 : i32
        %scan3A_723 = arith.addi %scan3A_373, %scan3A_722 : i32
        %broadcast_in_dim3A_724 = arith.constant 2 : i32
        %broadcast_in_dim3A_725 = vector.broadcast %broadcast_in_dim3A_724 : i32 to vector<16xi32>
        %broadcast_in_dim3A_726 = vector.broadcast %scan3A_723 : i32 to vector<16xi32>
        %gather3A_727 = tpu.vector_load_idx %arg5[%broadcast_in_dim3A_725, %broadcast_in_dim3A_726] : memref<12x128xi32, #tpu.memory_space<vmem>>[vector<16xi32>, vector<16xi32>], vector<16xi32>,
        %bitcast3A_728 = vector.bitcast %gather3A_727 : vector<16xi32> to vector<16xf32>
        %get3A_729 = arith.constant 0 : i32
        %get3A_730 = arith.index_cast %get3A_729 : i32 to index
        %get3A_731 = arith.index_cast %scan3A_723 : i32 to index
        %get3A_732 = arith.constant 0 : index
        %get3A_733 = tpu.vector_load %arg6[%get3A_730, %get3A_731, %get3A_732] {strides = array<i32>} : memref<4x128x64xi32, #tpu.memory_space<vmem>>, vector<16xi32>,
        %bitcast3A_734 = vector.bitcast %get3A_733 : vector<16xi32> to vector<32xbf16>
        %unpack3A_735 = tpu.unpack_subelements %bitcast3A_734, 0 {pack_format = #tpu.pack_format<interleaved>} : vector<32xbf16> -> vector<16xf32>
        %unpack3A_736 = tpu.unpack_subelements %bitcast3A_734, 1 {pack_format = #tpu.pack_format<interleaved>} : vector<32xbf16> -> vector<16xf32>
        %mul3A_737 = arith.mulf %unpack3A_735, %bitcast3A_728 : vector<16xf32>
        %swap3A_738 = arith.index_cast %scan3A_723 : i32 to index
        %swap3A_739 = arith.constant 0 : index
        %swap3A_740 = tpu.vector_load %arg7[%swap3A_738, %swap3A_739] {strides = array<i32>} : memref<128x128xf32, #tpu.memory_space<vmem>>, vector<16xf32>,
        tpu.vector_store %arg7[%swap3A_738, %swap3A_739], %mul3A_737 {strides = array<i32>} : memref<128x128xf32, #tpu.memory_space<vmem>>, vector<16xf32>,
        %mul3A_741 = arith.mulf %unpack3A_736, %bitcast3A_728 : vector<16xf32>
        %swap3A_742 = arith.index_cast %scan3A_723 : i32 to index
        %swap3A_743 = arith.constant 16 : index
        %swap3A_744 = tpu.vector_load %arg7[%swap3A_742, %swap3A_743] {strides = array<i32>} : memref<128x128xf32, #tpu.memory_space<vmem>>, vector<16xf32>,
        tpu.vector_store %arg7[%swap3A_742, %swap3A_743], %mul3A_741 {strides = array<i32>} : memref<128x128xf32, #tpu.memory_space<vmem>>, vector<16xf32>,
        %get3A_745 = arith.constant 0 : i32
        %get3A_746 = arith.index_cast %get3A_745 : i32 to index
        %get3A_747 = arith.index_cast %scan3A_723 : i32 to index
        %get3A_748 = arith.constant 16 : index
        %get3A_749 = tpu.vector_load %arg6[%get3A_746, %get3A_747, %get3A_748] {strides = array<i32>} : memref<4x128x64xi32, #tpu.memory_space<vmem>>, vector<16xi32>,
        %bitcast3A_750 = vector.bitcast %get3A_749 : vector<16xi32> to vector<32xbf16>
        %unpack3A_751 = tpu.unpack_subelements %bitcast3A_750, 0 {pack_format = #tpu.pack_format<interleaved>} : vector<32xbf16> -> vector<16xf32>
        %unpack3A_752 = tpu.unpack_subelements %bitcast3A_750, 1 {pack_format = #tpu.pack_format<interleaved>} : vector<32xbf16> -> vector<16xf32>
        %mul3A_753 = arith.mulf %unpack3A_751, %bitcast3A_728 : vector<16xf32>
        %swap3A_754 = arith.index_cast %scan3A_723 : i32 to index
        %swap3A_755 = arith.constant 32 : index
        %swap3A_756 = tpu.vector_load %arg7[%swap3A_754, %swap3A_755] {strides = array<i32>} : memref<128x128xf32, #tpu.memory_space<vmem>>, vector<16xf32>,
        tpu.vector_store %arg7[%swap3A_754, %swap3A_755], %mul3A_753 {strides = array<i32>} : memref<128x128xf32, #tpu.memory_space<vmem>>, vector<16xf32>,
        %mul3A_757 = arith.mulf %unpack3A_752, %bitcast3A_728 : vector<16xf32>
        %swap3A_758 = arith.index_cast %scan3A_723 : i32 to index
        %swap3A_759 = arith.constant 48 : index
        %swap3A_760 = tpu.vector_load %arg7[%swap3A_758, %swap3A_759] {strides = array<i32>} : memref<128x128xf32, #tpu.memory_space<vmem>>, vector<16xf32>,
        tpu.vector_store %arg7[%swap3A_758, %swap3A_759], %mul3A_757 {strides = array<i32>} : memref<128x128xf32, #tpu.memory_space<vmem>>, vector<16xf32>,
        %get3A_761 = arith.constant 0 : i32
        %get3A_762 = arith.index_cast %get3A_761 : i32 to index
        %get3A_763 = arith.index_cast %scan3A_723 : i32 to index
        %get3A_764 = arith.constant 32 : index
        %get3A_765 = tpu.vector_load %arg6[%get3A_762, %get3A_763, %get3A_764] {strides = array<i32>} : memref<4x128x64xi32, #tpu.memory_space<vmem>>, vector<16xi32>,
        %bitcast3A_766 = vector.bitcast %get3A_765 : vector<16xi32> to vector<32xbf16>
        %unpack3A_767 = tpu.unpack_subelements %bitcast3A_766, 0 {pack_format = #tpu.pack_format<interleaved>} : vector<32xbf16> -> vector<16xf32>
        %unpack3A_768 = tpu.unpack_subelements %bitcast3A_766, 1 {pack_format = #tpu.pack_format<interleaved>} : vector<32xbf16> -> vector<16xf32>
        %mul3A_769 = arith.mulf %unpack3A_767, %bitcast3A_728 : vector<16xf32>
        %swap3A_770 = arith.index_cast %scan3A_723 : i32 to index
        %swap3A_771 = arith.constant 64 : index
        %swap3A_772 = tpu.vector_load %arg7[%swap3A_770, %swap3A_771] {strides = array<i32>} : memref<128x128xf32, #tpu.memory_space<vmem>>, vector<16xf32>,
        tpu.vector_store %arg7[%swap3A_770, %swap3A_771], %mul3A_769 {strides = array<i32>} : memref<128x128xf32, #tpu.memory_space<vmem>>, vector<16xf32>,
        %mul3A_773 = arith.mulf %unpack3A_768, %bitcast3A_728 : vector<16xf32>
        %swap3A_774 = arith.index_cast %scan3A_723 : i32 to index
        %swap3A_775 = arith.constant 80 : index
        %swap3A_776 = tpu.vector_load %arg7[%swap3A_774, %swap3A_775] {strides = array<i32>} : memref<128x128xf32, #tpu.memory_space<vmem>>, vector<16xf32>,
        tpu.vector_store %arg7[%swap3A_774, %swap3A_775], %mul3A_773 {strides = array<i32>} : memref<128x128xf32, #tpu.memory_space<vmem>>, vector<16xf32>,
        %get3A_777 = arith.constant 0 : i32
        %get3A_778 = arith.index_cast %get3A_777 : i32 to index
        %get3A_779 = arith.index_cast %scan3A_723 : i32 to index
        %get3A_780 = arith.constant 48 : index
        %get3A_781 = tpu.vector_load %arg6[%get3A_778, %get3A_779, %get3A_780] {strides = array<i32>} : memref<4x128x64xi32, #tpu.memory_space<vmem>>, vector<16xi32>,
        %bitcast3A_782 = vector.bitcast %get3A_781 : vector<16xi32> to vector<32xbf16>
        %unpack3A_783 = tpu.unpack_subelements %bitcast3A_782, 0 {pack_format = #tpu.pack_format<interleaved>} : vector<32xbf16> -> vector<16xf32>
        %unpack3A_784 = tpu.unpack_subelements %bitcast3A_782, 1 {pack_format = #tpu.pack_format<interleaved>} : vector<32xbf16> -> vector<16xf32>
        %mul3A_785 = arith.mulf %unpack3A_783, %bitcast3A_728 : vector<16xf32>
        %swap3A_786 = arith.index_cast %scan3A_723 : i32 to index
        %swap3A_787 = arith.constant 96 : index
        %swap3A_788 = tpu.vector_load %arg7[%swap3A_786, %swap3A_787] {strides = array<i32>} : memref<128x128xf32, #tpu.memory_space<vmem>>, vector<16xf32>,
        tpu.vector_store %arg7[%swap3A_786, %swap3A_787], %mul3A_785 {strides = array<i32>} : memref<128x128xf32, #tpu.memory_space<vmem>>, vector<16xf32>,
        %mul3A_789 = arith.mulf %unpack3A_784, %bitcast3A_728 : vector<16xf32>
        %swap3A_790 = arith.index_cast %scan3A_723 : i32 to index
        %swap3A_791 = arith.constant 112 : index
        %swap3A_792 = tpu.vector_load %arg7[%swap3A_790, %swap3A_791] {strides = array<i32>} : memref<128x128xf32, #tpu.memory_space<vmem>>, vector<16xf32>,
        tpu.vector_store %arg7[%swap3A_790, %swap3A_791], %mul3A_789 {strides = array<i32>} : memref<128x128xf32, #tpu.memory_space<vmem>>, vector<16xf32>,
        %scan3A_793 = arith.constant 6 : i32
        %scan3A_794 = arith.addi %scan3A_373, %scan3A_793 : i32
        %broadcast_in_dim3A_795 = arith.constant 2 : i32
        %broadcast_in_dim3A_796 = vector.broadcast %broadcast_in_dim3A_795 : i32 to vector<16xi32>
        %broadcast_in_dim3A_797 = vector.broadcast %scan3A_794 : i32 to vector<16xi32>
        %gather3A_798 = tpu.vector_load_idx %arg5[%broadcast_in_dim3A_796, %broadcast_in_dim3A_797] : memref<12x128xi32, #tpu.memory_space<vmem>>[vector<16xi32>, vector<16xi32>], vector<16xi32>,
        %bitcast3A_799 = vector.bitcast %gather3A_798 : vector<16xi32> to vector<16xf32>
        %get3A_800 = arith.constant 0 : i32
        %get3A_801 = arith.index_cast %get3A_800 : i32 to index
        %get3A_802 = arith.index_cast %scan3A_794 : i32 to index
        %get3A_803 = arith.constant 0 : index
        %get3A_804 = tpu.vector_load %arg6[%get3A_801, %get3A_802, %get3A_803] {strides = array<i32>} : memref<4x128x64xi32, #tpu.memory_space<vmem>>, vector<16xi32>,
        %bitcast3A_805 = vector.bitcast %get3A_804 : vector<16xi32> to vector<32xbf16>
        %unpack3A_806 = tpu.unpack_subelements %bitcast3A_805, 0 {pack_format = #tpu.pack_format<interleaved>} : vector<32xbf16> -> vector<16xf32>
        %unpack3A_807 = tpu.unpack_subelements %bitcast3A_805, 1 {pack_format = #tpu.pack_format<interleaved>} : vector<32xbf16> -> vector<16xf32>
        %mul3A_808 = arith.mulf %unpack3A_806, %bitcast3A_799 : vector<16xf32>
        %swap3A_809 = arith.index_cast %scan3A_794 : i32 to index
        %swap3A_810 = arith.constant 0 : index
        %swap3A_811 = tpu.vector_load %arg7[%swap3A_809, %swap3A_810] {strides = array<i32>} : memref<128x128xf32, #tpu.memory_space<vmem>>, vector<16xf32>,
        tpu.vector_store %arg7[%swap3A_809, %swap3A_810], %mul3A_808 {strides = array<i32>} : memref<128x128xf32, #tpu.memory_space<vmem>>, vector<16xf32>,
        %mul3A_812 = arith.mulf %unpack3A_807, %bitcast3A_799 : vector<16xf32>
        %swap3A_813 = arith.index_cast %scan3A_794 : i32 to index
        %swap3A_814 = arith.constant 16 : index
        %swap3A_815 = tpu.vector_load %arg7[%swap3A_813, %swap3A_814] {strides = array<i32>} : memref<128x128xf32, #tpu.memory_space<vmem>>, vector<16xf32>,
        tpu.vector_store %arg7[%swap3A_813, %swap3A_814], %mul3A_812 {strides = array<i32>} : memref<128x128xf32, #tpu.memory_space<vmem>>, vector<16xf32>,
        %get3A_816 = arith.constant 0 : i32
        %get3A_817 = arith.index_cast %get3A_816 : i32 to index
        %get3A_818 = arith.index_cast %scan3A_794 : i32 to index
        %get3A_819 = arith.constant 16 : index
        %get3A_820 = tpu.vector_load %arg6[%get3A_817, %get3A_818, %get3A_819] {strides = array<i32>} : memref<4x128x64xi32, #tpu.memory_space<vmem>>, vector<16xi32>,
        %bitcast3A_821 = vector.bitcast %get3A_820 : vector<16xi32> to vector<32xbf16>
        %unpack3A_822 = tpu.unpack_subelements %bitcast3A_821, 0 {pack_format = #tpu.pack_format<interleaved>} : vector<32xbf16> -> vector<16xf32>
        %unpack3A_823 = tpu.unpack_subelements %bitcast3A_821, 1 {pack_format = #tpu.pack_format<interleaved>} : vector<32xbf16> -> vector<16xf32>
        %mul3A_824 = arith.mulf %unpack3A_822, %bitcast3A_799 : vector<16xf32>
        %swap3A_825 = arith.index_cast %scan3A_794 : i32 to index
        %swap3A_826 = arith.constant 32 : index
        %swap3A_827 = tpu.vector_load %arg7[%swap3A_825, %swap3A_826] {strides = array<i32>} : memref<128x128xf32, #tpu.memory_space<vmem>>, vector<16xf32>,
        tpu.vector_store %arg7[%swap3A_825, %swap3A_826], %mul3A_824 {strides = array<i32>} : memref<128x128xf32, #tpu.memory_space<vmem>>, vector<16xf32>,
        %mul3A_828 = arith.mulf %unpack3A_823, %bitcast3A_799 : vector<16xf32>
        %swap3A_829 = arith.index_cast %scan3A_794 : i32 to index
        %swap3A_830 = arith.constant 48 : index
        %swap3A_831 = tpu.vector_load %arg7[%swap3A_829, %swap3A_830] {strides = array<i32>} : memref<128x128xf32, #tpu.memory_space<vmem>>, vector<16xf32>,
        tpu.vector_store %arg7[%swap3A_829, %swap3A_830], %mul3A_828 {strides = array<i32>} : memref<128x128xf32, #tpu.memory_space<vmem>>, vector<16xf32>,
        %get3A_832 = arith.constant 0 : i32
        %get3A_833 = arith.index_cast %get3A_832 : i32 to index
        %get3A_834 = arith.index_cast %scan3A_794 : i32 to index
        %get3A_835 = arith.constant 32 : index
        %get3A_836 = tpu.vector_load %arg6[%get3A_833, %get3A_834, %get3A_835] {strides = array<i32>} : memref<4x128x64xi32, #tpu.memory_space<vmem>>, vector<16xi32>,
        %bitcast3A_837 = vector.bitcast %get3A_836 : vector<16xi32> to vector<32xbf16>
        %unpack3A_838 = tpu.unpack_subelements %bitcast3A_837, 0 {pack_format = #tpu.pack_format<interleaved>} : vector<32xbf16> -> vector<16xf32>
        %unpack3A_839 = tpu.unpack_subelements %bitcast3A_837, 1 {pack_format = #tpu.pack_format<interleaved>} : vector<32xbf16> -> vector<16xf32>
        %mul3A_840 = arith.mulf %unpack3A_838, %bitcast3A_799 : vector<16xf32>
        %swap3A_841 = arith.index_cast %scan3A_794 : i32 to index
        %swap3A_842 = arith.constant 64 : index
        %swap3A_843 = tpu.vector_load %arg7[%swap3A_841, %swap3A_842] {strides = array<i32>} : memref<128x128xf32, #tpu.memory_space<vmem>>, vector<16xf32>,
        tpu.vector_store %arg7[%swap3A_841, %swap3A_842], %mul3A_840 {strides = array<i32>} : memref<128x128xf32, #tpu.memory_space<vmem>>, vector<16xf32>,
        %mul3A_844 = arith.mulf %unpack3A_839, %bitcast3A_799 : vector<16xf32>
        %swap3A_845 = arith.index_cast %scan3A_794 : i32 to index
        %swap3A_846 = arith.constant 80 : index
        %swap3A_847 = tpu.vector_load %arg7[%swap3A_845, %swap3A_846] {strides = array<i32>} : memref<128x128xf32, #tpu.memory_space<vmem>>, vector<16xf32>,
        tpu.vector_store %arg7[%swap3A_845, %swap3A_846], %mul3A_844 {strides = array<i32>} : memref<128x128xf32, #tpu.memory_space<vmem>>, vector<16xf32>,
        %get3A_848 = arith.constant 0 : i32
        %get3A_849 = arith.index_cast %get3A_848 : i32 to index
        %get3A_850 = arith.index_cast %scan3A_794 : i32 to index
        %get3A_851 = arith.constant 48 : index
        %get3A_852 = tpu.vector_load %arg6[%get3A_849, %get3A_850, %get3A_851] {strides = array<i32>} : memref<4x128x64xi32, #tpu.memory_space<vmem>>, vector<16xi32>,
        %bitcast3A_853 = vector.bitcast %get3A_852 : vector<16xi32> to vector<32xbf16>
        %unpack3A_854 = tpu.unpack_subelements %bitcast3A_853, 0 {pack_format = #tpu.pack_format<interleaved>} : vector<32xbf16> -> vector<16xf32>
        %unpack3A_855 = tpu.unpack_subelements %bitcast3A_853, 1 {pack_format = #tpu.pack_format<interleaved>} : vector<32xbf16> -> vector<16xf32>
        %mul3A_856 = arith.mulf %unpack3A_854, %bitcast3A_799 : vector<16xf32>
        %swap3A_857 = arith.index_cast %scan3A_794 : i32 to index
        %swap3A_858 = arith.constant 96 : index
        %swap3A_859 = tpu.vector_load %arg7[%swap3A_857, %swap3A_858] {strides = array<i32>} : memref<128x128xf32, #tpu.memory_space<vmem>>, vector<16xf32>,
        tpu.vector_store %arg7[%swap3A_857, %swap3A_858], %mul3A_856 {strides = array<i32>} : memref<128x128xf32, #tpu.memory_space<vmem>>, vector<16xf32>,
        %mul3A_860 = arith.mulf %unpack3A_855, %bitcast3A_799 : vector<16xf32>
        %swap3A_861 = arith.index_cast %scan3A_794 : i32 to index
        %swap3A_862 = arith.constant 112 : index
        %swap3A_863 = tpu.vector_load %arg7[%swap3A_861, %swap3A_862] {strides = array<i32>} : memref<128x128xf32, #tpu.memory_space<vmem>>, vector<16xf32>,
        tpu.vector_store %arg7[%swap3A_861, %swap3A_862], %mul3A_860 {strides = array<i32>} : memref<128x128xf32, #tpu.memory_space<vmem>>, vector<16xf32>,
        %scan3A_864 = arith.constant 7 : i32
        %scan3A_865 = arith.addi %scan3A_373, %scan3A_864 : i32
        %broadcast_in_dim3A_866 = arith.constant 2 : i32
        %broadcast_in_dim3A_867 = vector.broadcast %broadcast_in_dim3A_866 : i32 to vector<16xi32>
        %broadcast_in_dim3A_868 = vector.broadcast %scan3A_865 : i32 to vector<16xi32>
        %gather3A_869 = tpu.vector_load_idx %arg5[%broadcast_in_dim3A_867, %broadcast_in_dim3A_868] : memref<12x128xi32, #tpu.memory_space<vmem>>[vector<16xi32>, vector<16xi32>], vector<16xi32>,
        %bitcast3A_870 = vector.bitcast %gather3A_869 : vector<16xi32> to vector<16xf32>
        %get3A_871 = arith.constant 0 : i32
        %get3A_872 = arith.index_cast %get3A_871 : i32 to index
        %get3A_873 = arith.index_cast %scan3A_865 : i32 to index
        %get3A_874 = arith.constant 0 : index
        %get3A_875 = tpu.vector_load %arg6[%get3A_872, %get3A_873, %get3A_874] {strides = array<i32>} : memref<4x128x64xi32, #tpu.memory_space<vmem>>, vector<16xi32>,
        %bitcast3A_876 = vector.bitcast %get3A_875 : vector<16xi32> to vector<32xbf16>
        %unpack3A_877 = tpu.unpack_subelements %bitcast3A_876, 0 {pack_format = #tpu.pack_format<interleaved>} : vector<32xbf16> -> vector<16xf32>
        %unpack3A_878 = tpu.unpack_subelements %bitcast3A_876, 1 {pack_format = #tpu.pack_format<interleaved>} : vector<32xbf16> -> vector<16xf32>
        %mul3A_879 = arith.mulf %unpack3A_877, %bitcast3A_870 : vector<16xf32>
        %swap3A_880 = arith.index_cast %scan3A_865 : i32 to index
        %swap3A_881 = arith.constant 0 : index
        %swap3A_882 = tpu.vector_load %arg7[%swap3A_880, %swap3A_881] {strides = array<i32>} : memref<128x128xf32, #tpu.memory_space<vmem>>, vector<16xf32>,
        tpu.vector_store %arg7[%swap3A_880, %swap3A_881], %mul3A_879 {strides = array<i32>} : memref<128x128xf32, #tpu.memory_space<vmem>>, vector<16xf32>,
        %mul3A_883 = arith.mulf %unpack3A_878, %bitcast3A_870 : vector<16xf32>
        %swap3A_884 = arith.index_cast %scan3A_865 : i32 to index
        %swap3A_885 = arith.constant 16 : index
        %swap3A_886 = tpu.vector_load %arg7[%swap3A_884, %swap3A_885] {strides = array<i32>} : memref<128x128xf32, #tpu.memory_space<vmem>>, vector<16xf32>,
        tpu.vector_store %arg7[%swap3A_884, %swap3A_885], %mul3A_883 {strides = array<i32>} : memref<128x128xf32, #tpu.memory_space<vmem>>, vector<16xf32>,
        %get3A_887 = arith.constant 0 : i32
        %get3A_888 = arith.index_cast %get3A_887 : i32 to index
        %get3A_889 = arith.index_cast %scan3A_865 : i32 to index
        %get3A_890 = arith.constant 16 : index
        %get3A_891 = tpu.vector_load %arg6[%get3A_888, %get3A_889, %get3A_890] {strides = array<i32>} : memref<4x128x64xi32, #tpu.memory_space<vmem>>, vector<16xi32>,
        %bitcast3A_892 = vector.bitcast %get3A_891 : vector<16xi32> to vector<32xbf16>
        %unpack3A_893 = tpu.unpack_subelements %bitcast3A_892, 0 {pack_format = #tpu.pack_format<interleaved>} : vector<32xbf16> -> vector<16xf32>
        %unpack3A_894 = tpu.unpack_subelements %bitcast3A_892, 1 {pack_format = #tpu.pack_format<interleaved>} : vector<32xbf16> -> vector<16xf32>
        %mul3A_895 = arith.mulf %unpack3A_893, %bitcast3A_870 : vector<16xf32>
        %swap3A_896 = arith.index_cast %scan3A_865 : i32 to index
        %swap3A_897 = arith.constant 32 : index
        %swap3A_898 = tpu.vector_load %arg7[%swap3A_896, %swap3A_897] {strides = array<i32>} : memref<128x128xf32, #tpu.memory_space<vmem>>, vector<16xf32>,
        tpu.vector_store %arg7[%swap3A_896, %swap3A_897], %mul3A_895 {strides = array<i32>} : memref<128x128xf32, #tpu.memory_space<vmem>>, vector<16xf32>,
        %mul3A_899 = arith.mulf %unpack3A_894, %bitcast3A_870 : vector<16xf32>
        %swap3A_900 = arith.index_cast %scan3A_865 : i32 to index
        %swap3A_901 = arith.constant 48 : index
        %swap3A_902 = tpu.vector_load %arg7[%swap3A_900, %swap3A_901] {strides = array<i32>} : memref<128x128xf32, #tpu.memory_space<vmem>>, vector<16xf32>,
        tpu.vector_store %arg7[%swap3A_900, %swap3A_901], %mul3A_899 {strides = array<i32>} : memref<128x128xf32, #tpu.memory_space<vmem>>, vector<16xf32>,
        %get3A_903 = arith.constant 0 : i32
        %get3A_904 = arith.index_cast %get3A_903 : i32 to index
        %get3A_905 = arith.index_cast %scan3A_865 : i32 to index
        %get3A_906 = arith.constant 32 : index
        %get3A_907 = tpu.vector_load %arg6[%get3A_904, %get3A_905, %get3A_906] {strides = array<i32>} : memref<4x128x64xi32, #tpu.memory_space<vmem>>, vector<16xi32>,
        %bitcast3A_908 = vector.bitcast %get3A_907 : vector<16xi32> to vector<32xbf16>
        %unpack3A_909 = tpu.unpack_subelements %bitcast3A_908, 0 {pack_format = #tpu.pack_format<interleaved>} : vector<32xbf16> -> vector<16xf32>
        %unpack3A_910 = tpu.unpack_subelements %bitcast3A_908, 1 {pack_format = #tpu.pack_format<interleaved>} : vector<32xbf16> -> vector<16xf32>
        %mul3A_911 = arith.mulf %unpack3A_909, %bitcast3A_870 : vector<16xf32>
        %swap3A_912 = arith.index_cast %scan3A_865 : i32 to index
        %swap3A_913 = arith.constant 64 : index
        %swap3A_914 = tpu.vector_load %arg7[%swap3A_912, %swap3A_913] {strides = array<i32>} : memref<128x128xf32, #tpu.memory_space<vmem>>, vector<16xf32>,
        tpu.vector_store %arg7[%swap3A_912, %swap3A_913], %mul3A_911 {strides = array<i32>} : memref<128x128xf32, #tpu.memory_space<vmem>>, vector<16xf32>,
        %mul3A_915 = arith.mulf %unpack3A_910, %bitcast3A_870 : vector<16xf32>
        %swap3A_916 = arith.index_cast %scan3A_865 : i32 to index
        %swap3A_917 = arith.constant 80 : index
        %swap3A_918 = tpu.vector_load %arg7[%swap3A_916, %swap3A_917] {strides = array<i32>} : memref<128x128xf32, #tpu.memory_space<vmem>>, vector<16xf32>,
        tpu.vector_store %arg7[%swap3A_916, %swap3A_917], %mul3A_915 {strides = array<i32>} : memref<128x128xf32, #tpu.memory_space<vmem>>, vector<16xf32>,
        %get3A_919 = arith.constant 0 : i32
        %get3A_920 = arith.index_cast %get3A_919 : i32 to index
        %get3A_921 = arith.index_cast %scan3A_865 : i32 to index
        %get3A_922 = arith.constant 48 : index
        %get3A_923 = tpu.vector_load %arg6[%get3A_920, %get3A_921, %get3A_922] {strides = array<i32>} : memref<4x128x64xi32, #tpu.memory_space<vmem>>, vector<16xi32>,
        %bitcast3A_924 = vector.bitcast %get3A_923 : vector<16xi32> to vector<32xbf16>
        %unpack3A_925 = tpu.unpack_subelements %bitcast3A_924, 0 {pack_format = #tpu.pack_format<interleaved>} : vector<32xbf16> -> vector<16xf32>
        %unpack3A_926 = tpu.unpack_subelements %bitcast3A_924, 1 {pack_format = #tpu.pack_format<interleaved>} : vector<32xbf16> -> vector<16xf32>
        %mul3A_927 = arith.mulf %unpack3A_925, %bitcast3A_870 : vector<16xf32>
        %swap3A_928 = arith.index_cast %scan3A_865 : i32 to index
        %swap3A_929 = arith.constant 96 : index
        %swap3A_930 = tpu.vector_load %arg7[%swap3A_928, %swap3A_929] {strides = array<i32>} : memref<128x128xf32, #tpu.memory_space<vmem>>, vector<16xf32>,
        tpu.vector_store %arg7[%swap3A_928, %swap3A_929], %mul3A_927 {strides = array<i32>} : memref<128x128xf32, #tpu.memory_space<vmem>>, vector<16xf32>,
        %mul3A_931 = arith.mulf %unpack3A_926, %bitcast3A_870 : vector<16xf32>
        %swap3A_932 = arith.index_cast %scan3A_865 : i32 to index
        %swap3A_933 = arith.constant 112 : index
        %swap3A_934 = tpu.vector_load %arg7[%swap3A_932, %swap3A_933] {strides = array<i32>} : memref<128x128xf32, #tpu.memory_space<vmem>>, vector<16xf32>,
        tpu.vector_store %arg7[%swap3A_932, %swap3A_933], %mul3A_931 {strides = array<i32>} : memref<128x128xf32, #tpu.memory_space<vmem>>, vector<16xf32>,
      }
      %scan3A_241 = arith.constant 128 : i32
      %run_scoped3A = arith.constant 1 : i32
      "tpu.region"() ({
        %run_scoped3A_373 = tpu.sem_alloc : memref<!tpu.dma_semaphore, #tpu.memory_space<semaphore_mem>>
        %dma_start3A_374 = arith.constant 0 : i32
        %dma_start3A_375 = tpu.memref_slice %arg5[%run_scoped3A, %dma_start3A_374] : memref<12x128xi32, #tpu.memory_space<vmem>> -> memref<1x128xi32, #tpu.memory_space<vmem>>
        %dma_start3A_376 = tpu.memref_squeeze %dma_start3A_375 : memref<1x128xi32, #tpu.memory_space<vmem>> -> memref<128xi32, #tpu.memory_space<vmem>>
        %dma_start3A_377 = arith.constant 0 : i32
        %dma_start3A_378 = arith.constant 0 : i32
        %dma_start3A_379 = tpu.memref_slice %arg8[%dma_start3A_377, %dma_start3A_378] : memref<10000x128xf32, #tpu.memory_space<vmem_shared>> -> memref<10000x128xf32, #tpu.memory_space<vmem_shared>>
        tpu.enqueue_indirect_dma source(%arg7 : memref<128x128xf32, #tpu.memory_space<vmem>>) target(%dma_start3A_379 : memref<10000x128xf32, #tpu.memory_space<vmem_shared>>) offsets(%dma_start3A_376 : memref<128xi32, #tpu.memory_space<vmem>>) semaphore(%run_scoped3A_373 : memref<!tpu.dma_semaphore, #tpu.memory_space<semaphore_mem>>) {add = true}
        %dma_wait3A_380 = arith.constant 0 : i32
        %dma_wait3A_381 = tpu.memref_slice %arg5[%run_scoped3A, %dma_wait3A_380] : memref<12x128xi32, #tpu.memory_space<vmem>> -> memref<1x128xi32, #tpu.memory_space<vmem>>
        %dma_wait3A_382 = tpu.memref_squeeze %dma_wait3A_381 : memref<1x128xi32, #tpu.memory_space<vmem>> -> memref<128xi32, #tpu.memory_space<vmem>>
        %dma_wait3A_383 = arith.constant 0 : i32
        %dma_wait3A_384 = arith.constant 0 : i32
        %dma_wait3A_385 = tpu.memref_slice %arg8[%dma_wait3A_383, %dma_wait3A_384] : memref<10000x128xf32, #tpu.memory_space<vmem_shared>> -> memref<10000x128xf32, #tpu.memory_space<vmem_shared>>
        tpu.wait_indirect_dma semaphore(%run_scoped3A_373 : memref<!tpu.dma_semaphore, #tpu.memory_space<semaphore_mem>>) src(%arg7 : memref<128x128xf32, #tpu.memory_space<vmem>>) dst(%dma_wait3A_385 : memref<10000x128xf32, #tpu.memory_space<vmem_shared>>)
        tpu.yield
      }) : () -> ()
      %add3A_242 = arith.constant 4 : i32
      %add3A_243 = arith.addi %add3A_221, %add3A_242 : i32
      %lt3A_244 = arith.constant 80 : i32
      %lt3A_245 = arith.cmpi slt, %add3A_243, %lt3A_244 : i32
      %convert_element_type3A_246 = arith.extui %lt3A_245 : i1 to i32
      %cond3A_247 = arith.constant 0 : i32
      %cond3A_248 = arith.cmpi ne, %convert_element_type3A_246, %cond3A_247 : i32
      scf.if %cond3A_248 {
        %add3A_373 = arith.constant 4 : i32
        %add3A_374 = arith.addi %add3A_221, %add3A_373 : i32
        %add3A_375 = arith.addi %mul3A_2, %add3A_374 : i32
        %dma_start3A_376 = arith.constant 0 : i32
        %dma_start3A_377 = arith.constant 0 : i32
        %dma_start3A_378 = arith.constant 0 : i32
        %dma_start3A_379 = tpu.memref_slice %arg5[%dma_start3A_377, %dma_start3A_378] : memref<12x128xi32, #tpu.memory_space<vmem>> -> memref<3x128xi32, #tpu.memory_space<vmem>>
        %dma_start3A_380 = arith.constant 0 : i32
        %dma_start3A_381 = arith.constant 0 : i32
        %dma_start3A_382 = tpu.memref_slice %arg3[%add3A_375, %dma_start3A_380, %dma_start3A_381] : memref<2560x3x128xi32, #tpu.memory_space<hbm>> -> memref<1x3x128xi32, #tpu.memory_space<hbm>>
        %dma_start3A_383 = tpu.memref_squeeze %dma_start3A_382 : memref<1x3x128xi32, #tpu.memory_space<hbm>> -> memref<3x128xi32, #tpu.memory_space<hbm>>
        %dma_start3A_384 = tpu.memref_slice %arg10[%dma_start3A_376] : memref<4x!tpu.dma_semaphore, #tpu.memory_space<semaphore_mem>> -> memref<1x!tpu.dma_semaphore, #tpu.memory_space<semaphore_mem>>
        %dma_start3A_385 = tpu.memref_squeeze %dma_start3A_384 : memref<1x!tpu.dma_semaphore, #tpu.memory_space<semaphore_mem>> -> memref<!tpu.dma_semaphore, #tpu.memory_space<semaphore_mem>>
        %dma_start3A_386 = arith.constant 0 : i32
        %dma_start3A_387 = arith.constant 0 : i32
        %dma_start3A_388 = tpu.memref_slice %arg5[%dma_start3A_386, %dma_start3A_387] : memref<12x128xi32, #tpu.memory_space<vmem>> -> memref<3x128xi32, #tpu.memory_space<vmem>>
        %dma_start3A_389 = arith.constant 0 : i32
        %dma_start3A_390 = arith.constant 0 : i32
        %dma_start3A_391 = tpu.memref_slice %arg3[%add3A_375, %dma_start3A_389, %dma_start3A_390] : memref<2560x3x128xi32, #tpu.memory_space<hbm>> -> memref<1x3x128xi32, #tpu.memory_space<hbm>>
        %dma_start3A_392 = tpu.memref_squeeze %dma_start3A_391 : memref<1x3x128xi32, #tpu.memory_space<hbm>> -> memref<3x128xi32, #tpu.memory_space<hbm>>
        tpu.enqueue_dma source(%dma_start3A_392 : memref<3x128xi32, #tpu.memory_space<hbm>>) target(%dma_start3A_388 : memref<3x128xi32, #tpu.memory_space<vmem>>) target_semaphore(%dma_start3A_385 : memref<!tpu.dma_semaphore, #tpu.memory_space<semaphore_mem>>)
      } else {
      }
      %add3A_249 = arith.constant 3 : i32
      %add3A_250 = arith.addi %add3A_221, %add3A_249 : i32
      %lt3A_251 = arith.constant 80 : i32
      %lt3A_252 = arith.cmpi slt, %add3A_250, %lt3A_251 : i32
      %convert_element_type3A_253 = arith.extui %lt3A_252 : i1 to i32
      %cond3A_254 = arith.constant 0 : i32
      %cond3A_255 = arith.cmpi ne, %convert_element_type3A_253, %cond3A_254 : i32
      scf.if %cond3A_255 {
        %add3A_373 = arith.constant 3 : i32
        %add3A_374 = arith.addi %add3A_221, %add3A_373 : i32
        %add3A_375 = arith.addi %mul3A_2, %add3A_374 : i32
        %dma_wait3A_376 = arith.constant 3 : i32
        %dma_wait3A_377 = arith.constant 9 : i32
        %dma_wait3A_378 = arith.constant 0 : i32
        %dma_wait3A_379 = tpu.memref_slice %arg5[%dma_wait3A_377, %dma_wait3A_378] : memref<12x128xi32, #tpu.memory_space<vmem>> -> memref<3x128xi32, #tpu.memory_space<vmem>>
        %dma_wait3A_380 = arith.constant 0 : i32
        %dma_wait3A_381 = arith.constant 0 : i32
        %dma_wait3A_382 = tpu.memref_slice %arg3[%add3A_375, %dma_wait3A_380, %dma_wait3A_381] : memref<2560x3x128xi32, #tpu.memory_space<hbm>> -> memref<1x3x128xi32, #tpu.memory_space<hbm>>
        %dma_wait3A_383 = tpu.memref_squeeze %dma_wait3A_382 : memref<1x3x128xi32, #tpu.memory_space<hbm>> -> memref<3x128xi32, #tpu.memory_space<hbm>>
        %dma_wait3A_384 = tpu.memref_slice %arg10[%dma_wait3A_376] : memref<4x!tpu.dma_semaphore, #tpu.memory_space<semaphore_mem>> -> memref<1x!tpu.dma_semaphore, #tpu.memory_space<semaphore_mem>>
        %dma_wait3A_385 = tpu.memref_squeeze %dma_wait3A_384 : memref<1x!tpu.dma_semaphore, #tpu.memory_space<semaphore_mem>> -> memref<!tpu.dma_semaphore, #tpu.memory_space<semaphore_mem>>
        %dma_wait3A_386 = arith.constant 9 : i32
        %dma_wait3A_387 = arith.constant 0 : i32
        %dma_wait3A_388 = tpu.memref_slice %arg5[%dma_wait3A_386, %dma_wait3A_387] : memref<12x128xi32, #tpu.memory_space<vmem>> -> memref<3x128xi32, #tpu.memory_space<vmem>>
        %dma_wait3A_389 = arith.constant 0 : i32
        %dma_wait3A_390 = arith.constant 0 : i32
        %dma_wait3A_391 = tpu.memref_slice %arg3[%add3A_375, %dma_wait3A_389, %dma_wait3A_390] : memref<2560x3x128xi32, #tpu.memory_space<hbm>> -> memref<1x3x128xi32, #tpu.memory_space<hbm>>
        %dma_wait3A_392 = tpu.memref_squeeze %dma_wait3A_391 : memref<1x3x128xi32, #tpu.memory_space<hbm>> -> memref<3x128xi32, #tpu.memory_space<hbm>>
        tpu.wait_dma2 semaphore(%dma_wait3A_385 : memref<!tpu.dma_semaphore, #tpu.memory_space<semaphore_mem>>) src(%dma_wait3A_392 : memref<3x128xi32, #tpu.memory_space<hbm>>) dst(%dma_wait3A_388 : memref<3x128xi32, #tpu.memory_space<vmem>>)
        %dma_start3A_393 = arith.constant 9 : i32
        %dma_start3A_394 = arith.constant 3 : i32
        %dma_start3A_395 = arith.constant 3 : i32
        %dma_start3A_396 = arith.constant 0 : i32
        %dma_start3A_397 = arith.constant 0 : i32
        %dma_start3A_398 = tpu.memref_slice %arg6[%dma_start3A_394, %dma_start3A_396, %dma_start3A_397] : memref<4x128x64xi32, #tpu.memory_space<vmem>> -> memref<1x128x64xi32, #tpu.memory_space<vmem>>
        %dma_start3A_399 = tpu.memref_squeeze %dma_start3A_398 : memref<1x128x64xi32, #tpu.memory_space<vmem>> -> memref<128x64xi32, #tpu.memory_space<vmem>>
        %dma_start3A_400 = arith.constant 0 : i32
        %dma_start3A_401 = tpu.memref_slice %arg5[%dma_start3A_393, %dma_start3A_400] : memref<12x128xi32, #tpu.memory_space<vmem>> -> memref<1x128xi32, #tpu.memory_space<vmem>>
        %dma_start3A_402 = tpu.memref_squeeze %dma_start3A_401 : memref<1x128xi32, #tpu.memory_space<vmem>> -> memref<128xi32, #tpu.memory_space<vmem>>
        %dma_start3A_403 = arith.constant 0 : i32
        %dma_start3A_404 = arith.constant 0 : i32
        %dma_start3A_405 = tpu.memref_slice %arg2[%dma_start3A_403, %dma_start3A_404] : memref<10000x64xi32, #tpu.memory_space<hbm>> -> memref<10000x64xi32, #tpu.memory_space<hbm>>
        %dma_start3A_406 = tpu.memref_slice %arg9[%dma_start3A_395] : memref<4x!tpu.dma_semaphore, #tpu.memory_space<semaphore_mem>> -> memref<1x!tpu.dma_semaphore, #tpu.memory_space<semaphore_mem>>
        %dma_start3A_407 = tpu.memref_squeeze %dma_start3A_406 : memref<1x!tpu.dma_semaphore, #tpu.memory_space<semaphore_mem>> -> memref<!tpu.dma_semaphore, #tpu.memory_space<semaphore_mem>>
        tpu.enqueue_indirect_dma source(%dma_start3A_405 : memref<10000x64xi32, #tpu.memory_space<hbm>>) target(%dma_start3A_399 : memref<128x64xi32, #tpu.memory_space<vmem>>) offsets(%dma_start3A_402 : memref<128xi32, #tpu.memory_space<vmem>>) semaphore(%dma_start3A_407 : memref<!tpu.dma_semaphore, #tpu.memory_space<semaphore_mem>>)
      } else {
      }
      %mul3A_256 = arith.constant 4 : i32
      %mul3A_257 = arith.muli %scan3A_217, %mul3A_256 : i32
      %add3A_258 = arith.constant 1 : i32
      %add3A_259 = arith.addi %mul3A_257, %add3A_258 : i32
      %dma_wait3A_260 = arith.constant 3 : i32
      %dma_wait3A_261 = arith.constant 1 : i32
      %dma_wait3A_262 = arith.constant 1 : i32
      %dma_wait3A_263 = arith.constant 0 : i32
      %dma_wait3A_264 = arith.constant 0 : i32
      %dma_wait3A_265 = tpu.memref_slice %arg6[%dma_wait3A_261, %dma_wait3A_263, %dma_wait3A_264] : memref<4x128x64xi32, #tpu.memory_space<vmem>> -> memref<1x128x64xi32, #tpu.memory_space<vmem>>
      %dma_wait3A_266 = tpu.memref_squeeze %dma_wait3A_265 : memref<1x128x64xi32, #tpu.memory_space<vmem>> -> memref<128x64xi32, #tpu.memory_space<vmem>>
      %dma_wait3A_267 = arith.constant 0 : i32
      %dma_wait3A_268 = tpu.memref_slice %arg5[%dma_wait3A_260, %dma_wait3A_267] : memref<12x128xi32, #tpu.memory_space<vmem>> -> memref<1x128xi32, #tpu.memory_space<vmem>>
      %dma_wait3A_269 = tpu.memref_squeeze %dma_wait3A_268 : memref<1x128xi32, #tpu.memory_space<vmem>> -> memref<128xi32, #tpu.memory_space<vmem>>
      %dma_wait3A_270 = arith.constant 0 : i32
      %dma_wait3A_271 = arith.constant 0 : i32
      %dma_wait3A_272 = tpu.memref_slice %arg2[%dma_wait3A_270, %dma_wait3A_271] : memref<10000x64xi32, #tpu.memory_space<hbm>> -> memref<10000x64xi32, #tpu.memory_space<hbm>>
      %dma_wait3A_273 = tpu.memref_slice %arg9[%dma_wait3A_262] : memref<4x!tpu.dma_semaphore, #tpu.memory_space<semaphore_mem>> -> memref<1x!tpu.dma_semaphore, #tpu.memory_space<semaphore_mem>>
      %dma_wait3A_274 = tpu.memref_squeeze %dma_wait3A_273 : memref<1x!tpu.dma_semaphore, #tpu.memory_space<semaphore_mem>> -> memref<!tpu.dma_semaphore, #tpu.memory_space<semaphore_mem>>
      tpu.wait_indirect_dma semaphore(%dma_wait3A_274 : memref<!tpu.dma_semaphore, #tpu.memory_space<semaphore_mem>>) src(%dma_wait3A_272 : memref<10000x64xi32, #tpu.memory_space<hbm>>) dst(%dma_wait3A_266 : memref<128x64xi32, #tpu.memory_space<vmem>>)
      %scan3A_275 = arith.constant 0 : i32
      %scan3A_276 = arith.constant 128 : i32
      %scan3A_277 = arith.addi %scan3A_275, %scan3A_276 : i32
      %scan3A_278 = arith.constant 8 : i32
      scf.for %scan3A_373 = %scan3A_275 to %scan3A_277 step %scan3A_278  : i32 {
        %broadcast_in_dim3A_374 = arith.constant 5 : i32
        %broadcast_in_dim3A_375 = vector.broadcast %broadcast_in_dim3A_374 : i32 to vector<16xi32>
        %broadcast_in_dim3A_376 = vector.broadcast %scan3A_373 : i32 to vector<16xi32>
        %gather3A = tpu.vector_load_idx %arg5[%broadcast_in_dim3A_375, %broadcast_in_dim3A_376] : memref<12x128xi32, #tpu.memory_space<vmem>>[vector<16xi32>, vector<16xi32>], vector<16xi32>,
        %bitcast3A = vector.bitcast %gather3A : vector<16xi32> to vector<16xf32>
        %get3A = arith.constant 1 : i32
        %get3A_377 = arith.index_cast %get3A : i32 to index
        %get3A_378 = arith.index_cast %scan3A_373 : i32 to index
        %get3A_379 = arith.constant 0 : index
        %get3A_380 = tpu.vector_load %arg6[%get3A_377, %get3A_378, %get3A_379] {strides = array<i32>} : memref<4x128x64xi32, #tpu.memory_space<vmem>>, vector<16xi32>,
        %bitcast3A_381 = vector.bitcast %get3A_380 : vector<16xi32> to vector<32xbf16>
        %unpack3A = tpu.unpack_subelements %bitcast3A_381, 0 {pack_format = #tpu.pack_format<interleaved>} : vector<32xbf16> -> vector<16xf32>
        %unpack3A_382 = tpu.unpack_subelements %bitcast3A_381, 1 {pack_format = #tpu.pack_format<interleaved>} : vector<32xbf16> -> vector<16xf32>
        %mul3A_383 = arith.mulf %unpack3A, %bitcast3A : vector<16xf32>
        %swap3A = arith.index_cast %scan3A_373 : i32 to index
        %swap3A_384 = arith.constant 0 : index
        %swap3A_385 = tpu.vector_load %arg7[%swap3A, %swap3A_384] {strides = array<i32>} : memref<128x128xf32, #tpu.memory_space<vmem>>, vector<16xf32>,
        tpu.vector_store %arg7[%swap3A, %swap3A_384], %mul3A_383 {strides = array<i32>} : memref<128x128xf32, #tpu.memory_space<vmem>>, vector<16xf32>,
        %mul3A_386 = arith.mulf %unpack3A_382, %bitcast3A : vector<16xf32>
        %swap3A_387 = arith.index_cast %scan3A_373 : i32 to index
        %swap3A_388 = arith.constant 16 : index
        %swap3A_389 = tpu.vector_load %arg7[%swap3A_387, %swap3A_388] {strides = array<i32>} : memref<128x128xf32, #tpu.memory_space<vmem>>, vector<16xf32>,
        tpu.vector_store %arg7[%swap3A_387, %swap3A_388], %mul3A_386 {strides = array<i32>} : memref<128x128xf32, #tpu.memory_space<vmem>>, vector<16xf32>,
        %get3A_390 = arith.constant 1 : i32
        %get3A_391 = arith.index_cast %get3A_390 : i32 to index
        %get3A_392 = arith.index_cast %scan3A_373 : i32 to index
        %get3A_393 = arith.constant 16 : index
        %get3A_394 = tpu.vector_load %arg6[%get3A_391, %get3A_392, %get3A_393] {strides = array<i32>} : memref<4x128x64xi32, #tpu.memory_space<vmem>>, vector<16xi32>,
        %bitcast3A_395 = vector.bitcast %get3A_394 : vector<16xi32> to vector<32xbf16>
        %unpack3A_396 = tpu.unpack_subelements %bitcast3A_395, 0 {pack_format = #tpu.pack_format<interleaved>} : vector<32xbf16> -> vector<16xf32>
        %unpack3A_397 = tpu.unpack_subelements %bitcast3A_395, 1 {pack_format = #tpu.pack_format<interleaved>} : vector<32xbf16> -> vector<16xf32>
        %mul3A_398 = arith.mulf %unpack3A_396, %bitcast3A : vector<16xf32>
        %swap3A_399 = arith.index_cast %scan3A_373 : i32 to index
        %swap3A_400 = arith.constant 32 : index
        %swap3A_401 = tpu.vector_load %arg7[%swap3A_399, %swap3A_400] {strides = array<i32>} : memref<128x128xf32, #tpu.memory_space<vmem>>, vector<16xf32>,
        tpu.vector_store %arg7[%swap3A_399, %swap3A_400], %mul3A_398 {strides = array<i32>} : memref<128x128xf32, #tpu.memory_space<vmem>>, vector<16xf32>,
        %mul3A_402 = arith.mulf %unpack3A_397, %bitcast3A : vector<16xf32>
        %swap3A_403 = arith.index_cast %scan3A_373 : i32 to index
        %swap3A_404 = arith.constant 48 : index
        %swap3A_405 = tpu.vector_load %arg7[%swap3A_403, %swap3A_404] {strides = array<i32>} : memref<128x128xf32, #tpu.memory_space<vmem>>, vector<16xf32>,
        tpu.vector_store %arg7[%swap3A_403, %swap3A_404], %mul3A_402 {strides = array<i32>} : memref<128x128xf32, #tpu.memory_space<vmem>>, vector<16xf32>,
        %get3A_406 = arith.constant 1 : i32
        %get3A_407 = arith.index_cast %get3A_406 : i32 to index
        %get3A_408 = arith.index_cast %scan3A_373 : i32 to index
        %get3A_409 = arith.constant 32 : index
        %get3A_410 = tpu.vector_load %arg6[%get3A_407, %get3A_408, %get3A_409] {strides = array<i32>} : memref<4x128x64xi32, #tpu.memory_space<vmem>>, vector<16xi32>,
        %bitcast3A_411 = vector.bitcast %get3A_410 : vector<16xi32> to vector<32xbf16>
        %unpack3A_412 = tpu.unpack_subelements %bitcast3A_411, 0 {pack_format = #tpu.pack_format<interleaved>} : vector<32xbf16> -> vector<16xf32>
        %unpack3A_413 = tpu.unpack_subelements %bitcast3A_411, 1 {pack_format = #tpu.pack_format<interleaved>} : vector<32xbf16> -> vector<16xf32>
        %mul3A_414 = arith.mulf %unpack3A_412, %bitcast3A : vector<16xf32>
        %swap3A_415 = arith.index_cast %scan3A_373 : i32 to index
        %swap3A_416 = arith.constant 64 : index
        %swap3A_417 = tpu.vector_load %arg7[%swap3A_415, %swap3A_416] {strides = array<i32>} : memref<128x128xf32, #tpu.memory_space<vmem>>, vector<16xf32>,
        tpu.vector_store %arg7[%swap3A_415, %swap3A_416], %mul3A_414 {strides = array<i32>} : memref<128x128xf32, #tpu.memory_space<vmem>>, vector<16xf32>,
        %mul3A_418 = arith.mulf %unpack3A_413, %bitcast3A : vector<16xf32>
        %swap3A_419 = arith.index_cast %scan3A_373 : i32 to index
        %swap3A_420 = arith.constant 80 : index
        %swap3A_421 = tpu.vector_load %arg7[%swap3A_419, %swap3A_420] {strides = array<i32>} : memref<128x128xf32, #tpu.memory_space<vmem>>, vector<16xf32>,
        tpu.vector_store %arg7[%swap3A_419, %swap3A_420], %mul3A_418 {strides = array<i32>} : memref<128x128xf32, #tpu.memory_space<vmem>>, vector<16xf32>,
        %get3A_422 = arith.constant 1 : i32
        %get3A_423 = arith.index_cast %get3A_422 : i32 to index
        %get3A_424 = arith.index_cast %scan3A_373 : i32 to index
        %get3A_425 = arith.constant 48 : index
        %get3A_426 = tpu.vector_load %arg6[%get3A_423, %get3A_424, %get3A_425] {strides = array<i32>} : memref<4x128x64xi32, #tpu.memory_space<vmem>>, vector<16xi32>,
        %bitcast3A_427 = vector.bitcast %get3A_426 : vector<16xi32> to vector<32xbf16>
        %unpack3A_428 = tpu.unpack_subelements %bitcast3A_427, 0 {pack_format = #tpu.pack_format<interleaved>} : vector<32xbf16> -> vector<16xf32>
        %unpack3A_429 = tpu.unpack_subelements %bitcast3A_427, 1 {pack_format = #tpu.pack_format<interleaved>} : vector<32xbf16> -> vector<16xf32>
        %mul3A_430 = arith.mulf %unpack3A_428, %bitcast3A : vector<16xf32>
        %swap3A_431 = arith.index_cast %scan3A_373 : i32 to index
        %swap3A_432 = arith.constant 96 : index
        %swap3A_433 = tpu.vector_load %arg7[%swap3A_431, %swap3A_432] {strides = array<i32>} : memref<128x128xf32, #tpu.memory_space<vmem>>, vector<16xf32>,
        tpu.vector_store %arg7[%swap3A_431, %swap3A_432], %mul3A_430 {strides = array<i32>} : memref<128x128xf32, #tpu.memory_space<vmem>>, vector<16xf32>,
        %mul3A_434 = arith.mulf %unpack3A_429, %bitcast3A : vector<16xf32>
        %swap3A_435 = arith.index_cast %scan3A_373 : i32 to index
        %swap3A_436 = arith.constant 112 : index
        %swap3A_437 = tpu.vector_load %arg7[%swap3A_435, %swap3A_436] {strides = array<i32>} : memref<128x128xf32, #tpu.memory_space<vmem>>, vector<16xf32>,
        tpu.vector_store %arg7[%swap3A_435, %swap3A_436], %mul3A_434 {strides = array<i32>} : memref<128x128xf32, #tpu.memory_space<vmem>>, vector<16xf32>,
        %scan3A_438 = arith.constant 1 : i32
        %scan3A_439 = arith.addi %scan3A_373, %scan3A_438 : i32
        %broadcast_in_dim3A_440 = arith.constant 5 : i32
        %broadcast_in_dim3A_441 = vector.broadcast %broadcast_in_dim3A_440 : i32 to vector<16xi32>
        %broadcast_in_dim3A_442 = vector.broadcast %scan3A_439 : i32 to vector<16xi32>
        %gather3A_443 = tpu.vector_load_idx %arg5[%broadcast_in_dim3A_441, %broadcast_in_dim3A_442] : memref<12x128xi32, #tpu.memory_space<vmem>>[vector<16xi32>, vector<16xi32>], vector<16xi32>,
        %bitcast3A_444 = vector.bitcast %gather3A_443 : vector<16xi32> to vector<16xf32>
        %get3A_445 = arith.constant 1 : i32
        %get3A_446 = arith.index_cast %get3A_445 : i32 to index
        %get3A_447 = arith.index_cast %scan3A_439 : i32 to index
        %get3A_448 = arith.constant 0 : index
        %get3A_449 = tpu.vector_load %arg6[%get3A_446, %get3A_447, %get3A_448] {strides = array<i32>} : memref<4x128x64xi32, #tpu.memory_space<vmem>>, vector<16xi32>,
        %bitcast3A_450 = vector.bitcast %get3A_449 : vector<16xi32> to vector<32xbf16>
        %unpack3A_451 = tpu.unpack_subelements %bitcast3A_450, 0 {pack_format = #tpu.pack_format<interleaved>} : vector<32xbf16> -> vector<16xf32>
        %unpack3A_452 = tpu.unpack_subelements %bitcast3A_450, 1 {pack_format = #tpu.pack_format<interleaved>} : vector<32xbf16> -> vector<16xf32>
        %mul3A_453 = arith.mulf %unpack3A_451, %bitcast3A_444 : vector<16xf32>
        %swap3A_454 = arith.index_cast %scan3A_439 : i32 to index
        %swap3A_455 = arith.constant 0 : index
        %swap3A_456 = tpu.vector_load %arg7[%swap3A_454, %swap3A_455] {strides = array<i32>} : memref<128x128xf32, #tpu.memory_space<vmem>>, vector<16xf32>,
        tpu.vector_store %arg7[%swap3A_454, %swap3A_455], %mul3A_453 {strides = array<i32>} : memref<128x128xf32, #tpu.memory_space<vmem>>, vector<16xf32>,
        %mul3A_457 = arith.mulf %unpack3A_452, %bitcast3A_444 : vector<16xf32>
        %swap3A_458 = arith.index_cast %scan3A_439 : i32 to index
        %swap3A_459 = arith.constant 16 : index
        %swap3A_460 = tpu.vector_load %arg7[%swap3A_458, %swap3A_459] {strides = array<i32>} : memref<128x128xf32, #tpu.memory_space<vmem>>, vector<16xf32>,
        tpu.vector_store %arg7[%swap3A_458, %swap3A_459], %mul3A_457 {strides = array<i32>} : memref<128x128xf32, #tpu.memory_space<vmem>>, vector<16xf32>,
        %get3A_461 = arith.constant 1 : i32
        %get3A_462 = arith.index_cast %get3A_461 : i32 to index
        %get3A_463 = arith.index_cast %scan3A_439 : i32 to index
        %get3A_464 = arith.constant 16 : index
        %get3A_465 = tpu.vector_load %arg6[%get3A_462, %get3A_463, %get3A_464] {strides = array<i32>} : memref<4x128x64xi32, #tpu.memory_space<vmem>>, vector<16xi32>,
        %bitcast3A_466 = vector.bitcast %get3A_465 : vector<16xi32> to vector<32xbf16>
        %unpack3A_467 = tpu.unpack_subelements %bitcast3A_466, 0 {pack_format = #tpu.pack_format<interleaved>} : vector<32xbf16> -> vector<16xf32>
        %unpack3A_468 = tpu.unpack_subelements %bitcast3A_466, 1 {pack_format = #tpu.pack_format<interleaved>} : vector<32xbf16> -> vector<16xf32>
        %mul3A_469 = arith.mulf %unpack3A_467, %bitcast3A_444 : vector<16xf32>
        %swap3A_470 = arith.index_cast %scan3A_439 : i32 to index
        %swap3A_471 = arith.constant 32 : index
        %swap3A_472 = tpu.vector_load %arg7[%swap3A_470, %swap3A_471] {strides = array<i32>} : memref<128x128xf32, #tpu.memory_space<vmem>>, vector<16xf32>,
        tpu.vector_store %arg7[%swap3A_470, %swap3A_471], %mul3A_469 {strides = array<i32>} : memref<128x128xf32, #tpu.memory_space<vmem>>, vector<16xf32>,
        %mul3A_473 = arith.mulf %unpack3A_468, %bitcast3A_444 : vector<16xf32>
        %swap3A_474 = arith.index_cast %scan3A_439 : i32 to index
        %swap3A_475 = arith.constant 48 : index
        %swap3A_476 = tpu.vector_load %arg7[%swap3A_474, %swap3A_475] {strides = array<i32>} : memref<128x128xf32, #tpu.memory_space<vmem>>, vector<16xf32>,
        tpu.vector_store %arg7[%swap3A_474, %swap3A_475], %mul3A_473 {strides = array<i32>} : memref<128x128xf32, #tpu.memory_space<vmem>>, vector<16xf32>,
        %get3A_477 = arith.constant 1 : i32
        %get3A_478 = arith.index_cast %get3A_477 : i32 to index
        %get3A_479 = arith.index_cast %scan3A_439 : i32 to index
        %get3A_480 = arith.constant 32 : index
        %get3A_481 = tpu.vector_load %arg6[%get3A_478, %get3A_479, %get3A_480] {strides = array<i32>} : memref<4x128x64xi32, #tpu.memory_space<vmem>>, vector<16xi32>,
        %bitcast3A_482 = vector.bitcast %get3A_481 : vector<16xi32> to vector<32xbf16>
        %unpack3A_483 = tpu.unpack_subelements %bitcast3A_482, 0 {pack_format = #tpu.pack_format<interleaved>} : vector<32xbf16> -> vector<16xf32>
        %unpack3A_484 = tpu.unpack_subelements %bitcast3A_482, 1 {pack_format = #tpu.pack_format<interleaved>} : vector<32xbf16> -> vector<16xf32>
        %mul3A_485 = arith.mulf %unpack3A_483, %bitcast3A_444 : vector<16xf32>
        %swap3A_486 = arith.index_cast %scan3A_439 : i32 to index
        %swap3A_487 = arith.constant 64 : index
        %swap3A_488 = tpu.vector_load %arg7[%swap3A_486, %swap3A_487] {strides = array<i32>} : memref<128x128xf32, #tpu.memory_space<vmem>>, vector<16xf32>,
        tpu.vector_store %arg7[%swap3A_486, %swap3A_487], %mul3A_485 {strides = array<i32>} : memref<128x128xf32, #tpu.memory_space<vmem>>, vector<16xf32>,
        %mul3A_489 = arith.mulf %unpack3A_484, %bitcast3A_444 : vector<16xf32>
        %swap3A_490 = arith.index_cast %scan3A_439 : i32 to index
        %swap3A_491 = arith.constant 80 : index
        %swap3A_492 = tpu.vector_load %arg7[%swap3A_490, %swap3A_491] {strides = array<i32>} : memref<128x128xf32, #tpu.memory_space<vmem>>, vector<16xf32>,
        tpu.vector_store %arg7[%swap3A_490, %swap3A_491], %mul3A_489 {strides = array<i32>} : memref<128x128xf32, #tpu.memory_space<vmem>>, vector<16xf32>,
        %get3A_493 = arith.constant 1 : i32
        %get3A_494 = arith.index_cast %get3A_493 : i32 to index
        %get3A_495 = arith.index_cast %scan3A_439 : i32 to index
        %get3A_496 = arith.constant 48 : index
        %get3A_497 = tpu.vector_load %arg6[%get3A_494, %get3A_495, %get3A_496] {strides = array<i32>} : memref<4x128x64xi32, #tpu.memory_space<vmem>>, vector<16xi32>,
        %bitcast3A_498 = vector.bitcast %get3A_497 : vector<16xi32> to vector<32xbf16>
        %unpack3A_499 = tpu.unpack_subelements %bitcast3A_498, 0 {pack_format = #tpu.pack_format<interleaved>} : vector<32xbf16> -> vector<16xf32>
        %unpack3A_500 = tpu.unpack_subelements %bitcast3A_498, 1 {pack_format = #tpu.pack_format<interleaved>} : vector<32xbf16> -> vector<16xf32>
        %mul3A_501 = arith.mulf %unpack3A_499, %bitcast3A_444 : vector<16xf32>
        %swap3A_502 = arith.index_cast %scan3A_439 : i32 to index
        %swap3A_503 = arith.constant 96 : index
        %swap3A_504 = tpu.vector_load %arg7[%swap3A_502, %swap3A_503] {strides = array<i32>} : memref<128x128xf32, #tpu.memory_space<vmem>>, vector<16xf32>,
        tpu.vector_store %arg7[%swap3A_502, %swap3A_503], %mul3A_501 {strides = array<i32>} : memref<128x128xf32, #tpu.memory_space<vmem>>, vector<16xf32>,
        %mul3A_505 = arith.mulf %unpack3A_500, %bitcast3A_444 : vector<16xf32>
        %swap3A_506 = arith.index_cast %scan3A_439 : i32 to index
        %swap3A_507 = arith.constant 112 : index
        %swap3A_508 = tpu.vector_load %arg7[%swap3A_506, %swap3A_507] {strides = array<i32>} : memref<128x128xf32, #tpu.memory_space<vmem>>, vector<16xf32>,
        tpu.vector_store %arg7[%swap3A_506, %swap3A_507], %mul3A_505 {strides = array<i32>} : memref<128x128xf32, #tpu.memory_space<vmem>>, vector<16xf32>,
        %scan3A_509 = arith.constant 2 : i32
        %scan3A_510 = arith.addi %scan3A_373, %scan3A_509 : i32
        %broadcast_in_dim3A_511 = arith.constant 5 : i32
        %broadcast_in_dim3A_512 = vector.broadcast %broadcast_in_dim3A_511 : i32 to vector<16xi32>
        %broadcast_in_dim3A_513 = vector.broadcast %scan3A_510 : i32 to vector<16xi32>
        %gather3A_514 = tpu.vector_load_idx %arg5[%broadcast_in_dim3A_512, %broadcast_in_dim3A_513] : memref<12x128xi32, #tpu.memory_space<vmem>>[vector<16xi32>, vector<16xi32>], vector<16xi32>,
        %bitcast3A_515 = vector.bitcast %gather3A_514 : vector<16xi32> to vector<16xf32>
        %get3A_516 = arith.constant 1 : i32
        %get3A_517 = arith.index_cast %get3A_516 : i32 to index
        %get3A_518 = arith.index_cast %scan3A_510 : i32 to index
        %get3A_519 = arith.constant 0 : index
        %get3A_520 = tpu.vector_load %arg6[%get3A_517, %get3A_518, %get3A_519] {strides = array<i32>} : memref<4x128x64xi32, #tpu.memory_space<vmem>>, vector<16xi32>,
        %bitcast3A_521 = vector.bitcast %get3A_520 : vector<16xi32> to vector<32xbf16>
        %unpack3A_522 = tpu.unpack_subelements %bitcast3A_521, 0 {pack_format = #tpu.pack_format<interleaved>} : vector<32xbf16> -> vector<16xf32>
        %unpack3A_523 = tpu.unpack_subelements %bitcast3A_521, 1 {pack_format = #tpu.pack_format<interleaved>} : vector<32xbf16> -> vector<16xf32>
        %mul3A_524 = arith.mulf %unpack3A_522, %bitcast3A_515 : vector<16xf32>
        %swap3A_525 = arith.index_cast %scan3A_510 : i32 to index
        %swap3A_526 = arith.constant 0 : index
        %swap3A_527 = tpu.vector_load %arg7[%swap3A_525, %swap3A_526] {strides = array<i32>} : memref<128x128xf32, #tpu.memory_space<vmem>>, vector<16xf32>,
        tpu.vector_store %arg7[%swap3A_525, %swap3A_526], %mul3A_524 {strides = array<i32>} : memref<128x128xf32, #tpu.memory_space<vmem>>, vector<16xf32>,
        %mul3A_528 = arith.mulf %unpack3A_523, %bitcast3A_515 : vector<16xf32>
        %swap3A_529 = arith.index_cast %scan3A_510 : i32 to index
        %swap3A_530 = arith.constant 16 : index
        %swap3A_531 = tpu.vector_load %arg7[%swap3A_529, %swap3A_530] {strides = array<i32>} : memref<128x128xf32, #tpu.memory_space<vmem>>, vector<16xf32>,
        tpu.vector_store %arg7[%swap3A_529, %swap3A_530], %mul3A_528 {strides = array<i32>} : memref<128x128xf32, #tpu.memory_space<vmem>>, vector<16xf32>,
        %get3A_532 = arith.constant 1 : i32
        %get3A_533 = arith.index_cast %get3A_532 : i32 to index
        %get3A_534 = arith.index_cast %scan3A_510 : i32 to index
        %get3A_535 = arith.constant 16 : index
        %get3A_536 = tpu.vector_load %arg6[%get3A_533, %get3A_534, %get3A_535] {strides = array<i32>} : memref<4x128x64xi32, #tpu.memory_space<vmem>>, vector<16xi32>,
        %bitcast3A_537 = vector.bitcast %get3A_536 : vector<16xi32> to vector<32xbf16>
        %unpack3A_538 = tpu.unpack_subelements %bitcast3A_537, 0 {pack_format = #tpu.pack_format<interleaved>} : vector<32xbf16> -> vector<16xf32>
        %unpack3A_539 = tpu.unpack_subelements %bitcast3A_537, 1 {pack_format = #tpu.pack_format<interleaved>} : vector<32xbf16> -> vector<16xf32>
        %mul3A_540 = arith.mulf %unpack3A_538, %bitcast3A_515 : vector<16xf32>
        %swap3A_541 = arith.index_cast %scan3A_510 : i32 to index
        %swap3A_542 = arith.constant 32 : index
        %swap3A_543 = tpu.vector_load %arg7[%swap3A_541, %swap3A_542] {strides = array<i32>} : memref<128x128xf32, #tpu.memory_space<vmem>>, vector<16xf32>,
        tpu.vector_store %arg7[%swap3A_541, %swap3A_542], %mul3A_540 {strides = array<i32>} : memref<128x128xf32, #tpu.memory_space<vmem>>, vector<16xf32>,
        %mul3A_544 = arith.mulf %unpack3A_539, %bitcast3A_515 : vector<16xf32>
        %swap3A_545 = arith.index_cast %scan3A_510 : i32 to index
        %swap3A_546 = arith.constant 48 : index
        %swap3A_547 = tpu.vector_load %arg7[%swap3A_545, %swap3A_546] {strides = array<i32>} : memref<128x128xf32, #tpu.memory_space<vmem>>, vector<16xf32>,
        tpu.vector_store %arg7[%swap3A_545, %swap3A_546], %mul3A_544 {strides = array<i32>} : memref<128x128xf32, #tpu.memory_space<vmem>>, vector<16xf32>,
        %get3A_548 = arith.constant 1 : i32
        %get3A_549 = arith.index_cast %get3A_548 : i32 to index
        %get3A_550 = arith.index_cast %scan3A_510 : i32 to index
        %get3A_551 = arith.constant 32 : index
        %get3A_552 = tpu.vector_load %arg6[%get3A_549, %get3A_550, %get3A_551] {strides = array<i32>} : memref<4x128x64xi32, #tpu.memory_space<vmem>>, vector<16xi32>,
        %bitcast3A_553 = vector.bitcast %get3A_552 : vector<16xi32> to vector<32xbf16>
        %unpack3A_554 = tpu.unpack_subelements %bitcast3A_553, 0 {pack_format = #tpu.pack_format<interleaved>} : vector<32xbf16> -> vector<16xf32>
        %unpack3A_555 = tpu.unpack_subelements %bitcast3A_553, 1 {pack_format = #tpu.pack_format<interleaved>} : vector<32xbf16> -> vector<16xf32>
        %mul3A_556 = arith.mulf %unpack3A_554, %bitcast3A_515 : vector<16xf32>
        %swap3A_557 = arith.index_cast %scan3A_510 : i32 to index
        %swap3A_558 = arith.constant 64 : index
        %swap3A_559 = tpu.vector_load %arg7[%swap3A_557, %swap3A_558] {strides = array<i32>} : memref<128x128xf32, #tpu.memory_space<vmem>>, vector<16xf32>,
        tpu.vector_store %arg7[%swap3A_557, %swap3A_558], %mul3A_556 {strides = array<i32>} : memref<128x128xf32, #tpu.memory_space<vmem>>, vector<16xf32>,
        %mul3A_560 = arith.mulf %unpack3A_555, %bitcast3A_515 : vector<16xf32>
        %swap3A_561 = arith.index_cast %scan3A_510 : i32 to index
        %swap3A_562 = arith.constant 80 : index
        %swap3A_563 = tpu.vector_load %arg7[%swap3A_561, %swap3A_562] {strides = array<i32>} : memref<128x128xf32, #tpu.memory_space<vmem>>, vector<16xf32>,
        tpu.vector_store %arg7[%swap3A_561, %swap3A_562], %mul3A_560 {strides = array<i32>} : memref<128x128xf32, #tpu.memory_space<vmem>>, vector<16xf32>,
        %get3A_564 = arith.constant 1 : i32
        %get3A_565 = arith.index_cast %get3A_564 : i32 to index
        %get3A_566 = arith.index_cast %scan3A_510 : i32 to index
        %get3A_567 = arith.constant 48 : index
        %get3A_568 = tpu.vector_load %arg6[%get3A_565, %get3A_566, %get3A_567] {strides = array<i32>} : memref<4x128x64xi32, #tpu.memory_space<vmem>>, vector<16xi32>,
        %bitcast3A_569 = vector.bitcast %get3A_568 : vector<16xi32> to vector<32xbf16>
        %unpack3A_570 = tpu.unpack_subelements %bitcast3A_569, 0 {pack_format = #tpu.pack_format<interleaved>} : vector<32xbf16> -> vector<16xf32>
        %unpack3A_571 = tpu.unpack_subelements %bitcast3A_569, 1 {pack_format = #tpu.pack_format<interleaved>} : vector<32xbf16> -> vector<16xf32>
        %mul3A_572 = arith.mulf %unpack3A_570, %bitcast3A_515 : vector<16xf32>
        %swap3A_573 = arith.index_cast %scan3A_510 : i32 to index
        %swap3A_574 = arith.constant 96 : index
        %swap3A_575 = tpu.vector_load %arg7[%swap3A_573, %swap3A_574] {strides = array<i32>} : memref<128x128xf32, #tpu.memory_space<vmem>>, vector<16xf32>,
        tpu.vector_store %arg7[%swap3A_573, %swap3A_574], %mul3A_572 {strides = array<i32>} : memref<128x128xf32, #tpu.memory_space<vmem>>, vector<16xf32>,
        %mul3A_576 = arith.mulf %unpack3A_571, %bitcast3A_515 : vector<16xf32>
        %swap3A_577 = arith.index_cast %scan3A_510 : i32 to index
        %swap3A_578 = arith.constant 112 : index
        %swap3A_579 = tpu.vector_load %arg7[%swap3A_577, %swap3A_578] {strides = array<i32>} : memref<128x128xf32, #tpu.memory_space<vmem>>, vector<16xf32>,
        tpu.vector_store %arg7[%swap3A_577, %swap3A_578], %mul3A_576 {strides = array<i32>} : memref<128x128xf32, #tpu.memory_space<vmem>>, vector<16xf32>,
        %scan3A_580 = arith.constant 3 : i32
        %scan3A_581 = arith.addi %scan3A_373, %scan3A_580 : i32
        %broadcast_in_dim3A_582 = arith.constant 5 : i32
        %broadcast_in_dim3A_583 = vector.broadcast %broadcast_in_dim3A_582 : i32 to vector<16xi32>
        %broadcast_in_dim3A_584 = vector.broadcast %scan3A_581 : i32 to vector<16xi32>
        %gather3A_585 = tpu.vector_load_idx %arg5[%broadcast_in_dim3A_583, %broadcast_in_dim3A_584] : memref<12x128xi32, #tpu.memory_space<vmem>>[vector<16xi32>, vector<16xi32>], vector<16xi32>,
        %bitcast3A_586 = vector.bitcast %gather3A_585 : vector<16xi32> to vector<16xf32>
        %get3A_587 = arith.constant 1 : i32
        %get3A_588 = arith.index_cast %get3A_587 : i32 to index
        %get3A_589 = arith.index_cast %scan3A_581 : i32 to index
        %get3A_590 = arith.constant 0 : index
        %get3A_591 = tpu.vector_load %arg6[%get3A_588, %get3A_589, %get3A_590] {strides = array<i32>} : memref<4x128x64xi32, #tpu.memory_space<vmem>>, vector<16xi32>,
        %bitcast3A_592 = vector.bitcast %get3A_591 : vector<16xi32> to vector<32xbf16>
        %unpack3A_593 = tpu.unpack_subelements %bitcast3A_592, 0 {pack_format = #tpu.pack_format<interleaved>} : vector<32xbf16> -> vector<16xf32>
        %unpack3A_594 = tpu.unpack_subelements %bitcast3A_592, 1 {pack_format = #tpu.pack_format<interleaved>} : vector<32xbf16> -> vector<16xf32>
        %mul3A_595 = arith.mulf %unpack3A_593, %bitcast3A_586 : vector<16xf32>
        %swap3A_596 = arith.index_cast %scan3A_581 : i32 to index
        %swap3A_597 = arith.constant 0 : index
        %swap3A_598 = tpu.vector_load %arg7[%swap3A_596, %swap3A_597] {strides = array<i32>} : memref<128x128xf32, #tpu.memory_space<vmem>>, vector<16xf32>,
        tpu.vector_store %arg7[%swap3A_596, %swap3A_597], %mul3A_595 {strides = array<i32>} : memref<128x128xf32, #tpu.memory_space<vmem>>, vector<16xf32>,
        %mul3A_599 = arith.mulf %unpack3A_594, %bitcast3A_586 : vector<16xf32>
        %swap3A_600 = arith.index_cast %scan3A_581 : i32 to index
        %swap3A_601 = arith.constant 16 : index
        %swap3A_602 = tpu.vector_load %arg7[%swap3A_600, %swap3A_601] {strides = array<i32>} : memref<128x128xf32, #tpu.memory_space<vmem>>, vector<16xf32>,
        tpu.vector_store %arg7[%swap3A_600, %swap3A_601], %mul3A_599 {strides = array<i32>} : memref<128x128xf32, #tpu.memory_space<vmem>>, vector<16xf32>,
        %get3A_603 = arith.constant 1 : i32
        %get3A_604 = arith.index_cast %get3A_603 : i32 to index
        %get3A_605 = arith.index_cast %scan3A_581 : i32 to index
        %get3A_606 = arith.constant 16 : index
        %get3A_607 = tpu.vector_load %arg6[%get3A_604, %get3A_605, %get3A_606] {strides = array<i32>} : memref<4x128x64xi32, #tpu.memory_space<vmem>>, vector<16xi32>,
        %bitcast3A_608 = vector.bitcast %get3A_607 : vector<16xi32> to vector<32xbf16>
        %unpack3A_609 = tpu.unpack_subelements %bitcast3A_608, 0 {pack_format = #tpu.pack_format<interleaved>} : vector<32xbf16> -> vector<16xf32>
        %unpack3A_610 = tpu.unpack_subelements %bitcast3A_608, 1 {pack_format = #tpu.pack_format<interleaved>} : vector<32xbf16> -> vector<16xf32>
        %mul3A_611 = arith.mulf %unpack3A_609, %bitcast3A_586 : vector<16xf32>
        %swap3A_612 = arith.index_cast %scan3A_581 : i32 to index
        %swap3A_613 = arith.constant 32 : index
        %swap3A_614 = tpu.vector_load %arg7[%swap3A_612, %swap3A_613] {strides = array<i32>} : memref<128x128xf32, #tpu.memory_space<vmem>>, vector<16xf32>,
        tpu.vector_store %arg7[%swap3A_612, %swap3A_613], %mul3A_611 {strides = array<i32>} : memref<128x128xf32, #tpu.memory_space<vmem>>, vector<16xf32>,
        %mul3A_615 = arith.mulf %unpack3A_610, %bitcast3A_586 : vector<16xf32>
        %swap3A_616 = arith.index_cast %scan3A_581 : i32 to index
        %swap3A_617 = arith.constant 48 : index
        %swap3A_618 = tpu.vector_load %arg7[%swap3A_616, %swap3A_617] {strides = array<i32>} : memref<128x128xf32, #tpu.memory_space<vmem>>, vector<16xf32>,
        tpu.vector_store %arg7[%swap3A_616, %swap3A_617], %mul3A_615 {strides = array<i32>} : memref<128x128xf32, #tpu.memory_space<vmem>>, vector<16xf32>,
        %get3A_619 = arith.constant 1 : i32
        %get3A_620 = arith.index_cast %get3A_619 : i32 to index
        %get3A_621 = arith.index_cast %scan3A_581 : i32 to index
        %get3A_622 = arith.constant 32 : index
        %get3A_623 = tpu.vector_load %arg6[%get3A_620, %get3A_621, %get3A_622] {strides = array<i32>} : memref<4x128x64xi32, #tpu.memory_space<vmem>>, vector<16xi32>,
        %bitcast3A_624 = vector.bitcast %get3A_623 : vector<16xi32> to vector<32xbf16>
        %unpack3A_625 = tpu.unpack_subelements %bitcast3A_624, 0 {pack_format = #tpu.pack_format<interleaved>} : vector<32xbf16> -> vector<16xf32>
        %unpack3A_626 = tpu.unpack_subelements %bitcast3A_624, 1 {pack_format = #tpu.pack_format<interleaved>} : vector<32xbf16> -> vector<16xf32>
        %mul3A_627 = arith.mulf %unpack3A_625, %bitcast3A_586 : vector<16xf32>
        %swap3A_628 = arith.index_cast %scan3A_581 : i32 to index
        %swap3A_629 = arith.constant 64 : index
        %swap3A_630 = tpu.vector_load %arg7[%swap3A_628, %swap3A_629] {strides = array<i32>} : memref<128x128xf32, #tpu.memory_space<vmem>>, vector<16xf32>,
        tpu.vector_store %arg7[%swap3A_628, %swap3A_629], %mul3A_627 {strides = array<i32>} : memref<128x128xf32, #tpu.memory_space<vmem>>, vector<16xf32>,
        %mul3A_631 = arith.mulf %unpack3A_626, %bitcast3A_586 : vector<16xf32>
        %swap3A_632 = arith.index_cast %scan3A_581 : i32 to index
        %swap3A_633 = arith.constant 80 : index
        %swap3A_634 = tpu.vector_load %arg7[%swap3A_632, %swap3A_633] {strides = array<i32>} : memref<128x128xf32, #tpu.memory_space<vmem>>, vector<16xf32>,
        tpu.vector_store %arg7[%swap3A_632, %swap3A_633], %mul3A_631 {strides = array<i32>} : memref<128x128xf32, #tpu.memory_space<vmem>>, vector<16xf32>,
        %get3A_635 = arith.constant 1 : i32
        %get3A_636 = arith.index_cast %get3A_635 : i32 to index
        %get3A_637 = arith.index_cast %scan3A_581 : i32 to index
        %get3A_638 = arith.constant 48 : index
        %get3A_639 = tpu.vector_load %arg6[%get3A_636, %get3A_637, %get3A_638] {strides = array<i32>} : memref<4x128x64xi32, #tpu.memory_space<vmem>>, vector<16xi32>,
        %bitcast3A_640 = vector.bitcast %get3A_639 : vector<16xi32> to vector<32xbf16>
        %unpack3A_641 = tpu.unpack_subelements %bitcast3A_640, 0 {pack_format = #tpu.pack_format<interleaved>} : vector<32xbf16> -> vector<16xf32>
        %unpack3A_642 = tpu.unpack_subelements %bitcast3A_640, 1 {pack_format = #tpu.pack_format<interleaved>} : vector<32xbf16> -> vector<16xf32>
        %mul3A_643 = arith.mulf %unpack3A_641, %bitcast3A_586 : vector<16xf32>
        %swap3A_644 = arith.index_cast %scan3A_581 : i32 to index
        %swap3A_645 = arith.constant 96 : index
        %swap3A_646 = tpu.vector_load %arg7[%swap3A_644, %swap3A_645] {strides = array<i32>} : memref<128x128xf32, #tpu.memory_space<vmem>>, vector<16xf32>,
        tpu.vector_store %arg7[%swap3A_644, %swap3A_645], %mul3A_643 {strides = array<i32>} : memref<128x128xf32, #tpu.memory_space<vmem>>, vector<16xf32>,
        %mul3A_647 = arith.mulf %unpack3A_642, %bitcast3A_586 : vector<16xf32>
        %swap3A_648 = arith.index_cast %scan3A_581 : i32 to index
        %swap3A_649 = arith.constant 112 : index
        %swap3A_650 = tpu.vector_load %arg7[%swap3A_648, %swap3A_649] {strides = array<i32>} : memref<128x128xf32, #tpu.memory_space<vmem>>, vector<16xf32>,
        tpu.vector_store %arg7[%swap3A_648, %swap3A_649], %mul3A_647 {strides = array<i32>} : memref<128x128xf32, #tpu.memory_space<vmem>>, vector<16xf32>,
        %scan3A_651 = arith.constant 4 : i32
        %scan3A_652 = arith.addi %scan3A_373, %scan3A_651 : i32
        %broadcast_in_dim3A_653 = arith.constant 5 : i32
        %broadcast_in_dim3A_654 = vector.broadcast %broadcast_in_dim3A_653 : i32 to vector<16xi32>
        %broadcast_in_dim3A_655 = vector.broadcast %scan3A_652 : i32 to vector<16xi32>
        %gather3A_656 = tpu.vector_load_idx %arg5[%broadcast_in_dim3A_654, %broadcast_in_dim3A_655] : memref<12x128xi32, #tpu.memory_space<vmem>>[vector<16xi32>, vector<16xi32>], vector<16xi32>,
        %bitcast3A_657 = vector.bitcast %gather3A_656 : vector<16xi32> to vector<16xf32>
        %get3A_658 = arith.constant 1 : i32
        %get3A_659 = arith.index_cast %get3A_658 : i32 to index
        %get3A_660 = arith.index_cast %scan3A_652 : i32 to index
        %get3A_661 = arith.constant 0 : index
        %get3A_662 = tpu.vector_load %arg6[%get3A_659, %get3A_660, %get3A_661] {strides = array<i32>} : memref<4x128x64xi32, #tpu.memory_space<vmem>>, vector<16xi32>,
        %bitcast3A_663 = vector.bitcast %get3A_662 : vector<16xi32> to vector<32xbf16>
        %unpack3A_664 = tpu.unpack_subelements %bitcast3A_663, 0 {pack_format = #tpu.pack_format<interleaved>} : vector<32xbf16> -> vector<16xf32>
        %unpack3A_665 = tpu.unpack_subelements %bitcast3A_663, 1 {pack_format = #tpu.pack_format<interleaved>} : vector<32xbf16> -> vector<16xf32>
        %mul3A_666 = arith.mulf %unpack3A_664, %bitcast3A_657 : vector<16xf32>
        %swap3A_667 = arith.index_cast %scan3A_652 : i32 to index
        %swap3A_668 = arith.constant 0 : index
        %swap3A_669 = tpu.vector_load %arg7[%swap3A_667, %swap3A_668] {strides = array<i32>} : memref<128x128xf32, #tpu.memory_space<vmem>>, vector<16xf32>,
        tpu.vector_store %arg7[%swap3A_667, %swap3A_668], %mul3A_666 {strides = array<i32>} : memref<128x128xf32, #tpu.memory_space<vmem>>, vector<16xf32>,
        %mul3A_670 = arith.mulf %unpack3A_665, %bitcast3A_657 : vector<16xf32>
        %swap3A_671 = arith.index_cast %scan3A_652 : i32 to index
        %swap3A_672 = arith.constant 16 : index
        %swap3A_673 = tpu.vector_load %arg7[%swap3A_671, %swap3A_672] {strides = array<i32>} : memref<128x128xf32, #tpu.memory_space<vmem>>, vector<16xf32>,
        tpu.vector_store %arg7[%swap3A_671, %swap3A_672], %mul3A_670 {strides = array<i32>} : memref<128x128xf32, #tpu.memory_space<vmem>>, vector<16xf32>,
        %get3A_674 = arith.constant 1 : i32
        %get3A_675 = arith.index_cast %get3A_674 : i32 to index
        %get3A_676 = arith.index_cast %scan3A_652 : i32 to index
        %get3A_677 = arith.constant 16 : index
        %get3A_678 = tpu.vector_load %arg6[%get3A_675, %get3A_676, %get3A_677] {strides = array<i32>} : memref<4x128x64xi32, #tpu.memory_space<vmem>>, vector<16xi32>,
        %bitcast3A_679 = vector.bitcast %get3A_678 : vector<16xi32> to vector<32xbf16>
        %unpack3A_680 = tpu.unpack_subelements %bitcast3A_679, 0 {pack_format = #tpu.pack_format<interleaved>} : vector<32xbf16> -> vector<16xf32>
        %unpack3A_681 = tpu.unpack_subelements %bitcast3A_679, 1 {pack_format = #tpu.pack_format<interleaved>} : vector<32xbf16> -> vector<16xf32>
        %mul3A_682 = arith.mulf %unpack3A_680, %bitcast3A_657 : vector<16xf32>
        %swap3A_683 = arith.index_cast %scan3A_652 : i32 to index
        %swap3A_684 = arith.constant 32 : index
        %swap3A_685 = tpu.vector_load %arg7[%swap3A_683, %swap3A_684] {strides = array<i32>} : memref<128x128xf32, #tpu.memory_space<vmem>>, vector<16xf32>,
        tpu.vector_store %arg7[%swap3A_683, %swap3A_684], %mul3A_682 {strides = array<i32>} : memref<128x128xf32, #tpu.memory_space<vmem>>, vector<16xf32>,
        %mul3A_686 = arith.mulf %unpack3A_681, %bitcast3A_657 : vector<16xf32>
        %swap3A_687 = arith.index_cast %scan3A_652 : i32 to index
        %swap3A_688 = arith.constant 48 : index
        %swap3A_689 = tpu.vector_load %arg7[%swap3A_687, %swap3A_688] {strides = array<i32>} : memref<128x128xf32, #tpu.memory_space<vmem>>, vector<16xf32>,
        tpu.vector_store %arg7[%swap3A_687, %swap3A_688], %mul3A_686 {strides = array<i32>} : memref<128x128xf32, #tpu.memory_space<vmem>>, vector<16xf32>,
        %get3A_690 = arith.constant 1 : i32
        %get3A_691 = arith.index_cast %get3A_690 : i32 to index
        %get3A_692 = arith.index_cast %scan3A_652 : i32 to index
        %get3A_693 = arith.constant 32 : index
        %get3A_694 = tpu.vector_load %arg6[%get3A_691, %get3A_692, %get3A_693] {strides = array<i32>} : memref<4x128x64xi32, #tpu.memory_space<vmem>>, vector<16xi32>,
        %bitcast3A_695 = vector.bitcast %get3A_694 : vector<16xi32> to vector<32xbf16>
        %unpack3A_696 = tpu.unpack_subelements %bitcast3A_695, 0 {pack_format = #tpu.pack_format<interleaved>} : vector<32xbf16> -> vector<16xf32>
        %unpack3A_697 = tpu.unpack_subelements %bitcast3A_695, 1 {pack_format = #tpu.pack_format<interleaved>} : vector<32xbf16> -> vector<16xf32>
        %mul3A_698 = arith.mulf %unpack3A_696, %bitcast3A_657 : vector<16xf32>
        %swap3A_699 = arith.index_cast %scan3A_652 : i32 to index
        %swap3A_700 = arith.constant 64 : index
        %swap3A_701 = tpu.vector_load %arg7[%swap3A_699, %swap3A_700] {strides = array<i32>} : memref<128x128xf32, #tpu.memory_space<vmem>>, vector<16xf32>,
        tpu.vector_store %arg7[%swap3A_699, %swap3A_700], %mul3A_698 {strides = array<i32>} : memref<128x128xf32, #tpu.memory_space<vmem>>, vector<16xf32>,
        %mul3A_702 = arith.mulf %unpack3A_697, %bitcast3A_657 : vector<16xf32>
        %swap3A_703 = arith.index_cast %scan3A_652 : i32 to index
        %swap3A_704 = arith.constant 80 : index
        %swap3A_705 = tpu.vector_load %arg7[%swap3A_703, %swap3A_704] {strides = array<i32>} : memref<128x128xf32, #tpu.memory_space<vmem>>, vector<16xf32>,
        tpu.vector_store %arg7[%swap3A_703, %swap3A_704], %mul3A_702 {strides = array<i32>} : memref<128x128xf32, #tpu.memory_space<vmem>>, vector<16xf32>,
        %get3A_706 = arith.constant 1 : i32
        %get3A_707 = arith.index_cast %get3A_706 : i32 to index
        %get3A_708 = arith.index_cast %scan3A_652 : i32 to index
        %get3A_709 = arith.constant 48 : index
        %get3A_710 = tpu.vector_load %arg6[%get3A_707, %get3A_708, %get3A_709] {strides = array<i32>} : memref<4x128x64xi32, #tpu.memory_space<vmem>>, vector<16xi32>,
        %bitcast3A_711 = vector.bitcast %get3A_710 : vector<16xi32> to vector<32xbf16>
        %unpack3A_712 = tpu.unpack_subelements %bitcast3A_711, 0 {pack_format = #tpu.pack_format<interleaved>} : vector<32xbf16> -> vector<16xf32>
        %unpack3A_713 = tpu.unpack_subelements %bitcast3A_711, 1 {pack_format = #tpu.pack_format<interleaved>} : vector<32xbf16> -> vector<16xf32>
        %mul3A_714 = arith.mulf %unpack3A_712, %bitcast3A_657 : vector<16xf32>
        %swap3A_715 = arith.index_cast %scan3A_652 : i32 to index
        %swap3A_716 = arith.constant 96 : index
        %swap3A_717 = tpu.vector_load %arg7[%swap3A_715, %swap3A_716] {strides = array<i32>} : memref<128x128xf32, #tpu.memory_space<vmem>>, vector<16xf32>,
        tpu.vector_store %arg7[%swap3A_715, %swap3A_716], %mul3A_714 {strides = array<i32>} : memref<128x128xf32, #tpu.memory_space<vmem>>, vector<16xf32>,
        %mul3A_718 = arith.mulf %unpack3A_713, %bitcast3A_657 : vector<16xf32>
        %swap3A_719 = arith.index_cast %scan3A_652 : i32 to index
        %swap3A_720 = arith.constant 112 : index
        %swap3A_721 = tpu.vector_load %arg7[%swap3A_719, %swap3A_720] {strides = array<i32>} : memref<128x128xf32, #tpu.memory_space<vmem>>, vector<16xf32>,
        tpu.vector_store %arg7[%swap3A_719, %swap3A_720], %mul3A_718 {strides = array<i32>} : memref<128x128xf32, #tpu.memory_space<vmem>>, vector<16xf32>,
        %scan3A_722 = arith.constant 5 : i32
        %scan3A_723 = arith.addi %scan3A_373, %scan3A_722 : i32
        %broadcast_in_dim3A_724 = arith.constant 5 : i32
        %broadcast_in_dim3A_725 = vector.broadcast %broadcast_in_dim3A_724 : i32 to vector<16xi32>
        %broadcast_in_dim3A_726 = vector.broadcast %scan3A_723 : i32 to vector<16xi32>
        %gather3A_727 = tpu.vector_load_idx %arg5[%broadcast_in_dim3A_725, %broadcast_in_dim3A_726] : memref<12x128xi32, #tpu.memory_space<vmem>>[vector<16xi32>, vector<16xi32>], vector<16xi32>,
        %bitcast3A_728 = vector.bitcast %gather3A_727 : vector<16xi32> to vector<16xf32>
        %get3A_729 = arith.constant 1 : i32
        %get3A_730 = arith.index_cast %get3A_729 : i32 to index
        %get3A_731 = arith.index_cast %scan3A_723 : i32 to index
        %get3A_732 = arith.constant 0 : index
        %get3A_733 = tpu.vector_load %arg6[%get3A_730, %get3A_731, %get3A_732] {strides = array<i32>} : memref<4x128x64xi32, #tpu.memory_space<vmem>>, vector<16xi32>,
        %bitcast3A_734 = vector.bitcast %get3A_733 : vector<16xi32> to vector<32xbf16>
        %unpack3A_735 = tpu.unpack_subelements %bitcast3A_734, 0 {pack_format = #tpu.pack_format<interleaved>} : vector<32xbf16> -> vector<16xf32>
        %unpack3A_736 = tpu.unpack_subelements %bitcast3A_734, 1 {pack_format = #tpu.pack_format<interleaved>} : vector<32xbf16> -> vector<16xf32>
        %mul3A_737 = arith.mulf %unpack3A_735, %bitcast3A_728 : vector<16xf32>
        %swap3A_738 = arith.index_cast %scan3A_723 : i32 to index
        %swap3A_739 = arith.constant 0 : index
        %swap3A_740 = tpu.vector_load %arg7[%swap3A_738, %swap3A_739] {strides = array<i32>} : memref<128x128xf32, #tpu.memory_space<vmem>>, vector<16xf32>,
        tpu.vector_store %arg7[%swap3A_738, %swap3A_739], %mul3A_737 {strides = array<i32>} : memref<128x128xf32, #tpu.memory_space<vmem>>, vector<16xf32>,
        %mul3A_741 = arith.mulf %unpack3A_736, %bitcast3A_728 : vector<16xf32>
        %swap3A_742 = arith.index_cast %scan3A_723 : i32 to index
        %swap3A_743 = arith.constant 16 : index
        %swap3A_744 = tpu.vector_load %arg7[%swap3A_742, %swap3A_743] {strides = array<i32>} : memref<128x128xf32, #tpu.memory_space<vmem>>, vector<16xf32>,
        tpu.vector_store %arg7[%swap3A_742, %swap3A_743], %mul3A_741 {strides = array<i32>} : memref<128x128xf32, #tpu.memory_space<vmem>>, vector<16xf32>,
        %get3A_745 = arith.constant 1 : i32
        %get3A_746 = arith.index_cast %get3A_745 : i32 to index
        %get3A_747 = arith.index_cast %scan3A_723 : i32 to index
        %get3A_748 = arith.constant 16 : index
        %get3A_749 = tpu.vector_load %arg6[%get3A_746, %get3A_747, %get3A_748] {strides = array<i32>} : memref<4x128x64xi32, #tpu.memory_space<vmem>>, vector<16xi32>,
        %bitcast3A_750 = vector.bitcast %get3A_749 : vector<16xi32> to vector<32xbf16>
        %unpack3A_751 = tpu.unpack_subelements %bitcast3A_750, 0 {pack_format = #tpu.pack_format<interleaved>} : vector<32xbf16> -> vector<16xf32>
        %unpack3A_752 = tpu.unpack_subelements %bitcast3A_750, 1 {pack_format = #tpu.pack_format<interleaved>} : vector<32xbf16> -> vector<16xf32>
        %mul3A_753 = arith.mulf %unpack3A_751, %bitcast3A_728 : vector<16xf32>
        %swap3A_754 = arith.index_cast %scan3A_723 : i32 to index
        %swap3A_755 = arith.constant 32 : index
        %swap3A_756 = tpu.vector_load %arg7[%swap3A_754, %swap3A_755] {strides = array<i32>} : memref<128x128xf32, #tpu.memory_space<vmem>>, vector<16xf32>,
        tpu.vector_store %arg7[%swap3A_754, %swap3A_755], %mul3A_753 {strides = array<i32>} : memref<128x128xf32, #tpu.memory_space<vmem>>, vector<16xf32>,
        %mul3A_757 = arith.mulf %unpack3A_752, %bitcast3A_728 : vector<16xf32>
        %swap3A_758 = arith.index_cast %scan3A_723 : i32 to index
        %swap3A_759 = arith.constant 48 : index
        %swap3A_760 = tpu.vector_load %arg7[%swap3A_758, %swap3A_759] {strides = array<i32>} : memref<128x128xf32, #tpu.memory_space<vmem>>, vector<16xf32>,
        tpu.vector_store %arg7[%swap3A_758, %swap3A_759], %mul3A_757 {strides = array<i32>} : memref<128x128xf32, #tpu.memory_space<vmem>>, vector<16xf32>,
        %get3A_761 = arith.constant 1 : i32
        %get3A_762 = arith.index_cast %get3A_761 : i32 to index
        %get3A_763 = arith.index_cast %scan3A_723 : i32 to index
        %get3A_764 = arith.constant 32 : index
        %get3A_765 = tpu.vector_load %arg6[%get3A_762, %get3A_763, %get3A_764] {strides = array<i32>} : memref<4x128x64xi32, #tpu.memory_space<vmem>>, vector<16xi32>,
        %bitcast3A_766 = vector.bitcast %get3A_765 : vector<16xi32> to vector<32xbf16>
        %unpack3A_767 = tpu.unpack_subelements %bitcast3A_766, 0 {pack_format = #tpu.pack_format<interleaved>} : vector<32xbf16> -> vector<16xf32>
        %unpack3A_768 = tpu.unpack_subelements %bitcast3A_766, 1 {pack_format = #tpu.pack_format<interleaved>} : vector<32xbf16> -> vector<16xf32>
        %mul3A_769 = arith.mulf %unpack3A_767, %bitcast3A_728 : vector<16xf32>
        %swap3A_770 = arith.index_cast %scan3A_723 : i32 to index
        %swap3A_771 = arith.constant 64 : index
        %swap3A_772 = tpu.vector_load %arg7[%swap3A_770, %swap3A_771] {strides = array<i32>} : memref<128x128xf32, #tpu.memory_space<vmem>>, vector<16xf32>,
        tpu.vector_store %arg7[%swap3A_770, %swap3A_771], %mul3A_769 {strides = array<i32>} : memref<128x128xf32, #tpu.memory_space<vmem>>, vector<16xf32>,
        %mul3A_773 = arith.mulf %unpack3A_768, %bitcast3A_728 : vector<16xf32>
        %swap3A_774 = arith.index_cast %scan3A_723 : i32 to index
        %swap3A_775 = arith.constant 80 : index
        %swap3A_776 = tpu.vector_load %arg7[%swap3A_774, %swap3A_775] {strides = array<i32>} : memref<128x128xf32, #tpu.memory_space<vmem>>, vector<16xf32>,
        tpu.vector_store %arg7[%swap3A_774, %swap3A_775], %mul3A_773 {strides = array<i32>} : memref<128x128xf32, #tpu.memory_space<vmem>>, vector<16xf32>,
        %get3A_777 = arith.constant 1 : i32
        %get3A_778 = arith.index_cast %get3A_777 : i32 to index
        %get3A_779 = arith.index_cast %scan3A_723 : i32 to index
        %get3A_780 = arith.constant 48 : index
        %get3A_781 = tpu.vector_load %arg6[%get3A_778, %get3A_779, %get3A_780] {strides = array<i32>} : memref<4x128x64xi32, #tpu.memory_space<vmem>>, vector<16xi32>,
        %bitcast3A_782 = vector.bitcast %get3A_781 : vector<16xi32> to vector<32xbf16>
        %unpack3A_783 = tpu.unpack_subelements %bitcast3A_782, 0 {pack_format = #tpu.pack_format<interleaved>} : vector<32xbf16> -> vector<16xf32>
        %unpack3A_784 = tpu.unpack_subelements %bitcast3A_782, 1 {pack_format = #tpu.pack_format<interleaved>} : vector<32xbf16> -> vector<16xf32>
        %mul3A_785 = arith.mulf %unpack3A_783, %bitcast3A_728 : vector<16xf32>
        %swap3A_786 = arith.index_cast %scan3A_723 : i32 to index
        %swap3A_787 = arith.constant 96 : index
        %swap3A_788 = tpu.vector_load %arg7[%swap3A_786, %swap3A_787] {strides = array<i32>} : memref<128x128xf32, #tpu.memory_space<vmem>>, vector<16xf32>,
        tpu.vector_store %arg7[%swap3A_786, %swap3A_787], %mul3A_785 {strides = array<i32>} : memref<128x128xf32, #tpu.memory_space<vmem>>, vector<16xf32>,
        %mul3A_789 = arith.mulf %unpack3A_784, %bitcast3A_728 : vector<16xf32>
        %swap3A_790 = arith.index_cast %scan3A_723 : i32 to index
        %swap3A_791 = arith.constant 112 : index
        %swap3A_792 = tpu.vector_load %arg7[%swap3A_790, %swap3A_791] {strides = array<i32>} : memref<128x128xf32, #tpu.memory_space<vmem>>, vector<16xf32>,
        tpu.vector_store %arg7[%swap3A_790, %swap3A_791], %mul3A_789 {strides = array<i32>} : memref<128x128xf32, #tpu.memory_space<vmem>>, vector<16xf32>,
        %scan3A_793 = arith.constant 6 : i32
        %scan3A_794 = arith.addi %scan3A_373, %scan3A_793 : i32
        %broadcast_in_dim3A_795 = arith.constant 5 : i32
        %broadcast_in_dim3A_796 = vector.broadcast %broadcast_in_dim3A_795 : i32 to vector<16xi32>
        %broadcast_in_dim3A_797 = vector.broadcast %scan3A_794 : i32 to vector<16xi32>
        %gather3A_798 = tpu.vector_load_idx %arg5[%broadcast_in_dim3A_796, %broadcast_in_dim3A_797] : memref<12x128xi32, #tpu.memory_space<vmem>>[vector<16xi32>, vector<16xi32>], vector<16xi32>,
        %bitcast3A_799 = vector.bitcast %gather3A_798 : vector<16xi32> to vector<16xf32>
        %get3A_800 = arith.constant 1 : i32
        %get3A_801 = arith.index_cast %get3A_800 : i32 to index
        %get3A_802 = arith.index_cast %scan3A_794 : i32 to index
        %get3A_803 = arith.constant 0 : index
        %get3A_804 = tpu.vector_load %arg6[%get3A_801, %get3A_802, %get3A_803] {strides = array<i32>} : memref<4x128x64xi32, #tpu.memory_space<vmem>>, vector<16xi32>,
        %bitcast3A_805 = vector.bitcast %get3A_804 : vector<16xi32> to vector<32xbf16>
        %unpack3A_806 = tpu.unpack_subelements %bitcast3A_805, 0 {pack_format = #tpu.pack_format<interleaved>} : vector<32xbf16> -> vector<16xf32>
        %unpack3A_807 = tpu.unpack_subelements %bitcast3A_805, 1 {pack_format = #tpu.pack_format<interleaved>} : vector<32xbf16> -> vector<16xf32>
        %mul3A_808 = arith.mulf %unpack3A_806, %bitcast3A_799 : vector<16xf32>
        %swap3A_809 = arith.index_cast %scan3A_794 : i32 to index
        %swap3A_810 = arith.constant 0 : index
        %swap3A_811 = tpu.vector_load %arg7[%swap3A_809, %swap3A_810] {strides = array<i32>} : memref<128x128xf32, #tpu.memory_space<vmem>>, vector<16xf32>,
        tpu.vector_store %arg7[%swap3A_809, %swap3A_810], %mul3A_808 {strides = array<i32>} : memref<128x128xf32, #tpu.memory_space<vmem>>, vector<16xf32>,
        %mul3A_812 = arith.mulf %unpack3A_807, %bitcast3A_799 : vector<16xf32>
        %swap3A_813 = arith.index_cast %scan3A_794 : i32 to index
        %swap3A_814 = arith.constant 16 : index
        %swap3A_815 = tpu.vector_load %arg7[%swap3A_813, %swap3A_814] {strides = array<i32>} : memref<128x128xf32, #tpu.memory_space<vmem>>, vector<16xf32>,
        tpu.vector_store %arg7[%swap3A_813, %swap3A_814], %mul3A_812 {strides = array<i32>} : memref<128x128xf32, #tpu.memory_space<vmem>>, vector<16xf32>,
        %get3A_816 = arith.constant 1 : i32
        %get3A_817 = arith.index_cast %get3A_816 : i32 to index
        %get3A_818 = arith.index_cast %scan3A_794 : i32 to index
        %get3A_819 = arith.constant 16 : index
        %get3A_820 = tpu.vector_load %arg6[%get3A_817, %get3A_818, %get3A_819] {strides = array<i32>} : memref<4x128x64xi32, #tpu.memory_space<vmem>>, vector<16xi32>,
        %bitcast3A_821 = vector.bitcast %get3A_820 : vector<16xi32> to vector<32xbf16>
        %unpack3A_822 = tpu.unpack_subelements %bitcast3A_821, 0 {pack_format = #tpu.pack_format<interleaved>} : vector<32xbf16> -> vector<16xf32>
        %unpack3A_823 = tpu.unpack_subelements %bitcast3A_821, 1 {pack_format = #tpu.pack_format<interleaved>} : vector<32xbf16> -> vector<16xf32>
        %mul3A_824 = arith.mulf %unpack3A_822, %bitcast3A_799 : vector<16xf32>
        %swap3A_825 = arith.index_cast %scan3A_794 : i32 to index
        %swap3A_826 = arith.constant 32 : index
        %swap3A_827 = tpu.vector_load %arg7[%swap3A_825, %swap3A_826] {strides = array<i32>} : memref<128x128xf32, #tpu.memory_space<vmem>>, vector<16xf32>,
        tpu.vector_store %arg7[%swap3A_825, %swap3A_826], %mul3A_824 {strides = array<i32>} : memref<128x128xf32, #tpu.memory_space<vmem>>, vector<16xf32>,
        %mul3A_828 = arith.mulf %unpack3A_823, %bitcast3A_799 : vector<16xf32>
        %swap3A_829 = arith.index_cast %scan3A_794 : i32 to index
        %swap3A_830 = arith.constant 48 : index
        %swap3A_831 = tpu.vector_load %arg7[%swap3A_829, %swap3A_830] {strides = array<i32>} : memref<128x128xf32, #tpu.memory_space<vmem>>, vector<16xf32>,
        tpu.vector_store %arg7[%swap3A_829, %swap3A_830], %mul3A_828 {strides = array<i32>} : memref<128x128xf32, #tpu.memory_space<vmem>>, vector<16xf32>,
        %get3A_832 = arith.constant 1 : i32
        %get3A_833 = arith.index_cast %get3A_832 : i32 to index
        %get3A_834 = arith.index_cast %scan3A_794 : i32 to index
        %get3A_835 = arith.constant 32 : index
        %get3A_836 = tpu.vector_load %arg6[%get3A_833, %get3A_834, %get3A_835] {strides = array<i32>} : memref<4x128x64xi32, #tpu.memory_space<vmem>>, vector<16xi32>,
        %bitcast3A_837 = vector.bitcast %get3A_836 : vector<16xi32> to vector<32xbf16>
        %unpack3A_838 = tpu.unpack_subelements %bitcast3A_837, 0 {pack_format = #tpu.pack_format<interleaved>} : vector<32xbf16> -> vector<16xf32>
        %unpack3A_839 = tpu.unpack_subelements %bitcast3A_837, 1 {pack_format = #tpu.pack_format<interleaved>} : vector<32xbf16> -> vector<16xf32>
        %mul3A_840 = arith.mulf %unpack3A_838, %bitcast3A_799 : vector<16xf32>
        %swap3A_841 = arith.index_cast %scan3A_794 : i32 to index
        %swap3A_842 = arith.constant 64 : index
        %swap3A_843 = tpu.vector_load %arg7[%swap3A_841, %swap3A_842] {strides = array<i32>} : memref<128x128xf32, #tpu.memory_space<vmem>>, vector<16xf32>,
        tpu.vector_store %arg7[%swap3A_841, %swap3A_842], %mul3A_840 {strides = array<i32>} : memref<128x128xf32, #tpu.memory_space<vmem>>, vector<16xf32>,
        %mul3A_844 = arith.mulf %unpack3A_839, %bitcast3A_799 : vector<16xf32>
        %swap3A_845 = arith.index_cast %scan3A_794 : i32 to index
        %swap3A_846 = arith.constant 80 : index
        %swap3A_847 = tpu.vector_load %arg7[%swap3A_845, %swap3A_846] {strides = array<i32>} : memref<128x128xf32, #tpu.memory_space<vmem>>, vector<16xf32>,
        tpu.vector_store %arg7[%swap3A_845, %swap3A_846], %mul3A_844 {strides = array<i32>} : memref<128x128xf32, #tpu.memory_space<vmem>>, vector<16xf32>,
        %get3A_848 = arith.constant 1 : i32
        %get3A_849 = arith.index_cast %get3A_848 : i32 to index
        %get3A_850 = arith.index_cast %scan3A_794 : i32 to index
        %get3A_851 = arith.constant 48 : index
        %get3A_852 = tpu.vector_load %arg6[%get3A_849, %get3A_850, %get3A_851] {strides = array<i32>} : memref<4x128x64xi32, #tpu.memory_space<vmem>>, vector<16xi32>,
        %bitcast3A_853 = vector.bitcast %get3A_852 : vector<16xi32> to vector<32xbf16>
        %unpack3A_854 = tpu.unpack_subelements %bitcast3A_853, 0 {pack_format = #tpu.pack_format<interleaved>} : vector<32xbf16> -> vector<16xf32>
        %unpack3A_855 = tpu.unpack_subelements %bitcast3A_853, 1 {pack_format = #tpu.pack_format<interleaved>} : vector<32xbf16> -> vector<16xf32>
        %mul3A_856 = arith.mulf %unpack3A_854, %bitcast3A_799 : vector<16xf32>
        %swap3A_857 = arith.index_cast %scan3A_794 : i32 to index
        %swap3A_858 = arith.constant 96 : index
        %swap3A_859 = tpu.vector_load %arg7[%swap3A_857, %swap3A_858] {strides = array<i32>} : memref<128x128xf32, #tpu.memory_space<vmem>>, vector<16xf32>,
        tpu.vector_store %arg7[%swap3A_857, %swap3A_858], %mul3A_856 {strides = array<i32>} : memref<128x128xf32, #tpu.memory_space<vmem>>, vector<16xf32>,
        %mul3A_860 = arith.mulf %unpack3A_855, %bitcast3A_799 : vector<16xf32>
        %swap3A_861 = arith.index_cast %scan3A_794 : i32 to index
        %swap3A_862 = arith.constant 112 : index
        %swap3A_863 = tpu.vector_load %arg7[%swap3A_861, %swap3A_862] {strides = array<i32>} : memref<128x128xf32, #tpu.memory_space<vmem>>, vector<16xf32>,
        tpu.vector_store %arg7[%swap3A_861, %swap3A_862], %mul3A_860 {strides = array<i32>} : memref<128x128xf32, #tpu.memory_space<vmem>>, vector<16xf32>,
        %scan3A_864 = arith.constant 7 : i32
        %scan3A_865 = arith.addi %scan3A_373, %scan3A_864 : i32
        %broadcast_in_dim3A_866 = arith.constant 5 : i32
        %broadcast_in_dim3A_867 = vector.broadcast %broadcast_in_dim3A_866 : i32 to vector<16xi32>
        %broadcast_in_dim3A_868 = vector.broadcast %scan3A_865 : i32 to vector<16xi32>
        %gather3A_869 = tpu.vector_load_idx %arg5[%broadcast_in_dim3A_867, %broadcast_in_dim3A_868] : memref<12x128xi32, #tpu.memory_space<vmem>>[vector<16xi32>, vector<16xi32>], vector<16xi32>,
        %bitcast3A_870 = vector.bitcast %gather3A_869 : vector<16xi32> to vector<16xf32>
        %get3A_871 = arith.constant 1 : i32
        %get3A_872 = arith.index_cast %get3A_871 : i32 to index
        %get3A_873 = arith.index_cast %scan3A_865 : i32 to index
        %get3A_874 = arith.constant 0 : index
        %get3A_875 = tpu.vector_load %arg6[%get3A_872, %get3A_873, %get3A_874] {strides = array<i32>} : memref<4x128x64xi32, #tpu.memory_space<vmem>>, vector<16xi32>,
        %bitcast3A_876 = vector.bitcast %get3A_875 : vector<16xi32> to vector<32xbf16>
        %unpack3A_877 = tpu.unpack_subelements %bitcast3A_876, 0 {pack_format = #tpu.pack_format<interleaved>} : vector<32xbf16> -> vector<16xf32>
        %unpack3A_878 = tpu.unpack_subelements %bitcast3A_876, 1 {pack_format = #tpu.pack_format<interleaved>} : vector<32xbf16> -> vector<16xf32>
        %mul3A_879 = arith.mulf %unpack3A_877, %bitcast3A_870 : vector<16xf32>
        %swap3A_880 = arith.index_cast %scan3A_865 : i32 to index
        %swap3A_881 = arith.constant 0 : index
        %swap3A_882 = tpu.vector_load %arg7[%swap3A_880, %swap3A_881] {strides = array<i32>} : memref<128x128xf32, #tpu.memory_space<vmem>>, vector<16xf32>,
        tpu.vector_store %arg7[%swap3A_880, %swap3A_881], %mul3A_879 {strides = array<i32>} : memref<128x128xf32, #tpu.memory_space<vmem>>, vector<16xf32>,
        %mul3A_883 = arith.mulf %unpack3A_878, %bitcast3A_870 : vector<16xf32>
        %swap3A_884 = arith.index_cast %scan3A_865 : i32 to index
        %swap3A_885 = arith.constant 16 : index
        %swap3A_886 = tpu.vector_load %arg7[%swap3A_884, %swap3A_885] {strides = array<i32>} : memref<128x128xf32, #tpu.memory_space<vmem>>, vector<16xf32>,
        tpu.vector_store %arg7[%swap3A_884, %swap3A_885], %mul3A_883 {strides = array<i32>} : memref<128x128xf32, #tpu.memory_space<vmem>>, vector<16xf32>,
        %get3A_887 = arith.constant 1 : i32
        %get3A_888 = arith.index_cast %get3A_887 : i32 to index
        %get3A_889 = arith.index_cast %scan3A_865 : i32 to index
        %get3A_890 = arith.constant 16 : index
        %get3A_891 = tpu.vector_load %arg6[%get3A_888, %get3A_889, %get3A_890] {strides = array<i32>} : memref<4x128x64xi32, #tpu.memory_space<vmem>>, vector<16xi32>,
        %bitcast3A_892 = vector.bitcast %get3A_891 : vector<16xi32> to vector<32xbf16>
        %unpack3A_893 = tpu.unpack_subelements %bitcast3A_892, 0 {pack_format = #tpu.pack_format<interleaved>} : vector<32xbf16> -> vector<16xf32>
        %unpack3A_894 = tpu.unpack_subelements %bitcast3A_892, 1 {pack_format = #tpu.pack_format<interleaved>} : vector<32xbf16> -> vector<16xf32>
        %mul3A_895 = arith.mulf %unpack3A_893, %bitcast3A_870 : vector<16xf32>
        %swap3A_896 = arith.index_cast %scan3A_865 : i32 to index
        %swap3A_897 = arith.constant 32 : index
        %swap3A_898 = tpu.vector_load %arg7[%swap3A_896, %swap3A_897] {strides = array<i32>} : memref<128x128xf32, #tpu.memory_space<vmem>>, vector<16xf32>,
        tpu.vector_store %arg7[%swap3A_896, %swap3A_897], %mul3A_895 {strides = array<i32>} : memref<128x128xf32, #tpu.memory_space<vmem>>, vector<16xf32>,
        %mul3A_899 = arith.mulf %unpack3A_894, %bitcast3A_870 : vector<16xf32>
        %swap3A_900 = arith.index_cast %scan3A_865 : i32 to index
        %swap3A_901 = arith.constant 48 : index
        %swap3A_902 = tpu.vector_load %arg7[%swap3A_900, %swap3A_901] {strides = array<i32>} : memref<128x128xf32, #tpu.memory_space<vmem>>, vector<16xf32>,
        tpu.vector_store %arg7[%swap3A_900, %swap3A_901], %mul3A_899 {strides = array<i32>} : memref<128x128xf32, #tpu.memory_space<vmem>>, vector<16xf32>,
        %get3A_903 = arith.constant 1 : i32
        %get3A_904 = arith.index_cast %get3A_903 : i32 to index
        %get3A_905 = arith.index_cast %scan3A_865 : i32 to index
        %get3A_906 = arith.constant 32 : index
        %get3A_907 = tpu.vector_load %arg6[%get3A_904, %get3A_905, %get3A_906] {strides = array<i32>} : memref<4x128x64xi32, #tpu.memory_space<vmem>>, vector<16xi32>,
        %bitcast3A_908 = vector.bitcast %get3A_907 : vector<16xi32> to vector<32xbf16>
        %unpack3A_909 = tpu.unpack_subelements %bitcast3A_908, 0 {pack_format = #tpu.pack_format<interleaved>} : vector<32xbf16> -> vector<16xf32>
        %unpack3A_910 = tpu.unpack_subelements %bitcast3A_908, 1 {pack_format = #tpu.pack_format<interleaved>} : vector<32xbf16> -> vector<16xf32>
        %mul3A_911 = arith.mulf %unpack3A_909, %bitcast3A_870 : vector<16xf32>
        %swap3A_912 = arith.index_cast %scan3A_865 : i32 to index
        %swap3A_913 = arith.constant 64 : index
        %swap3A_914 = tpu.vector_load %arg7[%swap3A_912, %swap3A_913] {strides = array<i32>} : memref<128x128xf32, #tpu.memory_space<vmem>>, vector<16xf32>,
        tpu.vector_store %arg7[%swap3A_912, %swap3A_913], %mul3A_911 {strides = array<i32>} : memref<128x128xf32, #tpu.memory_space<vmem>>, vector<16xf32>,
        %mul3A_915 = arith.mulf %unpack3A_910, %bitcast3A_870 : vector<16xf32>
        %swap3A_916 = arith.index_cast %scan3A_865 : i32 to index
        %swap3A_917 = arith.constant 80 : index
        %swap3A_918 = tpu.vector_load %arg7[%swap3A_916, %swap3A_917] {strides = array<i32>} : memref<128x128xf32, #tpu.memory_space<vmem>>, vector<16xf32>,
        tpu.vector_store %arg7[%swap3A_916, %swap3A_917], %mul3A_915 {strides = array<i32>} : memref<128x128xf32, #tpu.memory_space<vmem>>, vector<16xf32>,
        %get3A_919 = arith.constant 1 : i32
        %get3A_920 = arith.index_cast %get3A_919 : i32 to index
        %get3A_921 = arith.index_cast %scan3A_865 : i32 to index
        %get3A_922 = arith.constant 48 : index
        %get3A_923 = tpu.vector_load %arg6[%get3A_920, %get3A_921, %get3A_922] {strides = array<i32>} : memref<4x128x64xi32, #tpu.memory_space<vmem>>, vector<16xi32>,
        %bitcast3A_924 = vector.bitcast %get3A_923 : vector<16xi32> to vector<32xbf16>
        %unpack3A_925 = tpu.unpack_subelements %bitcast3A_924, 0 {pack_format = #tpu.pack_format<interleaved>} : vector<32xbf16> -> vector<16xf32>
        %unpack3A_926 = tpu.unpack_subelements %bitcast3A_924, 1 {pack_format = #tpu.pack_format<interleaved>} : vector<32xbf16> -> vector<16xf32>
        %mul3A_927 = arith.mulf %unpack3A_925, %bitcast3A_870 : vector<16xf32>
        %swap3A_928 = arith.index_cast %scan3A_865 : i32 to index
        %swap3A_929 = arith.constant 96 : index
        %swap3A_930 = tpu.vector_load %arg7[%swap3A_928, %swap3A_929] {strides = array<i32>} : memref<128x128xf32, #tpu.memory_space<vmem>>, vector<16xf32>,
        tpu.vector_store %arg7[%swap3A_928, %swap3A_929], %mul3A_927 {strides = array<i32>} : memref<128x128xf32, #tpu.memory_space<vmem>>, vector<16xf32>,
        %mul3A_931 = arith.mulf %unpack3A_926, %bitcast3A_870 : vector<16xf32>
        %swap3A_932 = arith.index_cast %scan3A_865 : i32 to index
        %swap3A_933 = arith.constant 112 : index
        %swap3A_934 = tpu.vector_load %arg7[%swap3A_932, %swap3A_933] {strides = array<i32>} : memref<128x128xf32, #tpu.memory_space<vmem>>, vector<16xf32>,
        tpu.vector_store %arg7[%swap3A_932, %swap3A_933], %mul3A_931 {strides = array<i32>} : memref<128x128xf32, #tpu.memory_space<vmem>>, vector<16xf32>,
      }
      %scan3A_279 = arith.constant 128 : i32
      %run_scoped3A_280 = arith.constant 4 : i32
      "tpu.region"() ({
        %run_scoped3A_373 = tpu.sem_alloc : memref<!tpu.dma_semaphore, #tpu.memory_space<semaphore_mem>>
        %dma_start3A_374 = arith.constant 0 : i32
        %dma_start3A_375 = tpu.memref_slice %arg5[%run_scoped3A_280, %dma_start3A_374] : memref<12x128xi32, #tpu.memory_space<vmem>> -> memref<1x128xi32, #tpu.memory_space<vmem>>
        %dma_start3A_376 = tpu.memref_squeeze %dma_start3A_375 : memref<1x128xi32, #tpu.memory_space<vmem>> -> memref<128xi32, #tpu.memory_space<vmem>>
        %dma_start3A_377 = arith.constant 0 : i32
        %dma_start3A_378 = arith.constant 0 : i32
        %dma_start3A_379 = tpu.memref_slice %arg8[%dma_start3A_377, %dma_start3A_378] : memref<10000x128xf32, #tpu.memory_space<vmem_shared>> -> memref<10000x128xf32, #tpu.memory_space<vmem_shared>>
        tpu.enqueue_indirect_dma source(%arg7 : memref<128x128xf32, #tpu.memory_space<vmem>>) target(%dma_start3A_379 : memref<10000x128xf32, #tpu.memory_space<vmem_shared>>) offsets(%dma_start3A_376 : memref<128xi32, #tpu.memory_space<vmem>>) semaphore(%run_scoped3A_373 : memref<!tpu.dma_semaphore, #tpu.memory_space<semaphore_mem>>) {add = true}
        %dma_wait3A_380 = arith.constant 0 : i32
        %dma_wait3A_381 = tpu.memref_slice %arg5[%run_scoped3A_280, %dma_wait3A_380] : memref<12x128xi32, #tpu.memory_space<vmem>> -> memref<1x128xi32, #tpu.memory_space<vmem>>
        %dma_wait3A_382 = tpu.memref_squeeze %dma_wait3A_381 : memref<1x128xi32, #tpu.memory_space<vmem>> -> memref<128xi32, #tpu.memory_space<vmem>>
        %dma_wait3A_383 = arith.constant 0 : i32
        %dma_wait3A_384 = arith.constant 0 : i32
        %dma_wait3A_385 = tpu.memref_slice %arg8[%dma_wait3A_383, %dma_wait3A_384] : memref<10000x128xf32, #tpu.memory_space<vmem_shared>> -> memref<10000x128xf32, #tpu.memory_space<vmem_shared>>
        tpu.wait_indirect_dma semaphore(%run_scoped3A_373 : memref<!tpu.dma_semaphore, #tpu.memory_space<semaphore_mem>>) src(%arg7 : memref<128x128xf32, #tpu.memory_space<vmem>>) dst(%dma_wait3A_385 : memref<10000x128xf32, #tpu.memory_space<vmem_shared>>)
        tpu.yield
      }) : () -> ()
      %add3A_281 = arith.constant 4 : i32
      %add3A_282 = arith.addi %add3A_259, %add3A_281 : i32
      %lt3A_283 = arith.constant 80 : i32
      %lt3A_284 = arith.cmpi slt, %add3A_282, %lt3A_283 : i32
      %convert_element_type3A_285 = arith.extui %lt3A_284 : i1 to i32
      %cond3A_286 = arith.constant 0 : i32
      %cond3A_287 = arith.cmpi ne, %convert_element_type3A_285, %cond3A_286 : i32
      scf.if %cond3A_287 {
        %add3A_373 = arith.constant 4 : i32
        %add3A_374 = arith.addi %add3A_259, %add3A_373 : i32
        %add3A_375 = arith.addi %mul3A_2, %add3A_374 : i32
        %dma_start3A_376 = arith.constant 1 : i32
        %dma_start3A_377 = arith.constant 3 : i32
        %dma_start3A_378 = arith.constant 0 : i32
        %dma_start3A_379 = tpu.memref_slice %arg5[%dma_start3A_377, %dma_start3A_378] : memref<12x128xi32, #tpu.memory_space<vmem>> -> memref<3x128xi32, #tpu.memory_space<vmem>>
        %dma_start3A_380 = arith.constant 0 : i32
        %dma_start3A_381 = arith.constant 0 : i32
        %dma_start3A_382 = tpu.memref_slice %arg3[%add3A_375, %dma_start3A_380, %dma_start3A_381] : memref<2560x3x128xi32, #tpu.memory_space<hbm>> -> memref<1x3x128xi32, #tpu.memory_space<hbm>>
        %dma_start3A_383 = tpu.memref_squeeze %dma_start3A_382 : memref<1x3x128xi32, #tpu.memory_space<hbm>> -> memref<3x128xi32, #tpu.memory_space<hbm>>
        %dma_start3A_384 = tpu.memref_slice %arg10[%dma_start3A_376] : memref<4x!tpu.dma_semaphore, #tpu.memory_space<semaphore_mem>> -> memref<1x!tpu.dma_semaphore, #tpu.memory_space<semaphore_mem>>
        %dma_start3A_385 = tpu.memref_squeeze %dma_start3A_384 : memref<1x!tpu.dma_semaphore, #tpu.memory_space<semaphore_mem>> -> memref<!tpu.dma_semaphore, #tpu.memory_space<semaphore_mem>>
        %dma_start3A_386 = arith.constant 3 : i32
        %dma_start3A_387 = arith.constant 0 : i32
        %dma_start3A_388 = tpu.memref_slice %arg5[%dma_start3A_386, %dma_start3A_387] : memref<12x128xi32, #tpu.memory_space<vmem>> -> memref<3x128xi32, #tpu.memory_space<vmem>>
        %dma_start3A_389 = arith.constant 0 : i32
        %dma_start3A_390 = arith.constant 0 : i32
        %dma_start3A_391 = tpu.memref_slice %arg3[%add3A_375, %dma_start3A_389, %dma_start3A_390] : memref<2560x3x128xi32, #tpu.memory_space<hbm>> -> memref<1x3x128xi32, #tpu.memory_space<hbm>>
        %dma_start3A_392 = tpu.memref_squeeze %dma_start3A_391 : memref<1x3x128xi32, #tpu.memory_space<hbm>> -> memref<3x128xi32, #tpu.memory_space<hbm>>
        tpu.enqueue_dma source(%dma_start3A_392 : memref<3x128xi32, #tpu.memory_space<hbm>>) target(%dma_start3A_388 : memref<3x128xi32, #tpu.memory_space<vmem>>) target_semaphore(%dma_start3A_385 : memref<!tpu.dma_semaphore, #tpu.memory_space<semaphore_mem>>)
      } else {
      }
      %add3A_288 = arith.constant 3 : i32
      %add3A_289 = arith.addi %add3A_259, %add3A_288 : i32
      %lt3A_290 = arith.constant 80 : i32
      %lt3A_291 = arith.cmpi slt, %add3A_289, %lt3A_290 : i32
      %convert_element_type3A_292 = arith.extui %lt3A_291 : i1 to i32
      %cond3A_293 = arith.constant 0 : i32
      %cond3A_294 = arith.cmpi ne, %convert_element_type3A_292, %cond3A_293 : i32
      scf.if %cond3A_294 {
        %add3A_373 = arith.constant 3 : i32
        %add3A_374 = arith.addi %add3A_259, %add3A_373 : i32
        %add3A_375 = arith.addi %mul3A_2, %add3A_374 : i32
        %dma_wait3A_376 = arith.constant 0 : i32
        %dma_wait3A_377 = arith.constant 0 : i32
        %dma_wait3A_378 = arith.constant 0 : i32
        %dma_wait3A_379 = tpu.memref_slice %arg5[%dma_wait3A_377, %dma_wait3A_378] : memref<12x128xi32, #tpu.memory_space<vmem>> -> memref<3x128xi32, #tpu.memory_space<vmem>>
        %dma_wait3A_380 = arith.constant 0 : i32
        %dma_wait3A_381 = arith.constant 0 : i32
        %dma_wait3A_382 = tpu.memref_slice %arg3[%add3A_375, %dma_wait3A_380, %dma_wait3A_381] : memref<2560x3x128xi32, #tpu.memory_space<hbm>> -> memref<1x3x128xi32, #tpu.memory_space<hbm>>
        %dma_wait3A_383 = tpu.memref_squeeze %dma_wait3A_382 : memref<1x3x128xi32, #tpu.memory_space<hbm>> -> memref<3x128xi32, #tpu.memory_space<hbm>>
        %dma_wait3A_384 = tpu.memref_slice %arg10[%dma_wait3A_376] : memref<4x!tpu.dma_semaphore, #tpu.memory_space<semaphore_mem>> -> memref<1x!tpu.dma_semaphore, #tpu.memory_space<semaphore_mem>>
        %dma_wait3A_385 = tpu.memref_squeeze %dma_wait3A_384 : memref<1x!tpu.dma_semaphore, #tpu.memory_space<semaphore_mem>> -> memref<!tpu.dma_semaphore, #tpu.memory_space<semaphore_mem>>
        %dma_wait3A_386 = arith.constant 0 : i32
        %dma_wait3A_387 = arith.constant 0 : i32
        %dma_wait3A_388 = tpu.memref_slice %arg5[%dma_wait3A_386, %dma_wait3A_387] : memref<12x128xi32, #tpu.memory_space<vmem>> -> memref<3x128xi32, #tpu.memory_space<vmem>>
        %dma_wait3A_389 = arith.constant 0 : i32
        %dma_wait3A_390 = arith.constant 0 : i32
        %dma_wait3A_391 = tpu.memref_slice %arg3[%add3A_375, %dma_wait3A_389, %dma_wait3A_390] : memref<2560x3x128xi32, #tpu.memory_space<hbm>> -> memref<1x3x128xi32, #tpu.memory_space<hbm>>
        %dma_wait3A_392 = tpu.memref_squeeze %dma_wait3A_391 : memref<1x3x128xi32, #tpu.memory_space<hbm>> -> memref<3x128xi32, #tpu.memory_space<hbm>>
        tpu.wait_dma2 semaphore(%dma_wait3A_385 : memref<!tpu.dma_semaphore, #tpu.memory_space<semaphore_mem>>) src(%dma_wait3A_392 : memref<3x128xi32, #tpu.memory_space<hbm>>) dst(%dma_wait3A_388 : memref<3x128xi32, #tpu.memory_space<vmem>>)
        %dma_start3A_393 = arith.constant 0 : i32
        %dma_start3A_394 = arith.constant 0 : i32
        %dma_start3A_395 = arith.constant 0 : i32
        %dma_start3A_396 = arith.constant 0 : i32
        %dma_start3A_397 = arith.constant 0 : i32
        %dma_start3A_398 = tpu.memref_slice %arg6[%dma_start3A_394, %dma_start3A_396, %dma_start3A_397] : memref<4x128x64xi32, #tpu.memory_space<vmem>> -> memref<1x128x64xi32, #tpu.memory_space<vmem>>
        %dma_start3A_399 = tpu.memref_squeeze %dma_start3A_398 : memref<1x128x64xi32, #tpu.memory_space<vmem>> -> memref<128x64xi32, #tpu.memory_space<vmem>>
        %dma_start3A_400 = arith.constant 0 : i32
        %dma_start3A_401 = tpu.memref_slice %arg5[%dma_start3A_393, %dma_start3A_400] : memref<12x128xi32, #tpu.memory_space<vmem>> -> memref<1x128xi32, #tpu.memory_space<vmem>>
        %dma_start3A_402 = tpu.memref_squeeze %dma_start3A_401 : memref<1x128xi32, #tpu.memory_space<vmem>> -> memref<128xi32, #tpu.memory_space<vmem>>
        %dma_start3A_403 = arith.constant 0 : i32
        %dma_start3A_404 = arith.constant 0 : i32
        %dma_start3A_405 = tpu.memref_slice %arg2[%dma_start3A_403, %dma_start3A_404] : memref<10000x64xi32, #tpu.memory_space<hbm>> -> memref<10000x64xi32, #tpu.memory_space<hbm>>
        %dma_start3A_406 = tpu.memref_slice %arg9[%dma_start3A_395] : memref<4x!tpu.dma_semaphore, #tpu.memory_space<semaphore_mem>> -> memref<1x!tpu.dma_semaphore, #tpu.memory_space<semaphore_mem>>
        %dma_start3A_407 = tpu.memref_squeeze %dma_start3A_406 : memref<1x!tpu.dma_semaphore, #tpu.memory_space<semaphore_mem>> -> memref<!tpu.dma_semaphore, #tpu.memory_space<semaphore_mem>>
        tpu.enqueue_indirect_dma source(%dma_start3A_405 : memref<10000x64xi32, #tpu.memory_space<hbm>>) target(%dma_start3A_399 : memref<128x64xi32, #tpu.memory_space<vmem>>) offsets(%dma_start3A_402 : memref<128xi32, #tpu.memory_space<vmem>>) semaphore(%dma_start3A_407 : memref<!tpu.dma_semaphore, #tpu.memory_space<semaphore_mem>>)
      } else {
      }
      %mul3A_295 = arith.constant 4 : i32
      %mul3A_296 = arith.muli %scan3A_217, %mul3A_295 : i32
      %add3A_297 = arith.constant 2 : i32
      %add3A_298 = arith.addi %mul3A_296, %add3A_297 : i32
      %dma_wait3A_299 = arith.constant 6 : i32
      %dma_wait3A_300 = arith.constant 2 : i32
      %dma_wait3A_301 = arith.constant 2 : i32
      %dma_wait3A_302 = arith.constant 0 : i32
      %dma_wait3A_303 = arith.constant 0 : i32
      %dma_wait3A_304 = tpu.memref_slice %arg6[%dma_wait3A_300, %dma_wait3A_302, %dma_wait3A_303] : memref<4x128x64xi32, #tpu.memory_space<vmem>> -> memref<1x128x64xi32, #tpu.memory_space<vmem>>
      %dma_wait3A_305 = tpu.memref_squeeze %dma_wait3A_304 : memref<1x128x64xi32, #tpu.memory_space<vmem>> -> memref<128x64xi32, #tpu.memory_space<vmem>>
      %dma_wait3A_306 = arith.constant 0 : i32
      %dma_wait3A_307 = tpu.memref_slice %arg5[%dma_wait3A_299, %dma_wait3A_306] : memref<12x128xi32, #tpu.memory_space<vmem>> -> memref<1x128xi32, #tpu.memory_space<vmem>>
      %dma_wait3A_308 = tpu.memref_squeeze %dma_wait3A_307 : memref<1x128xi32, #tpu.memory_space<vmem>> -> memref<128xi32, #tpu.memory_space<vmem>>
      %dma_wait3A_309 = arith.constant 0 : i32
      %dma_wait3A_310 = arith.constant 0 : i32
      %dma_wait3A_311 = tpu.memref_slice %arg2[%dma_wait3A_309, %dma_wait3A_310] : memref<10000x64xi32, #tpu.memory_space<hbm>> -> memref<10000x64xi32, #tpu.memory_space<hbm>>
      %dma_wait3A_312 = tpu.memref_slice %arg9[%dma_wait3A_301] : memref<4x!tpu.dma_semaphore, #tpu.memory_space<semaphore_mem>> -> memref<1x!tpu.dma_semaphore, #tpu.memory_space<semaphore_mem>>
      %dma_wait3A_313 = tpu.memref_squeeze %dma_wait3A_312 : memref<1x!tpu.dma_semaphore, #tpu.memory_space<semaphore_mem>> -> memref<!tpu.dma_semaphore, #tpu.memory_space<semaphore_mem>>
      tpu.wait_indirect_dma semaphore(%dma_wait3A_313 : memref<!tpu.dma_semaphore, #tpu.memory_space<semaphore_mem>>) src(%dma_wait3A_311 : memref<10000x64xi32, #tpu.memory_space<hbm>>) dst(%dma_wait3A_305 : memref<128x64xi32, #tpu.memory_space<vmem>>)
      %scan3A_314 = arith.constant 0 : i32
      %scan3A_315 = arith.constant 128 : i32
      %scan3A_316 = arith.addi %scan3A_314, %scan3A_315 : i32
      %scan3A_317 = arith.constant 8 : i32
      scf.for %scan3A_373 = %scan3A_314 to %scan3A_316 step %scan3A_317  : i32 {
        %broadcast_in_dim3A_374 = arith.constant 8 : i32
        %broadcast_in_dim3A_375 = vector.broadcast %broadcast_in_dim3A_374 : i32 to vector<16xi32>
        %broadcast_in_dim3A_376 = vector.broadcast %scan3A_373 : i32 to vector<16xi32>
        %gather3A = tpu.vector_load_idx %arg5[%broadcast_in_dim3A_375, %broadcast_in_dim3A_376] : memref<12x128xi32, #tpu.memory_space<vmem>>[vector<16xi32>, vector<16xi32>], vector<16xi32>,
        %bitcast3A = vector.bitcast %gather3A : vector<16xi32> to vector<16xf32>
        %get3A = arith.constant 2 : i32
        %get3A_377 = arith.index_cast %get3A : i32 to index
        %get3A_378 = arith.index_cast %scan3A_373 : i32 to index
        %get3A_379 = arith.constant 0 : index
        %get3A_380 = tpu.vector_load %arg6[%get3A_377, %get3A_378, %get3A_379] {strides = array<i32>} : memref<4x128x64xi32, #tpu.memory_space<vmem>>, vector<16xi32>,
        %bitcast3A_381 = vector.bitcast %get3A_380 : vector<16xi32> to vector<32xbf16>
        %unpack3A = tpu.unpack_subelements %bitcast3A_381, 0 {pack_format = #tpu.pack_format<interleaved>} : vector<32xbf16> -> vector<16xf32>
        %unpack3A_382 = tpu.unpack_subelements %bitcast3A_381, 1 {pack_format = #tpu.pack_format<interleaved>} : vector<32xbf16> -> vector<16xf32>
        %mul3A_383 = arith.mulf %unpack3A, %bitcast3A : vector<16xf32>
        %swap3A = arith.index_cast %scan3A_373 : i32 to index
        %swap3A_384 = arith.constant 0 : index
        %swap3A_385 = tpu.vector_load %arg7[%swap3A, %swap3A_384] {strides = array<i32>} : memref<128x128xf32, #tpu.memory_space<vmem>>, vector<16xf32>,
        tpu.vector_store %arg7[%swap3A, %swap3A_384], %mul3A_383 {strides = array<i32>} : memref<128x128xf32, #tpu.memory_space<vmem>>, vector<16xf32>,
        %mul3A_386 = arith.mulf %unpack3A_382, %bitcast3A : vector<16xf32>
        %swap3A_387 = arith.index_cast %scan3A_373 : i32 to index
        %swap3A_388 = arith.constant 16 : index
        %swap3A_389 = tpu.vector_load %arg7[%swap3A_387, %swap3A_388] {strides = array<i32>} : memref<128x128xf32, #tpu.memory_space<vmem>>, vector<16xf32>,
        tpu.vector_store %arg7[%swap3A_387, %swap3A_388], %mul3A_386 {strides = array<i32>} : memref<128x128xf32, #tpu.memory_space<vmem>>, vector<16xf32>,
        %get3A_390 = arith.constant 2 : i32
        %get3A_391 = arith.index_cast %get3A_390 : i32 to index
        %get3A_392 = arith.index_cast %scan3A_373 : i32 to index
        %get3A_393 = arith.constant 16 : index
        %get3A_394 = tpu.vector_load %arg6[%get3A_391, %get3A_392, %get3A_393] {strides = array<i32>} : memref<4x128x64xi32, #tpu.memory_space<vmem>>, vector<16xi32>,
        %bitcast3A_395 = vector.bitcast %get3A_394 : vector<16xi32> to vector<32xbf16>
        %unpack3A_396 = tpu.unpack_subelements %bitcast3A_395, 0 {pack_format = #tpu.pack_format<interleaved>} : vector<32xbf16> -> vector<16xf32>
        %unpack3A_397 = tpu.unpack_subelements %bitcast3A_395, 1 {pack_format = #tpu.pack_format<interleaved>} : vector<32xbf16> -> vector<16xf32>
        %mul3A_398 = arith.mulf %unpack3A_396, %bitcast3A : vector<16xf32>
        %swap3A_399 = arith.index_cast %scan3A_373 : i32 to index
        %swap3A_400 = arith.constant 32 : index
        %swap3A_401 = tpu.vector_load %arg7[%swap3A_399, %swap3A_400] {strides = array<i32>} : memref<128x128xf32, #tpu.memory_space<vmem>>, vector<16xf32>,
        tpu.vector_store %arg7[%swap3A_399, %swap3A_400], %mul3A_398 {strides = array<i32>} : memref<128x128xf32, #tpu.memory_space<vmem>>, vector<16xf32>,
        %mul3A_402 = arith.mulf %unpack3A_397, %bitcast3A : vector<16xf32>
        %swap3A_403 = arith.index_cast %scan3A_373 : i32 to index
        %swap3A_404 = arith.constant 48 : index
        %swap3A_405 = tpu.vector_load %arg7[%swap3A_403, %swap3A_404] {strides = array<i32>} : memref<128x128xf32, #tpu.memory_space<vmem>>, vector<16xf32>,
        tpu.vector_store %arg7[%swap3A_403, %swap3A_404], %mul3A_402 {strides = array<i32>} : memref<128x128xf32, #tpu.memory_space<vmem>>, vector<16xf32>,
        %get3A_406 = arith.constant 2 : i32
        %get3A_407 = arith.index_cast %get3A_406 : i32 to index
        %get3A_408 = arith.index_cast %scan3A_373 : i32 to index
        %get3A_409 = arith.constant 32 : index
        %get3A_410 = tpu.vector_load %arg6[%get3A_407, %get3A_408, %get3A_409] {strides = array<i32>} : memref<4x128x64xi32, #tpu.memory_space<vmem>>, vector<16xi32>,
        %bitcast3A_411 = vector.bitcast %get3A_410 : vector<16xi32> to vector<32xbf16>
        %unpack3A_412 = tpu.unpack_subelements %bitcast3A_411, 0 {pack_format = #tpu.pack_format<interleaved>} : vector<32xbf16> -> vector<16xf32>
        %unpack3A_413 = tpu.unpack_subelements %bitcast3A_411, 1 {pack_format = #tpu.pack_format<interleaved>} : vector<32xbf16> -> vector<16xf32>
        %mul3A_414 = arith.mulf %unpack3A_412, %bitcast3A : vector<16xf32>
        %swap3A_415 = arith.index_cast %scan3A_373 : i32 to index
        %swap3A_416 = arith.constant 64 : index
        %swap3A_417 = tpu.vector_load %arg7[%swap3A_415, %swap3A_416] {strides = array<i32>} : memref<128x128xf32, #tpu.memory_space<vmem>>, vector<16xf32>,
        tpu.vector_store %arg7[%swap3A_415, %swap3A_416], %mul3A_414 {strides = array<i32>} : memref<128x128xf32, #tpu.memory_space<vmem>>, vector<16xf32>,
        %mul3A_418 = arith.mulf %unpack3A_413, %bitcast3A : vector<16xf32>
        %swap3A_419 = arith.index_cast %scan3A_373 : i32 to index
        %swap3A_420 = arith.constant 80 : index
        %swap3A_421 = tpu.vector_load %arg7[%swap3A_419, %swap3A_420] {strides = array<i32>} : memref<128x128xf32, #tpu.memory_space<vmem>>, vector<16xf32>,
        tpu.vector_store %arg7[%swap3A_419, %swap3A_420], %mul3A_418 {strides = array<i32>} : memref<128x128xf32, #tpu.memory_space<vmem>>, vector<16xf32>,
        %get3A_422 = arith.constant 2 : i32
        %get3A_423 = arith.index_cast %get3A_422 : i32 to index
        %get3A_424 = arith.index_cast %scan3A_373 : i32 to index
        %get3A_425 = arith.constant 48 : index
        %get3A_426 = tpu.vector_load %arg6[%get3A_423, %get3A_424, %get3A_425] {strides = array<i32>} : memref<4x128x64xi32, #tpu.memory_space<vmem>>, vector<16xi32>,
        %bitcast3A_427 = vector.bitcast %get3A_426 : vector<16xi32> to vector<32xbf16>
        %unpack3A_428 = tpu.unpack_subelements %bitcast3A_427, 0 {pack_format = #tpu.pack_format<interleaved>} : vector<32xbf16> -> vector<16xf32>
        %unpack3A_429 = tpu.unpack_subelements %bitcast3A_427, 1 {pack_format = #tpu.pack_format<interleaved>} : vector<32xbf16> -> vector<16xf32>
        %mul3A_430 = arith.mulf %unpack3A_428, %bitcast3A : vector<16xf32>
        %swap3A_431 = arith.index_cast %scan3A_373 : i32 to index
        %swap3A_432 = arith.constant 96 : index
        %swap3A_433 = tpu.vector_load %arg7[%swap3A_431, %swap3A_432] {strides = array<i32>} : memref<128x128xf32, #tpu.memory_space<vmem>>, vector<16xf32>,
        tpu.vector_store %arg7[%swap3A_431, %swap3A_432], %mul3A_430 {strides = array<i32>} : memref<128x128xf32, #tpu.memory_space<vmem>>, vector<16xf32>,
        %mul3A_434 = arith.mulf %unpack3A_429, %bitcast3A : vector<16xf32>
        %swap3A_435 = arith.index_cast %scan3A_373 : i32 to index
        %swap3A_436 = arith.constant 112 : index
        %swap3A_437 = tpu.vector_load %arg7[%swap3A_435, %swap3A_436] {strides = array<i32>} : memref<128x128xf32, #tpu.memory_space<vmem>>, vector<16xf32>,
        tpu.vector_store %arg7[%swap3A_435, %swap3A_436], %mul3A_434 {strides = array<i32>} : memref<128x128xf32, #tpu.memory_space<vmem>>, vector<16xf32>,
        %scan3A_438 = arith.constant 1 : i32
        %scan3A_439 = arith.addi %scan3A_373, %scan3A_438 : i32
        %broadcast_in_dim3A_440 = arith.constant 8 : i32
        %broadcast_in_dim3A_441 = vector.broadcast %broadcast_in_dim3A_440 : i32 to vector<16xi32>
        %broadcast_in_dim3A_442 = vector.broadcast %scan3A_439 : i32 to vector<16xi32>
        %gather3A_443 = tpu.vector_load_idx %arg5[%broadcast_in_dim3A_441, %broadcast_in_dim3A_442] : memref<12x128xi32, #tpu.memory_space<vmem>>[vector<16xi32>, vector<16xi32>], vector<16xi32>,
        %bitcast3A_444 = vector.bitcast %gather3A_443 : vector<16xi32> to vector<16xf32>
        %get3A_445 = arith.constant 2 : i32
        %get3A_446 = arith.index_cast %get3A_445 : i32 to index
        %get3A_447 = arith.index_cast %scan3A_439 : i32 to index
        %get3A_448 = arith.constant 0 : index
        %get3A_449 = tpu.vector_load %arg6[%get3A_446, %get3A_447, %get3A_448] {strides = array<i32>} : memref<4x128x64xi32, #tpu.memory_space<vmem>>, vector<16xi32>,
        %bitcast3A_450 = vector.bitcast %get3A_449 : vector<16xi32> to vector<32xbf16>
        %unpack3A_451 = tpu.unpack_subelements %bitcast3A_450, 0 {pack_format = #tpu.pack_format<interleaved>} : vector<32xbf16> -> vector<16xf32>
        %unpack3A_452 = tpu.unpack_subelements %bitcast3A_450, 1 {pack_format = #tpu.pack_format<interleaved>} : vector<32xbf16> -> vector<16xf32>
        %mul3A_453 = arith.mulf %unpack3A_451, %bitcast3A_444 : vector<16xf32>
        %swap3A_454 = arith.index_cast %scan3A_439 : i32 to index
        %swap3A_455 = arith.constant 0 : index
        %swap3A_456 = tpu.vector_load %arg7[%swap3A_454, %swap3A_455] {strides = array<i32>} : memref<128x128xf32, #tpu.memory_space<vmem>>, vector<16xf32>,
        tpu.vector_store %arg7[%swap3A_454, %swap3A_455], %mul3A_453 {strides = array<i32>} : memref<128x128xf32, #tpu.memory_space<vmem>>, vector<16xf32>,
        %mul3A_457 = arith.mulf %unpack3A_452, %bitcast3A_444 : vector<16xf32>
        %swap3A_458 = arith.index_cast %scan3A_439 : i32 to index
        %swap3A_459 = arith.constant 16 : index
        %swap3A_460 = tpu.vector_load %arg7[%swap3A_458, %swap3A_459] {strides = array<i32>} : memref<128x128xf32, #tpu.memory_space<vmem>>, vector<16xf32>,
        tpu.vector_store %arg7[%swap3A_458, %swap3A_459], %mul3A_457 {strides = array<i32>} : memref<128x128xf32, #tpu.memory_space<vmem>>, vector<16xf32>,
        %get3A_461 = arith.constant 2 : i32
        %get3A_462 = arith.index_cast %get3A_461 : i32 to index
        %get3A_463 = arith.index_cast %scan3A_439 : i32 to index
        %get3A_464 = arith.constant 16 : index
        %get3A_465 = tpu.vector_load %arg6[%get3A_462, %get3A_463, %get3A_464] {strides = array<i32>} : memref<4x128x64xi32, #tpu.memory_space<vmem>>, vector<16xi32>,
        %bitcast3A_466 = vector.bitcast %get3A_465 : vector<16xi32> to vector<32xbf16>
        %unpack3A_467 = tpu.unpack_subelements %bitcast3A_466, 0 {pack_format = #tpu.pack_format<interleaved>} : vector<32xbf16> -> vector<16xf32>
        %unpack3A_468 = tpu.unpack_subelements %bitcast3A_466, 1 {pack_format = #tpu.pack_format<interleaved>} : vector<32xbf16> -> vector<16xf32>
        %mul3A_469 = arith.mulf %unpack3A_467, %bitcast3A_444 : vector<16xf32>
        %swap3A_470 = arith.index_cast %scan3A_439 : i32 to index
        %swap3A_471 = arith.constant 32 : index
        %swap3A_472 = tpu.vector_load %arg7[%swap3A_470, %swap3A_471] {strides = array<i32>} : memref<128x128xf32, #tpu.memory_space<vmem>>, vector<16xf32>,
        tpu.vector_store %arg7[%swap3A_470, %swap3A_471], %mul3A_469 {strides = array<i32>} : memref<128x128xf32, #tpu.memory_space<vmem>>, vector<16xf32>,
        %mul3A_473 = arith.mulf %unpack3A_468, %bitcast3A_444 : vector<16xf32>
        %swap3A_474 = arith.index_cast %scan3A_439 : i32 to index
        %swap3A_475 = arith.constant 48 : index
        %swap3A_476 = tpu.vector_load %arg7[%swap3A_474, %swap3A_475] {strides = array<i32>} : memref<128x128xf32, #tpu.memory_space<vmem>>, vector<16xf32>,
        tpu.vector_store %arg7[%swap3A_474, %swap3A_475], %mul3A_473 {strides = array<i32>} : memref<128x128xf32, #tpu.memory_space<vmem>>, vector<16xf32>,
        %get3A_477 = arith.constant 2 : i32
        %get3A_478 = arith.index_cast %get3A_477 : i32 to index
        %get3A_479 = arith.index_cast %scan3A_439 : i32 to index
        %get3A_480 = arith.constant 32 : index
        %get3A_481 = tpu.vector_load %arg6[%get3A_478, %get3A_479, %get3A_480] {strides = array<i32>} : memref<4x128x64xi32, #tpu.memory_space<vmem>>, vector<16xi32>,
        %bitcast3A_482 = vector.bitcast %get3A_481 : vector<16xi32> to vector<32xbf16>
        %unpack3A_483 = tpu.unpack_subelements %bitcast3A_482, 0 {pack_format = #tpu.pack_format<interleaved>} : vector<32xbf16> -> vector<16xf32>
        %unpack3A_484 = tpu.unpack_subelements %bitcast3A_482, 1 {pack_format = #tpu.pack_format<interleaved>} : vector<32xbf16> -> vector<16xf32>
        %mul3A_485 = arith.mulf %unpack3A_483, %bitcast3A_444 : vector<16xf32>
        %swap3A_486 = arith.index_cast %scan3A_439 : i32 to index
        %swap3A_487 = arith.constant 64 : index
        %swap3A_488 = tpu.vector_load %arg7[%swap3A_486, %swap3A_487] {strides = array<i32>} : memref<128x128xf32, #tpu.memory_space<vmem>>, vector<16xf32>,
        tpu.vector_store %arg7[%swap3A_486, %swap3A_487], %mul3A_485 {strides = array<i32>} : memref<128x128xf32, #tpu.memory_space<vmem>>, vector<16xf32>,
        %mul3A_489 = arith.mulf %unpack3A_484, %bitcast3A_444 : vector<16xf32>
        %swap3A_490 = arith.index_cast %scan3A_439 : i32 to index
        %swap3A_491 = arith.constant 80 : index
        %swap3A_492 = tpu.vector_load %arg7[%swap3A_490, %swap3A_491] {strides = array<i32>} : memref<128x128xf32, #tpu.memory_space<vmem>>, vector<16xf32>,
        tpu.vector_store %arg7[%swap3A_490, %swap3A_491], %mul3A_489 {strides = array<i32>} : memref<128x128xf32, #tpu.memory_space<vmem>>, vector<16xf32>,
        %get3A_493 = arith.constant 2 : i32
        %get3A_494 = arith.index_cast %get3A_493 : i32 to index
        %get3A_495 = arith.index_cast %scan3A_439 : i32 to index
        %get3A_496 = arith.constant 48 : index
        %get3A_497 = tpu.vector_load %arg6[%get3A_494, %get3A_495, %get3A_496] {strides = array<i32>} : memref<4x128x64xi32, #tpu.memory_space<vmem>>, vector<16xi32>,
        %bitcast3A_498 = vector.bitcast %get3A_497 : vector<16xi32> to vector<32xbf16>
        %unpack3A_499 = tpu.unpack_subelements %bitcast3A_498, 0 {pack_format = #tpu.pack_format<interleaved>} : vector<32xbf16> -> vector<16xf32>
        %unpack3A_500 = tpu.unpack_subelements %bitcast3A_498, 1 {pack_format = #tpu.pack_format<interleaved>} : vector<32xbf16> -> vector<16xf32>
        %mul3A_501 = arith.mulf %unpack3A_499, %bitcast3A_444 : vector<16xf32>
        %swap3A_502 = arith.index_cast %scan3A_439 : i32 to index
        %swap3A_503 = arith.constant 96 : index
        %swap3A_504 = tpu.vector_load %arg7[%swap3A_502, %swap3A_503] {strides = array<i32>} : memref<128x128xf32, #tpu.memory_space<vmem>>, vector<16xf32>,
        tpu.vector_store %arg7[%swap3A_502, %swap3A_503], %mul3A_501 {strides = array<i32>} : memref<128x128xf32, #tpu.memory_space<vmem>>, vector<16xf32>,
        %mul3A_505 = arith.mulf %unpack3A_500, %bitcast3A_444 : vector<16xf32>
        %swap3A_506 = arith.index_cast %scan3A_439 : i32 to index
        %swap3A_507 = arith.constant 112 : index
        %swap3A_508 = tpu.vector_load %arg7[%swap3A_506, %swap3A_507] {strides = array<i32>} : memref<128x128xf32, #tpu.memory_space<vmem>>, vector<16xf32>,
        tpu.vector_store %arg7[%swap3A_506, %swap3A_507], %mul3A_505 {strides = array<i32>} : memref<128x128xf32, #tpu.memory_space<vmem>>, vector<16xf32>,
        %scan3A_509 = arith.constant 2 : i32
        %scan3A_510 = arith.addi %scan3A_373, %scan3A_509 : i32
        %broadcast_in_dim3A_511 = arith.constant 8 : i32
        %broadcast_in_dim3A_512 = vector.broadcast %broadcast_in_dim3A_511 : i32 to vector<16xi32>
        %broadcast_in_dim3A_513 = vector.broadcast %scan3A_510 : i32 to vector<16xi32>
        %gather3A_514 = tpu.vector_load_idx %arg5[%broadcast_in_dim3A_512, %broadcast_in_dim3A_513] : memref<12x128xi32, #tpu.memory_space<vmem>>[vector<16xi32>, vector<16xi32>], vector<16xi32>,
        %bitcast3A_515 = vector.bitcast %gather3A_514 : vector<16xi32> to vector<16xf32>
        %get3A_516 = arith.constant 2 : i32
        %get3A_517 = arith.index_cast %get3A_516 : i32 to index
        %get3A_518 = arith.index_cast %scan3A_510 : i32 to index
        %get3A_519 = arith.constant 0 : index
        %get3A_520 = tpu.vector_load %arg6[%get3A_517, %get3A_518, %get3A_519] {strides = array<i32>} : memref<4x128x64xi32, #tpu.memory_space<vmem>>, vector<16xi32>,
        %bitcast3A_521 = vector.bitcast %get3A_520 : vector<16xi32> to vector<32xbf16>
        %unpack3A_522 = tpu.unpack_subelements %bitcast3A_521, 0 {pack_format = #tpu.pack_format<interleaved>} : vector<32xbf16> -> vector<16xf32>
        %unpack3A_523 = tpu.unpack_subelements %bitcast3A_521, 1 {pack_format = #tpu.pack_format<interleaved>} : vector<32xbf16> -> vector<16xf32>
        %mul3A_524 = arith.mulf %unpack3A_522, %bitcast3A_515 : vector<16xf32>
        %swap3A_525 = arith.index_cast %scan3A_510 : i32 to index
        %swap3A_526 = arith.constant 0 : index
        %swap3A_527 = tpu.vector_load %arg7[%swap3A_525, %swap3A_526] {strides = array<i32>} : memref<128x128xf32, #tpu.memory_space<vmem>>, vector<16xf32>,
        tpu.vector_store %arg7[%swap3A_525, %swap3A_526], %mul3A_524 {strides = array<i32>} : memref<128x128xf32, #tpu.memory_space<vmem>>, vector<16xf32>,
        %mul3A_528 = arith.mulf %unpack3A_523, %bitcast3A_515 : vector<16xf32>
        %swap3A_529 = arith.index_cast %scan3A_510 : i32 to index
        %swap3A_530 = arith.constant 16 : index
        %swap3A_531 = tpu.vector_load %arg7[%swap3A_529, %swap3A_530] {strides = array<i32>} : memref<128x128xf32, #tpu.memory_space<vmem>>, vector<16xf32>,
        tpu.vector_store %arg7[%swap3A_529, %swap3A_530], %mul3A_528 {strides = array<i32>} : memref<128x128xf32, #tpu.memory_space<vmem>>, vector<16xf32>,
        %get3A_532 = arith.constant 2 : i32
        %get3A_533 = arith.index_cast %get3A_532 : i32 to index
        %get3A_534 = arith.index_cast %scan3A_510 : i32 to index
        %get3A_535 = arith.constant 16 : index
        %get3A_536 = tpu.vector_load %arg6[%get3A_533, %get3A_534, %get3A_535] {strides = array<i32>} : memref<4x128x64xi32, #tpu.memory_space<vmem>>, vector<16xi32>,
        %bitcast3A_537 = vector.bitcast %get3A_536 : vector<16xi32> to vector<32xbf16>
        %unpack3A_538 = tpu.unpack_subelements %bitcast3A_537, 0 {pack_format = #tpu.pack_format<interleaved>} : vector<32xbf16> -> vector<16xf32>
        %unpack3A_539 = tpu.unpack_subelements %bitcast3A_537, 1 {pack_format = #tpu.pack_format<interleaved>} : vector<32xbf16> -> vector<16xf32>
        %mul3A_540 = arith.mulf %unpack3A_538, %bitcast3A_515 : vector<16xf32>
        %swap3A_541 = arith.index_cast %scan3A_510 : i32 to index
        %swap3A_542 = arith.constant 32 : index
        %swap3A_543 = tpu.vector_load %arg7[%swap3A_541, %swap3A_542] {strides = array<i32>} : memref<128x128xf32, #tpu.memory_space<vmem>>, vector<16xf32>,
        tpu.vector_store %arg7[%swap3A_541, %swap3A_542], %mul3A_540 {strides = array<i32>} : memref<128x128xf32, #tpu.memory_space<vmem>>, vector<16xf32>,
        %mul3A_544 = arith.mulf %unpack3A_539, %bitcast3A_515 : vector<16xf32>
        %swap3A_545 = arith.index_cast %scan3A_510 : i32 to index
        %swap3A_546 = arith.constant 48 : index
        %swap3A_547 = tpu.vector_load %arg7[%swap3A_545, %swap3A_546] {strides = array<i32>} : memref<128x128xf32, #tpu.memory_space<vmem>>, vector<16xf32>,
        tpu.vector_store %arg7[%swap3A_545, %swap3A_546], %mul3A_544 {strides = array<i32>} : memref<128x128xf32, #tpu.memory_space<vmem>>, vector<16xf32>,
        %get3A_548 = arith.constant 2 : i32
        %get3A_549 = arith.index_cast %get3A_548 : i32 to index
        %get3A_550 = arith.index_cast %scan3A_510 : i32 to index
        %get3A_551 = arith.constant 32 : index
        %get3A_552 = tpu.vector_load %arg6[%get3A_549, %get3A_550, %get3A_551] {strides = array<i32>} : memref<4x128x64xi32, #tpu.memory_space<vmem>>, vector<16xi32>,
        %bitcast3A_553 = vector.bitcast %get3A_552 : vector<16xi32> to vector<32xbf16>
        %unpack3A_554 = tpu.unpack_subelements %bitcast3A_553, 0 {pack_format = #tpu.pack_format<interleaved>} : vector<32xbf16> -> vector<16xf32>
        %unpack3A_555 = tpu.unpack_subelements %bitcast3A_553, 1 {pack_format = #tpu.pack_format<interleaved>} : vector<32xbf16> -> vector<16xf32>
        %mul3A_556 = arith.mulf %unpack3A_554, %bitcast3A_515 : vector<16xf32>
        %swap3A_557 = arith.index_cast %scan3A_510 : i32 to index
        %swap3A_558 = arith.constant 64 : index
        %swap3A_559 = tpu.vector_load %arg7[%swap3A_557, %swap3A_558] {strides = array<i32>} : memref<128x128xf32, #tpu.memory_space<vmem>>, vector<16xf32>,
        tpu.vector_store %arg7[%swap3A_557, %swap3A_558], %mul3A_556 {strides = array<i32>} : memref<128x128xf32, #tpu.memory_space<vmem>>, vector<16xf32>,
        %mul3A_560 = arith.mulf %unpack3A_555, %bitcast3A_515 : vector<16xf32>
        %swap3A_561 = arith.index_cast %scan3A_510 : i32 to index
        %swap3A_562 = arith.constant 80 : index
        %swap3A_563 = tpu.vector_load %arg7[%swap3A_561, %swap3A_562] {strides = array<i32>} : memref<128x128xf32, #tpu.memory_space<vmem>>, vector<16xf32>,
        tpu.vector_store %arg7[%swap3A_561, %swap3A_562], %mul3A_560 {strides = array<i32>} : memref<128x128xf32, #tpu.memory_space<vmem>>, vector<16xf32>,
        %get3A_564 = arith.constant 2 : i32
        %get3A_565 = arith.index_cast %get3A_564 : i32 to index
        %get3A_566 = arith.index_cast %scan3A_510 : i32 to index
        %get3A_567 = arith.constant 48 : index
        %get3A_568 = tpu.vector_load %arg6[%get3A_565, %get3A_566, %get3A_567] {strides = array<i32>} : memref<4x128x64xi32, #tpu.memory_space<vmem>>, vector<16xi32>,
        %bitcast3A_569 = vector.bitcast %get3A_568 : vector<16xi32> to vector<32xbf16>
        %unpack3A_570 = tpu.unpack_subelements %bitcast3A_569, 0 {pack_format = #tpu.pack_format<interleaved>} : vector<32xbf16> -> vector<16xf32>
        %unpack3A_571 = tpu.unpack_subelements %bitcast3A_569, 1 {pack_format = #tpu.pack_format<interleaved>} : vector<32xbf16> -> vector<16xf32>
        %mul3A_572 = arith.mulf %unpack3A_570, %bitcast3A_515 : vector<16xf32>
        %swap3A_573 = arith.index_cast %scan3A_510 : i32 to index
        %swap3A_574 = arith.constant 96 : index
        %swap3A_575 = tpu.vector_load %arg7[%swap3A_573, %swap3A_574] {strides = array<i32>} : memref<128x128xf32, #tpu.memory_space<vmem>>, vector<16xf32>,
        tpu.vector_store %arg7[%swap3A_573, %swap3A_574], %mul3A_572 {strides = array<i32>} : memref<128x128xf32, #tpu.memory_space<vmem>>, vector<16xf32>,
        %mul3A_576 = arith.mulf %unpack3A_571, %bitcast3A_515 : vector<16xf32>
        %swap3A_577 = arith.index_cast %scan3A_510 : i32 to index
        %swap3A_578 = arith.constant 112 : index
        %swap3A_579 = tpu.vector_load %arg7[%swap3A_577, %swap3A_578] {strides = array<i32>} : memref<128x128xf32, #tpu.memory_space<vmem>>, vector<16xf32>,
        tpu.vector_store %arg7[%swap3A_577, %swap3A_578], %mul3A_576 {strides = array<i32>} : memref<128x128xf32, #tpu.memory_space<vmem>>, vector<16xf32>,
        %scan3A_580 = arith.constant 3 : i32
        %scan3A_581 = arith.addi %scan3A_373, %scan3A_580 : i32
        %broadcast_in_dim3A_582 = arith.constant 8 : i32
        %broadcast_in_dim3A_583 = vector.broadcast %broadcast_in_dim3A_582 : i32 to vector<16xi32>
        %broadcast_in_dim3A_584 = vector.broadcast %scan3A_581 : i32 to vector<16xi32>
        %gather3A_585 = tpu.vector_load_idx %arg5[%broadcast_in_dim3A_583, %broadcast_in_dim3A_584] : memref<12x128xi32, #tpu.memory_space<vmem>>[vector<16xi32>, vector<16xi32>], vector<16xi32>,
        %bitcast3A_586 = vector.bitcast %gather3A_585 : vector<16xi32> to vector<16xf32>
        %get3A_587 = arith.constant 2 : i32
        %get3A_588 = arith.index_cast %get3A_587 : i32 to index
        %get3A_589 = arith.index_cast %scan3A_581 : i32 to index
        %get3A_590 = arith.constant 0 : index
        %get3A_591 = tpu.vector_load %arg6[%get3A_588, %get3A_589, %get3A_590] {strides = array<i32>} : memref<4x128x64xi32, #tpu.memory_space<vmem>>, vector<16xi32>,
        %bitcast3A_592 = vector.bitcast %get3A_591 : vector<16xi32> to vector<32xbf16>
        %unpack3A_593 = tpu.unpack_subelements %bitcast3A_592, 0 {pack_format = #tpu.pack_format<interleaved>} : vector<32xbf16> -> vector<16xf32>
        %unpack3A_594 = tpu.unpack_subelements %bitcast3A_592, 1 {pack_format = #tpu.pack_format<interleaved>} : vector<32xbf16> -> vector<16xf32>
        %mul3A_595 = arith.mulf %unpack3A_593, %bitcast3A_586 : vector<16xf32>
        %swap3A_596 = arith.index_cast %scan3A_581 : i32 to index
        %swap3A_597 = arith.constant 0 : index
        %swap3A_598 = tpu.vector_load %arg7[%swap3A_596, %swap3A_597] {strides = array<i32>} : memref<128x128xf32, #tpu.memory_space<vmem>>, vector<16xf32>,
        tpu.vector_store %arg7[%swap3A_596, %swap3A_597], %mul3A_595 {strides = array<i32>} : memref<128x128xf32, #tpu.memory_space<vmem>>, vector<16xf32>,
        %mul3A_599 = arith.mulf %unpack3A_594, %bitcast3A_586 : vector<16xf32>
        %swap3A_600 = arith.index_cast %scan3A_581 : i32 to index
        %swap3A_601 = arith.constant 16 : index
        %swap3A_602 = tpu.vector_load %arg7[%swap3A_600, %swap3A_601] {strides = array<i32>} : memref<128x128xf32, #tpu.memory_space<vmem>>, vector<16xf32>,
        tpu.vector_store %arg7[%swap3A_600, %swap3A_601], %mul3A_599 {strides = array<i32>} : memref<128x128xf32, #tpu.memory_space<vmem>>, vector<16xf32>,
        %get3A_603 = arith.constant 2 : i32
        %get3A_604 = arith.index_cast %get3A_603 : i32 to index
        %get3A_605 = arith.index_cast %scan3A_581 : i32 to index
        %get3A_606 = arith.constant 16 : index
        %get3A_607 = tpu.vector_load %arg6[%get3A_604, %get3A_605, %get3A_606] {strides = array<i32>} : memref<4x128x64xi32, #tpu.memory_space<vmem>>, vector<16xi32>,
        %bitcast3A_608 = vector.bitcast %get3A_607 : vector<16xi32> to vector<32xbf16>
        %unpack3A_609 = tpu.unpack_subelements %bitcast3A_608, 0 {pack_format = #tpu.pack_format<interleaved>} : vector<32xbf16> -> vector<16xf32>
        %unpack3A_610 = tpu.unpack_subelements %bitcast3A_608, 1 {pack_format = #tpu.pack_format<interleaved>} : vector<32xbf16> -> vector<16xf32>
        %mul3A_611 = arith.mulf %unpack3A_609, %bitcast3A_586 : vector<16xf32>
        %swap3A_612 = arith.index_cast %scan3A_581 : i32 to index
        %swap3A_613 = arith.constant 32 : index
        %swap3A_614 = tpu.vector_load %arg7[%swap3A_612, %swap3A_613] {strides = array<i32>} : memref<128x128xf32, #tpu.memory_space<vmem>>, vector<16xf32>,
        tpu.vector_store %arg7[%swap3A_612, %swap3A_613], %mul3A_611 {strides = array<i32>} : memref<128x128xf32, #tpu.memory_space<vmem>>, vector<16xf32>,
        %mul3A_615 = arith.mulf %unpack3A_610, %bitcast3A_586 : vector<16xf32>
        %swap3A_616 = arith.index_cast %scan3A_581 : i32 to index
        %swap3A_617 = arith.constant 48 : index
        %swap3A_618 = tpu.vector_load %arg7[%swap3A_616, %swap3A_617] {strides = array<i32>} : memref<128x128xf32, #tpu.memory_space<vmem>>, vector<16xf32>,
        tpu.vector_store %arg7[%swap3A_616, %swap3A_617], %mul3A_615 {strides = array<i32>} : memref<128x128xf32, #tpu.memory_space<vmem>>, vector<16xf32>,
        %get3A_619 = arith.constant 2 : i32
        %get3A_620 = arith.index_cast %get3A_619 : i32 to index
        %get3A_621 = arith.index_cast %scan3A_581 : i32 to index
        %get3A_622 = arith.constant 32 : index
        %get3A_623 = tpu.vector_load %arg6[%get3A_620, %get3A_621, %get3A_622] {strides = array<i32>} : memref<4x128x64xi32, #tpu.memory_space<vmem>>, vector<16xi32>,
        %bitcast3A_624 = vector.bitcast %get3A_623 : vector<16xi32> to vector<32xbf16>
        %unpack3A_625 = tpu.unpack_subelements %bitcast3A_624, 0 {pack_format = #tpu.pack_format<interleaved>} : vector<32xbf16> -> vector<16xf32>
        %unpack3A_626 = tpu.unpack_subelements %bitcast3A_624, 1 {pack_format = #tpu.pack_format<interleaved>} : vector<32xbf16> -> vector<16xf32>
        %mul3A_627 = arith.mulf %unpack3A_625, %bitcast3A_586 : vector<16xf32>
        %swap3A_628 = arith.index_cast %scan3A_581 : i32 to index
        %swap3A_629 = arith.constant 64 : index
        %swap3A_630 = tpu.vector_load %arg7[%swap3A_628, %swap3A_629] {strides = array<i32>} : memref<128x128xf32, #tpu.memory_space<vmem>>, vector<16xf32>,
        tpu.vector_store %arg7[%swap3A_628, %swap3A_629], %mul3A_627 {strides = array<i32>} : memref<128x128xf32, #tpu.memory_space<vmem>>, vector<16xf32>,
        %mul3A_631 = arith.mulf %unpack3A_626, %bitcast3A_586 : vector<16xf32>
        %swap3A_632 = arith.index_cast %scan3A_581 : i32 to index
        %swap3A_633 = arith.constant 80 : index
        %swap3A_634 = tpu.vector_load %arg7[%swap3A_632, %swap3A_633] {strides = array<i32>} : memref<128x128xf32, #tpu.memory_space<vmem>>, vector<16xf32>,
        tpu.vector_store %arg7[%swap3A_632, %swap3A_633], %mul3A_631 {strides = array<i32>} : memref<128x128xf32, #tpu.memory_space<vmem>>, vector<16xf32>,
        %get3A_635 = arith.constant 2 : i32
        %get3A_636 = arith.index_cast %get3A_635 : i32 to index
        %get3A_637 = arith.index_cast %scan3A_581 : i32 to index
        %get3A_638 = arith.constant 48 : index
        %get3A_639 = tpu.vector_load %arg6[%get3A_636, %get3A_637, %get3A_638] {strides = array<i32>} : memref<4x128x64xi32, #tpu.memory_space<vmem>>, vector<16xi32>,
        %bitcast3A_640 = vector.bitcast %get3A_639 : vector<16xi32> to vector<32xbf16>
        %unpack3A_641 = tpu.unpack_subelements %bitcast3A_640, 0 {pack_format = #tpu.pack_format<interleaved>} : vector<32xbf16> -> vector<16xf32>
        %unpack3A_642 = tpu.unpack_subelements %bitcast3A_640, 1 {pack_format = #tpu.pack_format<interleaved>} : vector<32xbf16> -> vector<16xf32>
        %mul3A_643 = arith.mulf %unpack3A_641, %bitcast3A_586 : vector<16xf32>
        %swap3A_644 = arith.index_cast %scan3A_581 : i32 to index
        %swap3A_645 = arith.constant 96 : index
        %swap3A_646 = tpu.vector_load %arg7[%swap3A_644, %swap3A_645] {strides = array<i32>} : memref<128x128xf32, #tpu.memory_space<vmem>>, vector<16xf32>,
        tpu.vector_store %arg7[%swap3A_644, %swap3A_645], %mul3A_643 {strides = array<i32>} : memref<128x128xf32, #tpu.memory_space<vmem>>, vector<16xf32>,
        %mul3A_647 = arith.mulf %unpack3A_642, %bitcast3A_586 : vector<16xf32>
        %swap3A_648 = arith.index_cast %scan3A_581 : i32 to index
        %swap3A_649 = arith.constant 112 : index
        %swap3A_650 = tpu.vector_load %arg7[%swap3A_648, %swap3A_649] {strides = array<i32>} : memref<128x128xf32, #tpu.memory_space<vmem>>, vector<16xf32>,
        tpu.vector_store %arg7[%swap3A_648, %swap3A_649], %mul3A_647 {strides = array<i32>} : memref<128x128xf32, #tpu.memory_space<vmem>>, vector<16xf32>,
        %scan3A_651 = arith.constant 4 : i32
        %scan3A_652 = arith.addi %scan3A_373, %scan3A_651 : i32
        %broadcast_in_dim3A_653 = arith.constant 8 : i32
        %broadcast_in_dim3A_654 = vector.broadcast %broadcast_in_dim3A_653 : i32 to vector<16xi32>
        %broadcast_in_dim3A_655 = vector.broadcast %scan3A_652 : i32 to vector<16xi32>
        %gather3A_656 = tpu.vector_load_idx %arg5[%broadcast_in_dim3A_654, %broadcast_in_dim3A_655] : memref<12x128xi32, #tpu.memory_space<vmem>>[vector<16xi32>, vector<16xi32>], vector<16xi32>,
        %bitcast3A_657 = vector.bitcast %gather3A_656 : vector<16xi32> to vector<16xf32>
        %get3A_658 = arith.constant 2 : i32
        %get3A_659 = arith.index_cast %get3A_658 : i32 to index
        %get3A_660 = arith.index_cast %scan3A_652 : i32 to index
        %get3A_661 = arith.constant 0 : index
        %get3A_662 = tpu.vector_load %arg6[%get3A_659, %get3A_660, %get3A_661] {strides = array<i32>} : memref<4x128x64xi32, #tpu.memory_space<vmem>>, vector<16xi32>,
        %bitcast3A_663 = vector.bitcast %get3A_662 : vector<16xi32> to vector<32xbf16>
        %unpack3A_664 = tpu.unpack_subelements %bitcast3A_663, 0 {pack_format = #tpu.pack_format<interleaved>} : vector<32xbf16> -> vector<16xf32>
        %unpack3A_665 = tpu.unpack_subelements %bitcast3A_663, 1 {pack_format = #tpu.pack_format<interleaved>} : vector<32xbf16> -> vector<16xf32>
        %mul3A_666 = arith.mulf %unpack3A_664, %bitcast3A_657 : vector<16xf32>
        %swap3A_667 = arith.index_cast %scan3A_652 : i32 to index
        %swap3A_668 = arith.constant 0 : index
        %swap3A_669 = tpu.vector_load %arg7[%swap3A_667, %swap3A_668] {strides = array<i32>} : memref<128x128xf32, #tpu.memory_space<vmem>>, vector<16xf32>,
        tpu.vector_store %arg7[%swap3A_667, %swap3A_668], %mul3A_666 {strides = array<i32>} : memref<128x128xf32, #tpu.memory_space<vmem>>, vector<16xf32>,
        %mul3A_670 = arith.mulf %unpack3A_665, %bitcast3A_657 : vector<16xf32>
        %swap3A_671 = arith.index_cast %scan3A_652 : i32 to index
        %swap3A_672 = arith.constant 16 : index
        %swap3A_673 = tpu.vector_load %arg7[%swap3A_671, %swap3A_672] {strides = array<i32>} : memref<128x128xf32, #tpu.memory_space<vmem>>, vector<16xf32>,
        tpu.vector_store %arg7[%swap3A_671, %swap3A_672], %mul3A_670 {strides = array<i32>} : memref<128x128xf32, #tpu.memory_space<vmem>>, vector<16xf32>,
        %get3A_674 = arith.constant 2 : i32
        %get3A_675 = arith.index_cast %get3A_674 : i32 to index
        %get3A_676 = arith.index_cast %scan3A_652 : i32 to index
        %get3A_677 = arith.constant 16 : index
        %get3A_678 = tpu.vector_load %arg6[%get3A_675, %get3A_676, %get3A_677] {strides = array<i32>} : memref<4x128x64xi32, #tpu.memory_space<vmem>>, vector<16xi32>,
        %bitcast3A_679 = vector.bitcast %get3A_678 : vector<16xi32> to vector<32xbf16>
        %unpack3A_680 = tpu.unpack_subelements %bitcast3A_679, 0 {pack_format = #tpu.pack_format<interleaved>} : vector<32xbf16> -> vector<16xf32>
        %unpack3A_681 = tpu.unpack_subelements %bitcast3A_679, 1 {pack_format = #tpu.pack_format<interleaved>} : vector<32xbf16> -> vector<16xf32>
        %mul3A_682 = arith.mulf %unpack3A_680, %bitcast3A_657 : vector<16xf32>
        %swap3A_683 = arith.index_cast %scan3A_652 : i32 to index
        %swap3A_684 = arith.constant 32 : index
        %swap3A_685 = tpu.vector_load %arg7[%swap3A_683, %swap3A_684] {strides = array<i32>} : memref<128x128xf32, #tpu.memory_space<vmem>>, vector<16xf32>,
        tpu.vector_store %arg7[%swap3A_683, %swap3A_684], %mul3A_682 {strides = array<i32>} : memref<128x128xf32, #tpu.memory_space<vmem>>, vector<16xf32>,
        %mul3A_686 = arith.mulf %unpack3A_681, %bitcast3A_657 : vector<16xf32>
        %swap3A_687 = arith.index_cast %scan3A_652 : i32 to index
        %swap3A_688 = arith.constant 48 : index
        %swap3A_689 = tpu.vector_load %arg7[%swap3A_687, %swap3A_688] {strides = array<i32>} : memref<128x128xf32, #tpu.memory_space<vmem>>, vector<16xf32>,
        tpu.vector_store %arg7[%swap3A_687, %swap3A_688], %mul3A_686 {strides = array<i32>} : memref<128x128xf32, #tpu.memory_space<vmem>>, vector<16xf32>,
        %get3A_690 = arith.constant 2 : i32
        %get3A_691 = arith.index_cast %get3A_690 : i32 to index
        %get3A_692 = arith.index_cast %scan3A_652 : i32 to index
        %get3A_693 = arith.constant 32 : index
        %get3A_694 = tpu.vector_load %arg6[%get3A_691, %get3A_692, %get3A_693] {strides = array<i32>} : memref<4x128x64xi32, #tpu.memory_space<vmem>>, vector<16xi32>,
        %bitcast3A_695 = vector.bitcast %get3A_694 : vector<16xi32> to vector<32xbf16>
        %unpack3A_696 = tpu.unpack_subelements %bitcast3A_695, 0 {pack_format = #tpu.pack_format<interleaved>} : vector<32xbf16> -> vector<16xf32>
        %unpack3A_697 = tpu.unpack_subelements %bitcast3A_695, 1 {pack_format = #tpu.pack_format<interleaved>} : vector<32xbf16> -> vector<16xf32>
        %mul3A_698 = arith.mulf %unpack3A_696, %bitcast3A_657 : vector<16xf32>
        %swap3A_699 = arith.index_cast %scan3A_652 : i32 to index
        %swap3A_700 = arith.constant 64 : index
        %swap3A_701 = tpu.vector_load %arg7[%swap3A_699, %swap3A_700] {strides = array<i32>} : memref<128x128xf32, #tpu.memory_space<vmem>>, vector<16xf32>,
        tpu.vector_store %arg7[%swap3A_699, %swap3A_700], %mul3A_698 {strides = array<i32>} : memref<128x128xf32, #tpu.memory_space<vmem>>, vector<16xf32>,
        %mul3A_702 = arith.mulf %unpack3A_697, %bitcast3A_657 : vector<16xf32>
        %swap3A_703 = arith.index_cast %scan3A_652 : i32 to index
        %swap3A_704 = arith.constant 80 : index
        %swap3A_705 = tpu.vector_load %arg7[%swap3A_703, %swap3A_704] {strides = array<i32>} : memref<128x128xf32, #tpu.memory_space<vmem>>, vector<16xf32>,
        tpu.vector_store %arg7[%swap3A_703, %swap3A_704], %mul3A_702 {strides = array<i32>} : memref<128x128xf32, #tpu.memory_space<vmem>>, vector<16xf32>,
        %get3A_706 = arith.constant 2 : i32
        %get3A_707 = arith.index_cast %get3A_706 : i32 to index
        %get3A_708 = arith.index_cast %scan3A_652 : i32 to index
        %get3A_709 = arith.constant 48 : index
        %get3A_710 = tpu.vector_load %arg6[%get3A_707, %get3A_708, %get3A_709] {strides = array<i32>} : memref<4x128x64xi32, #tpu.memory_space<vmem>>, vector<16xi32>,
        %bitcast3A_711 = vector.bitcast %get3A_710 : vector<16xi32> to vector<32xbf16>
        %unpack3A_712 = tpu.unpack_subelements %bitcast3A_711, 0 {pack_format = #tpu.pack_format<interleaved>} : vector<32xbf16> -> vector<16xf32>
        %unpack3A_713 = tpu.unpack_subelements %bitcast3A_711, 1 {pack_format = #tpu.pack_format<interleaved>} : vector<32xbf16> -> vector<16xf32>
        %mul3A_714 = arith.mulf %unpack3A_712, %bitcast3A_657 : vector<16xf32>
        %swap3A_715 = arith.index_cast %scan3A_652 : i32 to index
        %swap3A_716 = arith.constant 96 : index
        %swap3A_717 = tpu.vector_load %arg7[%swap3A_715, %swap3A_716] {strides = array<i32>} : memref<128x128xf32, #tpu.memory_space<vmem>>, vector<16xf32>,
        tpu.vector_store %arg7[%swap3A_715, %swap3A_716], %mul3A_714 {strides = array<i32>} : memref<128x128xf32, #tpu.memory_space<vmem>>, vector<16xf32>,
        %mul3A_718 = arith.mulf %unpack3A_713, %bitcast3A_657 : vector<16xf32>
        %swap3A_719 = arith.index_cast %scan3A_652 : i32 to index
        %swap3A_720 = arith.constant 112 : index
        %swap3A_721 = tpu.vector_load %arg7[%swap3A_719, %swap3A_720] {strides = array<i32>} : memref<128x128xf32, #tpu.memory_space<vmem>>, vector<16xf32>,
        tpu.vector_store %arg7[%swap3A_719, %swap3A_720], %mul3A_718 {strides = array<i32>} : memref<128x128xf32, #tpu.memory_space<vmem>>, vector<16xf32>,
        %scan3A_722 = arith.constant 5 : i32
        %scan3A_723 = arith.addi %scan3A_373, %scan3A_722 : i32
        %broadcast_in_dim3A_724 = arith.constant 8 : i32
        %broadcast_in_dim3A_725 = vector.broadcast %broadcast_in_dim3A_724 : i32 to vector<16xi32>
        %broadcast_in_dim3A_726 = vector.broadcast %scan3A_723 : i32 to vector<16xi32>
        %gather3A_727 = tpu.vector_load_idx %arg5[%broadcast_in_dim3A_725, %broadcast_in_dim3A_726] : memref<12x128xi32, #tpu.memory_space<vmem>>[vector<16xi32>, vector<16xi32>], vector<16xi32>,
        %bitcast3A_728 = vector.bitcast %gather3A_727 : vector<16xi32> to vector<16xf32>
        %get3A_729 = arith.constant 2 : i32
        %get3A_730 = arith.index_cast %get3A_729 : i32 to index
        %get3A_731 = arith.index_cast %scan3A_723 : i32 to index
        %get3A_732 = arith.constant 0 : index
        %get3A_733 = tpu.vector_load %arg6[%get3A_730, %get3A_731, %get3A_732] {strides = array<i32>} : memref<4x128x64xi32, #tpu.memory_space<vmem>>, vector<16xi32>,
        %bitcast3A_734 = vector.bitcast %get3A_733 : vector<16xi32> to vector<32xbf16>
        %unpack3A_735 = tpu.unpack_subelements %bitcast3A_734, 0 {pack_format = #tpu.pack_format<interleaved>} : vector<32xbf16> -> vector<16xf32>
        %unpack3A_736 = tpu.unpack_subelements %bitcast3A_734, 1 {pack_format = #tpu.pack_format<interleaved>} : vector<32xbf16> -> vector<16xf32>
        %mul3A_737 = arith.mulf %unpack3A_735, %bitcast3A_728 : vector<16xf32>
        %swap3A_738 = arith.index_cast %scan3A_723 : i32 to index
        %swap3A_739 = arith.constant 0 : index
        %swap3A_740 = tpu.vector_load %arg7[%swap3A_738, %swap3A_739] {strides = array<i32>} : memref<128x128xf32, #tpu.memory_space<vmem>>, vector<16xf32>,
        tpu.vector_store %arg7[%swap3A_738, %swap3A_739], %mul3A_737 {strides = array<i32>} : memref<128x128xf32, #tpu.memory_space<vmem>>, vector<16xf32>,
        %mul3A_741 = arith.mulf %unpack3A_736, %bitcast3A_728 : vector<16xf32>
        %swap3A_742 = arith.index_cast %scan3A_723 : i32 to index
        %swap3A_743 = arith.constant 16 : index
        %swap3A_744 = tpu.vector_load %arg7[%swap3A_742, %swap3A_743] {strides = array<i32>} : memref<128x128xf32, #tpu.memory_space<vmem>>, vector<16xf32>,
        tpu.vector_store %arg7[%swap3A_742, %swap3A_743], %mul3A_741 {strides = array<i32>} : memref<128x128xf32, #tpu.memory_space<vmem>>, vector<16xf32>,
        %get3A_745 = arith.constant 2 : i32
        %get3A_746 = arith.index_cast %get3A_745 : i32 to index
        %get3A_747 = arith.index_cast %scan3A_723 : i32 to index
        %get3A_748 = arith.constant 16 : index
        %get3A_749 = tpu.vector_load %arg6[%get3A_746, %get3A_747, %get3A_748] {strides = array<i32>} : memref<4x128x64xi32, #tpu.memory_space<vmem>>, vector<16xi32>,
        %bitcast3A_750 = vector.bitcast %get3A_749 : vector<16xi32> to vector<32xbf16>
        %unpack3A_751 = tpu.unpack_subelements %bitcast3A_750, 0 {pack_format = #tpu.pack_format<interleaved>} : vector<32xbf16> -> vector<16xf32>
        %unpack3A_752 = tpu.unpack_subelements %bitcast3A_750, 1 {pack_format = #tpu.pack_format<interleaved>} : vector<32xbf16> -> vector<16xf32>
        %mul3A_753 = arith.mulf %unpack3A_751, %bitcast3A_728 : vector<16xf32>
        %swap3A_754 = arith.index_cast %scan3A_723 : i32 to index
        %swap3A_755 = arith.constant 32 : index
        %swap3A_756 = tpu.vector_load %arg7[%swap3A_754, %swap3A_755] {strides = array<i32>} : memref<128x128xf32, #tpu.memory_space<vmem>>, vector<16xf32>,
        tpu.vector_store %arg7[%swap3A_754, %swap3A_755], %mul3A_753 {strides = array<i32>} : memref<128x128xf32, #tpu.memory_space<vmem>>, vector<16xf32>,
        %mul3A_757 = arith.mulf %unpack3A_752, %bitcast3A_728 : vector<16xf32>
        %swap3A_758 = arith.index_cast %scan3A_723 : i32 to index
        %swap3A_759 = arith.constant 48 : index
        %swap3A_760 = tpu.vector_load %arg7[%swap3A_758, %swap3A_759] {strides = array<i32>} : memref<128x128xf32, #tpu.memory_space<vmem>>, vector<16xf32>,
        tpu.vector_store %arg7[%swap3A_758, %swap3A_759], %mul3A_757 {strides = array<i32>} : memref<128x128xf32, #tpu.memory_space<vmem>>, vector<16xf32>,
        %get3A_761 = arith.constant 2 : i32
        %get3A_762 = arith.index_cast %get3A_761 : i32 to index
        %get3A_763 = arith.index_cast %scan3A_723 : i32 to index
        %get3A_764 = arith.constant 32 : index
        %get3A_765 = tpu.vector_load %arg6[%get3A_762, %get3A_763, %get3A_764] {strides = array<i32>} : memref<4x128x64xi32, #tpu.memory_space<vmem>>, vector<16xi32>,
        %bitcast3A_766 = vector.bitcast %get3A_765 : vector<16xi32> to vector<32xbf16>
        %unpack3A_767 = tpu.unpack_subelements %bitcast3A_766, 0 {pack_format = #tpu.pack_format<interleaved>} : vector<32xbf16> -> vector<16xf32>
        %unpack3A_768 = tpu.unpack_subelements %bitcast3A_766, 1 {pack_format = #tpu.pack_format<interleaved>} : vector<32xbf16> -> vector<16xf32>
        %mul3A_769 = arith.mulf %unpack3A_767, %bitcast3A_728 : vector<16xf32>
        %swap3A_770 = arith.index_cast %scan3A_723 : i32 to index
        %swap3A_771 = arith.constant 64 : index
        %swap3A_772 = tpu.vector_load %arg7[%swap3A_770, %swap3A_771] {strides = array<i32>} : memref<128x128xf32, #tpu.memory_space<vmem>>, vector<16xf32>,
        tpu.vector_store %arg7[%swap3A_770, %swap3A_771], %mul3A_769 {strides = array<i32>} : memref<128x128xf32, #tpu.memory_space<vmem>>, vector<16xf32>,
        %mul3A_773 = arith.mulf %unpack3A_768, %bitcast3A_728 : vector<16xf32>
        %swap3A_774 = arith.index_cast %scan3A_723 : i32 to index
        %swap3A_775 = arith.constant 80 : index
        %swap3A_776 = tpu.vector_load %arg7[%swap3A_774, %swap3A_775] {strides = array<i32>} : memref<128x128xf32, #tpu.memory_space<vmem>>, vector<16xf32>,
        tpu.vector_store %arg7[%swap3A_774, %swap3A_775], %mul3A_773 {strides = array<i32>} : memref<128x128xf32, #tpu.memory_space<vmem>>, vector<16xf32>,
        %get3A_777 = arith.constant 2 : i32
        %get3A_778 = arith.index_cast %get3A_777 : i32 to index
        %get3A_779 = arith.index_cast %scan3A_723 : i32 to index
        %get3A_780 = arith.constant 48 : index
        %get3A_781 = tpu.vector_load %arg6[%get3A_778, %get3A_779, %get3A_780] {strides = array<i32>} : memref<4x128x64xi32, #tpu.memory_space<vmem>>, vector<16xi32>,
        %bitcast3A_782 = vector.bitcast %get3A_781 : vector<16xi32> to vector<32xbf16>
        %unpack3A_783 = tpu.unpack_subelements %bitcast3A_782, 0 {pack_format = #tpu.pack_format<interleaved>} : vector<32xbf16> -> vector<16xf32>
        %unpack3A_784 = tpu.unpack_subelements %bitcast3A_782, 1 {pack_format = #tpu.pack_format<interleaved>} : vector<32xbf16> -> vector<16xf32>
        %mul3A_785 = arith.mulf %unpack3A_783, %bitcast3A_728 : vector<16xf32>
        %swap3A_786 = arith.index_cast %scan3A_723 : i32 to index
        %swap3A_787 = arith.constant 96 : index
        %swap3A_788 = tpu.vector_load %arg7[%swap3A_786, %swap3A_787] {strides = array<i32>} : memref<128x128xf32, #tpu.memory_space<vmem>>, vector<16xf32>,
        tpu.vector_store %arg7[%swap3A_786, %swap3A_787], %mul3A_785 {strides = array<i32>} : memref<128x128xf32, #tpu.memory_space<vmem>>, vector<16xf32>,
        %mul3A_789 = arith.mulf %unpack3A_784, %bitcast3A_728 : vector<16xf32>
        %swap3A_790 = arith.index_cast %scan3A_723 : i32 to index
        %swap3A_791 = arith.constant 112 : index
        %swap3A_792 = tpu.vector_load %arg7[%swap3A_790, %swap3A_791] {strides = array<i32>} : memref<128x128xf32, #tpu.memory_space<vmem>>, vector<16xf32>,
        tpu.vector_store %arg7[%swap3A_790, %swap3A_791], %mul3A_789 {strides = array<i32>} : memref<128x128xf32, #tpu.memory_space<vmem>>, vector<16xf32>,
        %scan3A_793 = arith.constant 6 : i32
        %scan3A_794 = arith.addi %scan3A_373, %scan3A_793 : i32
        %broadcast_in_dim3A_795 = arith.constant 8 : i32
        %broadcast_in_dim3A_796 = vector.broadcast %broadcast_in_dim3A_795 : i32 to vector<16xi32>
        %broadcast_in_dim3A_797 = vector.broadcast %scan3A_794 : i32 to vector<16xi32>
        %gather3A_798 = tpu.vector_load_idx %arg5[%broadcast_in_dim3A_796, %broadcast_in_dim3A_797] : memref<12x128xi32, #tpu.memory_space<vmem>>[vector<16xi32>, vector<16xi32>], vector<16xi32>,
        %bitcast3A_799 = vector.bitcast %gather3A_798 : vector<16xi32> to vector<16xf32>
        %get3A_800 = arith.constant 2 : i32
        %get3A_801 = arith.index_cast %get3A_800 : i32 to index
        %get3A_802 = arith.index_cast %scan3A_794 : i32 to index
        %get3A_803 = arith.constant 0 : index
        %get3A_804 = tpu.vector_load %arg6[%get3A_801, %get3A_802, %get3A_803] {strides = array<i32>} : memref<4x128x64xi32, #tpu.memory_space<vmem>>, vector<16xi32>,
        %bitcast3A_805 = vector.bitcast %get3A_804 : vector<16xi32> to vector<32xbf16>
        %unpack3A_806 = tpu.unpack_subelements %bitcast3A_805, 0 {pack_format = #tpu.pack_format<interleaved>} : vector<32xbf16> -> vector<16xf32>
        %unpack3A_807 = tpu.unpack_subelements %bitcast3A_805, 1 {pack_format = #tpu.pack_format<interleaved>} : vector<32xbf16> -> vector<16xf32>
        %mul3A_808 = arith.mulf %unpack3A_806, %bitcast3A_799 : vector<16xf32>
        %swap3A_809 = arith.index_cast %scan3A_794 : i32 to index
        %swap3A_810 = arith.constant 0 : index
        %swap3A_811 = tpu.vector_load %arg7[%swap3A_809, %swap3A_810] {strides = array<i32>} : memref<128x128xf32, #tpu.memory_space<vmem>>, vector<16xf32>,
        tpu.vector_store %arg7[%swap3A_809, %swap3A_810], %mul3A_808 {strides = array<i32>} : memref<128x128xf32, #tpu.memory_space<vmem>>, vector<16xf32>,
        %mul3A_812 = arith.mulf %unpack3A_807, %bitcast3A_799 : vector<16xf32>
        %swap3A_813 = arith.index_cast %scan3A_794 : i32 to index
        %swap3A_814 = arith.constant 16 : index
        %swap3A_815 = tpu.vector_load %arg7[%swap3A_813, %swap3A_814] {strides = array<i32>} : memref<128x128xf32, #tpu.memory_space<vmem>>, vector<16xf32>,
        tpu.vector_store %arg7[%swap3A_813, %swap3A_814], %mul3A_812 {strides = array<i32>} : memref<128x128xf32, #tpu.memory_space<vmem>>, vector<16xf32>,
        %get3A_816 = arith.constant 2 : i32
        %get3A_817 = arith.index_cast %get3A_816 : i32 to index
        %get3A_818 = arith.index_cast %scan3A_794 : i32 to index
        %get3A_819 = arith.constant 16 : index
        %get3A_820 = tpu.vector_load %arg6[%get3A_817, %get3A_818, %get3A_819] {strides = array<i32>} : memref<4x128x64xi32, #tpu.memory_space<vmem>>, vector<16xi32>,
        %bitcast3A_821 = vector.bitcast %get3A_820 : vector<16xi32> to vector<32xbf16>
        %unpack3A_822 = tpu.unpack_subelements %bitcast3A_821, 0 {pack_format = #tpu.pack_format<interleaved>} : vector<32xbf16> -> vector<16xf32>
        %unpack3A_823 = tpu.unpack_subelements %bitcast3A_821, 1 {pack_format = #tpu.pack_format<interleaved>} : vector<32xbf16> -> vector<16xf32>
        %mul3A_824 = arith.mulf %unpack3A_822, %bitcast3A_799 : vector<16xf32>
        %swap3A_825 = arith.index_cast %scan3A_794 : i32 to index
        %swap3A_826 = arith.constant 32 : index
        %swap3A_827 = tpu.vector_load %arg7[%swap3A_825, %swap3A_826] {strides = array<i32>} : memref<128x128xf32, #tpu.memory_space<vmem>>, vector<16xf32>,
        tpu.vector_store %arg7[%swap3A_825, %swap3A_826], %mul3A_824 {strides = array<i32>} : memref<128x128xf32, #tpu.memory_space<vmem>>, vector<16xf32>,
        %mul3A_828 = arith.mulf %unpack3A_823, %bitcast3A_799 : vector<16xf32>
        %swap3A_829 = arith.index_cast %scan3A_794 : i32 to index
        %swap3A_830 = arith.constant 48 : index
        %swap3A_831 = tpu.vector_load %arg7[%swap3A_829, %swap3A_830] {strides = array<i32>} : memref<128x128xf32, #tpu.memory_space<vmem>>, vector<16xf32>,
        tpu.vector_store %arg7[%swap3A_829, %swap3A_830], %mul3A_828 {strides = array<i32>} : memref<128x128xf32, #tpu.memory_space<vmem>>, vector<16xf32>,
        %get3A_832 = arith.constant 2 : i32
        %get3A_833 = arith.index_cast %get3A_832 : i32 to index
        %get3A_834 = arith.index_cast %scan3A_794 : i32 to index
        %get3A_835 = arith.constant 32 : index
        %get3A_836 = tpu.vector_load %arg6[%get3A_833, %get3A_834, %get3A_835] {strides = array<i32>} : memref<4x128x64xi32, #tpu.memory_space<vmem>>, vector<16xi32>,
        %bitcast3A_837 = vector.bitcast %get3A_836 : vector<16xi32> to vector<32xbf16>
        %unpack3A_838 = tpu.unpack_subelements %bitcast3A_837, 0 {pack_format = #tpu.pack_format<interleaved>} : vector<32xbf16> -> vector<16xf32>
        %unpack3A_839 = tpu.unpack_subelements %bitcast3A_837, 1 {pack_format = #tpu.pack_format<interleaved>} : vector<32xbf16> -> vector<16xf32>
        %mul3A_840 = arith.mulf %unpack3A_838, %bitcast3A_799 : vector<16xf32>
        %swap3A_841 = arith.index_cast %scan3A_794 : i32 to index
        %swap3A_842 = arith.constant 64 : index
        %swap3A_843 = tpu.vector_load %arg7[%swap3A_841, %swap3A_842] {strides = array<i32>} : memref<128x128xf32, #tpu.memory_space<vmem>>, vector<16xf32>,
        tpu.vector_store %arg7[%swap3A_841, %swap3A_842], %mul3A_840 {strides = array<i32>} : memref<128x128xf32, #tpu.memory_space<vmem>>, vector<16xf32>,
        %mul3A_844 = arith.mulf %unpack3A_839, %bitcast3A_799 : vector<16xf32>
        %swap3A_845 = arith.index_cast %scan3A_794 : i32 to index
        %swap3A_846 = arith.constant 80 : index
        %swap3A_847 = tpu.vector_load %arg7[%swap3A_845, %swap3A_846] {strides = array<i32>} : memref<128x128xf32, #tpu.memory_space<vmem>>, vector<16xf32>,
        tpu.vector_store %arg7[%swap3A_845, %swap3A_846], %mul3A_844 {strides = array<i32>} : memref<128x128xf32, #tpu.memory_space<vmem>>, vector<16xf32>,
        %get3A_848 = arith.constant 2 : i32
        %get3A_849 = arith.index_cast %get3A_848 : i32 to index
        %get3A_850 = arith.index_cast %scan3A_794 : i32 to index
        %get3A_851 = arith.constant 48 : index
        %get3A_852 = tpu.vector_load %arg6[%get3A_849, %get3A_850, %get3A_851] {strides = array<i32>} : memref<4x128x64xi32, #tpu.memory_space<vmem>>, vector<16xi32>,
        %bitcast3A_853 = vector.bitcast %get3A_852 : vector<16xi32> to vector<32xbf16>
        %unpack3A_854 = tpu.unpack_subelements %bitcast3A_853, 0 {pack_format = #tpu.pack_format<interleaved>} : vector<32xbf16> -> vector<16xf32>
        %unpack3A_855 = tpu.unpack_subelements %bitcast3A_853, 1 {pack_format = #tpu.pack_format<interleaved>} : vector<32xbf16> -> vector<16xf32>
        %mul3A_856 = arith.mulf %unpack3A_854, %bitcast3A_799 : vector<16xf32>
        %swap3A_857 = arith.index_cast %scan3A_794 : i32 to index
        %swap3A_858 = arith.constant 96 : index
        %swap3A_859 = tpu.vector_load %arg7[%swap3A_857, %swap3A_858] {strides = array<i32>} : memref<128x128xf32, #tpu.memory_space<vmem>>, vector<16xf32>,
        tpu.vector_store %arg7[%swap3A_857, %swap3A_858], %mul3A_856 {strides = array<i32>} : memref<128x128xf32, #tpu.memory_space<vmem>>, vector<16xf32>,
        %mul3A_860 = arith.mulf %unpack3A_855, %bitcast3A_799 : vector<16xf32>
        %swap3A_861 = arith.index_cast %scan3A_794 : i32 to index
        %swap3A_862 = arith.constant 112 : index
        %swap3A_863 = tpu.vector_load %arg7[%swap3A_861, %swap3A_862] {strides = array<i32>} : memref<128x128xf32, #tpu.memory_space<vmem>>, vector<16xf32>,
        tpu.vector_store %arg7[%swap3A_861, %swap3A_862], %mul3A_860 {strides = array<i32>} : memref<128x128xf32, #tpu.memory_space<vmem>>, vector<16xf32>,
        %scan3A_864 = arith.constant 7 : i32
        %scan3A_865 = arith.addi %scan3A_373, %scan3A_864 : i32
        %broadcast_in_dim3A_866 = arith.constant 8 : i32
        %broadcast_in_dim3A_867 = vector.broadcast %broadcast_in_dim3A_866 : i32 to vector<16xi32>
        %broadcast_in_dim3A_868 = vector.broadcast %scan3A_865 : i32 to vector<16xi32>
        %gather3A_869 = tpu.vector_load_idx %arg5[%broadcast_in_dim3A_867, %broadcast_in_dim3A_868] : memref<12x128xi32, #tpu.memory_space<vmem>>[vector<16xi32>, vector<16xi32>], vector<16xi32>,
        %bitcast3A_870 = vector.bitcast %gather3A_869 : vector<16xi32> to vector<16xf32>
        %get3A_871 = arith.constant 2 : i32
        %get3A_872 = arith.index_cast %get3A_871 : i32 to index
        %get3A_873 = arith.index_cast %scan3A_865 : i32 to index
        %get3A_874 = arith.constant 0 : index
        %get3A_875 = tpu.vector_load %arg6[%get3A_872, %get3A_873, %get3A_874] {strides = array<i32>} : memref<4x128x64xi32, #tpu.memory_space<vmem>>, vector<16xi32>,
        %bitcast3A_876 = vector.bitcast %get3A_875 : vector<16xi32> to vector<32xbf16>
        %unpack3A_877 = tpu.unpack_subelements %bitcast3A_876, 0 {pack_format = #tpu.pack_format<interleaved>} : vector<32xbf16> -> vector<16xf32>
        %unpack3A_878 = tpu.unpack_subelements %bitcast3A_876, 1 {pack_format = #tpu.pack_format<interleaved>} : vector<32xbf16> -> vector<16xf32>
        %mul3A_879 = arith.mulf %unpack3A_877, %bitcast3A_870 : vector<16xf32>
        %swap3A_880 = arith.index_cast %scan3A_865 : i32 to index
        %swap3A_881 = arith.constant 0 : index
        %swap3A_882 = tpu.vector_load %arg7[%swap3A_880, %swap3A_881] {strides = array<i32>} : memref<128x128xf32, #tpu.memory_space<vmem>>, vector<16xf32>,
        tpu.vector_store %arg7[%swap3A_880, %swap3A_881], %mul3A_879 {strides = array<i32>} : memref<128x128xf32, #tpu.memory_space<vmem>>, vector<16xf32>,
        %mul3A_883 = arith.mulf %unpack3A_878, %bitcast3A_870 : vector<16xf32>
        %swap3A_884 = arith.index_cast %scan3A_865 : i32 to index
        %swap3A_885 = arith.constant 16 : index
        %swap3A_886 = tpu.vector_load %arg7[%swap3A_884, %swap3A_885] {strides = array<i32>} : memref<128x128xf32, #tpu.memory_space<vmem>>, vector<16xf32>,
        tpu.vector_store %arg7[%swap3A_884, %swap3A_885], %mul3A_883 {strides = array<i32>} : memref<128x128xf32, #tpu.memory_space<vmem>>, vector<16xf32>,
        %get3A_887 = arith.constant 2 : i32
        %get3A_888 = arith.index_cast %get3A_887 : i32 to index
        %get3A_889 = arith.index_cast %scan3A_865 : i32 to index
        %get3A_890 = arith.constant 16 : index
        %get3A_891 = tpu.vector_load %arg6[%get3A_888, %get3A_889, %get3A_890] {strides = array<i32>} : memref<4x128x64xi32, #tpu.memory_space<vmem>>, vector<16xi32>,
        %bitcast3A_892 = vector.bitcast %get3A_891 : vector<16xi32> to vector<32xbf16>
        %unpack3A_893 = tpu.unpack_subelements %bitcast3A_892, 0 {pack_format = #tpu.pack_format<interleaved>} : vector<32xbf16> -> vector<16xf32>
        %unpack3A_894 = tpu.unpack_subelements %bitcast3A_892, 1 {pack_format = #tpu.pack_format<interleaved>} : vector<32xbf16> -> vector<16xf32>
        %mul3A_895 = arith.mulf %unpack3A_893, %bitcast3A_870 : vector<16xf32>
        %swap3A_896 = arith.index_cast %scan3A_865 : i32 to index
        %swap3A_897 = arith.constant 32 : index
        %swap3A_898 = tpu.vector_load %arg7[%swap3A_896, %swap3A_897] {strides = array<i32>} : memref<128x128xf32, #tpu.memory_space<vmem>>, vector<16xf32>,
        tpu.vector_store %arg7[%swap3A_896, %swap3A_897], %mul3A_895 {strides = array<i32>} : memref<128x128xf32, #tpu.memory_space<vmem>>, vector<16xf32>,
        %mul3A_899 = arith.mulf %unpack3A_894, %bitcast3A_870 : vector<16xf32>
        %swap3A_900 = arith.index_cast %scan3A_865 : i32 to index
        %swap3A_901 = arith.constant 48 : index
        %swap3A_902 = tpu.vector_load %arg7[%swap3A_900, %swap3A_901] {strides = array<i32>} : memref<128x128xf32, #tpu.memory_space<vmem>>, vector<16xf32>,
        tpu.vector_store %arg7[%swap3A_900, %swap3A_901], %mul3A_899 {strides = array<i32>} : memref<128x128xf32, #tpu.memory_space<vmem>>, vector<16xf32>,
        %get3A_903 = arith.constant 2 : i32
        %get3A_904 = arith.index_cast %get3A_903 : i32 to index
        %get3A_905 = arith.index_cast %scan3A_865 : i32 to index
        %get3A_906 = arith.constant 32 : index
        %get3A_907 = tpu.vector_load %arg6[%get3A_904, %get3A_905, %get3A_906] {strides = array<i32>} : memref<4x128x64xi32, #tpu.memory_space<vmem>>, vector<16xi32>,
        %bitcast3A_908 = vector.bitcast %get3A_907 : vector<16xi32> to vector<32xbf16>
        %unpack3A_909 = tpu.unpack_subelements %bitcast3A_908, 0 {pack_format = #tpu.pack_format<interleaved>} : vector<32xbf16> -> vector<16xf32>
        %unpack3A_910 = tpu.unpack_subelements %bitcast3A_908, 1 {pack_format = #tpu.pack_format<interleaved>} : vector<32xbf16> -> vector<16xf32>
        %mul3A_911 = arith.mulf %unpack3A_909, %bitcast3A_870 : vector<16xf32>
        %swap3A_912 = arith.index_cast %scan3A_865 : i32 to index
        %swap3A_913 = arith.constant 64 : index
        %swap3A_914 = tpu.vector_load %arg7[%swap3A_912, %swap3A_913] {strides = array<i32>} : memref<128x128xf32, #tpu.memory_space<vmem>>, vector<16xf32>,
        tpu.vector_store %arg7[%swap3A_912, %swap3A_913], %mul3A_911 {strides = array<i32>} : memref<128x128xf32, #tpu.memory_space<vmem>>, vector<16xf32>,
        %mul3A_915 = arith.mulf %unpack3A_910, %bitcast3A_870 : vector<16xf32>
        %swap3A_916 = arith.index_cast %scan3A_865 : i32 to index
        %swap3A_917 = arith.constant 80 : index
        %swap3A_918 = tpu.vector_load %arg7[%swap3A_916, %swap3A_917] {strides = array<i32>} : memref<128x128xf32, #tpu.memory_space<vmem>>, vector<16xf32>,
        tpu.vector_store %arg7[%swap3A_916, %swap3A_917], %mul3A_915 {strides = array<i32>} : memref<128x128xf32, #tpu.memory_space<vmem>>, vector<16xf32>,
        %get3A_919 = arith.constant 2 : i32
        %get3A_920 = arith.index_cast %get3A_919 : i32 to index
        %get3A_921 = arith.index_cast %scan3A_865 : i32 to index
        %get3A_922 = arith.constant 48 : index
        %get3A_923 = tpu.vector_load %arg6[%get3A_920, %get3A_921, %get3A_922] {strides = array<i32>} : memref<4x128x64xi32, #tpu.memory_space<vmem>>, vector<16xi32>,
        %bitcast3A_924 = vector.bitcast %get3A_923 : vector<16xi32> to vector<32xbf16>
        %unpack3A_925 = tpu.unpack_subelements %bitcast3A_924, 0 {pack_format = #tpu.pack_format<interleaved>} : vector<32xbf16> -> vector<16xf32>
        %unpack3A_926 = tpu.unpack_subelements %bitcast3A_924, 1 {pack_format = #tpu.pack_format<interleaved>} : vector<32xbf16> -> vector<16xf32>
        %mul3A_927 = arith.mulf %unpack3A_925, %bitcast3A_870 : vector<16xf32>
        %swap3A_928 = arith.index_cast %scan3A_865 : i32 to index
        %swap3A_929 = arith.constant 96 : index
        %swap3A_930 = tpu.vector_load %arg7[%swap3A_928, %swap3A_929] {strides = array<i32>} : memref<128x128xf32, #tpu.memory_space<vmem>>, vector<16xf32>,
        tpu.vector_store %arg7[%swap3A_928, %swap3A_929], %mul3A_927 {strides = array<i32>} : memref<128x128xf32, #tpu.memory_space<vmem>>, vector<16xf32>,
        %mul3A_931 = arith.mulf %unpack3A_926, %bitcast3A_870 : vector<16xf32>
        %swap3A_932 = arith.index_cast %scan3A_865 : i32 to index
        %swap3A_933 = arith.constant 112 : index
        %swap3A_934 = tpu.vector_load %arg7[%swap3A_932, %swap3A_933] {strides = array<i32>} : memref<128x128xf32, #tpu.memory_space<vmem>>, vector<16xf32>,
        tpu.vector_store %arg7[%swap3A_932, %swap3A_933], %mul3A_931 {strides = array<i32>} : memref<128x128xf32, #tpu.memory_space<vmem>>, vector<16xf32>,
      }
      %scan3A_318 = arith.constant 128 : i32
      %run_scoped3A_319 = arith.constant 7 : i32
      "tpu.region"() ({
        %run_scoped3A_373 = tpu.sem_alloc : memref<!tpu.dma_semaphore, #tpu.memory_space<semaphore_mem>>
        %dma_start3A_374 = arith.constant 0 : i32
        %dma_start3A_375 = tpu.memref_slice %arg5[%run_scoped3A_319, %dma_start3A_374] : memref<12x128xi32, #tpu.memory_space<vmem>> -> memref<1x128xi32, #tpu.memory_space<vmem>>
        %dma_start3A_376 = tpu.memref_squeeze %dma_start3A_375 : memref<1x128xi32, #tpu.memory_space<vmem>> -> memref<128xi32, #tpu.memory_space<vmem>>
        %dma_start3A_377 = arith.constant 0 : i32
        %dma_start3A_378 = arith.constant 0 : i32
        %dma_start3A_379 = tpu.memref_slice %arg8[%dma_start3A_377, %dma_start3A_378] : memref<10000x128xf32, #tpu.memory_space<vmem_shared>> -> memref<10000x128xf32, #tpu.memory_space<vmem_shared>>
        tpu.enqueue_indirect_dma source(%arg7 : memref<128x128xf32, #tpu.memory_space<vmem>>) target(%dma_start3A_379 : memref<10000x128xf32, #tpu.memory_space<vmem_shared>>) offsets(%dma_start3A_376 : memref<128xi32, #tpu.memory_space<vmem>>) semaphore(%run_scoped3A_373 : memref<!tpu.dma_semaphore, #tpu.memory_space<semaphore_mem>>) {add = true}
        %dma_wait3A_380 = arith.constant 0 : i32
        %dma_wait3A_381 = tpu.memref_slice %arg5[%run_scoped3A_319, %dma_wait3A_380] : memref<12x128xi32, #tpu.memory_space<vmem>> -> memref<1x128xi32, #tpu.memory_space<vmem>>
        %dma_wait3A_382 = tpu.memref_squeeze %dma_wait3A_381 : memref<1x128xi32, #tpu.memory_space<vmem>> -> memref<128xi32, #tpu.memory_space<vmem>>
        %dma_wait3A_383 = arith.constant 0 : i32
        %dma_wait3A_384 = arith.constant 0 : i32
        %dma_wait3A_385 = tpu.memref_slice %arg8[%dma_wait3A_383, %dma_wait3A_384] : memref<10000x128xf32, #tpu.memory_space<vmem_shared>> -> memref<10000x128xf32, #tpu.memory_space<vmem_shared>>
        tpu.wait_indirect_dma semaphore(%run_scoped3A_373 : memref<!tpu.dma_semaphore, #tpu.memory_space<semaphore_mem>>) src(%arg7 : memref<128x128xf32, #tpu.memory_space<vmem>>) dst(%dma_wait3A_385 : memref<10000x128xf32, #tpu.memory_space<vmem_shared>>)
        tpu.yield
      }) : () -> ()
      %add3A_320 = arith.constant 4 : i32
      %add3A_321 = arith.addi %add3A_298, %add3A_320 : i32
      %lt3A_322 = arith.constant 80 : i32
      %lt3A_323 = arith.cmpi slt, %add3A_321, %lt3A_322 : i32
      %convert_element_type3A_324 = arith.extui %lt3A_323 : i1 to i32
      %cond3A_325 = arith.constant 0 : i32
      %cond3A_326 = arith.cmpi ne, %convert_element_type3A_324, %cond3A_325 : i32
      scf.if %cond3A_326 {
        %add3A_373 = arith.constant 4 : i32
        %add3A_374 = arith.addi %add3A_298, %add3A_373 : i32
        %add3A_375 = arith.addi %mul3A_2, %add3A_374 : i32
        %dma_start3A_376 = arith.constant 2 : i32
        %dma_start3A_377 = arith.constant 6 : i32
        %dma_start3A_378 = arith.constant 0 : i32
        %dma_start3A_379 = tpu.memref_slice %arg5[%dma_start3A_377, %dma_start3A_378] : memref<12x128xi32, #tpu.memory_space<vmem>> -> memref<3x128xi32, #tpu.memory_space<vmem>>
        %dma_start3A_380 = arith.constant 0 : i32
        %dma_start3A_381 = arith.constant 0 : i32
        %dma_start3A_382 = tpu.memref_slice %arg3[%add3A_375, %dma_start3A_380, %dma_start3A_381] : memref<2560x3x128xi32, #tpu.memory_space<hbm>> -> memref<1x3x128xi32, #tpu.memory_space<hbm>>
        %dma_start3A_383 = tpu.memref_squeeze %dma_start3A_382 : memref<1x3x128xi32, #tpu.memory_space<hbm>> -> memref<3x128xi32, #tpu.memory_space<hbm>>
        %dma_start3A_384 = tpu.memref_slice %arg10[%dma_start3A_376] : memref<4x!tpu.dma_semaphore, #tpu.memory_space<semaphore_mem>> -> memref<1x!tpu.dma_semaphore, #tpu.memory_space<semaphore_mem>>
        %dma_start3A_385 = tpu.memref_squeeze %dma_start3A_384 : memref<1x!tpu.dma_semaphore, #tpu.memory_space<semaphore_mem>> -> memref<!tpu.dma_semaphore, #tpu.memory_space<semaphore_mem>>
        %dma_start3A_386 = arith.constant 6 : i32
        %dma_start3A_387 = arith.constant 0 : i32
        %dma_start3A_388 = tpu.memref_slice %arg5[%dma_start3A_386, %dma_start3A_387] : memref<12x128xi32, #tpu.memory_space<vmem>> -> memref<3x128xi32, #tpu.memory_space<vmem>>
        %dma_start3A_389 = arith.constant 0 : i32
        %dma_start3A_390 = arith.constant 0 : i32
        %dma_start3A_391 = tpu.memref_slice %arg3[%add3A_375, %dma_start3A_389, %dma_start3A_390] : memref<2560x3x128xi32, #tpu.memory_space<hbm>> -> memref<1x3x128xi32, #tpu.memory_space<hbm>>
        %dma_start3A_392 = tpu.memref_squeeze %dma_start3A_391 : memref<1x3x128xi32, #tpu.memory_space<hbm>> -> memref<3x128xi32, #tpu.memory_space<hbm>>
        tpu.enqueue_dma source(%dma_start3A_392 : memref<3x128xi32, #tpu.memory_space<hbm>>) target(%dma_start3A_388 : memref<3x128xi32, #tpu.memory_space<vmem>>) target_semaphore(%dma_start3A_385 : memref<!tpu.dma_semaphore, #tpu.memory_space<semaphore_mem>>)
      } else {
      }
      %add3A_327 = arith.constant 3 : i32
      %add3A_328 = arith.addi %add3A_298, %add3A_327 : i32
      %lt3A_329 = arith.constant 80 : i32
      %lt3A_330 = arith.cmpi slt, %add3A_328, %lt3A_329 : i32
      %convert_element_type3A_331 = arith.extui %lt3A_330 : i1 to i32
      %cond3A_332 = arith.constant 0 : i32
      %cond3A_333 = arith.cmpi ne, %convert_element_type3A_331, %cond3A_332 : i32
      scf.if %cond3A_333 {
        %add3A_373 = arith.constant 3 : i32
        %add3A_374 = arith.addi %add3A_298, %add3A_373 : i32
        %add3A_375 = arith.addi %mul3A_2, %add3A_374 : i32
        %dma_wait3A_376 = arith.constant 1 : i32
        %dma_wait3A_377 = arith.constant 3 : i32
        %dma_wait3A_378 = arith.constant 0 : i32
        %dma_wait3A_379 = tpu.memref_slice %arg5[%dma_wait3A_377, %dma_wait3A_378] : memref<12x128xi32, #tpu.memory_space<vmem>> -> memref<3x128xi32, #tpu.memory_space<vmem>>
        %dma_wait3A_380 = arith.constant 0 : i32
        %dma_wait3A_381 = arith.constant 0 : i32
        %dma_wait3A_382 = tpu.memref_slice %arg3[%add3A_375, %dma_wait3A_380, %dma_wait3A_381] : memref<2560x3x128xi32, #tpu.memory_space<hbm>> -> memref<1x3x128xi32, #tpu.memory_space<hbm>>
        %dma_wait3A_383 = tpu.memref_squeeze %dma_wait3A_382 : memref<1x3x128xi32, #tpu.memory_space<hbm>> -> memref<3x128xi32, #tpu.memory_space<hbm>>
        %dma_wait3A_384 = tpu.memref_slice %arg10[%dma_wait3A_376] : memref<4x!tpu.dma_semaphore, #tpu.memory_space<semaphore_mem>> -> memref<1x!tpu.dma_semaphore, #tpu.memory_space<semaphore_mem>>
        %dma_wait3A_385 = tpu.memref_squeeze %dma_wait3A_384 : memref<1x!tpu.dma_semaphore, #tpu.memory_space<semaphore_mem>> -> memref<!tpu.dma_semaphore, #tpu.memory_space<semaphore_mem>>
        %dma_wait3A_386 = arith.constant 3 : i32
        %dma_wait3A_387 = arith.constant 0 : i32
        %dma_wait3A_388 = tpu.memref_slice %arg5[%dma_wait3A_386, %dma_wait3A_387] : memref<12x128xi32, #tpu.memory_space<vmem>> -> memref<3x128xi32, #tpu.memory_space<vmem>>
        %dma_wait3A_389 = arith.constant 0 : i32
        %dma_wait3A_390 = arith.constant 0 : i32
        %dma_wait3A_391 = tpu.memref_slice %arg3[%add3A_375, %dma_wait3A_389, %dma_wait3A_390] : memref<2560x3x128xi32, #tpu.memory_space<hbm>> -> memref<1x3x128xi32, #tpu.memory_space<hbm>>
        %dma_wait3A_392 = tpu.memref_squeeze %dma_wait3A_391 : memref<1x3x128xi32, #tpu.memory_space<hbm>> -> memref<3x128xi32, #tpu.memory_space<hbm>>
        tpu.wait_dma2 semaphore(%dma_wait3A_385 : memref<!tpu.dma_semaphore, #tpu.memory_space<semaphore_mem>>) src(%dma_wait3A_392 : memref<3x128xi32, #tpu.memory_space<hbm>>) dst(%dma_wait3A_388 : memref<3x128xi32, #tpu.memory_space<vmem>>)
        %dma_start3A_393 = arith.constant 3 : i32
        %dma_start3A_394 = arith.constant 1 : i32
        %dma_start3A_395 = arith.constant 1 : i32
        %dma_start3A_396 = arith.constant 0 : i32
        %dma_start3A_397 = arith.constant 0 : i32
        %dma_start3A_398 = tpu.memref_slice %arg6[%dma_start3A_394, %dma_start3A_396, %dma_start3A_397] : memref<4x128x64xi32, #tpu.memory_space<vmem>> -> memref<1x128x64xi32, #tpu.memory_space<vmem>>
        %dma_start3A_399 = tpu.memref_squeeze %dma_start3A_398 : memref<1x128x64xi32, #tpu.memory_space<vmem>> -> memref<128x64xi32, #tpu.memory_space<vmem>>
        %dma_start3A_400 = arith.constant 0 : i32
        %dma_start3A_401 = tpu.memref_slice %arg5[%dma_start3A_393, %dma_start3A_400] : memref<12x128xi32, #tpu.memory_space<vmem>> -> memref<1x128xi32, #tpu.memory_space<vmem>>
        %dma_start3A_402 = tpu.memref_squeeze %dma_start3A_401 : memref<1x128xi32, #tpu.memory_space<vmem>> -> memref<128xi32, #tpu.memory_space<vmem>>
        %dma_start3A_403 = arith.constant 0 : i32
        %dma_start3A_404 = arith.constant 0 : i32
        %dma_start3A_405 = tpu.memref_slice %arg2[%dma_start3A_403, %dma_start3A_404] : memref<10000x64xi32, #tpu.memory_space<hbm>> -> memref<10000x64xi32, #tpu.memory_space<hbm>>
        %dma_start3A_406 = tpu.memref_slice %arg9[%dma_start3A_395] : memref<4x!tpu.dma_semaphore, #tpu.memory_space<semaphore_mem>> -> memref<1x!tpu.dma_semaphore, #tpu.memory_space<semaphore_mem>>
        %dma_start3A_407 = tpu.memref_squeeze %dma_start3A_406 : memref<1x!tpu.dma_semaphore, #tpu.memory_space<semaphore_mem>> -> memref<!tpu.dma_semaphore, #tpu.memory_space<semaphore_mem>>
        tpu.enqueue_indirect_dma source(%dma_start3A_405 : memref<10000x64xi32, #tpu.memory_space<hbm>>) target(%dma_start3A_399 : memref<128x64xi32, #tpu.memory_space<vmem>>) offsets(%dma_start3A_402 : memref<128xi32, #tpu.memory_space<vmem>>) semaphore(%dma_start3A_407 : memref<!tpu.dma_semaphore, #tpu.memory_space<semaphore_mem>>)
      } else {
      }
      %mul3A_334 = arith.constant 4 : i32
      %mul3A_335 = arith.muli %scan3A_217, %mul3A_334 : i32
      %add3A_336 = arith.constant 3 : i32
      %add3A_337 = arith.addi %mul3A_335, %add3A_336 : i32
      %dma_wait3A_338 = arith.constant 9 : i32
      %dma_wait3A_339 = arith.constant 3 : i32
      %dma_wait3A_340 = arith.constant 3 : i32
      %dma_wait3A_341 = arith.constant 0 : i32
      %dma_wait3A_342 = arith.constant 0 : i32
      %dma_wait3A_343 = tpu.memref_slice %arg6[%dma_wait3A_339, %dma_wait3A_341, %dma_wait3A_342] : memref<4x128x64xi32, #tpu.memory_space<vmem>> -> memref<1x128x64xi32, #tpu.memory_space<vmem>>
      %dma_wait3A_344 = tpu.memref_squeeze %dma_wait3A_343 : memref<1x128x64xi32, #tpu.memory_space<vmem>> -> memref<128x64xi32, #tpu.memory_space<vmem>>
      %dma_wait3A_345 = arith.constant 0 : i32
      %dma_wait3A_346 = tpu.memref_slice %arg5[%dma_wait3A_338, %dma_wait3A_345] : memref<12x128xi32, #tpu.memory_space<vmem>> -> memref<1x128xi32, #tpu.memory_space<vmem>>
      %dma_wait3A_347 = tpu.memref_squeeze %dma_wait3A_346 : memref<1x128xi32, #tpu.memory_space<vmem>> -> memref<128xi32, #tpu.memory_space<vmem>>
      %dma_wait3A_348 = arith.constant 0 : i32
      %dma_wait3A_349 = arith.constant 0 : i32
      %dma_wait3A_350 = tpu.memref_slice %arg2[%dma_wait3A_348, %dma_wait3A_349] : memref<10000x64xi32, #tpu.memory_space<hbm>> -> memref<10000x64xi32, #tpu.memory_space<hbm>>
      %dma_wait3A_351 = tpu.memref_slice %arg9[%dma_wait3A_340] : memref<4x!tpu.dma_semaphore, #tpu.memory_space<semaphore_mem>> -> memref<1x!tpu.dma_semaphore, #tpu.memory_space<semaphore_mem>>
      %dma_wait3A_352 = tpu.memref_squeeze %dma_wait3A_351 : memref<1x!tpu.dma_semaphore, #tpu.memory_space<semaphore_mem>> -> memref<!tpu.dma_semaphore, #tpu.memory_space<semaphore_mem>>
      tpu.wait_indirect_dma semaphore(%dma_wait3A_352 : memref<!tpu.dma_semaphore, #tpu.memory_space<semaphore_mem>>) src(%dma_wait3A_350 : memref<10000x64xi32, #tpu.memory_space<hbm>>) dst(%dma_wait3A_344 : memref<128x64xi32, #tpu.memory_space<vmem>>)
      %scan3A_353 = arith.constant 0 : i32
      %scan3A_354 = arith.constant 128 : i32
      %scan3A_355 = arith.addi %scan3A_353, %scan3A_354 : i32
      %scan3A_356 = arith.constant 8 : i32
      scf.for %scan3A_373 = %scan3A_353 to %scan3A_355 step %scan3A_356  : i32 {
        %broadcast_in_dim3A_374 = arith.constant 11 : i32
        %broadcast_in_dim3A_375 = vector.broadcast %broadcast_in_dim3A_374 : i32 to vector<16xi32>
        %broadcast_in_dim3A_376 = vector.broadcast %scan3A_373 : i32 to vector<16xi32>
        %gather3A = tpu.vector_load_idx %arg5[%broadcast_in_dim3A_375, %broadcast_in_dim3A_376] : memref<12x128xi32, #tpu.memory_space<vmem>>[vector<16xi32>, vector<16xi32>], vector<16xi32>,
        %bitcast3A = vector.bitcast %gather3A : vector<16xi32> to vector<16xf32>
        %get3A = arith.constant 3 : i32
        %get3A_377 = arith.index_cast %get3A : i32 to index
        %get3A_378 = arith.index_cast %scan3A_373 : i32 to index
        %get3A_379 = arith.constant 0 : index
        %get3A_380 = tpu.vector_load %arg6[%get3A_377, %get3A_378, %get3A_379] {strides = array<i32>} : memref<4x128x64xi32, #tpu.memory_space<vmem>>, vector<16xi32>,
        %bitcast3A_381 = vector.bitcast %get3A_380 : vector<16xi32> to vector<32xbf16>
        %unpack3A = tpu.unpack_subelements %bitcast3A_381, 0 {pack_format = #tpu.pack_format<interleaved>} : vector<32xbf16> -> vector<16xf32>
        %unpack3A_382 = tpu.unpack_subelements %bitcast3A_381, 1 {pack_format = #tpu.pack_format<interleaved>} : vector<32xbf16> -> vector<16xf32>
        %mul3A_383 = arith.mulf %unpack3A, %bitcast3A : vector<16xf32>
        %swap3A = arith.index_cast %scan3A_373 : i32 to index
        %swap3A_384 = arith.constant 0 : index
        %swap3A_385 = tpu.vector_load %arg7[%swap3A, %swap3A_384] {strides = array<i32>} : memref<128x128xf32, #tpu.memory_space<vmem>>, vector<16xf32>,
        tpu.vector_store %arg7[%swap3A, %swap3A_384], %mul3A_383 {strides = array<i32>} : memref<128x128xf32, #tpu.memory_space<vmem>>, vector<16xf32>,
        %mul3A_386 = arith.mulf %unpack3A_382, %bitcast3A : vector<16xf32>
        %swap3A_387 = arith.index_cast %scan3A_373 : i32 to index
        %swap3A_388 = arith.constant 16 : index
        %swap3A_389 = tpu.vector_load %arg7[%swap3A_387, %swap3A_388] {strides = array<i32>} : memref<128x128xf32, #tpu.memory_space<vmem>>, vector<16xf32>,
        tpu.vector_store %arg7[%swap3A_387, %swap3A_388], %mul3A_386 {strides = array<i32>} : memref<128x128xf32, #tpu.memory_space<vmem>>, vector<16xf32>,
        %get3A_390 = arith.constant 3 : i32
        %get3A_391 = arith.index_cast %get3A_390 : i32 to index
        %get3A_392 = arith.index_cast %scan3A_373 : i32 to index
        %get3A_393 = arith.constant 16 : index
        %get3A_394 = tpu.vector_load %arg6[%get3A_391, %get3A_392, %get3A_393] {strides = array<i32>} : memref<4x128x64xi32, #tpu.memory_space<vmem>>, vector<16xi32>,
        %bitcast3A_395 = vector.bitcast %get3A_394 : vector<16xi32> to vector<32xbf16>
        %unpack3A_396 = tpu.unpack_subelements %bitcast3A_395, 0 {pack_format = #tpu.pack_format<interleaved>} : vector<32xbf16> -> vector<16xf32>
        %unpack3A_397 = tpu.unpack_subelements %bitcast3A_395, 1 {pack_format = #tpu.pack_format<interleaved>} : vector<32xbf16> -> vector<16xf32>
        %mul3A_398 = arith.mulf %unpack3A_396, %bitcast3A : vector<16xf32>
        %swap3A_399 = arith.index_cast %scan3A_373 : i32 to index
        %swap3A_400 = arith.constant 32 : index
        %swap3A_401 = tpu.vector_load %arg7[%swap3A_399, %swap3A_400] {strides = array<i32>} : memref<128x128xf32, #tpu.memory_space<vmem>>, vector<16xf32>,
        tpu.vector_store %arg7[%swap3A_399, %swap3A_400], %mul3A_398 {strides = array<i32>} : memref<128x128xf32, #tpu.memory_space<vmem>>, vector<16xf32>,
        %mul3A_402 = arith.mulf %unpack3A_397, %bitcast3A : vector<16xf32>
        %swap3A_403 = arith.index_cast %scan3A_373 : i32 to index
        %swap3A_404 = arith.constant 48 : index
        %swap3A_405 = tpu.vector_load %arg7[%swap3A_403, %swap3A_404] {strides = array<i32>} : memref<128x128xf32, #tpu.memory_space<vmem>>, vector<16xf32>,
        tpu.vector_store %arg7[%swap3A_403, %swap3A_404], %mul3A_402 {strides = array<i32>} : memref<128x128xf32, #tpu.memory_space<vmem>>, vector<16xf32>,
        %get3A_406 = arith.constant 3 : i32
        %get3A_407 = arith.index_cast %get3A_406 : i32 to index
        %get3A_408 = arith.index_cast %scan3A_373 : i32 to index
        %get3A_409 = arith.constant 32 : index
        %get3A_410 = tpu.vector_load %arg6[%get3A_407, %get3A_408, %get3A_409] {strides = array<i32>} : memref<4x128x64xi32, #tpu.memory_space<vmem>>, vector<16xi32>,
        %bitcast3A_411 = vector.bitcast %get3A_410 : vector<16xi32> to vector<32xbf16>
        %unpack3A_412 = tpu.unpack_subelements %bitcast3A_411, 0 {pack_format = #tpu.pack_format<interleaved>} : vector<32xbf16> -> vector<16xf32>
        %unpack3A_413 = tpu.unpack_subelements %bitcast3A_411, 1 {pack_format = #tpu.pack_format<interleaved>} : vector<32xbf16> -> vector<16xf32>
        %mul3A_414 = arith.mulf %unpack3A_412, %bitcast3A : vector<16xf32>
        %swap3A_415 = arith.index_cast %scan3A_373 : i32 to index
        %swap3A_416 = arith.constant 64 : index
        %swap3A_417 = tpu.vector_load %arg7[%swap3A_415, %swap3A_416] {strides = array<i32>} : memref<128x128xf32, #tpu.memory_space<vmem>>, vector<16xf32>,
        tpu.vector_store %arg7[%swap3A_415, %swap3A_416], %mul3A_414 {strides = array<i32>} : memref<128x128xf32, #tpu.memory_space<vmem>>, vector<16xf32>,
        %mul3A_418 = arith.mulf %unpack3A_413, %bitcast3A : vector<16xf32>
        %swap3A_419 = arith.index_cast %scan3A_373 : i32 to index
        %swap3A_420 = arith.constant 80 : index
        %swap3A_421 = tpu.vector_load %arg7[%swap3A_419, %swap3A_420] {strides = array<i32>} : memref<128x128xf32, #tpu.memory_space<vmem>>, vector<16xf32>,
        tpu.vector_store %arg7[%swap3A_419, %swap3A_420], %mul3A_418 {strides = array<i32>} : memref<128x128xf32, #tpu.memory_space<vmem>>, vector<16xf32>,
        %get3A_422 = arith.constant 3 : i32
        %get3A_423 = arith.index_cast %get3A_422 : i32 to index
        %get3A_424 = arith.index_cast %scan3A_373 : i32 to index
        %get3A_425 = arith.constant 48 : index
        %get3A_426 = tpu.vector_load %arg6[%get3A_423, %get3A_424, %get3A_425] {strides = array<i32>} : memref<4x128x64xi32, #tpu.memory_space<vmem>>, vector<16xi32>,
        %bitcast3A_427 = vector.bitcast %get3A_426 : vector<16xi32> to vector<32xbf16>
        %unpack3A_428 = tpu.unpack_subelements %bitcast3A_427, 0 {pack_format = #tpu.pack_format<interleaved>} : vector<32xbf16> -> vector<16xf32>
        %unpack3A_429 = tpu.unpack_subelements %bitcast3A_427, 1 {pack_format = #tpu.pack_format<interleaved>} : vector<32xbf16> -> vector<16xf32>
        %mul3A_430 = arith.mulf %unpack3A_428, %bitcast3A : vector<16xf32>
        %swap3A_431 = arith.index_cast %scan3A_373 : i32 to index
        %swap3A_432 = arith.constant 96 : index
        %swap3A_433 = tpu.vector_load %arg7[%swap3A_431, %swap3A_432] {strides = array<i32>} : memref<128x128xf32, #tpu.memory_space<vmem>>, vector<16xf32>,
        tpu.vector_store %arg7[%swap3A_431, %swap3A_432], %mul3A_430 {strides = array<i32>} : memref<128x128xf32, #tpu.memory_space<vmem>>, vector<16xf32>,
        %mul3A_434 = arith.mulf %unpack3A_429, %bitcast3A : vector<16xf32>
        %swap3A_435 = arith.index_cast %scan3A_373 : i32 to index
        %swap3A_436 = arith.constant 112 : index
        %swap3A_437 = tpu.vector_load %arg7[%swap3A_435, %swap3A_436] {strides = array<i32>} : memref<128x128xf32, #tpu.memory_space<vmem>>, vector<16xf32>,
        tpu.vector_store %arg7[%swap3A_435, %swap3A_436], %mul3A_434 {strides = array<i32>} : memref<128x128xf32, #tpu.memory_space<vmem>>, vector<16xf32>,
        %scan3A_438 = arith.constant 1 : i32
        %scan3A_439 = arith.addi %scan3A_373, %scan3A_438 : i32
        %broadcast_in_dim3A_440 = arith.constant 11 : i32
        %broadcast_in_dim3A_441 = vector.broadcast %broadcast_in_dim3A_440 : i32 to vector<16xi32>
        %broadcast_in_dim3A_442 = vector.broadcast %scan3A_439 : i32 to vector<16xi32>
        %gather3A_443 = tpu.vector_load_idx %arg5[%broadcast_in_dim3A_441, %broadcast_in_dim3A_442] : memref<12x128xi32, #tpu.memory_space<vmem>>[vector<16xi32>, vector<16xi32>], vector<16xi32>,
        %bitcast3A_444 = vector.bitcast %gather3A_443 : vector<16xi32> to vector<16xf32>
        %get3A_445 = arith.constant 3 : i32
        %get3A_446 = arith.index_cast %get3A_445 : i32 to index
        %get3A_447 = arith.index_cast %scan3A_439 : i32 to index
        %get3A_448 = arith.constant 0 : index
        %get3A_449 = tpu.vector_load %arg6[%get3A_446, %get3A_447, %get3A_448] {strides = array<i32>} : memref<4x128x64xi32, #tpu.memory_space<vmem>>, vector<16xi32>,
        %bitcast3A_450 = vector.bitcast %get3A_449 : vector<16xi32> to vector<32xbf16>
        %unpack3A_451 = tpu.unpack_subelements %bitcast3A_450, 0 {pack_format = #tpu.pack_format<interleaved>} : vector<32xbf16> -> vector<16xf32>
        %unpack3A_452 = tpu.unpack_subelements %bitcast3A_450, 1 {pack_format = #tpu.pack_format<interleaved>} : vector<32xbf16> -> vector<16xf32>
        %mul3A_453 = arith.mulf %unpack3A_451, %bitcast3A_444 : vector<16xf32>
        %swap3A_454 = arith.index_cast %scan3A_439 : i32 to index
        %swap3A_455 = arith.constant 0 : index
        %swap3A_456 = tpu.vector_load %arg7[%swap3A_454, %swap3A_455] {strides = array<i32>} : memref<128x128xf32, #tpu.memory_space<vmem>>, vector<16xf32>,
        tpu.vector_store %arg7[%swap3A_454, %swap3A_455], %mul3A_453 {strides = array<i32>} : memref<128x128xf32, #tpu.memory_space<vmem>>, vector<16xf32>,
        %mul3A_457 = arith.mulf %unpack3A_452, %bitcast3A_444 : vector<16xf32>
        %swap3A_458 = arith.index_cast %scan3A_439 : i32 to index
        %swap3A_459 = arith.constant 16 : index
        %swap3A_460 = tpu.vector_load %arg7[%swap3A_458, %swap3A_459] {strides = array<i32>} : memref<128x128xf32, #tpu.memory_space<vmem>>, vector<16xf32>,
        tpu.vector_store %arg7[%swap3A_458, %swap3A_459], %mul3A_457 {strides = array<i32>} : memref<128x128xf32, #tpu.memory_space<vmem>>, vector<16xf32>,
        %get3A_461 = arith.constant 3 : i32
        %get3A_462 = arith.index_cast %get3A_461 : i32 to index
        %get3A_463 = arith.index_cast %scan3A_439 : i32 to index
        %get3A_464 = arith.constant 16 : index
        %get3A_465 = tpu.vector_load %arg6[%get3A_462, %get3A_463, %get3A_464] {strides = array<i32>} : memref<4x128x64xi32, #tpu.memory_space<vmem>>, vector<16xi32>,
        %bitcast3A_466 = vector.bitcast %get3A_465 : vector<16xi32> to vector<32xbf16>
        %unpack3A_467 = tpu.unpack_subelements %bitcast3A_466, 0 {pack_format = #tpu.pack_format<interleaved>} : vector<32xbf16> -> vector<16xf32>
        %unpack3A_468 = tpu.unpack_subelements %bitcast3A_466, 1 {pack_format = #tpu.pack_format<interleaved>} : vector<32xbf16> -> vector<16xf32>
        %mul3A_469 = arith.mulf %unpack3A_467, %bitcast3A_444 : vector<16xf32>
        %swap3A_470 = arith.index_cast %scan3A_439 : i32 to index
        %swap3A_471 = arith.constant 32 : index
        %swap3A_472 = tpu.vector_load %arg7[%swap3A_470, %swap3A_471] {strides = array<i32>} : memref<128x128xf32, #tpu.memory_space<vmem>>, vector<16xf32>,
        tpu.vector_store %arg7[%swap3A_470, %swap3A_471], %mul3A_469 {strides = array<i32>} : memref<128x128xf32, #tpu.memory_space<vmem>>, vector<16xf32>,
        %mul3A_473 = arith.mulf %unpack3A_468, %bitcast3A_444 : vector<16xf32>
        %swap3A_474 = arith.index_cast %scan3A_439 : i32 to index
        %swap3A_475 = arith.constant 48 : index
        %swap3A_476 = tpu.vector_load %arg7[%swap3A_474, %swap3A_475] {strides = array<i32>} : memref<128x128xf32, #tpu.memory_space<vmem>>, vector<16xf32>,
        tpu.vector_store %arg7[%swap3A_474, %swap3A_475], %mul3A_473 {strides = array<i32>} : memref<128x128xf32, #tpu.memory_space<vmem>>, vector<16xf32>,
        %get3A_477 = arith.constant 3 : i32
        %get3A_478 = arith.index_cast %get3A_477 : i32 to index
        %get3A_479 = arith.index_cast %scan3A_439 : i32 to index
        %get3A_480 = arith.constant 32 : index
        %get3A_481 = tpu.vector_load %arg6[%get3A_478, %get3A_479, %get3A_480] {strides = array<i32>} : memref<4x128x64xi32, #tpu.memory_space<vmem>>, vector<16xi32>,
        %bitcast3A_482 = vector.bitcast %get3A_481 : vector<16xi32> to vector<32xbf16>
        %unpack3A_483 = tpu.unpack_subelements %bitcast3A_482, 0 {pack_format = #tpu.pack_format<interleaved>} : vector<32xbf16> -> vector<16xf32>
        %unpack3A_484 = tpu.unpack_subelements %bitcast3A_482, 1 {pack_format = #tpu.pack_format<interleaved>} : vector<32xbf16> -> vector<16xf32>
        %mul3A_485 = arith.mulf %unpack3A_483, %bitcast3A_444 : vector<16xf32>
        %swap3A_486 = arith.index_cast %scan3A_439 : i32 to index
        %swap3A_487 = arith.constant 64 : index
        %swap3A_488 = tpu.vector_load %arg7[%swap3A_486, %swap3A_487] {strides = array<i32>} : memref<128x128xf32, #tpu.memory_space<vmem>>, vector<16xf32>,
        tpu.vector_store %arg7[%swap3A_486, %swap3A_487], %mul3A_485 {strides = array<i32>} : memref<128x128xf32, #tpu.memory_space<vmem>>, vector<16xf32>,
        %mul3A_489 = arith.mulf %unpack3A_484, %bitcast3A_444 : vector<16xf32>
        %swap3A_490 = arith.index_cast %scan3A_439 : i32 to index
        %swap3A_491 = arith.constant 80 : index
        %swap3A_492 = tpu.vector_load %arg7[%swap3A_490, %swap3A_491] {strides = array<i32>} : memref<128x128xf32, #tpu.memory_space<vmem>>, vector<16xf32>,
        tpu.vector_store %arg7[%swap3A_490, %swap3A_491], %mul3A_489 {strides = array<i32>} : memref<128x128xf32, #tpu.memory_space<vmem>>, vector<16xf32>,
        %get3A_493 = arith.constant 3 : i32
        %get3A_494 = arith.index_cast %get3A_493 : i32 to index
        %get3A_495 = arith.index_cast %scan3A_439 : i32 to index
        %get3A_496 = arith.constant 48 : index
        %get3A_497 = tpu.vector_load %arg6[%get3A_494, %get3A_495, %get3A_496] {strides = array<i32>} : memref<4x128x64xi32, #tpu.memory_space<vmem>>, vector<16xi32>,
        %bitcast3A_498 = vector.bitcast %get3A_497 : vector<16xi32> to vector<32xbf16>
        %unpack3A_499 = tpu.unpack_subelements %bitcast3A_498, 0 {pack_format = #tpu.pack_format<interleaved>} : vector<32xbf16> -> vector<16xf32>
        %unpack3A_500 = tpu.unpack_subelements %bitcast3A_498, 1 {pack_format = #tpu.pack_format<interleaved>} : vector<32xbf16> -> vector<16xf32>
        %mul3A_501 = arith.mulf %unpack3A_499, %bitcast3A_444 : vector<16xf32>
        %swap3A_502 = arith.index_cast %scan3A_439 : i32 to index
        %swap3A_503 = arith.constant 96 : index
        %swap3A_504 = tpu.vector_load %arg7[%swap3A_502, %swap3A_503] {strides = array<i32>} : memref<128x128xf32, #tpu.memory_space<vmem>>, vector<16xf32>,
        tpu.vector_store %arg7[%swap3A_502, %swap3A_503], %mul3A_501 {strides = array<i32>} : memref<128x128xf32, #tpu.memory_space<vmem>>, vector<16xf32>,
        %mul3A_505 = arith.mulf %unpack3A_500, %bitcast3A_444 : vector<16xf32>
        %swap3A_506 = arith.index_cast %scan3A_439 : i32 to index
        %swap3A_507 = arith.constant 112 : index
        %swap3A_508 = tpu.vector_load %arg7[%swap3A_506, %swap3A_507] {strides = array<i32>} : memref<128x128xf32, #tpu.memory_space<vmem>>, vector<16xf32>,
        tpu.vector_store %arg7[%swap3A_506, %swap3A_507], %mul3A_505 {strides = array<i32>} : memref<128x128xf32, #tpu.memory_space<vmem>>, vector<16xf32>,
        %scan3A_509 = arith.constant 2 : i32
        %scan3A_510 = arith.addi %scan3A_373, %scan3A_509 : i32
        %broadcast_in_dim3A_511 = arith.constant 11 : i32
        %broadcast_in_dim3A_512 = vector.broadcast %broadcast_in_dim3A_511 : i32 to vector<16xi32>
        %broadcast_in_dim3A_513 = vector.broadcast %scan3A_510 : i32 to vector<16xi32>
        %gather3A_514 = tpu.vector_load_idx %arg5[%broadcast_in_dim3A_512, %broadcast_in_dim3A_513] : memref<12x128xi32, #tpu.memory_space<vmem>>[vector<16xi32>, vector<16xi32>], vector<16xi32>,
        %bitcast3A_515 = vector.bitcast %gather3A_514 : vector<16xi32> to vector<16xf32>
        %get3A_516 = arith.constant 3 : i32
        %get3A_517 = arith.index_cast %get3A_516 : i32 to index
        %get3A_518 = arith.index_cast %scan3A_510 : i32 to index
        %get3A_519 = arith.constant 0 : index
        %get3A_520 = tpu.vector_load %arg6[%get3A_517, %get3A_518, %get3A_519] {strides = array<i32>} : memref<4x128x64xi32, #tpu.memory_space<vmem>>, vector<16xi32>,
        %bitcast3A_521 = vector.bitcast %get3A_520 : vector<16xi32> to vector<32xbf16>
        %unpack3A_522 = tpu.unpack_subelements %bitcast3A_521, 0 {pack_format = #tpu.pack_format<interleaved>} : vector<32xbf16> -> vector<16xf32>
        %unpack3A_523 = tpu.unpack_subelements %bitcast3A_521, 1 {pack_format = #tpu.pack_format<interleaved>} : vector<32xbf16> -> vector<16xf32>
        %mul3A_524 = arith.mulf %unpack3A_522, %bitcast3A_515 : vector<16xf32>
        %swap3A_525 = arith.index_cast %scan3A_510 : i32 to index
        %swap3A_526 = arith.constant 0 : index
        %swap3A_527 = tpu.vector_load %arg7[%swap3A_525, %swap3A_526] {strides = array<i32>} : memref<128x128xf32, #tpu.memory_space<vmem>>, vector<16xf32>,
        tpu.vector_store %arg7[%swap3A_525, %swap3A_526], %mul3A_524 {strides = array<i32>} : memref<128x128xf32, #tpu.memory_space<vmem>>, vector<16xf32>,
        %mul3A_528 = arith.mulf %unpack3A_523, %bitcast3A_515 : vector<16xf32>
        %swap3A_529 = arith.index_cast %scan3A_510 : i32 to index
        %swap3A_530 = arith.constant 16 : index
        %swap3A_531 = tpu.vector_load %arg7[%swap3A_529, %swap3A_530] {strides = array<i32>} : memref<128x128xf32, #tpu.memory_space<vmem>>, vector<16xf32>,
        tpu.vector_store %arg7[%swap3A_529, %swap3A_530], %mul3A_528 {strides = array<i32>} : memref<128x128xf32, #tpu.memory_space<vmem>>, vector<16xf32>,
        %get3A_532 = arith.constant 3 : i32
        %get3A_533 = arith.index_cast %get3A_532 : i32 to index
        %get3A_534 = arith.index_cast %scan3A_510 : i32 to index
        %get3A_535 = arith.constant 16 : index
        %get3A_536 = tpu.vector_load %arg6[%get3A_533, %get3A_534, %get3A_535] {strides = array<i32>} : memref<4x128x64xi32, #tpu.memory_space<vmem>>, vector<16xi32>,
        %bitcast3A_537 = vector.bitcast %get3A_536 : vector<16xi32> to vector<32xbf16>
        %unpack3A_538 = tpu.unpack_subelements %bitcast3A_537, 0 {pack_format = #tpu.pack_format<interleaved>} : vector<32xbf16> -> vector<16xf32>
        %unpack3A_539 = tpu.unpack_subelements %bitcast3A_537, 1 {pack_format = #tpu.pack_format<interleaved>} : vector<32xbf16> -> vector<16xf32>
        %mul3A_540 = arith.mulf %unpack3A_538, %bitcast3A_515 : vector<16xf32>
        %swap3A_541 = arith.index_cast %scan3A_510 : i32 to index
        %swap3A_542 = arith.constant 32 : index
        %swap3A_543 = tpu.vector_load %arg7[%swap3A_541, %swap3A_542] {strides = array<i32>} : memref<128x128xf32, #tpu.memory_space<vmem>>, vector<16xf32>,
        tpu.vector_store %arg7[%swap3A_541, %swap3A_542], %mul3A_540 {strides = array<i32>} : memref<128x128xf32, #tpu.memory_space<vmem>>, vector<16xf32>,
        %mul3A_544 = arith.mulf %unpack3A_539, %bitcast3A_515 : vector<16xf32>
        %swap3A_545 = arith.index_cast %scan3A_510 : i32 to index
        %swap3A_546 = arith.constant 48 : index
        %swap3A_547 = tpu.vector_load %arg7[%swap3A_545, %swap3A_546] {strides = array<i32>} : memref<128x128xf32, #tpu.memory_space<vmem>>, vector<16xf32>,
        tpu.vector_store %arg7[%swap3A_545, %swap3A_546], %mul3A_544 {strides = array<i32>} : memref<128x128xf32, #tpu.memory_space<vmem>>, vector<16xf32>,
        %get3A_548 = arith.constant 3 : i32
        %get3A_549 = arith.index_cast %get3A_548 : i32 to index
        %get3A_550 = arith.index_cast %scan3A_510 : i32 to index
        %get3A_551 = arith.constant 32 : index
        %get3A_552 = tpu.vector_load %arg6[%get3A_549, %get3A_550, %get3A_551] {strides = array<i32>} : memref<4x128x64xi32, #tpu.memory_space<vmem>>, vector<16xi32>,
        %bitcast3A_553 = vector.bitcast %get3A_552 : vector<16xi32> to vector<32xbf16>
        %unpack3A_554 = tpu.unpack_subelements %bitcast3A_553, 0 {pack_format = #tpu.pack_format<interleaved>} : vector<32xbf16> -> vector<16xf32>
        %unpack3A_555 = tpu.unpack_subelements %bitcast3A_553, 1 {pack_format = #tpu.pack_format<interleaved>} : vector<32xbf16> -> vector<16xf32>
        %mul3A_556 = arith.mulf %unpack3A_554, %bitcast3A_515 : vector<16xf32>
        %swap3A_557 = arith.index_cast %scan3A_510 : i32 to index
        %swap3A_558 = arith.constant 64 : index
        %swap3A_559 = tpu.vector_load %arg7[%swap3A_557, %swap3A_558] {strides = array<i32>} : memref<128x128xf32, #tpu.memory_space<vmem>>, vector<16xf32>,
        tpu.vector_store %arg7[%swap3A_557, %swap3A_558], %mul3A_556 {strides = array<i32>} : memref<128x128xf32, #tpu.memory_space<vmem>>, vector<16xf32>,
        %mul3A_560 = arith.mulf %unpack3A_555, %bitcast3A_515 : vector<16xf32>
        %swap3A_561 = arith.index_cast %scan3A_510 : i32 to index
        %swap3A_562 = arith.constant 80 : index
        %swap3A_563 = tpu.vector_load %arg7[%swap3A_561, %swap3A_562] {strides = array<i32>} : memref<128x128xf32, #tpu.memory_space<vmem>>, vector<16xf32>,
        tpu.vector_store %arg7[%swap3A_561, %swap3A_562], %mul3A_560 {strides = array<i32>} : memref<128x128xf32, #tpu.memory_space<vmem>>, vector<16xf32>,
        %get3A_564 = arith.constant 3 : i32
        %get3A_565 = arith.index_cast %get3A_564 : i32 to index
        %get3A_566 = arith.index_cast %scan3A_510 : i32 to index
        %get3A_567 = arith.constant 48 : index
        %get3A_568 = tpu.vector_load %arg6[%get3A_565, %get3A_566, %get3A_567] {strides = array<i32>} : memref<4x128x64xi32, #tpu.memory_space<vmem>>, vector<16xi32>,
        %bitcast3A_569 = vector.bitcast %get3A_568 : vector<16xi32> to vector<32xbf16>
        %unpack3A_570 = tpu.unpack_subelements %bitcast3A_569, 0 {pack_format = #tpu.pack_format<interleaved>} : vector<32xbf16> -> vector<16xf32>
        %unpack3A_571 = tpu.unpack_subelements %bitcast3A_569, 1 {pack_format = #tpu.pack_format<interleaved>} : vector<32xbf16> -> vector<16xf32>
        %mul3A_572 = arith.mulf %unpack3A_570, %bitcast3A_515 : vector<16xf32>
        %swap3A_573 = arith.index_cast %scan3A_510 : i32 to index
        %swap3A_574 = arith.constant 96 : index
        %swap3A_575 = tpu.vector_load %arg7[%swap3A_573, %swap3A_574] {strides = array<i32>} : memref<128x128xf32, #tpu.memory_space<vmem>>, vector<16xf32>,
        tpu.vector_store %arg7[%swap3A_573, %swap3A_574], %mul3A_572 {strides = array<i32>} : memref<128x128xf32, #tpu.memory_space<vmem>>, vector<16xf32>,
        %mul3A_576 = arith.mulf %unpack3A_571, %bitcast3A_515 : vector<16xf32>
        %swap3A_577 = arith.index_cast %scan3A_510 : i32 to index
        %swap3A_578 = arith.constant 112 : index
        %swap3A_579 = tpu.vector_load %arg7[%swap3A_577, %swap3A_578] {strides = array<i32>} : memref<128x128xf32, #tpu.memory_space<vmem>>, vector<16xf32>,
        tpu.vector_store %arg7[%swap3A_577, %swap3A_578], %mul3A_576 {strides = array<i32>} : memref<128x128xf32, #tpu.memory_space<vmem>>, vector<16xf32>,
        %scan3A_580 = arith.constant 3 : i32
        %scan3A_581 = arith.addi %scan3A_373, %scan3A_580 : i32
        %broadcast_in_dim3A_582 = arith.constant 11 : i32
        %broadcast_in_dim3A_583 = vector.broadcast %broadcast_in_dim3A_582 : i32 to vector<16xi32>
        %broadcast_in_dim3A_584 = vector.broadcast %scan3A_581 : i32 to vector<16xi32>
        %gather3A_585 = tpu.vector_load_idx %arg5[%broadcast_in_dim3A_583, %broadcast_in_dim3A_584] : memref<12x128xi32, #tpu.memory_space<vmem>>[vector<16xi32>, vector<16xi32>], vector<16xi32>,
        %bitcast3A_586 = vector.bitcast %gather3A_585 : vector<16xi32> to vector<16xf32>
        %get3A_587 = arith.constant 3 : i32
        %get3A_588 = arith.index_cast %get3A_587 : i32 to index
        %get3A_589 = arith.index_cast %scan3A_581 : i32 to index
        %get3A_590 = arith.constant 0 : index
        %get3A_591 = tpu.vector_load %arg6[%get3A_588, %get3A_589, %get3A_590] {strides = array<i32>} : memref<4x128x64xi32, #tpu.memory_space<vmem>>, vector<16xi32>,
        %bitcast3A_592 = vector.bitcast %get3A_591 : vector<16xi32> to vector<32xbf16>
        %unpack3A_593 = tpu.unpack_subelements %bitcast3A_592, 0 {pack_format = #tpu.pack_format<interleaved>} : vector<32xbf16> -> vector<16xf32>
        %unpack3A_594 = tpu.unpack_subelements %bitcast3A_592, 1 {pack_format = #tpu.pack_format<interleaved>} : vector<32xbf16> -> vector<16xf32>
        %mul3A_595 = arith.mulf %unpack3A_593, %bitcast3A_586 : vector<16xf32>
        %swap3A_596 = arith.index_cast %scan3A_581 : i32 to index
        %swap3A_597 = arith.constant 0 : index
        %swap3A_598 = tpu.vector_load %arg7[%swap3A_596, %swap3A_597] {strides = array<i32>} : memref<128x128xf32, #tpu.memory_space<vmem>>, vector<16xf32>,
        tpu.vector_store %arg7[%swap3A_596, %swap3A_597], %mul3A_595 {strides = array<i32>} : memref<128x128xf32, #tpu.memory_space<vmem>>, vector<16xf32>,
        %mul3A_599 = arith.mulf %unpack3A_594, %bitcast3A_586 : vector<16xf32>
        %swap3A_600 = arith.index_cast %scan3A_581 : i32 to index
        %swap3A_601 = arith.constant 16 : index
        %swap3A_602 = tpu.vector_load %arg7[%swap3A_600, %swap3A_601] {strides = array<i32>} : memref<128x128xf32, #tpu.memory_space<vmem>>, vector<16xf32>,
        tpu.vector_store %arg7[%swap3A_600, %swap3A_601], %mul3A_599 {strides = array<i32>} : memref<128x128xf32, #tpu.memory_space<vmem>>, vector<16xf32>,
        %get3A_603 = arith.constant 3 : i32
        %get3A_604 = arith.index_cast %get3A_603 : i32 to index
        %get3A_605 = arith.index_cast %scan3A_581 : i32 to index
        %get3A_606 = arith.constant 16 : index
        %get3A_607 = tpu.vector_load %arg6[%get3A_604, %get3A_605, %get3A_606] {strides = array<i32>} : memref<4x128x64xi32, #tpu.memory_space<vmem>>, vector<16xi32>,
        %bitcast3A_608 = vector.bitcast %get3A_607 : vector<16xi32> to vector<32xbf16>
        %unpack3A_609 = tpu.unpack_subelements %bitcast3A_608, 0 {pack_format = #tpu.pack_format<interleaved>} : vector<32xbf16> -> vector<16xf32>
        %unpack3A_610 = tpu.unpack_subelements %bitcast3A_608, 1 {pack_format = #tpu.pack_format<interleaved>} : vector<32xbf16> -> vector<16xf32>
        %mul3A_611 = arith.mulf %unpack3A_609, %bitcast3A_586 : vector<16xf32>
        %swap3A_612 = arith.index_cast %scan3A_581 : i32 to index
        %swap3A_613 = arith.constant 32 : index
        %swap3A_614 = tpu.vector_load %arg7[%swap3A_612, %swap3A_613] {strides = array<i32>} : memref<128x128xf32, #tpu.memory_space<vmem>>, vector<16xf32>,
        tpu.vector_store %arg7[%swap3A_612, %swap3A_613], %mul3A_611 {strides = array<i32>} : memref<128x128xf32, #tpu.memory_space<vmem>>, vector<16xf32>,
        %mul3A_615 = arith.mulf %unpack3A_610, %bitcast3A_586 : vector<16xf32>
        %swap3A_616 = arith.index_cast %scan3A_581 : i32 to index
        %swap3A_617 = arith.constant 48 : index
        %swap3A_618 = tpu.vector_load %arg7[%swap3A_616, %swap3A_617] {strides = array<i32>} : memref<128x128xf32, #tpu.memory_space<vmem>>, vector<16xf32>,
        tpu.vector_store %arg7[%swap3A_616, %swap3A_617], %mul3A_615 {strides = array<i32>} : memref<128x128xf32, #tpu.memory_space<vmem>>, vector<16xf32>,
        %get3A_619 = arith.constant 3 : i32
        %get3A_620 = arith.index_cast %get3A_619 : i32 to index
        %get3A_621 = arith.index_cast %scan3A_581 : i32 to index
        %get3A_622 = arith.constant 32 : index
        %get3A_623 = tpu.vector_load %arg6[%get3A_620, %get3A_621, %get3A_622] {strides = array<i32>} : memref<4x128x64xi32, #tpu.memory_space<vmem>>, vector<16xi32>,
        %bitcast3A_624 = vector.bitcast %get3A_623 : vector<16xi32> to vector<32xbf16>
        %unpack3A_625 = tpu.unpack_subelements %bitcast3A_624, 0 {pack_format = #tpu.pack_format<interleaved>} : vector<32xbf16> -> vector<16xf32>
        %unpack3A_626 = tpu.unpack_subelements %bitcast3A_624, 1 {pack_format = #tpu.pack_format<interleaved>} : vector<32xbf16> -> vector<16xf32>
        %mul3A_627 = arith.mulf %unpack3A_625, %bitcast3A_586 : vector<16xf32>
        %swap3A_628 = arith.index_cast %scan3A_581 : i32 to index
        %swap3A_629 = arith.constant 64 : index
        %swap3A_630 = tpu.vector_load %arg7[%swap3A_628, %swap3A_629] {strides = array<i32>} : memref<128x128xf32, #tpu.memory_space<vmem>>, vector<16xf32>,
        tpu.vector_store %arg7[%swap3A_628, %swap3A_629], %mul3A_627 {strides = array<i32>} : memref<128x128xf32, #tpu.memory_space<vmem>>, vector<16xf32>,
        %mul3A_631 = arith.mulf %unpack3A_626, %bitcast3A_586 : vector<16xf32>
        %swap3A_632 = arith.index_cast %scan3A_581 : i32 to index
        %swap3A_633 = arith.constant 80 : index
        %swap3A_634 = tpu.vector_load %arg7[%swap3A_632, %swap3A_633] {strides = array<i32>} : memref<128x128xf32, #tpu.memory_space<vmem>>, vector<16xf32>,
        tpu.vector_store %arg7[%swap3A_632, %swap3A_633], %mul3A_631 {strides = array<i32>} : memref<128x128xf32, #tpu.memory_space<vmem>>, vector<16xf32>,
        %get3A_635 = arith.constant 3 : i32
        %get3A_636 = arith.index_cast %get3A_635 : i32 to index
        %get3A_637 = arith.index_cast %scan3A_581 : i32 to index
        %get3A_638 = arith.constant 48 : index
        %get3A_639 = tpu.vector_load %arg6[%get3A_636, %get3A_637, %get3A_638] {strides = array<i32>} : memref<4x128x64xi32, #tpu.memory_space<vmem>>, vector<16xi32>,
        %bitcast3A_640 = vector.bitcast %get3A_639 : vector<16xi32> to vector<32xbf16>
        %unpack3A_641 = tpu.unpack_subelements %bitcast3A_640, 0 {pack_format = #tpu.pack_format<interleaved>} : vector<32xbf16> -> vector<16xf32>
        %unpack3A_642 = tpu.unpack_subelements %bitcast3A_640, 1 {pack_format = #tpu.pack_format<interleaved>} : vector<32xbf16> -> vector<16xf32>
        %mul3A_643 = arith.mulf %unpack3A_641, %bitcast3A_586 : vector<16xf32>
        %swap3A_644 = arith.index_cast %scan3A_581 : i32 to index
        %swap3A_645 = arith.constant 96 : index
        %swap3A_646 = tpu.vector_load %arg7[%swap3A_644, %swap3A_645] {strides = array<i32>} : memref<128x128xf32, #tpu.memory_space<vmem>>, vector<16xf32>,
        tpu.vector_store %arg7[%swap3A_644, %swap3A_645], %mul3A_643 {strides = array<i32>} : memref<128x128xf32, #tpu.memory_space<vmem>>, vector<16xf32>,
        %mul3A_647 = arith.mulf %unpack3A_642, %bitcast3A_586 : vector<16xf32>
        %swap3A_648 = arith.index_cast %scan3A_581 : i32 to index
        %swap3A_649 = arith.constant 112 : index
        %swap3A_650 = tpu.vector_load %arg7[%swap3A_648, %swap3A_649] {strides = array<i32>} : memref<128x128xf32, #tpu.memory_space<vmem>>, vector<16xf32>,
        tpu.vector_store %arg7[%swap3A_648, %swap3A_649], %mul3A_647 {strides = array<i32>} : memref<128x128xf32, #tpu.memory_space<vmem>>, vector<16xf32>,
        %scan3A_651 = arith.constant 4 : i32
        %scan3A_652 = arith.addi %scan3A_373, %scan3A_651 : i32
        %broadcast_in_dim3A_653 = arith.constant 11 : i32
        %broadcast_in_dim3A_654 = vector.broadcast %broadcast_in_dim3A_653 : i32 to vector<16xi32>
        %broadcast_in_dim3A_655 = vector.broadcast %scan3A_652 : i32 to vector<16xi32>
        %gather3A_656 = tpu.vector_load_idx %arg5[%broadcast_in_dim3A_654, %broadcast_in_dim3A_655] : memref<12x128xi32, #tpu.memory_space<vmem>>[vector<16xi32>, vector<16xi32>], vector<16xi32>,
        %bitcast3A_657 = vector.bitcast %gather3A_656 : vector<16xi32> to vector<16xf32>
        %get3A_658 = arith.constant 3 : i32
        %get3A_659 = arith.index_cast %get3A_658 : i32 to index
        %get3A_660 = arith.index_cast %scan3A_652 : i32 to index
        %get3A_661 = arith.constant 0 : index
        %get3A_662 = tpu.vector_load %arg6[%get3A_659, %get3A_660, %get3A_661] {strides = array<i32>} : memref<4x128x64xi32, #tpu.memory_space<vmem>>, vector<16xi32>,
        %bitcast3A_663 = vector.bitcast %get3A_662 : vector<16xi32> to vector<32xbf16>
        %unpack3A_664 = tpu.unpack_subelements %bitcast3A_663, 0 {pack_format = #tpu.pack_format<interleaved>} : vector<32xbf16> -> vector<16xf32>
        %unpack3A_665 = tpu.unpack_subelements %bitcast3A_663, 1 {pack_format = #tpu.pack_format<interleaved>} : vector<32xbf16> -> vector<16xf32>
        %mul3A_666 = arith.mulf %unpack3A_664, %bitcast3A_657 : vector<16xf32>
        %swap3A_667 = arith.index_cast %scan3A_652 : i32 to index
        %swap3A_668 = arith.constant 0 : index
        %swap3A_669 = tpu.vector_load %arg7[%swap3A_667, %swap3A_668] {strides = array<i32>} : memref<128x128xf32, #tpu.memory_space<vmem>>, vector<16xf32>,
        tpu.vector_store %arg7[%swap3A_667, %swap3A_668], %mul3A_666 {strides = array<i32>} : memref<128x128xf32, #tpu.memory_space<vmem>>, vector<16xf32>,
        %mul3A_670 = arith.mulf %unpack3A_665, %bitcast3A_657 : vector<16xf32>
        %swap3A_671 = arith.index_cast %scan3A_652 : i32 to index
        %swap3A_672 = arith.constant 16 : index
        %swap3A_673 = tpu.vector_load %arg7[%swap3A_671, %swap3A_672] {strides = array<i32>} : memref<128x128xf32, #tpu.memory_space<vmem>>, vector<16xf32>,
        tpu.vector_store %arg7[%swap3A_671, %swap3A_672], %mul3A_670 {strides = array<i32>} : memref<128x128xf32, #tpu.memory_space<vmem>>, vector<16xf32>,
        %get3A_674 = arith.constant 3 : i32
        %get3A_675 = arith.index_cast %get3A_674 : i32 to index
        %get3A_676 = arith.index_cast %scan3A_652 : i32 to index
        %get3A_677 = arith.constant 16 : index
        %get3A_678 = tpu.vector_load %arg6[%get3A_675, %get3A_676, %get3A_677] {strides = array<i32>} : memref<4x128x64xi32, #tpu.memory_space<vmem>>, vector<16xi32>,
        %bitcast3A_679 = vector.bitcast %get3A_678 : vector<16xi32> to vector<32xbf16>
        %unpack3A_680 = tpu.unpack_subelements %bitcast3A_679, 0 {pack_format = #tpu.pack_format<interleaved>} : vector<32xbf16> -> vector<16xf32>
        %unpack3A_681 = tpu.unpack_subelements %bitcast3A_679, 1 {pack_format = #tpu.pack_format<interleaved>} : vector<32xbf16> -> vector<16xf32>
        %mul3A_682 = arith.mulf %unpack3A_680, %bitcast3A_657 : vector<16xf32>
        %swap3A_683 = arith.index_cast %scan3A_652 : i32 to index
        %swap3A_684 = arith.constant 32 : index
        %swap3A_685 = tpu.vector_load %arg7[%swap3A_683, %swap3A_684] {strides = array<i32>} : memref<128x128xf32, #tpu.memory_space<vmem>>, vector<16xf32>,
        tpu.vector_store %arg7[%swap3A_683, %swap3A_684], %mul3A_682 {strides = array<i32>} : memref<128x128xf32, #tpu.memory_space<vmem>>, vector<16xf32>,
        %mul3A_686 = arith.mulf %unpack3A_681, %bitcast3A_657 : vector<16xf32>
        %swap3A_687 = arith.index_cast %scan3A_652 : i32 to index
        %swap3A_688 = arith.constant 48 : index
        %swap3A_689 = tpu.vector_load %arg7[%swap3A_687, %swap3A_688] {strides = array<i32>} : memref<128x128xf32, #tpu.memory_space<vmem>>, vector<16xf32>,
        tpu.vector_store %arg7[%swap3A_687, %swap3A_688], %mul3A_686 {strides = array<i32>} : memref<128x128xf32, #tpu.memory_space<vmem>>, vector<16xf32>,
        %get3A_690 = arith.constant 3 : i32
        %get3A_691 = arith.index_cast %get3A_690 : i32 to index
        %get3A_692 = arith.index_cast %scan3A_652 : i32 to index
        %get3A_693 = arith.constant 32 : index
        %get3A_694 = tpu.vector_load %arg6[%get3A_691, %get3A_692, %get3A_693] {strides = array<i32>} : memref<4x128x64xi32, #tpu.memory_space<vmem>>, vector<16xi32>,
        %bitcast3A_695 = vector.bitcast %get3A_694 : vector<16xi32> to vector<32xbf16>
        %unpack3A_696 = tpu.unpack_subelements %bitcast3A_695, 0 {pack_format = #tpu.pack_format<interleaved>} : vector<32xbf16> -> vector<16xf32>
        %unpack3A_697 = tpu.unpack_subelements %bitcast3A_695, 1 {pack_format = #tpu.pack_format<interleaved>} : vector<32xbf16> -> vector<16xf32>
        %mul3A_698 = arith.mulf %unpack3A_696, %bitcast3A_657 : vector<16xf32>
        %swap3A_699 = arith.index_cast %scan3A_652 : i32 to index
        %swap3A_700 = arith.constant 64 : index
        %swap3A_701 = tpu.vector_load %arg7[%swap3A_699, %swap3A_700] {strides = array<i32>} : memref<128x128xf32, #tpu.memory_space<vmem>>, vector<16xf32>,
        tpu.vector_store %arg7[%swap3A_699, %swap3A_700], %mul3A_698 {strides = array<i32>} : memref<128x128xf32, #tpu.memory_space<vmem>>, vector<16xf32>,
        %mul3A_702 = arith.mulf %unpack3A_697, %bitcast3A_657 : vector<16xf32>
        %swap3A_703 = arith.index_cast %scan3A_652 : i32 to index
        %swap3A_704 = arith.constant 80 : index
        %swap3A_705 = tpu.vector_load %arg7[%swap3A_703, %swap3A_704] {strides = array<i32>} : memref<128x128xf32, #tpu.memory_space<vmem>>, vector<16xf32>,
        tpu.vector_store %arg7[%swap3A_703, %swap3A_704], %mul3A_702 {strides = array<i32>} : memref<128x128xf32, #tpu.memory_space<vmem>>, vector<16xf32>,
        %get3A_706 = arith.constant 3 : i32
        %get3A_707 = arith.index_cast %get3A_706 : i32 to index
        %get3A_708 = arith.index_cast %scan3A_652 : i32 to index
        %get3A_709 = arith.constant 48 : index
        %get3A_710 = tpu.vector_load %arg6[%get3A_707, %get3A_708, %get3A_709] {strides = array<i32>} : memref<4x128x64xi32, #tpu.memory_space<vmem>>, vector<16xi32>,
        %bitcast3A_711 = vector.bitcast %get3A_710 : vector<16xi32> to vector<32xbf16>
        %unpack3A_712 = tpu.unpack_subelements %bitcast3A_711, 0 {pack_format = #tpu.pack_format<interleaved>} : vector<32xbf16> -> vector<16xf32>
        %unpack3A_713 = tpu.unpack_subelements %bitcast3A_711, 1 {pack_format = #tpu.pack_format<interleaved>} : vector<32xbf16> -> vector<16xf32>
        %mul3A_714 = arith.mulf %unpack3A_712, %bitcast3A_657 : vector<16xf32>
        %swap3A_715 = arith.index_cast %scan3A_652 : i32 to index
        %swap3A_716 = arith.constant 96 : index
        %swap3A_717 = tpu.vector_load %arg7[%swap3A_715, %swap3A_716] {strides = array<i32>} : memref<128x128xf32, #tpu.memory_space<vmem>>, vector<16xf32>,
        tpu.vector_store %arg7[%swap3A_715, %swap3A_716], %mul3A_714 {strides = array<i32>} : memref<128x128xf32, #tpu.memory_space<vmem>>, vector<16xf32>,
        %mul3A_718 = arith.mulf %unpack3A_713, %bitcast3A_657 : vector<16xf32>
        %swap3A_719 = arith.index_cast %scan3A_652 : i32 to index
        %swap3A_720 = arith.constant 112 : index
        %swap3A_721 = tpu.vector_load %arg7[%swap3A_719, %swap3A_720] {strides = array<i32>} : memref<128x128xf32, #tpu.memory_space<vmem>>, vector<16xf32>,
        tpu.vector_store %arg7[%swap3A_719, %swap3A_720], %mul3A_718 {strides = array<i32>} : memref<128x128xf32, #tpu.memory_space<vmem>>, vector<16xf32>,
        %scan3A_722 = arith.constant 5 : i32
        %scan3A_723 = arith.addi %scan3A_373, %scan3A_722 : i32
        %broadcast_in_dim3A_724 = arith.constant 11 : i32
        %broadcast_in_dim3A_725 = vector.broadcast %broadcast_in_dim3A_724 : i32 to vector<16xi32>
        %broadcast_in_dim3A_726 = vector.broadcast %scan3A_723 : i32 to vector<16xi32>
        %gather3A_727 = tpu.vector_load_idx %arg5[%broadcast_in_dim3A_725, %broadcast_in_dim3A_726] : memref<12x128xi32, #tpu.memory_space<vmem>>[vector<16xi32>, vector<16xi32>], vector<16xi32>,
        %bitcast3A_728 = vector.bitcast %gather3A_727 : vector<16xi32> to vector<16xf32>
        %get3A_729 = arith.constant 3 : i32
        %get3A_730 = arith.index_cast %get3A_729 : i32 to index
        %get3A_731 = arith.index_cast %scan3A_723 : i32 to index
        %get3A_732 = arith.constant 0 : index
        %get3A_733 = tpu.vector_load %arg6[%get3A_730, %get3A_731, %get3A_732] {strides = array<i32>} : memref<4x128x64xi32, #tpu.memory_space<vmem>>, vector<16xi32>,
        %bitcast3A_734 = vector.bitcast %get3A_733 : vector<16xi32> to vector<32xbf16>
        %unpack3A_735 = tpu.unpack_subelements %bitcast3A_734, 0 {pack_format = #tpu.pack_format<interleaved>} : vector<32xbf16> -> vector<16xf32>
        %unpack3A_736 = tpu.unpack_subelements %bitcast3A_734, 1 {pack_format = #tpu.pack_format<interleaved>} : vector<32xbf16> -> vector<16xf32>
        %mul3A_737 = arith.mulf %unpack3A_735, %bitcast3A_728 : vector<16xf32>
        %swap3A_738 = arith.index_cast %scan3A_723 : i32 to index
        %swap3A_739 = arith.constant 0 : index
        %swap3A_740 = tpu.vector_load %arg7[%swap3A_738, %swap3A_739] {strides = array<i32>} : memref<128x128xf32, #tpu.memory_space<vmem>>, vector<16xf32>,
        tpu.vector_store %arg7[%swap3A_738, %swap3A_739], %mul3A_737 {strides = array<i32>} : memref<128x128xf32, #tpu.memory_space<vmem>>, vector<16xf32>,
        %mul3A_741 = arith.mulf %unpack3A_736, %bitcast3A_728 : vector<16xf32>
        %swap3A_742 = arith.index_cast %scan3A_723 : i32 to index
        %swap3A_743 = arith.constant 16 : index
        %swap3A_744 = tpu.vector_load %arg7[%swap3A_742, %swap3A_743] {strides = array<i32>} : memref<128x128xf32, #tpu.memory_space<vmem>>, vector<16xf32>,
        tpu.vector_store %arg7[%swap3A_742, %swap3A_743], %mul3A_741 {strides = array<i32>} : memref<128x128xf32, #tpu.memory_space<vmem>>, vector<16xf32>,
        %get3A_745 = arith.constant 3 : i32
        %get3A_746 = arith.index_cast %get3A_745 : i32 to index
        %get3A_747 = arith.index_cast %scan3A_723 : i32 to index
        %get3A_748 = arith.constant 16 : index
        %get3A_749 = tpu.vector_load %arg6[%get3A_746, %get3A_747, %get3A_748] {strides = array<i32>} : memref<4x128x64xi32, #tpu.memory_space<vmem>>, vector<16xi32>,
        %bitcast3A_750 = vector.bitcast %get3A_749 : vector<16xi32> to vector<32xbf16>
        %unpack3A_751 = tpu.unpack_subelements %bitcast3A_750, 0 {pack_format = #tpu.pack_format<interleaved>} : vector<32xbf16> -> vector<16xf32>
        %unpack3A_752 = tpu.unpack_subelements %bitcast3A_750, 1 {pack_format = #tpu.pack_format<interleaved>} : vector<32xbf16> -> vector<16xf32>
        %mul3A_753 = arith.mulf %unpack3A_751, %bitcast3A_728 : vector<16xf32>
        %swap3A_754 = arith.index_cast %scan3A_723 : i32 to index
        %swap3A_755 = arith.constant 32 : index
        %swap3A_756 = tpu.vector_load %arg7[%swap3A_754, %swap3A_755] {strides = array<i32>} : memref<128x128xf32, #tpu.memory_space<vmem>>, vector<16xf32>,
        tpu.vector_store %arg7[%swap3A_754, %swap3A_755], %mul3A_753 {strides = array<i32>} : memref<128x128xf32, #tpu.memory_space<vmem>>, vector<16xf32>,
        %mul3A_757 = arith.mulf %unpack3A_752, %bitcast3A_728 : vector<16xf32>
        %swap3A_758 = arith.index_cast %scan3A_723 : i32 to index
        %swap3A_759 = arith.constant 48 : index
        %swap3A_760 = tpu.vector_load %arg7[%swap3A_758, %swap3A_759] {strides = array<i32>} : memref<128x128xf32, #tpu.memory_space<vmem>>, vector<16xf32>,
        tpu.vector_store %arg7[%swap3A_758, %swap3A_759], %mul3A_757 {strides = array<i32>} : memref<128x128xf32, #tpu.memory_space<vmem>>, vector<16xf32>,
        %get3A_761 = arith.constant 3 : i32
        %get3A_762 = arith.index_cast %get3A_761 : i32 to index
        %get3A_763 = arith.index_cast %scan3A_723 : i32 to index
        %get3A_764 = arith.constant 32 : index
        %get3A_765 = tpu.vector_load %arg6[%get3A_762, %get3A_763, %get3A_764] {strides = array<i32>} : memref<4x128x64xi32, #tpu.memory_space<vmem>>, vector<16xi32>,
        %bitcast3A_766 = vector.bitcast %get3A_765 : vector<16xi32> to vector<32xbf16>
        %unpack3A_767 = tpu.unpack_subelements %bitcast3A_766, 0 {pack_format = #tpu.pack_format<interleaved>} : vector<32xbf16> -> vector<16xf32>
        %unpack3A_768 = tpu.unpack_subelements %bitcast3A_766, 1 {pack_format = #tpu.pack_format<interleaved>} : vector<32xbf16> -> vector<16xf32>
        %mul3A_769 = arith.mulf %unpack3A_767, %bitcast3A_728 : vector<16xf32>
        %swap3A_770 = arith.index_cast %scan3A_723 : i32 to index
        %swap3A_771 = arith.constant 64 : index
        %swap3A_772 = tpu.vector_load %arg7[%swap3A_770, %swap3A_771] {strides = array<i32>} : memref<128x128xf32, #tpu.memory_space<vmem>>, vector<16xf32>,
        tpu.vector_store %arg7[%swap3A_770, %swap3A_771], %mul3A_769 {strides = array<i32>} : memref<128x128xf32, #tpu.memory_space<vmem>>, vector<16xf32>,
        %mul3A_773 = arith.mulf %unpack3A_768, %bitcast3A_728 : vector<16xf32>
        %swap3A_774 = arith.index_cast %scan3A_723 : i32 to index
        %swap3A_775 = arith.constant 80 : index
        %swap3A_776 = tpu.vector_load %arg7[%swap3A_774, %swap3A_775] {strides = array<i32>} : memref<128x128xf32, #tpu.memory_space<vmem>>, vector<16xf32>,
        tpu.vector_store %arg7[%swap3A_774, %swap3A_775], %mul3A_773 {strides = array<i32>} : memref<128x128xf32, #tpu.memory_space<vmem>>, vector<16xf32>,
        %get3A_777 = arith.constant 3 : i32
        %get3A_778 = arith.index_cast %get3A_777 : i32 to index
        %get3A_779 = arith.index_cast %scan3A_723 : i32 to index
        %get3A_780 = arith.constant 48 : index
        %get3A_781 = tpu.vector_load %arg6[%get3A_778, %get3A_779, %get3A_780] {strides = array<i32>} : memref<4x128x64xi32, #tpu.memory_space<vmem>>, vector<16xi32>,
        %bitcast3A_782 = vector.bitcast %get3A_781 : vector<16xi32> to vector<32xbf16>
        %unpack3A_783 = tpu.unpack_subelements %bitcast3A_782, 0 {pack_format = #tpu.pack_format<interleaved>} : vector<32xbf16> -> vector<16xf32>
        %unpack3A_784 = tpu.unpack_subelements %bitcast3A_782, 1 {pack_format = #tpu.pack_format<interleaved>} : vector<32xbf16> -> vector<16xf32>
        %mul3A_785 = arith.mulf %unpack3A_783, %bitcast3A_728 : vector<16xf32>
        %swap3A_786 = arith.index_cast %scan3A_723 : i32 to index
        %swap3A_787 = arith.constant 96 : index
        %swap3A_788 = tpu.vector_load %arg7[%swap3A_786, %swap3A_787] {strides = array<i32>} : memref<128x128xf32, #tpu.memory_space<vmem>>, vector<16xf32>,
        tpu.vector_store %arg7[%swap3A_786, %swap3A_787], %mul3A_785 {strides = array<i32>} : memref<128x128xf32, #tpu.memory_space<vmem>>, vector<16xf32>,
        %mul3A_789 = arith.mulf %unpack3A_784, %bitcast3A_728 : vector<16xf32>
        %swap3A_790 = arith.index_cast %scan3A_723 : i32 to index
        %swap3A_791 = arith.constant 112 : index
        %swap3A_792 = tpu.vector_load %arg7[%swap3A_790, %swap3A_791] {strides = array<i32>} : memref<128x128xf32, #tpu.memory_space<vmem>>, vector<16xf32>,
        tpu.vector_store %arg7[%swap3A_790, %swap3A_791], %mul3A_789 {strides = array<i32>} : memref<128x128xf32, #tpu.memory_space<vmem>>, vector<16xf32>,
        %scan3A_793 = arith.constant 6 : i32
        %scan3A_794 = arith.addi %scan3A_373, %scan3A_793 : i32
        %broadcast_in_dim3A_795 = arith.constant 11 : i32
        %broadcast_in_dim3A_796 = vector.broadcast %broadcast_in_dim3A_795 : i32 to vector<16xi32>
        %broadcast_in_dim3A_797 = vector.broadcast %scan3A_794 : i32 to vector<16xi32>
        %gather3A_798 = tpu.vector_load_idx %arg5[%broadcast_in_dim3A_796, %broadcast_in_dim3A_797] : memref<12x128xi32, #tpu.memory_space<vmem>>[vector<16xi32>, vector<16xi32>], vector<16xi32>,
        %bitcast3A_799 = vector.bitcast %gather3A_798 : vector<16xi32> to vector<16xf32>
        %get3A_800 = arith.constant 3 : i32
        %get3A_801 = arith.index_cast %get3A_800 : i32 to index
        %get3A_802 = arith.index_cast %scan3A_794 : i32 to index
        %get3A_803 = arith.constant 0 : index
        %get3A_804 = tpu.vector_load %arg6[%get3A_801, %get3A_802, %get3A_803] {strides = array<i32>} : memref<4x128x64xi32, #tpu.memory_space<vmem>>, vector<16xi32>,
        %bitcast3A_805 = vector.bitcast %get3A_804 : vector<16xi32> to vector<32xbf16>
        %unpack3A_806 = tpu.unpack_subelements %bitcast3A_805, 0 {pack_format = #tpu.pack_format<interleaved>} : vector<32xbf16> -> vector<16xf32>
        %unpack3A_807 = tpu.unpack_subelements %bitcast3A_805, 1 {pack_format = #tpu.pack_format<interleaved>} : vector<32xbf16> -> vector<16xf32>
        %mul3A_808 = arith.mulf %unpack3A_806, %bitcast3A_799 : vector<16xf32>
        %swap3A_809 = arith.index_cast %scan3A_794 : i32 to index
        %swap3A_810 = arith.constant 0 : index
        %swap3A_811 = tpu.vector_load %arg7[%swap3A_809, %swap3A_810] {strides = array<i32>} : memref<128x128xf32, #tpu.memory_space<vmem>>, vector<16xf32>,
        tpu.vector_store %arg7[%swap3A_809, %swap3A_810], %mul3A_808 {strides = array<i32>} : memref<128x128xf32, #tpu.memory_space<vmem>>, vector<16xf32>,
        %mul3A_812 = arith.mulf %unpack3A_807, %bitcast3A_799 : vector<16xf32>
        %swap3A_813 = arith.index_cast %scan3A_794 : i32 to index
        %swap3A_814 = arith.constant 16 : index
        %swap3A_815 = tpu.vector_load %arg7[%swap3A_813, %swap3A_814] {strides = array<i32>} : memref<128x128xf32, #tpu.memory_space<vmem>>, vector<16xf32>,
        tpu.vector_store %arg7[%swap3A_813, %swap3A_814], %mul3A_812 {strides = array<i32>} : memref<128x128xf32, #tpu.memory_space<vmem>>, vector<16xf32>,
        %get3A_816 = arith.constant 3 : i32
        %get3A_817 = arith.index_cast %get3A_816 : i32 to index
        %get3A_818 = arith.index_cast %scan3A_794 : i32 to index
        %get3A_819 = arith.constant 16 : index
        %get3A_820 = tpu.vector_load %arg6[%get3A_817, %get3A_818, %get3A_819] {strides = array<i32>} : memref<4x128x64xi32, #tpu.memory_space<vmem>>, vector<16xi32>,
        %bitcast3A_821 = vector.bitcast %get3A_820 : vector<16xi32> to vector<32xbf16>
        %unpack3A_822 = tpu.unpack_subelements %bitcast3A_821, 0 {pack_format = #tpu.pack_format<interleaved>} : vector<32xbf16> -> vector<16xf32>
        %unpack3A_823 = tpu.unpack_subelements %bitcast3A_821, 1 {pack_format = #tpu.pack_format<interleaved>} : vector<32xbf16> -> vector<16xf32>
        %mul3A_824 = arith.mulf %unpack3A_822, %bitcast3A_799 : vector<16xf32>
        %swap3A_825 = arith.index_cast %scan3A_794 : i32 to index
        %swap3A_826 = arith.constant 32 : index
        %swap3A_827 = tpu.vector_load %arg7[%swap3A_825, %swap3A_826] {strides = array<i32>} : memref<128x128xf32, #tpu.memory_space<vmem>>, vector<16xf32>,
        tpu.vector_store %arg7[%swap3A_825, %swap3A_826], %mul3A_824 {strides = array<i32>} : memref<128x128xf32, #tpu.memory_space<vmem>>, vector<16xf32>,
        %mul3A_828 = arith.mulf %unpack3A_823, %bitcast3A_799 : vector<16xf32>
        %swap3A_829 = arith.index_cast %scan3A_794 : i32 to index
        %swap3A_830 = arith.constant 48 : index
        %swap3A_831 = tpu.vector_load %arg7[%swap3A_829, %swap3A_830] {strides = array<i32>} : memref<128x128xf32, #tpu.memory_space<vmem>>, vector<16xf32>,
        tpu.vector_store %arg7[%swap3A_829, %swap3A_830], %mul3A_828 {strides = array<i32>} : memref<128x128xf32, #tpu.memory_space<vmem>>, vector<16xf32>,
        %get3A_832 = arith.constant 3 : i32
        %get3A_833 = arith.index_cast %get3A_832 : i32 to index
        %get3A_834 = arith.index_cast %scan3A_794 : i32 to index
        %get3A_835 = arith.constant 32 : index
        %get3A_836 = tpu.vector_load %arg6[%get3A_833, %get3A_834, %get3A_835] {strides = array<i32>} : memref<4x128x64xi32, #tpu.memory_space<vmem>>, vector<16xi32>,
        %bitcast3A_837 = vector.bitcast %get3A_836 : vector<16xi32> to vector<32xbf16>
        %unpack3A_838 = tpu.unpack_subelements %bitcast3A_837, 0 {pack_format = #tpu.pack_format<interleaved>} : vector<32xbf16> -> vector<16xf32>
        %unpack3A_839 = tpu.unpack_subelements %bitcast3A_837, 1 {pack_format = #tpu.pack_format<interleaved>} : vector<32xbf16> -> vector<16xf32>
        %mul3A_840 = arith.mulf %unpack3A_838, %bitcast3A_799 : vector<16xf32>
        %swap3A_841 = arith.index_cast %scan3A_794 : i32 to index
        %swap3A_842 = arith.constant 64 : index
        %swap3A_843 = tpu.vector_load %arg7[%swap3A_841, %swap3A_842] {strides = array<i32>} : memref<128x128xf32, #tpu.memory_space<vmem>>, vector<16xf32>,
        tpu.vector_store %arg7[%swap3A_841, %swap3A_842], %mul3A_840 {strides = array<i32>} : memref<128x128xf32, #tpu.memory_space<vmem>>, vector<16xf32>,
        %mul3A_844 = arith.mulf %unpack3A_839, %bitcast3A_799 : vector<16xf32>
        %swap3A_845 = arith.index_cast %scan3A_794 : i32 to index
        %swap3A_846 = arith.constant 80 : index
        %swap3A_847 = tpu.vector_load %arg7[%swap3A_845, %swap3A_846] {strides = array<i32>} : memref<128x128xf32, #tpu.memory_space<vmem>>, vector<16xf32>,
        tpu.vector_store %arg7[%swap3A_845, %swap3A_846], %mul3A_844 {strides = array<i32>} : memref<128x128xf32, #tpu.memory_space<vmem>>, vector<16xf32>,
        %get3A_848 = arith.constant 3 : i32
        %get3A_849 = arith.index_cast %get3A_848 : i32 to index
        %get3A_850 = arith.index_cast %scan3A_794 : i32 to index
        %get3A_851 = arith.constant 48 : index
        %get3A_852 = tpu.vector_load %arg6[%get3A_849, %get3A_850, %get3A_851] {strides = array<i32>} : memref<4x128x64xi32, #tpu.memory_space<vmem>>, vector<16xi32>,
        %bitcast3A_853 = vector.bitcast %get3A_852 : vector<16xi32> to vector<32xbf16>
        %unpack3A_854 = tpu.unpack_subelements %bitcast3A_853, 0 {pack_format = #tpu.pack_format<interleaved>} : vector<32xbf16> -> vector<16xf32>
        %unpack3A_855 = tpu.unpack_subelements %bitcast3A_853, 1 {pack_format = #tpu.pack_format<interleaved>} : vector<32xbf16> -> vector<16xf32>
        %mul3A_856 = arith.mulf %unpack3A_854, %bitcast3A_799 : vector<16xf32>
        %swap3A_857 = arith.index_cast %scan3A_794 : i32 to index
        %swap3A_858 = arith.constant 96 : index
        %swap3A_859 = tpu.vector_load %arg7[%swap3A_857, %swap3A_858] {strides = array<i32>} : memref<128x128xf32, #tpu.memory_space<vmem>>, vector<16xf32>,
        tpu.vector_store %arg7[%swap3A_857, %swap3A_858], %mul3A_856 {strides = array<i32>} : memref<128x128xf32, #tpu.memory_space<vmem>>, vector<16xf32>,
        %mul3A_860 = arith.mulf %unpack3A_855, %bitcast3A_799 : vector<16xf32>
        %swap3A_861 = arith.index_cast %scan3A_794 : i32 to index
        %swap3A_862 = arith.constant 112 : index
        %swap3A_863 = tpu.vector_load %arg7[%swap3A_861, %swap3A_862] {strides = array<i32>} : memref<128x128xf32, #tpu.memory_space<vmem>>, vector<16xf32>,
        tpu.vector_store %arg7[%swap3A_861, %swap3A_862], %mul3A_860 {strides = array<i32>} : memref<128x128xf32, #tpu.memory_space<vmem>>, vector<16xf32>,
        %scan3A_864 = arith.constant 7 : i32
        %scan3A_865 = arith.addi %scan3A_373, %scan3A_864 : i32
        %broadcast_in_dim3A_866 = arith.constant 11 : i32
        %broadcast_in_dim3A_867 = vector.broadcast %broadcast_in_dim3A_866 : i32 to vector<16xi32>
        %broadcast_in_dim3A_868 = vector.broadcast %scan3A_865 : i32 to vector<16xi32>
        %gather3A_869 = tpu.vector_load_idx %arg5[%broadcast_in_dim3A_867, %broadcast_in_dim3A_868] : memref<12x128xi32, #tpu.memory_space<vmem>>[vector<16xi32>, vector<16xi32>], vector<16xi32>,
        %bitcast3A_870 = vector.bitcast %gather3A_869 : vector<16xi32> to vector<16xf32>
        %get3A_871 = arith.constant 3 : i32
        %get3A_872 = arith.index_cast %get3A_871 : i32 to index
        %get3A_873 = arith.index_cast %scan3A_865 : i32 to index
        %get3A_874 = arith.constant 0 : index
        %get3A_875 = tpu.vector_load %arg6[%get3A_872, %get3A_873, %get3A_874] {strides = array<i32>} : memref<4x128x64xi32, #tpu.memory_space<vmem>>, vector<16xi32>,
        %bitcast3A_876 = vector.bitcast %get3A_875 : vector<16xi32> to vector<32xbf16>
        %unpack3A_877 = tpu.unpack_subelements %bitcast3A_876, 0 {pack_format = #tpu.pack_format<interleaved>} : vector<32xbf16> -> vector<16xf32>
        %unpack3A_878 = tpu.unpack_subelements %bitcast3A_876, 1 {pack_format = #tpu.pack_format<interleaved>} : vector<32xbf16> -> vector<16xf32>
        %mul3A_879 = arith.mulf %unpack3A_877, %bitcast3A_870 : vector<16xf32>
        %swap3A_880 = arith.index_cast %scan3A_865 : i32 to index
        %swap3A_881 = arith.constant 0 : index
        %swap3A_882 = tpu.vector_load %arg7[%swap3A_880, %swap3A_881] {strides = array<i32>} : memref<128x128xf32, #tpu.memory_space<vmem>>, vector<16xf32>,
        tpu.vector_store %arg7[%swap3A_880, %swap3A_881], %mul3A_879 {strides = array<i32>} : memref<128x128xf32, #tpu.memory_space<vmem>>, vector<16xf32>,
        %mul3A_883 = arith.mulf %unpack3A_878, %bitcast3A_870 : vector<16xf32>
        %swap3A_884 = arith.index_cast %scan3A_865 : i32 to index
        %swap3A_885 = arith.constant 16 : index
        %swap3A_886 = tpu.vector_load %arg7[%swap3A_884, %swap3A_885] {strides = array<i32>} : memref<128x128xf32, #tpu.memory_space<vmem>>, vector<16xf32>,
        tpu.vector_store %arg7[%swap3A_884, %swap3A_885], %mul3A_883 {strides = array<i32>} : memref<128x128xf32, #tpu.memory_space<vmem>>, vector<16xf32>,
        %get3A_887 = arith.constant 3 : i32
        %get3A_888 = arith.index_cast %get3A_887 : i32 to index
        %get3A_889 = arith.index_cast %scan3A_865 : i32 to index
        %get3A_890 = arith.constant 16 : index
        %get3A_891 = tpu.vector_load %arg6[%get3A_888, %get3A_889, %get3A_890] {strides = array<i32>} : memref<4x128x64xi32, #tpu.memory_space<vmem>>, vector<16xi32>,
        %bitcast3A_892 = vector.bitcast %get3A_891 : vector<16xi32> to vector<32xbf16>
        %unpack3A_893 = tpu.unpack_subelements %bitcast3A_892, 0 {pack_format = #tpu.pack_format<interleaved>} : vector<32xbf16> -> vector<16xf32>
        %unpack3A_894 = tpu.unpack_subelements %bitcast3A_892, 1 {pack_format = #tpu.pack_format<interleaved>} : vector<32xbf16> -> vector<16xf32>
        %mul3A_895 = arith.mulf %unpack3A_893, %bitcast3A_870 : vector<16xf32>
        %swap3A_896 = arith.index_cast %scan3A_865 : i32 to index
        %swap3A_897 = arith.constant 32 : index
        %swap3A_898 = tpu.vector_load %arg7[%swap3A_896, %swap3A_897] {strides = array<i32>} : memref<128x128xf32, #tpu.memory_space<vmem>>, vector<16xf32>,
        tpu.vector_store %arg7[%swap3A_896, %swap3A_897], %mul3A_895 {strides = array<i32>} : memref<128x128xf32, #tpu.memory_space<vmem>>, vector<16xf32>,
        %mul3A_899 = arith.mulf %unpack3A_894, %bitcast3A_870 : vector<16xf32>
        %swap3A_900 = arith.index_cast %scan3A_865 : i32 to index
        %swap3A_901 = arith.constant 48 : index
        %swap3A_902 = tpu.vector_load %arg7[%swap3A_900, %swap3A_901] {strides = array<i32>} : memref<128x128xf32, #tpu.memory_space<vmem>>, vector<16xf32>,
        tpu.vector_store %arg7[%swap3A_900, %swap3A_901], %mul3A_899 {strides = array<i32>} : memref<128x128xf32, #tpu.memory_space<vmem>>, vector<16xf32>,
        %get3A_903 = arith.constant 3 : i32
        %get3A_904 = arith.index_cast %get3A_903 : i32 to index
        %get3A_905 = arith.index_cast %scan3A_865 : i32 to index
        %get3A_906 = arith.constant 32 : index
        %get3A_907 = tpu.vector_load %arg6[%get3A_904, %get3A_905, %get3A_906] {strides = array<i32>} : memref<4x128x64xi32, #tpu.memory_space<vmem>>, vector<16xi32>,
        %bitcast3A_908 = vector.bitcast %get3A_907 : vector<16xi32> to vector<32xbf16>
        %unpack3A_909 = tpu.unpack_subelements %bitcast3A_908, 0 {pack_format = #tpu.pack_format<interleaved>} : vector<32xbf16> -> vector<16xf32>
        %unpack3A_910 = tpu.unpack_subelements %bitcast3A_908, 1 {pack_format = #tpu.pack_format<interleaved>} : vector<32xbf16> -> vector<16xf32>
        %mul3A_911 = arith.mulf %unpack3A_909, %bitcast3A_870 : vector<16xf32>
        %swap3A_912 = arith.index_cast %scan3A_865 : i32 to index
        %swap3A_913 = arith.constant 64 : index
        %swap3A_914 = tpu.vector_load %arg7[%swap3A_912, %swap3A_913] {strides = array<i32>} : memref<128x128xf32, #tpu.memory_space<vmem>>, vector<16xf32>,
        tpu.vector_store %arg7[%swap3A_912, %swap3A_913], %mul3A_911 {strides = array<i32>} : memref<128x128xf32, #tpu.memory_space<vmem>>, vector<16xf32>,
        %mul3A_915 = arith.mulf %unpack3A_910, %bitcast3A_870 : vector<16xf32>
        %swap3A_916 = arith.index_cast %scan3A_865 : i32 to index
        %swap3A_917 = arith.constant 80 : index
        %swap3A_918 = tpu.vector_load %arg7[%swap3A_916, %swap3A_917] {strides = array<i32>} : memref<128x128xf32, #tpu.memory_space<vmem>>, vector<16xf32>,
        tpu.vector_store %arg7[%swap3A_916, %swap3A_917], %mul3A_915 {strides = array<i32>} : memref<128x128xf32, #tpu.memory_space<vmem>>, vector<16xf32>,
        %get3A_919 = arith.constant 3 : i32
        %get3A_920 = arith.index_cast %get3A_919 : i32 to index
        %get3A_921 = arith.index_cast %scan3A_865 : i32 to index
        %get3A_922 = arith.constant 48 : index
        %get3A_923 = tpu.vector_load %arg6[%get3A_920, %get3A_921, %get3A_922] {strides = array<i32>} : memref<4x128x64xi32, #tpu.memory_space<vmem>>, vector<16xi32>,
        %bitcast3A_924 = vector.bitcast %get3A_923 : vector<16xi32> to vector<32xbf16>
        %unpack3A_925 = tpu.unpack_subelements %bitcast3A_924, 0 {pack_format = #tpu.pack_format<interleaved>} : vector<32xbf16> -> vector<16xf32>
        %unpack3A_926 = tpu.unpack_subelements %bitcast3A_924, 1 {pack_format = #tpu.pack_format<interleaved>} : vector<32xbf16> -> vector<16xf32>
        %mul3A_927 = arith.mulf %unpack3A_925, %bitcast3A_870 : vector<16xf32>
        %swap3A_928 = arith.index_cast %scan3A_865 : i32 to index
        %swap3A_929 = arith.constant 96 : index
        %swap3A_930 = tpu.vector_load %arg7[%swap3A_928, %swap3A_929] {strides = array<i32>} : memref<128x128xf32, #tpu.memory_space<vmem>>, vector<16xf32>,
        tpu.vector_store %arg7[%swap3A_928, %swap3A_929], %mul3A_927 {strides = array<i32>} : memref<128x128xf32, #tpu.memory_space<vmem>>, vector<16xf32>,
        %mul3A_931 = arith.mulf %unpack3A_926, %bitcast3A_870 : vector<16xf32>
        %swap3A_932 = arith.index_cast %scan3A_865 : i32 to index
        %swap3A_933 = arith.constant 112 : index
        %swap3A_934 = tpu.vector_load %arg7[%swap3A_932, %swap3A_933] {strides = array<i32>} : memref<128x128xf32, #tpu.memory_space<vmem>>, vector<16xf32>,
        tpu.vector_store %arg7[%swap3A_932, %swap3A_933], %mul3A_931 {strides = array<i32>} : memref<128x128xf32, #tpu.memory_space<vmem>>, vector<16xf32>,
      }
      %scan3A_357 = arith.constant 128 : i32
      %run_scoped3A_358 = arith.constant 10 : i32
      "tpu.region"() ({
        %run_scoped3A_373 = tpu.sem_alloc : memref<!tpu.dma_semaphore, #tpu.memory_space<semaphore_mem>>
        %dma_start3A_374 = arith.constant 0 : i32
        %dma_start3A_375 = tpu.memref_slice %arg5[%run_scoped3A_358, %dma_start3A_374] : memref<12x128xi32, #tpu.memory_space<vmem>> -> memref<1x128xi32, #tpu.memory_space<vmem>>
        %dma_start3A_376 = tpu.memref_squeeze %dma_start3A_375 : memref<1x128xi32, #tpu.memory_space<vmem>> -> memref<128xi32, #tpu.memory_space<vmem>>
        %dma_start3A_377 = arith.constant 0 : i32
        %dma_start3A_378 = arith.constant 0 : i32
        %dma_start3A_379 = tpu.memref_slice %arg8[%dma_start3A_377, %dma_start3A_378] : memref<10000x128xf32, #tpu.memory_space<vmem_shared>> -> memref<10000x128xf32, #tpu.memory_space<vmem_shared>>
        tpu.enqueue_indirect_dma source(%arg7 : memref<128x128xf32, #tpu.memory_space<vmem>>) target(%dma_start3A_379 : memref<10000x128xf32, #tpu.memory_space<vmem_shared>>) offsets(%dma_start3A_376 : memref<128xi32, #tpu.memory_space<vmem>>) semaphore(%run_scoped3A_373 : memref<!tpu.dma_semaphore, #tpu.memory_space<semaphore_mem>>) {add = true}
        %dma_wait3A_380 = arith.constant 0 : i32
        %dma_wait3A_381 = tpu.memref_slice %arg5[%run_scoped3A_358, %dma_wait3A_380] : memref<12x128xi32, #tpu.memory_space<vmem>> -> memref<1x128xi32, #tpu.memory_space<vmem>>
        %dma_wait3A_382 = tpu.memref_squeeze %dma_wait3A_381 : memref<1x128xi32, #tpu.memory_space<vmem>> -> memref<128xi32, #tpu.memory_space<vmem>>
        %dma_wait3A_383 = arith.constant 0 : i32
        %dma_wait3A_384 = arith.constant 0 : i32
        %dma_wait3A_385 = tpu.memref_slice %arg8[%dma_wait3A_383, %dma_wait3A_384] : memref<10000x128xf32, #tpu.memory_space<vmem_shared>> -> memref<10000x128xf32, #tpu.memory_space<vmem_shared>>
        tpu.wait_indirect_dma semaphore(%run_scoped3A_373 : memref<!tpu.dma_semaphore, #tpu.memory_space<semaphore_mem>>) src(%arg7 : memref<128x128xf32, #tpu.memory_space<vmem>>) dst(%dma_wait3A_385 : memref<10000x128xf32, #tpu.memory_space<vmem_shared>>)
        tpu.yield
      }) : () -> ()
      %add3A_359 = arith.constant 4 : i32
      %add3A_360 = arith.addi %add3A_337, %add3A_359 : i32
      %lt3A_361 = arith.constant 80 : i32
      %lt3A_362 = arith.cmpi slt, %add3A_360, %lt3A_361 : i32
      %convert_element_type3A_363 = arith.extui %lt3A_362 : i1 to i32
      %cond3A_364 = arith.constant 0 : i32
      %cond3A_365 = arith.cmpi ne, %convert_element_type3A_363, %cond3A_364 : i32
      scf.if %cond3A_365 {
        %add3A_373 = arith.constant 4 : i32
        %add3A_374 = arith.addi %add3A_337, %add3A_373 : i32
        %add3A_375 = arith.addi %mul3A_2, %add3A_374 : i32
        %dma_start3A_376 = arith.constant 3 : i32
        %dma_start3A_377 = arith.constant 9 : i32
        %dma_start3A_378 = arith.constant 0 : i32
        %dma_start3A_379 = tpu.memref_slice %arg5[%dma_start3A_377, %dma_start3A_378] : memref<12x128xi32, #tpu.memory_space<vmem>> -> memref<3x128xi32, #tpu.memory_space<vmem>>
        %dma_start3A_380 = arith.constant 0 : i32
        %dma_start3A_381 = arith.constant 0 : i32
        %dma_start3A_382 = tpu.memref_slice %arg3[%add3A_375, %dma_start3A_380, %dma_start3A_381] : memref<2560x3x128xi32, #tpu.memory_space<hbm>> -> memref<1x3x128xi32, #tpu.memory_space<hbm>>
        %dma_start3A_383 = tpu.memref_squeeze %dma_start3A_382 : memref<1x3x128xi32, #tpu.memory_space<hbm>> -> memref<3x128xi32, #tpu.memory_space<hbm>>
        %dma_start3A_384 = tpu.memref_slice %arg10[%dma_start3A_376] : memref<4x!tpu.dma_semaphore, #tpu.memory_space<semaphore_mem>> -> memref<1x!tpu.dma_semaphore, #tpu.memory_space<semaphore_mem>>
        %dma_start3A_385 = tpu.memref_squeeze %dma_start3A_384 : memref<1x!tpu.dma_semaphore, #tpu.memory_space<semaphore_mem>> -> memref<!tpu.dma_semaphore, #tpu.memory_space<semaphore_mem>>
        %dma_start3A_386 = arith.constant 9 : i32
        %dma_start3A_387 = arith.constant 0 : i32
        %dma_start3A_388 = tpu.memref_slice %arg5[%dma_start3A_386, %dma_start3A_387] : memref<12x128xi32, #tpu.memory_space<vmem>> -> memref<3x128xi32, #tpu.memory_space<vmem>>
        %dma_start3A_389 = arith.constant 0 : i32
        %dma_start3A_390 = arith.constant 0 : i32
        %dma_start3A_391 = tpu.memref_slice %arg3[%add3A_375, %dma_start3A_389, %dma_start3A_390] : memref<2560x3x128xi32, #tpu.memory_space<hbm>> -> memref<1x3x128xi32, #tpu.memory_space<hbm>>
        %dma_start3A_392 = tpu.memref_squeeze %dma_start3A_391 : memref<1x3x128xi32, #tpu.memory_space<hbm>> -> memref<3x128xi32, #tpu.memory_space<hbm>>
        tpu.enqueue_dma source(%dma_start3A_392 : memref<3x128xi32, #tpu.memory_space<hbm>>) target(%dma_start3A_388 : memref<3x128xi32, #tpu.memory_space<vmem>>) target_semaphore(%dma_start3A_385 : memref<!tpu.dma_semaphore, #tpu.memory_space<semaphore_mem>>)
      } else {
      }
      %add3A_366 = arith.constant 3 : i32
      %add3A_367 = arith.addi %add3A_337, %add3A_366 : i32
      %lt3A_368 = arith.constant 80 : i32
      %lt3A_369 = arith.cmpi slt, %add3A_367, %lt3A_368 : i32
      %convert_element_type3A_370 = arith.extui %lt3A_369 : i1 to i32
      %cond3A_371 = arith.constant 0 : i32
      %cond3A_372 = arith.cmpi ne, %convert_element_type3A_370, %cond3A_371 : i32
      scf.if %cond3A_372 {
        %add3A_373 = arith.constant 3 : i32
        %add3A_374 = arith.addi %add3A_337, %add3A_373 : i32
        %add3A_375 = arith.addi %mul3A_2, %add3A_374 : i32
        %dma_wait3A_376 = arith.constant 2 : i32
        %dma_wait3A_377 = arith.constant 6 : i32
        %dma_wait3A_378 = arith.constant 0 : i32
        %dma_wait3A_379 = tpu.memref_slice %arg5[%dma_wait3A_377, %dma_wait3A_378] : memref<12x128xi32, #tpu.memory_space<vmem>> -> memref<3x128xi32, #tpu.memory_space<vmem>>
        %dma_wait3A_380 = arith.constant 0 : i32
        %dma_wait3A_381 = arith.constant 0 : i32
        %dma_wait3A_382 = tpu.memref_slice %arg3[%add3A_375, %dma_wait3A_380, %dma_wait3A_381] : memref<2560x3x128xi32, #tpu.memory_space<hbm>> -> memref<1x3x128xi32, #tpu.memory_space<hbm>>
        %dma_wait3A_383 = tpu.memref_squeeze %dma_wait3A_382 : memref<1x3x128xi32, #tpu.memory_space<hbm>> -> memref<3x128xi32, #tpu.memory_space<hbm>>
        %dma_wait3A_384 = tpu.memref_slice %arg10[%dma_wait3A_376] : memref<4x!tpu.dma_semaphore, #tpu.memory_space<semaphore_mem>> -> memref<1x!tpu.dma_semaphore, #tpu.memory_space<semaphore_mem>>
        %dma_wait3A_385 = tpu.memref_squeeze %dma_wait3A_384 : memref<1x!tpu.dma_semaphore, #tpu.memory_space<semaphore_mem>> -> memref<!tpu.dma_semaphore, #tpu.memory_space<semaphore_mem>>
        %dma_wait3A_386 = arith.constant 6 : i32
        %dma_wait3A_387 = arith.constant 0 : i32
        %dma_wait3A_388 = tpu.memref_slice %arg5[%dma_wait3A_386, %dma_wait3A_387] : memref<12x128xi32, #tpu.memory_space<vmem>> -> memref<3x128xi32, #tpu.memory_space<vmem>>
        %dma_wait3A_389 = arith.constant 0 : i32
        %dma_wait3A_390 = arith.constant 0 : i32
        %dma_wait3A_391 = tpu.memref_slice %arg3[%add3A_375, %dma_wait3A_389, %dma_wait3A_390] : memref<2560x3x128xi32, #tpu.memory_space<hbm>> -> memref<1x3x128xi32, #tpu.memory_space<hbm>>
        %dma_wait3A_392 = tpu.memref_squeeze %dma_wait3A_391 : memref<1x3x128xi32, #tpu.memory_space<hbm>> -> memref<3x128xi32, #tpu.memory_space<hbm>>
        tpu.wait_dma2 semaphore(%dma_wait3A_385 : memref<!tpu.dma_semaphore, #tpu.memory_space<semaphore_mem>>) src(%dma_wait3A_392 : memref<3x128xi32, #tpu.memory_space<hbm>>) dst(%dma_wait3A_388 : memref<3x128xi32, #tpu.memory_space<vmem>>)
        %dma_start3A_393 = arith.constant 6 : i32
        %dma_start3A_394 = arith.constant 2 : i32
        %dma_start3A_395 = arith.constant 2 : i32
        %dma_start3A_396 = arith.constant 0 : i32
        %dma_start3A_397 = arith.constant 0 : i32
        %dma_start3A_398 = tpu.memref_slice %arg6[%dma_start3A_394, %dma_start3A_396, %dma_start3A_397] : memref<4x128x64xi32, #tpu.memory_space<vmem>> -> memref<1x128x64xi32, #tpu.memory_space<vmem>>
        %dma_start3A_399 = tpu.memref_squeeze %dma_start3A_398 : memref<1x128x64xi32, #tpu.memory_space<vmem>> -> memref<128x64xi32, #tpu.memory_space<vmem>>
        %dma_start3A_400 = arith.constant 0 : i32
        %dma_start3A_401 = tpu.memref_slice %arg5[%dma_start3A_393, %dma_start3A_400] : memref<12x128xi32, #tpu.memory_space<vmem>> -> memref<1x128xi32, #tpu.memory_space<vmem>>
        %dma_start3A_402 = tpu.memref_squeeze %dma_start3A_401 : memref<1x128xi32, #tpu.memory_space<vmem>> -> memref<128xi32, #tpu.memory_space<vmem>>
        %dma_start3A_403 = arith.constant 0 : i32
        %dma_start3A_404 = arith.constant 0 : i32
        %dma_start3A_405 = tpu.memref_slice %arg2[%dma_start3A_403, %dma_start3A_404] : memref<10000x64xi32, #tpu.memory_space<hbm>> -> memref<10000x64xi32, #tpu.memory_space<hbm>>
        %dma_start3A_406 = tpu.memref_slice %arg9[%dma_start3A_395] : memref<4x!tpu.dma_semaphore, #tpu.memory_space<semaphore_mem>> -> memref<1x!tpu.dma_semaphore, #tpu.memory_space<semaphore_mem>>
        %dma_start3A_407 = tpu.memref_squeeze %dma_start3A_406 : memref<1x!tpu.dma_semaphore, #tpu.memory_space<semaphore_mem>> -> memref<!tpu.dma_semaphore, #tpu.memory_space<semaphore_mem>>
        tpu.enqueue_indirect_dma source(%dma_start3A_405 : memref<10000x64xi32, #tpu.memory_space<hbm>>) target(%dma_start3A_399 : memref<128x64xi32, #tpu.memory_space<vmem>>) offsets(%dma_start3A_402 : memref<128xi32, #tpu.memory_space<vmem>>) semaphore(%dma_start3A_407 : memref<!tpu.dma_semaphore, #tpu.memory_space<semaphore_mem>>)
      } else {
      }
    }
    %scan3A_196 = arith.constant 20 : i32
    %barrier3A_197 = arith.constant 0 : index
    tpu.barrier barrier_id(%barrier3A_197)
    %mul3A_198 = arith.constant 632 : i32
    %mul3A_199 = arith.muli %arg1, %mul3A_198 : i32
    %multiple_of3A_200 = tpu.assume_multiple %mul3A_199, 8 : i32
    %mul3A_201 = arith.constant 10000 : i32
    %mul3A_202 = arith.muli %arg0, %mul3A_201 : i32
    %mul3A_203 = arith.constant 632 : i32
    %mul3A_204 = arith.muli %arg1, %mul3A_203 : i32
    %add3A_205 = arith.addi %mul3A_202, %mul3A_204 : i32
    %multiple_of3A_206 = tpu.assume_multiple %add3A_205, 8 : i32
    %lt3A_207 = arith.constant 15 : i32
    %lt3A_208 = arith.cmpi slt, %arg1, %lt3A_207 : i32
    %convert_element_type3A_209 = arith.extui %lt3A_208 : i1 to i32
    %cond3A_210 = arith.constant 0 : i32
    %cond3A_211 = arith.cmpi ne, %convert_element_type3A_209, %cond3A_210 : i32
    scf.if %cond3A_211 {
      "tpu.region"() ({
        %run_scoped3A = tpu.sem_alloc : memref<!tpu.dma_semaphore, #tpu.memory_space<semaphore_mem>>
        %dma_start3A_217 = arith.constant 0 : i32
        %dma_start3A_218 = tpu.memref_slice %arg4[%multiple_of3A_206, %dma_start3A_217] : memref<20000x128xf32, #tpu.memory_space<hbm>> -> memref<632x128xf32, #tpu.memory_space<hbm>>
        %dma_start3A_219 = arith.constant 0 : i32
        %dma_start3A_220 = tpu.memref_slice %arg8[%multiple_of3A_200, %dma_start3A_219] : memref<10000x128xf32, #tpu.memory_space<vmem_shared>> -> memref<632x128xf32, #tpu.memory_space<vmem_shared>>
        tpu.enqueue_dma source(%dma_start3A_220 : memref<632x128xf32, #tpu.memory_space<vmem_shared>>) target(%dma_start3A_218 : memref<632x128xf32, #tpu.memory_space<hbm>>) target_semaphore(%run_scoped3A : memref<!tpu.dma_semaphore, #tpu.memory_space<semaphore_mem>>)
        %dma_wait3A_221 = arith.constant 0 : i32
        %dma_wait3A_222 = tpu.memref_slice %arg4[%multiple_of3A_206, %dma_wait3A_221] : memref<20000x128xf32, #tpu.memory_space<hbm>> -> memref<632x128xf32, #tpu.memory_space<hbm>>
        %dma_wait3A_223 = arith.constant 0 : i32
        %dma_wait3A_224 = tpu.memref_slice %arg8[%multiple_of3A_200, %dma_wait3A_223] : memref<10000x128xf32, #tpu.memory_space<vmem_shared>> -> memref<632x128xf32, #tpu.memory_space<vmem_shared>>
        tpu.wait_dma2 semaphore(%run_scoped3A : memref<!tpu.dma_semaphore, #tpu.memory_space<semaphore_mem>>) src(%dma_wait3A_224 : memref<632x128xf32, #tpu.memory_space<vmem_shared>>) dst(%dma_wait3A_222 : memref<632x128xf32, #tpu.memory_space<hbm>>)
        tpu.yield
      }) : () -> ()
    } else {
    }
    %eq3A_212 = arith.constant 15 : i32
    %eq3A_213 = arith.cmpi eq, %arg1, %eq3A_212 : i32
    %convert_element_type3A_214 = arith.extui %eq3A_213 : i1 to i32
    %cond3A_215 = arith.constant 0 : i32
    %cond3A_216 = arith.cmpi ne, %convert_element_type3A_214, %cond3A_215 : i32
    scf.if %cond3A_216 {
      "tpu.region"() ({
        %run_scoped3A = tpu.sem_alloc : memref<!tpu.dma_semaphore, #tpu.memory_space<semaphore_mem>>
        %dma_start3A_217 = arith.constant 0 : i32
        %dma_start3A_218 = tpu.memref_slice %arg4[%multiple_of3A_206, %dma_start3A_217] : memref<20000x128xf32, #tpu.memory_space<hbm>> -> memref<520x128xf32, #tpu.memory_space<hbm>>
        %dma_start3A_219 = arith.constant 0 : i32
        %dma_start3A_220 = tpu.memref_slice %arg8[%multiple_of3A_200, %dma_start3A_219] : memref<10000x128xf32, #tpu.memory_space<vmem_shared>> -> memref<520x128xf32, #tpu.memory_space<vmem_shared>>
        tpu.enqueue_dma source(%dma_start3A_220 : memref<520x128xf32, #tpu.memory_space<vmem_shared>>) target(%dma_start3A_218 : memref<520x128xf32, #tpu.memory_space<hbm>>) target_semaphore(%run_scoped3A : memref<!tpu.dma_semaphore, #tpu.memory_space<semaphore_mem>>)
        %dma_wait3A_221 = arith.constant 0 : i32
        %dma_wait3A_222 = tpu.memref_slice %arg4[%multiple_of3A_206, %dma_wait3A_221] : memref<20000x128xf32, #tpu.memory_space<hbm>> -> memref<520x128xf32, #tpu.memory_space<hbm>>
        %dma_wait3A_223 = arith.constant 0 : i32
        %dma_wait3A_224 = tpu.memref_slice %arg8[%multiple_of3A_200, %dma_wait3A_223] : memref<10000x128xf32, #tpu.memory_space<vmem_shared>> -> memref<520x128xf32, #tpu.memory_space<vmem_shared>>
        tpu.wait_dma2 semaphore(%run_scoped3A : memref<!tpu.dma_semaphore, #tpu.memory_space<semaphore_mem>>) src(%dma_wait3A_224 : memref<520x128xf32, #tpu.memory_space<vmem_shared>>) dst(%dma_wait3A_222 : memref<520x128xf32, #tpu.memory_space<hbm>>)
        tpu.yield
      }) : () -> ()
    } else {
    }
    return
  }
}

module attributes {stable_mosaic.version = 14 : i64} {
  func.func @_mm_body(%arg0: i32, %arg1: memref<2000x128xf32, #tpu.memory_space<vmem>>, %arg2: memref<128x128xf32, #tpu.memory_space<vmem>>, %arg3: memref<1x128xf32, #tpu.memory_space<vmem>>, %arg4: memref<2000x128xbf16, #tpu.memory_space<vmem>>) attributes {dimension_semantics = [#tpu.dimension_semantics<arbitrary>], iteration_bounds = array<i64: 5>, scalar_prefetch = 0 : i64, scratch_operands = 0 : i64, tpu.core_type = #tpu.core_type<tc>, window_params = [{transform_indices = @transform_0, window_bounds = array<i64: 2000, 128>}, {pipeline_mode = #tpu.pipeline_mode<synchronous>, transform_indices = @transform_1, window_bounds = array<i64: 128, 128>}, {pipeline_mode = #tpu.pipeline_mode<synchronous>, transform_indices = @transform_2, window_bounds = array<i64: 1, 128>}, {transform_indices = @transform_3, window_bounds = array<i64: 2000, 128>}]} {
    %get3A = arith.constant 0 : index
    %get3A_0 = arith.constant 0 : index
    %get3A_1 = vector.load %arg1[%get3A, %get3A_0] : memref<2000x128xf32, #tpu.memory_space<vmem>>, vector<2000x128xf32>
    %get3A_2 = arith.constant 0 : index
    %get3A_3 = arith.constant 0 : index
    %get3A_4 = vector.load %arg2[%get3A_2, %get3A_3] : memref<128x128xf32, #tpu.memory_space<vmem>>, vector<128x128xf32>
    %dot_general3A = arith.constant dense<0.000000e+00> : vector<2000x128xf32>
    %dot_general3A_5 = tpu.matmul %get3A_1, %get3A_4, %dot_general3A {dimension_numbers = #tpu.dot_dimension_numbers<[1], [1], [0], [0], [0, 0, 1, 0], [], []>, transpose_lhs_hint = false} : vector<2000x128xf32>, vector<128x128xf32>, vector<2000x128xf32> -> vector<2000x128xf32>
    %get3A_6 = arith.constant 0 : index
    %get3A_7 = arith.constant 0 : index
    %get3A_8 = vector.load %arg3[%get3A_6, %get3A_7] : memref<1x128xf32, #tpu.memory_space<vmem>>, vector<1x128xf32>
    %add3A = vector.broadcast %get3A_8 : vector<1x128xf32> to vector<2000x128xf32>
    %add3A_9 = arith.addf %dot_general3A_5, %add3A : vector<2000x128xf32>
    %convert_element_type3A = arith.truncf %add3A_9 : vector<2000x128xf32> to vector<2000x128xbf16>
    %swap3A = arith.constant 0 : index
    %swap3A_10 = arith.constant 0 : index
    %swap3A_11 = vector.load %arg4[%swap3A, %swap3A_10] : memref<2000x128xbf16, #tpu.memory_space<vmem>>, vector<2000x128xbf16>
    tpu.vector_store %arg4[%swap3A, %swap3A_10], %convert_element_type3A {strides = array<i32>} : memref<2000x128xbf16, #tpu.memory_space<vmem>>, vector<2000x128xbf16>,
    return
  }
  func.func @transform_0(%arg0: i32) -> (i32, i32) {
    %c0_i32 = arith.constant 0 : i32
    %c0_i32_0 = arith.constant 0 : i32
    return %arg0, %c0_i32 : i32, i32
  }
  func.func @transform_1(%arg0: i32) -> (i32, i32) {
    %c0_i32 = arith.constant 0 : i32
    %c0_i32_0 = arith.constant 0 : i32
    %c0_i32_1 = arith.constant 0 : i32
    return %c0_i32, %c0_i32_0 : i32, i32
  }
  func.func @transform_2(%arg0: i32) -> (i32, i32) {
    %c0_i32 = arith.constant 0 : i32
    %c0_i32_0 = arith.constant 0 : i32
    %c0_i32_1 = arith.constant 0 : i32
    return %c0_i32, %c0_i32_0 : i32, i32
  }
  func.func @transform_3(%arg0: i32) -> (i32, i32) {
    %c0_i32 = arith.constant 0 : i32
    %c0_i32_0 = arith.constant 0 : i32
    return %arg0, %c0_i32 : i32, i32
  }
}

module attributes {stable_mosaic.version = 14 : i64} {
  func.func @_add_body(%arg0: i32, %arg1: memref<2000x128xf32, #tpu.memory_space<vmem>>, %arg2: memref<2000x128xf32, #tpu.memory_space<vmem>>, %arg3: memref<2000x128xf32, #tpu.memory_space<vmem>>) attributes {dimension_semantics = [#tpu.dimension_semantics<arbitrary>], iteration_bounds = array<i64: 5>, scalar_prefetch = 0 : i64, scratch_operands = 0 : i64, tpu.core_type = #tpu.core_type<tc>, window_params = [{transform_indices = @transform_0, window_bounds = array<i64: 2000, 128>}, {transform_indices = @transform_1, window_bounds = array<i64: 2000, 128>}, {transform_indices = @transform_2, window_bounds = array<i64: 2000, 128>}]} {
    %get3A = arith.constant 0 : index
    %get3A_0 = arith.constant 0 : index
    %get3A_1 = vector.load %arg1[%get3A, %get3A_0] : memref<2000x128xf32, #tpu.memory_space<vmem>>, vector<2000x128xf32>
    %get3A_2 = arith.constant 0 : index
    %get3A_3 = arith.constant 0 : index
    %get3A_4 = vector.load %arg2[%get3A_2, %get3A_3] : memref<2000x128xf32, #tpu.memory_space<vmem>>, vector<2000x128xf32>
    %add3A = arith.addf %get3A_1, %get3A_4 : vector<2000x128xf32>
    %swap3A = arith.constant 0 : index
    %swap3A_5 = arith.constant 0 : index
    %swap3A_6 = vector.load %arg3[%swap3A, %swap3A_5] : memref<2000x128xf32, #tpu.memory_space<vmem>>, vector<2000x128xf32>
    tpu.vector_store %arg3[%swap3A, %swap3A_5], %add3A {strides = array<i32>} : memref<2000x128xf32, #tpu.memory_space<vmem>>, vector<2000x128xf32>,
    return
  }
  func.func @transform_0(%arg0: i32) -> (i32, i32) {
    %c0_i32 = arith.constant 0 : i32
    %c0_i32_0 = arith.constant 0 : i32
    return %arg0, %c0_i32 : i32, i32
  }
  func.func @transform_1(%arg0: i32) -> (i32, i32) {
    %add3A = arith.constant 5 : i32
    %add3A_0 = arith.addi %arg0, %add3A : i32
    %c0_i32 = arith.constant 0 : i32
    %c0_i32_1 = arith.constant 0 : i32
    return %add3A_0, %c0_i32 : i32, i32
  }
  func.func @transform_2(%arg0: i32) -> (i32, i32) {
    %c0_i32 = arith.constant 0 : i32
    %c0_i32_0 = arith.constant 0 : i32
    return %arg0, %c0_i32 : i32, i32
  }
}

</mosaic_0001>

<sc_bundles>
// kernel: kernel.5.cloned.1.call-start
scs
__scs_entry_jumppad:
0x0: {  	(pc) =	sbr.rel $0x88, $3  }
0x1: {  	(tag) =	ssettag $0x0;
	lr =	simm.s32 $0x1  }
0x2: {  	[smem:$0x3F9C] =	sst lr;
	_ =	strace $0xD0000000  }
0x3: {  	_ = 	snop  }
0x4: {  	_ = 	snop  }
0x5: {  	_ = 	snop  }
0x6: {  	_ = 	snop  }
0x7: {  	_ = 	snop  }
__scs_overlays_trampoline_lowered:
0x8: {  	[smem:$0x3FAB] =	sst s0  }
0x9: {  	[smem:$0x3FAC] =	sst s1  }
0xa: {  	[smem:$0x3FAD] =	sst s2  }
0xb: {  	[smem:$0x3FAE] =	sst s3  }
0xc: {  	[smem:$0x3FAF] =	sst s4  }
0xd: {  	[smem:$0x3FB0] =	sst s5  }
0xe: {  	[smem:$0x3FB1] =	sst s6  }
0xf: {  	[smem:$0x3FB2] =	sst s7  }
0x10: {  	[smem:$0x3FB3] =	sst s8  }
0x11: {  	[smem:$0x3FB4] =	sst s9;
	s0 =	simm.s32 @!p0 $0x0  }
0x12: {  	s1 =	sld [smem:$0x3F9A];
	s0 =	simm.s32 @p0 $0x1  }
0x13: {  	[smem:$0x3FB5] =	sst s0;
	s0 =	simm.s32 @!p1 $0x0  }
0x14: {  	s2 =	sld [smem:$0x3F99];
	s0 =	simm.s32 @p1 $0x1  }
0x15: {  	[smem:$0x3FB6] =	sst s0;
	s0 =	simm.s32 @!p2 $0x0  }
0x16: {  	s3 =	sld [smem:$0x3FDB];
	s0 =	simm.s32 @p2 $0x1  }
0x17: {  	s4 =	simm.s32 $0x1BF5;
	[smem:$0x3FB8] =	sst s0  }
0x18: {  	s0 =	sld [smem:$0x3F9B];
	_ =	swait.ge [sflag:s4], $0x0  }
0x19: {  	s7 =	sld [smem:$0x3F9C]  }
0x1a: {  	s8 =	sadd.s32 $0xFFFFE003, lr  }
0x1b: {  	s9 =	sadd.s32 $0xFFFFFEF7, lr;
	s5 =	simm.s32 $0xFFFFFFFF;
	p2 =	slt.u32 s8, $0xFFFFF086  }
0x1c: {  	p1 =	slt.u32 s9, $0xF7A;
	s5 =	simm.s32 @!p2 $0x0  }
0x1d: {  	s5 =	simm.s32 @p1 $0x1;
	p0 =	seq.s32 s7, s2  }
0x1e: {  	s7 =	smul.u32 @!p0 $0xF7A, s2;
	p2 =	seq.s32 @!p0 s5, $0x0  }
0x1f: {  	s9 =	smul.u32 $0xF7A, s1;
	s8 =	simm.s32 @!p0 $0x1BF5;
	p2 =	por !p2, p0  }
0x20: {  	[sflag:s8] =	ssyncset.s32 @!p0 $0xFFFFF086;
	s6 =	sadd.s32 @!p0 s3, s7;
	s7 =	simm.s32 @!p0 $0x108  }
0x21: {  	s3 =	sadd.s32 s3, s9;
	s6 =	sadd.s32 @!p0 $0x88, s6;
	s7 =	simm.s32 @p2 $0x1082  }
0x22: {  	[simem:s7], [sflag:s8] =	dma.local @!p0 [hbm:s6], $0xF7A  }
0x23: {  	s9 =	sor.u32 $0xD0000000, s2;
	s6 =	simm.s32 $0x108;
	_ =	swait.ge @!p0 [sflag:s8], $0x0  }
0x24: {  	s3 =	sadd.s32 $0x88, s3;
	s6 =	simm.s32 @!p1 $0x1082;
	[sflag:s4] =	ssyncset.s32 $0xFFFFF086  }
0x25: {  	[simem:s6], [sflag:s4] =	dma.local [hbm:s3], $0xF7A  }
0x26: {  	[smem:$0x3F9C] =	sst s1;
	(tag) =	ssettag s2;
	_ =	strace s9  }
0x27: {  	s1 =	sld [smem:$0x3FAC]  }
0x28: {  	s2 =	sld [smem:$0x3FAD]  }
0x29: {  	s4 =	sld [smem:$0x3FAF]  }
0x2a: {  	p0 =	seq.s32 s5, $0x0;
	s5 =	sld [smem:$0x3FB0]  }
0x2b: {  	s6 =	sld [smem:$0x3FB1]  }
0x2c: {  	s7 =	sld [smem:$0x3FB2]  }
0x2d: {  	s3 =	simm.s32 $0x108;
	s8 =	sld [smem:$0x3FB3]  }
0x2e: {  	s3 =	simm.s32 @!p0 $0x1082;
	s9 =	sld [smem:$0x3FB4]  }
0x2f: {  	lr =	sadd.s32 s0, s3;
	s0 =	sld [smem:$0x3FAB]  }
0x30: {  	s3 =	sld [smem:$0x3FAE]  }
0x31: {  	[smem:$0x3FB7] =	sst s10  }
0x32: {  	s10 =	sld [smem:$0x3FB5];
	_ =	sdelay $0x3  }
0x33: {  	p0 =	seq.s32 s10, $0x1;
	s10 =	sld [smem:$0x3FB7];
	_ =	sdelay $0x3  }
0x34: {  	[smem:$0x3FB7] =	sst s10  }
0x35: {  	s10 =	sld [smem:$0x3FB6];
	_ =	sdelay $0x3  }
0x36: {  	p1 =	seq.s32 s10, $0x1;
	s10 =	sld [smem:$0x3FB7];
	_ =	sdelay $0x3  }
0x37: {  	[smem:$0x3FB7] =	sst s10  }
0x38: {  	s10 =	sld [smem:$0x3FB8]  }
0x39: {  	_ = 	snop;
	(pc) =	sbr.ind lr, $3  }
0x3a: {  	_ = 	snop  }
0x3b: {  	_ = 	snop  }
0x3c: {  	p2 =	seq.s32 s10, $0x1;
	s10 =	sld [smem:$0x3FB7]  }
0x3d: {  	_ =	shalt  }
0x3e: {  	_ =	shalt  }
0x3f: {  	_ =	shalt  }
0x40: {  	_ =	shalt  }
0x41: {  	_ =	shalt  }
0x42: {  	_ =	shalt  }
0x43: {  	_ =	shalt  }
0x44: {  	_ =	shalt  }
0x45: {  	_ =	shalt  }
0x46: {  	_ =	shalt  }
0x47: {  	_ =	shalt  }
0x48: {  	_ =	shalt  }
0x49: {  	_ =	shalt  }
0x4a: {  	_ =	shalt  }
0x4b: {  	_ =	shalt  }
0x4c: {  	_ =	shalt  }
0x4d: {  	_ =	shalt  }
0x4e: {  	_ =	shalt  }
0x4f: {  	_ =	shalt  }
0x50: {  	_ =	shalt  }
0x51: {  	_ =	shalt  }
0x52: {  	_ =	shalt  }
0x53: {  	_ =	shalt  }
0x54: {  	_ =	shalt  }
0x55: {  	_ =	shalt  }
0x56: {  	_ =	shalt  }
0x57: {  	_ =	shalt  }
0x58: {  	_ =	shalt  }
0x59: {  	_ =	shalt  }
0x5a: {  	_ =	shalt  }
0x5b: {  	_ =	shalt  }
0x5c: {  	_ =	shalt  }
0x5d: {  	_ =	shalt  }
0x5e: {  	_ =	shalt  }
0x5f: {  	_ =	shalt  }
0x60: {  	_ =	shalt  }
0x61: {  	_ =	shalt  }
0x62: {  	_ =	shalt  }
0x63: {  	_ =	shalt  }
0x64: {  	_ =	shalt  }
0x65: {  	_ =	shalt  }
0x66: {  	_ =	shalt  }
0x67: {  	_ =	shalt  }
0x68: {  	_ =	shalt  }
0x69: {  	_ =	shalt  }
0x6a: {  	_ =	shalt  }
0x6b: {  	_ =	shalt  }
0x6c: {  	_ =	shalt  }
0x6d: {  	_ =	shalt  }
0x6e: {  	_ =	shalt  }
0x6f: {  	_ =	shalt  }
0x70: {  	_ =	shalt  }
0x71: {  	_ =	shalt  }
0x72: {  	_ =	shalt  }
0x73: {  	_ =	shalt  }
0x74: {  	_ =	shalt  }
0x75: {  	_ =	shalt  }
0x76: {  	_ =	shalt  }
0x77: {  	_ =	shalt  }
0x78: {  	_ =	shalt  }
0x79: {  	_ =	shalt  }
0x7a: {  	_ =	shalt  }
0x7b: {  	_ =	shalt  }
0x7c: {  	_ =	shalt  }
0x7d: {  	_ =	shalt  }
0x7e: {  	_ =	shalt  }
0x7f: {  	_ =	shalt  }
0x80: {  	_ =	shalt  }
0x81: {  	_ =	shalt  }
0x82: {  	_ =	shalt  }
0x83: {  	_ =	shalt  }
0x84: {  	_ =	shalt  }
0x85: {  	_ =	shalt  }
0x86: {  	_ =	shalt  }
0x87: {  	_ =	shalt  }
.Lfunc_end0:
.L_simem_size_0:
called_computation_lowered:
.L_overlay_start_0:
0x88: {  	s2 =	sld [smem:$0x3FD9]  }
0x89: {  	s3 =	sld [smem:$0x3FFE];
	_ =	sdelay $0x1  }
0x8a: {  	s1 =	srdreg.scid  }
0x8b: {  	s0 =	sand.u32 $0x1, s1  }
0x8c: {  	s17 =	sshll.u32 s0, $0xA;
	s2 =	sadd.s32 s3, s2  }
0x8d: {  	s2 =	sadd.s32 s2, s17  }
0x8e: {  	[smem:$0x3FC3] =	sst s2  }
0x8f: {  	_ = 	snop  }
0x90: {  	s2 =	sld [smem:$0x3FD0];
	(tm) =	ssettm $0x1  }
0x91: {  	s18 =	sld [smem:$0x3FFB];
	_ =	sdelay $0x3  }
0x92: {  	_ =	strace s18  }
0x93: {  	s3 =	sld [smem:$0x3FFC];
	_ =	sdelay $0x3  }
0x94: {  	_ =	strace s3  }
0x95: {  	s3 =	sld [smem:$0x3FFD];
	_ =	sdelay $0x3  }
0x96: {  	_ =	strace s3  }
0x97: {  	_ =	strace $0x8FFFFFFF  }
0x98: {  	s19 =	sld [smem:$0x3FDB];
	_ =	sdelay $0x1  }
0x99: {  	s4 =	simm.s32 $_scs_section_size  }
0x9a: {  	s5 =	simm.s32 $_size__tile_overlayer_lowered;
	s6 =	simm.s32 $_tile_overlayer_lowered  }
0x9b: {  	s22 =	simm.s32 $0x1BFF;
	s21 =	sshll.u32 s6, $0x1;
	s3 =	sadd.s32 s4, s19  }
0x9c: {  	s7 =	simm.s32 $0x0;
	s20 =	sshll.u32 s5, $0x1;
	s5 =	sadd.s32 s21, s3  }
0x9d: {  	[timem:s7], [sflag:s22] =	dma.local [hbm:s5], s20  }
0x9e: {  	_ =	swait.ge [sflag:s22], s20  }
0x9f: {  	s4 =	ssub.s32 $0x0, s20;
	[sflag:s22] =	ssyncset.done $0x0  }
0xa0: {  	[sflag:s22] =	ssyncadd.s32 s4;
	_ =	sdelay $0x1  }
0xa1: {  	s23 =	simm.s32 $0x1B8B  }
0xa2: {  	_ =	swait.ge [sflag:s23], $0x1  }
0xa3: {  	[sflag:s23] =	ssyncset.done $0x0  }
0xa4: {  	s25 =	simm.s32 $0x1B8E;
	s24 =	sld [smem:$0x3FFE];
	[sflag:s23] =	ssyncadd.s32 $0xFFFFFFFF  }
0xa5: {  	s26 =	simm.s32 $execute0_lowered;
	[smem:$0x3FD2] =	sst s25  }
0xa6: {  	s5 =	sshll.u32 s26, $0x1;
	_ =	strace $0x80000046;
	[dreg:$0x1] =	wrdreg $0xFFFFFFFF  }
0xa7: {  	s28 =	simm.s32 $_size_execute0_lowered;
	s3 =	sadd.s32 s3, s5;
	[dreg:$0x0] =	wrdreg $0x0  }
0xa8: {  	s5 =	sshll.u32 s28, $0x1;
	[dreg:$0x2] =	wrdreg s3  }
0xa9: {  	[dreg:$0x3] =	wrdreg s5  }
0xaa: {  	[dreg:$0x4] =	wrdreg $0xC0  }
0xab: {  	_ =	task [dreg:s7], $0x5FFFF  }
0xac: {  	[dreg:$0x1] =	wrdreg $0xFFFFFFFF  }
0xad: {  	[dreg:$0x0] =	wrdreg $0x60  }
0xae: {  	[dreg:$0x2] =	wrdreg s24  }
0xaf: {  	[dreg:$0x3] =	wrdreg s2  }
0xb0: {  	[dreg:$0x4] =	wrdreg $0xC6000  }
0xb1: {  	[dreg:$0x5] =	wrdreg $0x9  }
0xb2: {  	_ =	task.clear_ibuf [dreg:s7], $0x6FFFF;
	_ =	strace $0x90000046  }
0xb3: {  	s29 =	simm.s32 $0x9;
	_ =	strace $0x80000048  }
0xb4: {  	_ =	swait.ge [sflag:s29], $0x1  }
0xb5: {  	[sflag:s29] =	ssyncadd.s32 $0xFFFFFFFF  }
0xb6: {  	_ =	strace $0x90000048  }
0xb7: {  	_ =	sfence  }
0xb8: {  	s30 =	sld [smem:$0x0];
	_ =	sdelay $0x2  }
0xb9: {  	s31 =	sshll.u32 s1, $0xD;
	s1 =	sshrl.u32 s1, $0x2  }
0xba: {  	s3 =	sand.u32 $0x4000, s31;
	s1 =	sadd.s32 s1, s30  }
0xbb: {  	s0 =	sor.u32 s3, s0;
	s1 =	sshll.u32 s1, $0x11  }
0xbc: {  	s0 =	sor.u32 s1, s0  }
0xbd: {  	s0 =	sadd.s32 $0x8F2B, s0  }
0xbe: {  	[sflag:s0] =	ssyncadd.remote.s32 $0x1  }
0xbf: {  	_ =	sfence.sel $0xFFFF  }
0xc0: {  	[dreg:$0x0] =	wrdreg $0xFFFFFFFF;
	(pc) =	sbr.abs _section_cstart, $3  }
0xc1: {  	[dreg:$0x1] =	wrdreg $0xFFFFFFFF  }
0xc2: {  	_ =	task.clear_ibuf [dreg:s7], $0x2FFFF;
	_ =	strace $0x9FFFFFFF  }
0xc3: {  	(tm) =	ssettm $0x7FFFFFFF  }
tec
execute0_lowered:
.L_overlay_start_1:
0x0: {  	(tag) =	ssettag $0x1  }
0x1: {  	s0 =	srdreg.scid;
	s1 =	rddreg [dreg:$0x0]  }
0x2: {  	s10 =	stileid.u32;
	s2 =	rddreg [dreg:$0x1]  }
0x3: {  	s3 =	rddreg [dreg:$0x2];
	s4 =	simm.s32 $0x0;
	s28 =	simm.s32 $0x300  }
0x4: {  	s29 =	simm.s32 $0x480;
	s31 =	simm.s32 $0x80;
	s5 =	smul.u32 $0x278, s10  }
0x5: {  	s12 =	simm.s32 $0x6600;
	[smem:$0x7FF] =	sst s4;
	s7 =	smul.u32 $0x4F000, s10  }
0x6: {  	s0 =	sand.u32 $0x1, s0;
	s24 =	sadd.s32 $0x128400, s3;
	s19 =	sadd.s32 $0x12C400, s3  }
0x7: {  	s20 =	sadd.s32 $0x130400, s3;
	_ =	strace $0x80000047;
	[dreg:$0xa] =	wrdreg s19  }
0x8: {  	s21 =	sadd.s32 $0x134400, s3;
	s22 =	sadd.s32 $0x138400, s3;
	[dreg:$0xb] =	wrdreg s20  }
0x9: {  	p0 =	seq.s32 s10, $0xF;
	s6 =	smul.u32 $0x2710, s0;
	[dreg:$0xc] =	wrdreg s21  }
0xa: {  	s8 =	ssub.s32 $0x2, s0;
	s0 =	sshll.u32 s0, $0x4;
	[dreg:$0xe] =	wrdreg s22  }
0xb: {  	s19 =	simm.s32 $0x500;
	[dreg:$0x9] =	wrdreg s24;
	s13 =	sshrl.u32 s7, $0x2  }
0xc: {  	s14 =	sshrl.u32 s8, $0x1;
	s0 =	sor.u32 s10, s0;
	s10 =	simm.s32 $0x8  }
0xd: {  	s5 =	sadd.s32 s5, s6;
	s15 =	sadd.s32 s13, s3;
	s9 =	smul.u32 $0x50, s0  }
0xe: {  	s0 =	smul.u32 $0xF00, s0;
	s7 =	ssub.s32 s8, s14;
	s8 =	simm.s32 $0x8600  }
0xf: {  	s13 =	simm.s32 $0x2;
	s14 =	simm.s32 $0x200;
	s6 =	sshll.u32 s5, $0x4  }
0x10: {  	s5 =	sadd.s32 $0x200, s1;
	s16 =	sadd.s32 $0x8000, s15;
	[dreg:$0x4] =	wrdreg s15  }
0x11: {  	s17 =	sadd.s32 $0xC000, s15;
	s18 =	sadd.s32 $0x10000, s15;
	[dreg:$0x6] =	wrdreg s16  }
0x12: {  	s30 =	smax.u32 s7, $0x1;
	s7 =	simm.s32 $0x1;
	[dreg:$0x7] =	wrdreg s17  }
0x13: {  	s1 =	sadd.s32 s6, s1;
	s6 =	sadd.s32 $0x4000, s15;
	[dreg:$0x8] =	wrdreg s18  }
0x14: {  	s0 =	sadd.s32 s2, s0;
	s20 =	sor.u32 $0x4, s9;
	[dreg:$0x13] =	wrdreg s30  }
0x15: {  	s21 =	sor.u32 $0x5, s9;
	s22 =	sor.u32 $0x6, s9;
	[dreg:$0x5] =	wrdreg s6  }
0x16: {  	s16 =	simm.s32 $0x3;
	s23 =	sadd.s32 $0x30, s0;
	[dreg:$0xd] =	wrdreg s0  }
.Ltmp0:
0x17: {  	s25 =	sadd.s32 $0x60, s0;
	[dreg:$0xf] =	wrdreg s23;
	(pc) =	sbr.rel .LBB2_1-.Ltmp0, $4  }
0x18: {  	s17 =	simm.s32 $0x380;
	s0 =	sadd.s32 $0x90, s0;
	[dreg:$0x10] =	wrdreg s25  }
0x19: {  	s18 =	simm.s32 $0x4;
	s26 =	sadd.s32 $0x13C00, s1;
	[dreg:$0x11] =	wrdreg s0  }
0x1a: {  	v1 =	vimm.s32 $0x0;
	vm0 =	vcmask $0x300;
	s23 =	sor.u32 $0x7, s9;
	[dreg:$0x12] =	wrdreg s26;
	s0 =	simm.s32 $0x7  }
0x1b: {  	v0 =	vimm.f32 $0.0e+00;
	v1 =	vsel vm0, $0x3, v1;
	s26 =	simm.s32 $0x4600;
	s9 =	simm.s32 $0x9;
	s25 =	simm.s32 $0x0  }
.LBB2_14:
0x1c: {  	[bflag:$0x0] =	sbarrier.arrive $0xFFFF  }
0x1d: {  	s24 =	rddreg [dreg:$0x9]  }
0x1e: {  	s6 =	simm.s32 @p0 $0x1FC9;
	s11 =	rddreg [dreg:$0x12];
	s1 =	sshrl.u32 @p0 s24, $0x3  }
0x1f: {  	[hbm:s11], [sflag:s6] =	dma.local @p0 [spmem:s1], $0x2080  }
0x20: {  	s1 =	simm.s32 @p0 $0x9  }
0x21: {  	s6 =	stileid.u32;
	_ =	swait.ge @p0 [sflag:s1], $0x2080  }
0x22: {  	s6 =	sshll.u32 @!p0 s6, $0x6;
	[sflag:s1] =	ssyncset.done @p0 $0x0;
	s15 =	rddreg [dreg:$0x4]  }
0x23: {  	[sflag:s1] =	ssyncadd.s32 @p0 $0xFFFFDF80;
	s1 =	sor.u32 @!p0 $0x1C09, s6;
	s6 =	sshrl.u32 @!p0 s15, $0x3  }
0x24: {  	[hbm:s11], [sflag:s1] =	dma.local @!p0 [spmem:s6], $0x2780  }
0x25: {  	s1 =	simm.s32 @!p0 $0x9  }
0x26: {  	_ =	swait.ge @!p0 [sflag:s1], $0x2780  }
0x27: {  	s25 =	sadd.s32 $0x1, s25;
	s30 =	rddreg [dreg:$0x13]  }
0x28: {  	p1 =	sne.s32 s25, s30  }
.Ltmp1:
0x29: {  	_ = 	snop;
	(pc) =	sbr.rel @!p1 .LBB2_15-.Ltmp1, $3  }
0x2a: {  	_ =	sdelay $0x1  }
0x2b: {  	[sflag:s1] =	ssyncset.done @!p0 $0x0  }
0x2c: {  	[sflag:s1] =	ssyncadd.s32 @!p0 $0xFFFFD880  }
.LBB2_1:
0x2d: {  	s1 =	simm.s32 $0x8680  }
0x2e: {  	[tilespmem:s1+$0xFFFFFF80] =	vst v0  }
0x2f: {  	[tilespmem:s1+$0x70] =	vst v0  }
0x30: {  	[tilespmem:s1+$0x60] =	vst v0  }
0x31: {  	[tilespmem:s1+$0x50] =	vst v0  }
0x32: {  	[tilespmem:s1+$0x40] =	vst v0  }
0x33: {  	[tilespmem:s1+$0x30] =	vst v0  }
0x34: {  	[tilespmem:s1+$0x20] =	vst v0  }
0x35: {  	[tilespmem:s1+$0x10] =	vst v0  }
0x36: {  	[tilespmem:s1+$0x0] =	vst v0  }
0x37: {  	[tilespmem:s1+$0xFFFFFFF0] =	vst v0  }
0x38: {  	[tilespmem:s1+$0xFFFFFFE0] =	vst v0  }
0x39: {  	[tilespmem:s1+$0xFFFFFFD0] =	vst v0  }
0x3a: {  	[tilespmem:s1+$0xFFFFFFC0] =	vst v0  }
0x3b: {  	[tilespmem:s1+$0xFFFFFFB0] =	vst v0  }
0x3c: {  	s11 =	simm.s32 $0x0;
	[tilespmem:s1+$0xFFFFFFA0] =	vst v0  }
.LBB2_2:
0x3d: {  	s11 =	sadd.s32 $0x2, s11;
	[tilespmem:s1+$0xFFFFFF90] =	vst v0;
	s1 =	sadd.s32 $0x100, s1  }
0x3e: {  	[tilespmem:s1+$0xFFFFFF80] =	vst v0;
	p1 =	slt.u32 s11, $0x7E  }
0x3f: {  	[tilespmem:s1+$0x70] =	vst v0  }
0x40: {  	[tilespmem:s1+$0x60] =	vst v0  }
0x41: {  	[tilespmem:s1+$0x50] =	vst v0  }
0x42: {  	[tilespmem:s1+$0x40] =	vst v0  }
0x43: {  	[tilespmem:s1+$0x30] =	vst v0  }
0x44: {  	[tilespmem:s1+$0x20] =	vst v0  }
0x45: {  	[tilespmem:s1+$0x10] =	vst v0  }
0x46: {  	[tilespmem:s1+$0x0] =	vst v0  }
0x47: {  	[tilespmem:s1+$0xFFFFFFF0] =	vst v0  }
.Ltmp2:
0x48: {  	[tilespmem:s1+$0xFFFFFFE0] =	vst v0;
	(pc) =	sbr.rel @p1 .LBB2_2-.Ltmp2, $4  }
0x49: {  	[tilespmem:s1+$0xFFFFFFD0] =	vst v0  }
0x4a: {  	[tilespmem:s1+$0xFFFFFFC0] =	vst v0  }
0x4b: {  	[tilespmem:s1+$0xFFFFFFB0] =	vst v0  }
0x4c: {  	[tilespmem:s1+$0xFFFFFFA0] =	vst v0  }
0x4d: {  	[tilespmem:s1+$0xFFFFFF90] =	vst v0;
	s1 =	simm.s32 @p0 $0x8600;
	s11 =	simm.s32 @p0 $0x9  }
0x4e: {  	[spmem:s24] =	stream.linear.scatter @p0 [tilespmem:s1], [sflag:$0x9], $0x4000, $0x38;
	[tilespmem:$0x1FE80] =	vst v63  }
0x4f: {  	_ =	swait.ge @p0 [sflag:s11], $0x4000  }
0x50: {  	[sflag:s11] =	ssyncset.done @p0 $0x0  }
0x51: {  	s6 =	rddreg [dreg:$0xa];
	[sflag:s11] =	ssyncadd.s32 @p0 $0xFFFFC000  }
0x52: {  	[spmem:s6] =	stream.linear.scatter @p0 [tilespmem:s1], [sflag:$0x9], $0x4000, $0x38;
	[tilespmem:$0x1FE80] =	vst v63  }
0x53: {  	_ =	swait.ge @p0 [sflag:s11], $0x4000  }
0x54: {  	[sflag:s11] =	ssyncset.done @p0 $0x0  }
0x55: {  	s6 =	rddreg [dreg:$0xb];
	[sflag:s11] =	ssyncadd.s32 @p0 $0xFFFFC000  }
0x56: {  	[spmem:s6] =	stream.linear.scatter @p0 [tilespmem:s1], [sflag:$0x9], $0x4000, $0x38;
	[tilespmem:$0x1FE80] =	vst v63  }
0x57: {  	_ =	swait.ge @p0 [sflag:s11], $0x4000  }
0x58: {  	[sflag:s11] =	ssyncset.done @p0 $0x0  }
0x59: {  	s6 =	rddreg [dreg:$0xc];
	[sflag:s11] =	ssyncadd.s32 @p0 $0xFFFFC000  }
0x5a: {  	[spmem:s6] =	stream.linear.scatter @p0 [tilespmem:s1], [sflag:$0x9], $0x4000, $0x38;
	[tilespmem:$0x1FE80] =	vst v63  }
0x5b: {  	_ =	swait.ge @p0 [sflag:s11], $0x4000  }
0x5c: {  	[sflag:s11] =	ssyncset.done @p0 $0x0  }
0x5d: {  	s6 =	rddreg [dreg:$0xe];
	[sflag:s11] =	ssyncadd.s32 @p0 $0xFFFFC000  }
0x5e: {  	[spmem:s6] =	stream.linear.scatter @p0 [tilespmem:s1], [sflag:$0x9], $0x400, $0x38;
	[tilespmem:$0x1FE80] =	vst v63  }
0x5f: {  	_ =	swait.ge @p0 [sflag:s11], $0x400  }
0x60: {  	[sflag:s11] =	ssyncset.done @p0 $0x0  }
0x61: {  	s1 =	simm.s32 @!p0 $0x8600;
	[sflag:s11] =	ssyncadd.s32 @p0 $0xFFFFFC00;
	s11 =	simm.s32 @!p0 $0x9  }
0x62: {  	[spmem:s15] =	stream.linear.scatter @!p0 [tilespmem:s1], [sflag:$0x9], $0x4000, $0x38;
	[tilespmem:$0x1FE80] =	vst v63  }
0x63: {  	_ =	swait.ge @!p0 [sflag:s11], $0x4000  }
0x64: {  	[sflag:s11] =	ssyncset.done @!p0 $0x0  }
0x65: {  	s6 =	rddreg [dreg:$0x5];
	[sflag:s11] =	ssyncadd.s32 @!p0 $0xFFFFC000  }
0x66: {  	[spmem:s6] =	stream.linear.scatter @!p0 [tilespmem:s1], [sflag:$0x9], $0x4000, $0x38;
	[tilespmem:$0x1FE80] =	vst v63  }
0x67: {  	_ =	swait.ge @!p0 [sflag:s11], $0x4000  }
0x68: {  	[sflag:s11] =	ssyncset.done @!p0 $0x0  }
0x69: {  	s6 =	rddreg [dreg:$0x6];
	[sflag:s11] =	ssyncadd.s32 @!p0 $0xFFFFC000  }
0x6a: {  	[spmem:s6] =	stream.linear.scatter @!p0 [tilespmem:s1], [sflag:$0x9], $0x4000, $0x38;
	[tilespmem:$0x1FE80] =	vst v63  }
0x6b: {  	_ =	swait.ge @!p0 [sflag:s11], $0x4000  }
0x6c: {  	[sflag:s11] =	ssyncset.done @!p0 $0x0  }
0x6d: {  	s6 =	rddreg [dreg:$0x7];
	[sflag:s11] =	ssyncadd.s32 @!p0 $0xFFFFC000  }
0x6e: {  	[spmem:s6] =	stream.linear.scatter @!p0 [tilespmem:s1], [sflag:$0x9], $0x4000, $0x38;
	[tilespmem:$0x1FE80] =	vst v63  }
0x6f: {  	_ =	swait.ge @!p0 [sflag:s11], $0x4000  }
0x70: {  	[sflag:s11] =	ssyncset.done @!p0 $0x0  }
0x71: {  	s6 =	rddreg [dreg:$0x8];
	[sflag:s11] =	ssyncadd.s32 @!p0 $0xFFFFC000  }
0x72: {  	[spmem:s6] =	stream.linear.scatter @!p0 [tilespmem:s1], [sflag:$0x9], $0x3C00, $0x38;
	[tilespmem:$0x1FE80] =	vst v63  }
0x73: {  	_ =	swait.ge @!p0 [sflag:s11], $0x3C00  }
0x74: {  	[sflag:s11] =	ssyncset.done @!p0 $0x0  }
0x75: {  	[sflag:s11] =	ssyncadd.s32 @!p0 $0xFFFFC400  }
0x76: {  	[bflag:$0x0] =	sbarrier.arrive $0xFFFF  }
0x77: {  	s15 =	simm.s32 $0x0;
	s24 =	rddreg [dreg:$0xd]  }
0x78: {  	[tilespmem:s15], [sflag:$0x5] =	stream.linear.gather [hbm4b:s24+s15], $0x180, $0x38;
	[tilespmem:$0x1FE80] =	vst v63  }
0x79: {  	s6 =	simm.s32 $0x180;
	s30 =	rddreg [dreg:$0xf]  }
0x7a: {  	[tilespmem:s6], [sflag:$0x6] =	stream.linear.gather [hbm4b:s30+s15], $0x180, $0x38;
	[tilespmem:$0x1FE80] =	vst v63  }
0x7b: {  	s11 =	rddreg [dreg:$0x10]  }
0x7c: {  	[tilespmem:s28], [sflag:$0x7] =	stream.linear.gather [hbm4b:s11+s15], $0x180, $0x38;
	[tilespmem:$0x1FE80] =	vst v63  }
0x7d: {  	s24 =	rddreg [dreg:$0x11];
	s30 =	simm.s32 $0x5  }
0x7e: {  	[tilespmem:s29], [sflag:$0x8] =	stream.linear.gather [hbm4b:s24+s15], $0x180, $0x38;
	[tilespmem:$0x1FE80] =	vst v63  }
0x7f: {  	_ =	swait.ge [sflag:s30], $0x180  }
0x80: {  	[sflag:s30] =	ssyncset.done $0x0  }
0x81: {  	s11 =	simm.s32 $0x600;
	s24 =	simm.s32 $0x6;
	[sflag:s30] =	ssyncadd.s32 $0xFFFFFE80  }
0x82: {  	[tilespmem:s11], [sflag:$0x1] =	stream.indirect.gather [hbm4b:s5+s31], $0x40, s15, s31, $0xb8;
	[tilespmem:$0x1FE80] =	vst v63  }
0x83: {  	_ =	swait.ge [sflag:s24], $0x180  }
0x84: {  	[sflag:s24] =	ssyncset.done $0x0  }
0x85: {  	s30 =	simm.s32 $0x2600;
	[sflag:s24] =	ssyncadd.s32 $0xFFFFFE80  }
0x86: {  	[tilespmem:s30], [sflag:$0x2] =	stream.indirect.gather [hbm4b:s5+s31], $0x40, s6, s31, $0xb8;
	[tilespmem:$0x1FE80] =	vst v63  }
0x87: {  	_ =	swait.ge [sflag:s0], $0x180  }
0x88: {  	[sflag:s0] =	ssyncset.done $0x0  }
0x89: {  	[sflag:s0] =	ssyncadd.s32 $0xFFFFFE80  }
0x8a: {  	[tilespmem:s26], [sflag:$0x3] =	stream.indirect.gather [hbm4b:s5+s31], $0x40, s28, s31, $0xb8;
	[tilespmem:$0x1FE80] =	vst v63  }
.LBB2_4:
0x8b: {  	_ =	swait.ge [sflag:s7], $0x2000  }
0x8c: {  	s30 =	simm.s32 $0x700;
	[sflag:s7] =	ssyncset.done $0x0  }
0x8d: {  	s1 =	simm.s32 $0x8800;
	s11 =	simm.s32 $0x0;
	[sflag:s7] =	ssyncadd.s32 $0xFFFFE000  }
.LBB2_5:
0x8e: {  	v2 =	vmov s11  }
0x8f: {  	v2 =	vshrl.u32 v2, $0x3  }
0x90: {  	v2 =	vshll.u32 v2, v1  }
0x91: {  	v2 =	vadd.s32 $0x100, v2  }
0x92: {  	v2 =	vbroadcast v2, $0x0;
	_ =	sdelay $0x4  }
0x93: {  	v3 =	vld [tilespmem:s30+$0xFFFFFF00]  }
0x94: {  	v2 =	vld.idx.msk [tilespmem:v2+s4+$0x0], $0xffff;
	_ =	sdelay $0x3  }
0x95: {  	v4 =	vunpack.i.l.bf16.f32 v3  }
0x96: {  	v3 =	vunpack.i.u.bf16.f32 v3;
	v4 =	vmul.f32 v2, v4  }
0x97: {  	v3 =	vmul.f32 v2, v3  }
0x98: {  	[tilespmem:s1+$0xFFFFFE00] =	vst v4  }
0x99: {  	[tilespmem:s1+$0xFFFFFE10] =	vst v3  }
0x9a: {  	v3 =	vld [tilespmem:s30+$0xFFFFFF10];
	_ =	sdelay $0x4  }
0x9b: {  	v27 =	vunpack.i.l.bf16.f32 v3  }
0x9c: {  	v3 =	vunpack.i.u.bf16.f32 v3;
	v4 =	vmul.f32 v2, v27  }
0x9d: {  	v3 =	vmul.f32 v2, v3  }
0x9e: {  	[tilespmem:s1+$0xFFFFFE20] =	vst v4  }
0x9f: {  	[tilespmem:s1+$0xFFFFFE30] =	vst v3  }
0xa0: {  	v3 =	vld [tilespmem:s30+$0xFFFFFF20];
	_ =	sdelay $0x4  }
0xa1: {  	v28 =	vunpack.i.l.bf16.f32 v3  }
0xa2: {  	v3 =	vunpack.i.u.bf16.f32 v3;
	v4 =	vmul.f32 v2, v28  }
0xa3: {  	v3 =	vmul.f32 v2, v3  }
0xa4: {  	[tilespmem:s1+$0xFFFFFE40] =	vst v4  }
0xa5: {  	[tilespmem:s1+$0xFFFFFE50] =	vst v3  }
0xa6: {  	s24 =	sadd.s32 $0x1, s11;
	v3 =	vld [tilespmem:s30+$0xFFFFFF30]  }
0xa7: {  	v29 =	vmov s24  }
0xa8: {  	v4 =	vshrl.u32 v29, $0x3  }
0xa9: {  	v4 =	vshll.u32 v4, v1  }
0xaa: {  	v4 =	vadd.s32 $0x101, v4  }
0xab: {  	v4 =	vbroadcast v4, $0x0;
	v5 =	vunpack.i.l.bf16.f32 v3  }
0xac: {  	v3 =	vunpack.i.u.bf16.f32 v3;
	v5 =	vmul.f32 v2, v5  }
0xad: {  	v2 =	vmul.f32 v2, v3  }
0xae: {  	[tilespmem:s1+$0xFFFFFE60] =	vst v5  }
0xaf: {  	[tilespmem:s1+$0xFFFFFE70] =	vst v2  }
0xb0: {  	v2 =	vld [tilespmem:s30+$0xFFFFFF40]  }
0xb1: {  	v3 =	vld.idx.msk [tilespmem:v4+s4+$0x0], $0xffff;
	_ =	sdelay $0x3  }
0xb2: {  	v30 =	vunpack.i.l.bf16.f32 v2  }
0xb3: {  	v2 =	vunpack.i.u.bf16.f32 v2;
	v4 =	vmul.f32 v3, v30  }
0xb4: {  	v2 =	vmul.f32 v3, v2  }
0xb5: {  	[tilespmem:s1+$0xFFFFFE80] =	vst v4  }
0xb6: {  	[tilespmem:s1+$0xFFFFFE90] =	vst v2  }
0xb7: {  	v2 =	vld [tilespmem:s30+$0xFFFFFF50];
	_ =	sdelay $0x4  }
0xb8: {  	v31 =	vunpack.i.l.bf16.f32 v2  }
0xb9: {  	v2 =	vunpack.i.u.bf16.f32 v2;
	v4 =	vmul.f32 v3, v31  }
0xba: {  	v2 =	vmul.f32 v3, v2  }
0xbb: {  	[tilespmem:s1+$0xFFFFFEA0] =	vst v4  }
0xbc: {  	[tilespmem:s1+$0xFFFFFEB0] =	vst v2  }
0xbd: {  	v2 =	vld [tilespmem:s30+$0xFFFFFF60];
	_ =	sdelay $0x4  }
0xbe: {  	v32 =	vunpack.i.l.bf16.f32 v2  }
0xbf: {  	v2 =	vunpack.i.u.bf16.f32 v2;
	v4 =	vmul.f32 v3, v32  }
0xc0: {  	v2 =	vmul.f32 v3, v2  }
0xc1: {  	[tilespmem:s1+$0xFFFFFEC0] =	vst v4  }
0xc2: {  	[tilespmem:s1+$0xFFFFFED0] =	vst v2  }
0xc3: {  	s6 =	sadd.s32 $0x2, s11;
	v2 =	vld [tilespmem:s30+$0xFFFFFF70]  }
0xc4: {  	v33 =	vmov s6  }
0xc5: {  	v4 =	vshrl.u32 v33, $0x3  }
0xc6: {  	v4 =	vshll.u32 v4, v1  }
0xc7: {  	v4 =	vadd.s32 $0x102, v4  }
0xc8: {  	v4 =	vbroadcast v4, $0x0;
	v34 =	vunpack.i.l.bf16.f32 v2  }
0xc9: {  	v2 =	vunpack.i.u.bf16.f32 v2;
	v5 =	vmul.f32 v3, v34  }
0xca: {  	v2 =	vmul.f32 v3, v2  }
0xcb: {  	[tilespmem:s1+$0xFFFFFEE0] =	vst v5  }
0xcc: {  	[tilespmem:s1+$0xFFFFFEF0] =	vst v2  }
0xcd: {  	v2 =	vld [tilespmem:s30+$0xFFFFFF80]  }
0xce: {  	v3 =	vld.idx.msk [tilespmem:v4+s4+$0x0], $0xffff;
	_ =	sdelay $0x3  }
0xcf: {  	v35 =	vunpack.i.l.bf16.f32 v2  }
0xd0: {  	v2 =	vunpack.i.u.bf16.f32 v2;
	v4 =	vmul.f32 v3, v35  }
0xd1: {  	v2 =	vmul.f32 v3, v2  }
0xd2: {  	[tilespmem:s1+$0xFFFFFF00] =	vst v4  }
0xd3: {  	[tilespmem:s1+$0xFFFFFF10] =	vst v2  }
0xd4: {  	v2 =	vld [tilespmem:s30+$0xFFFFFF90];
	_ =	sdelay $0x4  }
0xd5: {  	v36 =	vunpack.i.l.bf16.f32 v2  }
0xd6: {  	v2 =	vunpack.i.u.bf16.f32 v2;
	v4 =	vmul.f32 v3, v36  }
0xd7: {  	v2 =	vmul.f32 v3, v2  }
0xd8: {  	[tilespmem:s1+$0xFFFFFF20] =	vst v4  }
0xd9: {  	[tilespmem:s1+$0xFFFFFF30] =	vst v2  }
0xda: {  	v2 =	vld [tilespmem:s30+$0xFFFFFFA0];
	_ =	sdelay $0x4  }
0xdb: {  	v37 =	vunpack.i.l.bf16.f32 v2  }
0xdc: {  	v2 =	vunpack.i.u.bf16.f32 v2;
	v4 =	vmul.f32 v3, v37  }
0xdd: {  	v2 =	vmul.f32 v3, v2  }
0xde: {  	[tilespmem:s1+$0xFFFFFF40] =	vst v4  }
0xdf: {  	[tilespmem:s1+$0xFFFFFF50] =	vst v2  }
0xe0: {  	s6 =	sadd.s32 $0x3, s11;
	v2 =	vld [tilespmem:s30+$0xFFFFFFB0]  }
0xe1: {  	v38 =	vmov s6  }
0xe2: {  	v4 =	vshrl.u32 v38, $0x3  }
0xe3: {  	v4 =	vshll.u32 v4, v1  }
0xe4: {  	v4 =	vadd.s32 $0x103, v4  }
0xe5: {  	v4 =	vbroadcast v4, $0x0;
	v39 =	vunpack.i.l.bf16.f32 v2  }
0xe6: {  	v2 =	vunpack.i.u.bf16.f32 v2;
	v5 =	vmul.f32 v3, v39  }
0xe7: {  	v2 =	vmul.f32 v3, v2  }
0xe8: {  	[tilespmem:s1+$0xFFFFFF60] =	vst v5  }
0xe9: {  	[tilespmem:s1+$0xFFFFFF70] =	vst v2  }
0xea: {  	v2 =	vld [tilespmem:s30+$0xFFFFFFC0]  }
0xeb: {  	v3 =	vld.idx.msk [tilespmem:v4+s4+$0x0], $0xffff;
	_ =	sdelay $0x3  }
0xec: {  	v40 =	vunpack.i.l.bf16.f32 v2  }
0xed: {  	v2 =	vunpack.i.u.bf16.f32 v2;
	v4 =	vmul.f32 v3, v40  }
0xee: {  	v2 =	vmul.f32 v3, v2  }
0xef: {  	[tilespmem:s1+$0xFFFFFF80] =	vst v4  }
0xf0: {  	[tilespmem:s1+$0xFFFFFF90] =	vst v2  }
0xf1: {  	v2 =	vld [tilespmem:s30+$0xFFFFFFD0];
	_ =	sdelay $0x4  }
0xf2: {  	v41 =	vunpack.i.l.bf16.f32 v2  }
0xf3: {  	v2 =	vunpack.i.u.bf16.f32 v2;
	v4 =	vmul.f32 v3, v41  }
0xf4: {  	v2 =	vmul.f32 v3, v2  }
0xf5: {  	[tilespmem:s1+$0xFFFFFFA0] =	vst v4  }
0xf6: {  	[tilespmem:s1+$0xFFFFFFB0] =	vst v2  }
0xf7: {  	v2 =	vld [tilespmem:s30+$0xFFFFFFE0];
	_ =	sdelay $0x4  }
0xf8: {  	v42 =	vunpack.i.l.bf16.f32 v2  }
0xf9: {  	v2 =	vunpack.i.u.bf16.f32 v2;
	v4 =	vmul.f32 v3, v42  }
0xfa: {  	v2 =	vmul.f32 v3, v2  }
0xfb: {  	[tilespmem:s1+$0xFFFFFFC0] =	vst v4  }
0xfc: {  	[tilespmem:s1+$0xFFFFFFD0] =	vst v2  }
0xfd: {  	s6 =	sadd.s32 $0x4, s11;
	v2 =	vld [tilespmem:s30+$0xFFFFFFF0]  }
0xfe: {  	v43 =	vmov s6  }
0xff: {  	v4 =	vshrl.u32 v43, $0x3  }
0x100: {  	v4 =	vshll.u32 v4, v1  }
0x101: {  	v4 =	vadd.s32 $0x104, v4  }
0x102: {  	v4 =	vbroadcast v4, $0x0;
	v44 =	vunpack.i.l.bf16.f32 v2  }
0x103: {  	v2 =	vunpack.i.u.bf16.f32 v2;
	v5 =	vmul.f32 v3, v44  }
0x104: {  	v2 =	vmul.f32 v3, v2  }
0x105: {  	[tilespmem:s1+$0xFFFFFFE0] =	vst v5  }
0x106: {  	[tilespmem:s1+$0xFFFFFFF0] =	vst v2  }
0x107: {  	v2 =	vld [tilespmem:s30+$0x0]  }
0x108: {  	v3 =	vld.idx.msk [tilespmem:v4+s4+$0x0], $0xffff;
	_ =	sdelay $0x3  }
0x109: {  	v45 =	vunpack.i.l.bf16.f32 v2  }
0x10a: {  	v2 =	vunpack.i.u.bf16.f32 v2;
	v4 =	vmul.f32 v3, v45  }
0x10b: {  	v2 =	vmul.f32 v3, v2  }
0x10c: {  	[tilespmem:s1+$0x0] =	vst v4  }
0x10d: {  	[tilespmem:s1+$0x10] =	vst v2  }
0x10e: {  	v2 =	vld [tilespmem:s30+$0x10];
	_ =	sdelay $0x4  }
0x10f: {  	v46 =	vunpack.i.l.bf16.f32 v2  }
0x110: {  	v2 =	vunpack.i.u.bf16.f32 v2;
	v4 =	vmul.f32 v3, v46  }
0x111: {  	v2 =	vmul.f32 v3, v2  }
0x112: {  	[tilespmem:s1+$0x20] =	vst v4  }
0x113: {  	[tilespmem:s1+$0x30] =	vst v2  }
0x114: {  	v2 =	vld [tilespmem:s30+$0x20];
	_ =	sdelay $0x4  }
0x115: {  	v47 =	vunpack.i.l.bf16.f32 v2  }
0x116: {  	v2 =	vunpack.i.u.bf16.f32 v2;
	v4 =	vmul.f32 v3, v47  }
0x117: {  	v2 =	vmul.f32 v3, v2  }
0x118: {  	[tilespmem:s1+$0x40] =	vst v4  }
0x119: {  	[tilespmem:s1+$0x50] =	vst v2  }
0x11a: {  	s6 =	sadd.s32 $0x5, s11;
	v2 =	vld [tilespmem:s30+$0x30]  }
0x11b: {  	v48 =	vmov s6  }
0x11c: {  	v4 =	vshrl.u32 v48, $0x3  }
0x11d: {  	v4 =	vshll.u32 v4, v1  }
0x11e: {  	v4 =	vadd.s32 $0x105, v4  }
0x11f: {  	v4 =	vbroadcast v4, $0x0;
	v49 =	vunpack.i.l.bf16.f32 v2  }
0x120: {  	v2 =	vunpack.i.u.bf16.f32 v2;
	v5 =	vmul.f32 v3, v49  }
0x121: {  	v2 =	vmul.f32 v3, v2  }
0x122: {  	[tilespmem:s1+$0x60] =	vst v5  }
0x123: {  	[tilespmem:s1+$0x70] =	vst v2  }
0x124: {  	v2 =	vld [tilespmem:s30+$0x40]  }
0x125: {  	v3 =	vld.idx.msk [tilespmem:v4+s4+$0x0], $0xffff;
	_ =	sdelay $0x3  }
0x126: {  	v50 =	vunpack.i.l.bf16.f32 v2  }
0x127: {  	v2 =	vunpack.i.u.bf16.f32 v2;
	v4 =	vmul.f32 v3, v50  }
0x128: {  	v2 =	vmul.f32 v3, v2  }
0x129: {  	[tilespmem:s1+$0x80] =	vst v4  }
0x12a: {  	[tilespmem:s1+$0x90] =	vst v2  }
0x12b: {  	v2 =	vld [tilespmem:s30+$0x50];
	_ =	sdelay $0x4  }
0x12c: {  	v51 =	vunpack.i.l.bf16.f32 v2  }
0x12d: {  	v2 =	vunpack.i.u.bf16.f32 v2;
	v4 =	vmul.f32 v3, v51  }
0x12e: {  	v2 =	vmul.f32 v3, v2  }
0x12f: {  	[tilespmem:s1+$0xA0] =	vst v4  }
0x130: {  	[tilespmem:s1+$0xB0] =	vst v2  }
0x131: {  	v2 =	vld [tilespmem:s30+$0x60];
	_ =	sdelay $0x4  }
0x132: {  	v52 =	vunpack.i.l.bf16.f32 v2  }
0x133: {  	v2 =	vunpack.i.u.bf16.f32 v2;
	v4 =	vmul.f32 v3, v52  }
0x134: {  	v2 =	vmul.f32 v3, v2  }
0x135: {  	[tilespmem:s1+$0xC0] =	vst v4  }
0x136: {  	[tilespmem:s1+$0xD0] =	vst v2  }
0x137: {  	s6 =	sadd.s32 $0x6, s11;
	v2 =	vld [tilespmem:s30+$0x70]  }
0x138: {  	v53 =	vmov s6  }
0x139: {  	v4 =	vshrl.u32 v53, $0x3  }
0x13a: {  	v4 =	vshll.u32 v4, v1  }
0x13b: {  	v4 =	vadd.s32 $0x106, v4  }
0x13c: {  	v4 =	vbroadcast v4, $0x0;
	v54 =	vunpack.i.l.bf16.f32 v2  }
0x13d: {  	v2 =	vunpack.i.u.bf16.f32 v2;
	v5 =	vmul.f32 v3, v54  }
0x13e: {  	v2 =	vmul.f32 v3, v2  }
0x13f: {  	[tilespmem:s1+$0xE0] =	vst v5  }
0x140: {  	[tilespmem:s1+$0xF0] =	vst v2  }
0x141: {  	v2 =	vld [tilespmem:s30+$0x80]  }
0x142: {  	v3 =	vld.idx.msk [tilespmem:v4+s4+$0x0], $0xffff;
	_ =	sdelay $0x3  }
0x143: {  	v55 =	vunpack.i.l.bf16.f32 v2  }
0x144: {  	v2 =	vunpack.i.u.bf16.f32 v2;
	v4 =	vmul.f32 v3, v55  }
0x145: {  	v2 =	vmul.f32 v3, v2  }
0x146: {  	[tilespmem:s1+$0x100] =	vst v4  }
0x147: {  	[tilespmem:s1+$0x110] =	vst v2  }
0x148: {  	v2 =	vld [tilespmem:s30+$0x90];
	_ =	sdelay $0x4  }
0x149: {  	v56 =	vunpack.i.l.bf16.f32 v2  }
0x14a: {  	v2 =	vunpack.i.u.bf16.f32 v2;
	v4 =	vmul.f32 v3, v56  }
0x14b: {  	v2 =	vmul.f32 v3, v2  }
0x14c: {  	[tilespmem:s1+$0x120] =	vst v4  }
0x14d: {  	[tilespmem:s1+$0x130] =	vst v2  }
0x14e: {  	v2 =	vld [tilespmem:s30+$0xA0];
	_ =	sdelay $0x4  }
0x14f: {  	v57 =	vunpack.i.l.bf16.f32 v2  }
0x150: {  	v2 =	vunpack.i.u.bf16.f32 v2;
	v4 =	vmul.f32 v3, v57  }
0x151: {  	v2 =	vmul.f32 v3, v2  }
0x152: {  	[tilespmem:s1+$0x140] =	vst v4  }
0x153: {  	[tilespmem:s1+$0x150] =	vst v2  }
0x154: {  	s6 =	sadd.s32 $0x7, s11;
	v2 =	vld [tilespmem:s30+$0xB0]  }
0x155: {  	v58 =	vmov s6  }
0x156: {  	v4 =	vshrl.u32 v58, $0x3  }
0x157: {  	v4 =	vshll.u32 v4, v1  }
0x158: {  	v4 =	vadd.s32 $0x107, v4  }
0x159: {  	v4 =	vbroadcast v4, $0x0;
	v59 =	vunpack.i.l.bf16.f32 v2  }
0x15a: {  	v2 =	vunpack.i.u.bf16.f32 v2;
	v5 =	vmul.f32 v3, v59  }
0x15b: {  	v2 =	vmul.f32 v3, v2  }
0x15c: {  	[tilespmem:s1+$0x160] =	vst v5  }
0x15d: {  	[tilespmem:s1+$0x170] =	vst v2  }
0x15e: {  	v2 =	vld [tilespmem:s30+$0xC0]  }
0x15f: {  	v3 =	vld.idx.msk [tilespmem:v4+s4+$0x0], $0xffff;
	_ =	sdelay $0x3  }
0x160: {  	v60 =	vunpack.i.l.bf16.f32 v2  }
0x161: {  	v2 =	vunpack.i.u.bf16.f32 v2;
	v4 =	vmul.f32 v3, v60  }
0x162: {  	v2 =	vmul.f32 v3, v2  }
0x163: {  	[tilespmem:s1+$0x180] =	vst v4  }
0x164: {  	[tilespmem:s1+$0x190] =	vst v2  }
0x165: {  	v2 =	vld [tilespmem:s30+$0xD0];
	_ =	sdelay $0x4  }
0x166: {  	v61 =	vunpack.i.l.bf16.f32 v2  }
0x167: {  	v2 =	vunpack.i.u.bf16.f32 v2;
	v4 =	vmul.f32 v3, v61  }
0x168: {  	v2 =	vmul.f32 v3, v2  }
0x169: {  	[tilespmem:s1+$0x1A0] =	vst v4  }
0x16a: {  	[tilespmem:s1+$0x1B0] =	vst v2  }
0x16b: {  	v2 =	vld [tilespmem:s30+$0xE0];
	_ =	sdelay $0x4  }
0x16c: {  	v62 =	vunpack.i.l.bf16.f32 v2  }
0x16d: {  	v2 =	vunpack.i.u.bf16.f32 v2;
	v4 =	vmul.f32 v3, v62  }
0x16e: {  	v2 =	vmul.f32 v3, v2  }
0x16f: {  	[tilespmem:s1+$0x1C0] =	vst v4  }
0x170: {  	[tilespmem:s1+$0x1D0] =	vst v2  }
0x171: {  	v2 =	vld [tilespmem:s30+$0xF0];
	_ =	sdelay $0x3  }
0x172: {  	p1 =	slt.u32 s11, $0x78  }
.Ltmp3:
0x173: {  	v63 =	vunpack.i.l.bf16.f32 v2;
	(pc) =	sbr.rel @p1 .LBB2_5-.Ltmp3, $4  }
0x174: {  	v2 =	vunpack.i.u.bf16.f32 v2;
	v4 =	vmul.f32 v3, v63  }
0x175: {  	v2 =	vmul.f32 v3, v2  }
0x176: {  	[tilespmem:s1+$0x1E0] =	vst v4  }
0x177: {  	s11 =	sadd.s32 $0x8, s11;
	s30 =	sadd.s32 $0x200, s30;
	[tilespmem:s1+$0x1F0] =	vst v2;
	s1 =	sadd.s32 $0x400, s1  }
0x178: {  	[spmem:s3] =	stream.indirect.scatter.add.f32 [tilespmem:s8], [sflag:$0x9], $0x80, s31, s31, $0xb8;
	[tilespmem:$0x1FE80] =	vst v63  }
0x179: {  	s30 =	sshll.u32 s15, $0x2;
	p1 =	seq.s32 s15, $0x13  }
0x17a: {  	s1 =	sadd.s32 @!p1 s30, s20  }
0x17b: {  	_ =	swait.ge [sflag:s9], $0x4000;
	s1 =	smul.u32 @!p1 $0x30, s1  }
0x17c: {  	[sflag:s9] =	ssyncset.done $0x0  }
0x17d: {  	s11 =	simm.s32 @!p1 $0x0;
	[sflag:s9] =	ssyncadd.s32 $0xFFFFC000;
	s1 =	sadd.s32 @!p1 s2, s1  }
0x17e: {  	[tilespmem:s11], [sflag:$0x5] =	stream.linear.gather @!p1 [hbm4b:s1+s11], $0x180, $0x38;
	[tilespmem:$0x1FE80] =	vst v63  }
0x17f: {  	_ =	swait.ge [sflag:s10], $0x180  }
0x180: {  	[sflag:s10] =	ssyncset.done $0x0  }
0x181: {  	[sflag:s10] =	ssyncadd.s32 $0xFFFFFE80  }
0x182: {  	[tilespmem:s12], [sflag:$0x4] =	stream.indirect.gather [hbm4b:s5+s31], $0x40, s29, s31, $0xb8;
	[tilespmem:$0x1FE80] =	vst v63  }
0x183: {  	_ =	swait.ge [sflag:s13], $0x2000  }
0x184: {  	s24 =	simm.s32 $0x8800;
	[sflag:s13] =	ssyncset.done $0x0  }
0x185: {  	s1 =	simm.s32 $0x0;
	s11 =	simm.s32 $0x27F0;
	[sflag:s13] =	ssyncadd.s32 $0xFFFFE000  }
.LBB2_7:
0x186: {  	v2 =	vmov s1  }
0x187: {  	v2 =	vshrl.u32 v2, $0x3  }
0x188: {  	v2 =	vshll.u32 v2, v1  }
0x189: {  	v2 =	vadd.s32 $0x280, v2  }
0x18a: {  	v2 =	vbroadcast v2, $0x0;
	_ =	sdelay $0x4  }
0x18b: {  	v3 =	vld [tilespmem:s11+$0xFFFFFE10]  }
0x18c: {  	v2 =	vld.idx.msk [tilespmem:v2+s4+$0x0], $0xffff;
	_ =	sdelay $0x3  }
0x18d: {  	v4 =	vunpack.i.l.bf16.f32 v3  }
0x18e: {  	v3 =	vunpack.i.u.bf16.f32 v3;
	v4 =	vmul.f32 v2, v4  }
0x18f: {  	v3 =	vmul.f32 v2, v3  }
0x190: {  	[tilespmem:s24+$0xFFFFFE00] =	vst v4  }
0x191: {  	[tilespmem:s24+$0xFFFFFE10] =	vst v3  }
0x192: {  	v3 =	vld [tilespmem:s11+$0xFFFFFE20];
	_ =	sdelay $0x4  }
0x193: {  	v27 =	vunpack.i.l.bf16.f32 v3  }
0x194: {  	v3 =	vunpack.i.u.bf16.f32 v3;
	v4 =	vmul.f32 v2, v27  }
0x195: {  	v3 =	vmul.f32 v2, v3  }
0x196: {  	[tilespmem:s24+$0xFFFFFE20] =	vst v4  }
0x197: {  	[tilespmem:s24+$0xFFFFFE30] =	vst v3  }
0x198: {  	v3 =	vld [tilespmem:s11+$0xFFFFFE30];
	_ =	sdelay $0x4  }
0x199: {  	v28 =	vunpack.i.l.bf16.f32 v3  }
0x19a: {  	v3 =	vunpack.i.u.bf16.f32 v3;
	v4 =	vmul.f32 v2, v28  }
0x19b: {  	v3 =	vmul.f32 v2, v3  }
0x19c: {  	[tilespmem:s24+$0xFFFFFE40] =	vst v4  }
0x19d: {  	[tilespmem:s24+$0xFFFFFE50] =	vst v3  }
0x19e: {  	s6 =	sadd.s32 $0x1, s1;
	v3 =	vld [tilespmem:s11+$0xFFFFFE40]  }
0x19f: {  	v29 =	vmov s6  }
0x1a0: {  	v4 =	vshrl.u32 v29, $0x3  }
0x1a1: {  	v4 =	vshll.u32 v4, v1  }
0x1a2: {  	v4 =	vadd.s32 $0x281, v4  }
0x1a3: {  	v4 =	vbroadcast v4, $0x0;
	v5 =	vunpack.i.l.bf16.f32 v3  }
0x1a4: {  	v3 =	vunpack.i.u.bf16.f32 v3;
	v5 =	vmul.f32 v2, v5  }
0x1a5: {  	v2 =	vmul.f32 v2, v3  }
0x1a6: {  	[tilespmem:s24+$0xFFFFFE60] =	vst v5  }
0x1a7: {  	[tilespmem:s24+$0xFFFFFE70] =	vst v2  }
0x1a8: {  	v2 =	vld [tilespmem:s11+$0xFFFFFE50]  }
0x1a9: {  	v3 =	vld.idx.msk [tilespmem:v4+s4+$0x0], $0xffff;
	_ =	sdelay $0x3  }
0x1aa: {  	v30 =	vunpack.i.l.bf16.f32 v2  }
0x1ab: {  	v2 =	vunpack.i.u.bf16.f32 v2;
	v4 =	vmul.f32 v3, v30  }
0x1ac: {  	v2 =	vmul.f32 v3, v2  }
0x1ad: {  	[tilespmem:s24+$0xFFFFFE80] =	vst v4  }
0x1ae: {  	[tilespmem:s24+$0xFFFFFE90] =	vst v2  }
0x1af: {  	v2 =	vld [tilespmem:s11+$0xFFFFFE60];
	_ =	sdelay $0x4  }
0x1b0: {  	v31 =	vunpack.i.l.bf16.f32 v2  }
0x1b1: {  	v2 =	vunpack.i.u.bf16.f32 v2;
	v4 =	vmul.f32 v3, v31  }
0x1b2: {  	v2 =	vmul.f32 v3, v2  }
0x1b3: {  	[tilespmem:s24+$0xFFFFFEA0] =	vst v4  }
0x1b4: {  	[tilespmem:s24+$0xFFFFFEB0] =	vst v2  }
0x1b5: {  	v2 =	vld [tilespmem:s11+$0xFFFFFE70];
	_ =	sdelay $0x4  }
0x1b6: {  	v32 =	vunpack.i.l.bf16.f32 v2  }
0x1b7: {  	v2 =	vunpack.i.u.bf16.f32 v2;
	v4 =	vmul.f32 v3, v32  }
0x1b8: {  	v2 =	vmul.f32 v3, v2  }
0x1b9: {  	[tilespmem:s24+$0xFFFFFEC0] =	vst v4  }
0x1ba: {  	[tilespmem:s24+$0xFFFFFED0] =	vst v2  }
0x1bb: {  	s6 =	sadd.s32 $0x2, s1;
	v2 =	vld [tilespmem:s11+$0xFFFFFE80]  }
0x1bc: {  	v33 =	vmov s6  }
0x1bd: {  	v4 =	vshrl.u32 v33, $0x3  }
0x1be: {  	v4 =	vshll.u32 v4, v1  }
0x1bf: {  	v4 =	vadd.s32 $0x282, v4  }
0x1c0: {  	v4 =	vbroadcast v4, $0x0;
	v34 =	vunpack.i.l.bf16.f32 v2  }
0x1c1: {  	v2 =	vunpack.i.u.bf16.f32 v2;
	v5 =	vmul.f32 v3, v34  }
0x1c2: {  	v2 =	vmul.f32 v3, v2  }
0x1c3: {  	[tilespmem:s24+$0xFFFFFEE0] =	vst v5  }
0x1c4: {  	[tilespmem:s24+$0xFFFFFEF0] =	vst v2  }
0x1c5: {  	v2 =	vld [tilespmem:s11+$0xFFFFFE90]  }
0x1c6: {  	v3 =	vld.idx.msk [tilespmem:v4+s4+$0x0], $0xffff;
	_ =	sdelay $0x3  }
0x1c7: {  	v35 =	vunpack.i.l.bf16.f32 v2  }
0x1c8: {  	v2 =	vunpack.i.u.bf16.f32 v2;
	v4 =	vmul.f32 v3, v35  }
0x1c9: {  	v2 =	vmul.f32 v3, v2  }
0x1ca: {  	[tilespmem:s24+$0xFFFFFF00] =	vst v4  }
0x1cb: {  	[tilespmem:s24+$0xFFFFFF10] =	vst v2  }
0x1cc: {  	v2 =	vld [tilespmem:s11+$0xFFFFFEA0];
	_ =	sdelay $0x4  }
0x1cd: {  	v36 =	vunpack.i.l.bf16.f32 v2  }
0x1ce: {  	v2 =	vunpack.i.u.bf16.f32 v2;
	v4 =	vmul.f32 v3, v36  }
0x1cf: {  	v2 =	vmul.f32 v3, v2  }
0x1d0: {  	[tilespmem:s24+$0xFFFFFF20] =	vst v4  }
0x1d1: {  	[tilespmem:s24+$0xFFFFFF30] =	vst v2  }
0x1d2: {  	v2 =	vld [tilespmem:s11+$0xFFFFFEB0];
	_ =	sdelay $0x4  }
0x1d3: {  	v37 =	vunpack.i.l.bf16.f32 v2  }
0x1d4: {  	v2 =	vunpack.i.u.bf16.f32 v2;
	v4 =	vmul.f32 v3, v37  }
0x1d5: {  	v2 =	vmul.f32 v3, v2  }
0x1d6: {  	[tilespmem:s24+$0xFFFFFF40] =	vst v4  }
0x1d7: {  	[tilespmem:s24+$0xFFFFFF50] =	vst v2  }
0x1d8: {  	s6 =	sadd.s32 $0x3, s1;
	v2 =	vld [tilespmem:s11+$0xFFFFFEC0]  }
0x1d9: {  	v38 =	vmov s6  }
0x1da: {  	v4 =	vshrl.u32 v38, $0x3  }
0x1db: {  	v4 =	vshll.u32 v4, v1  }
0x1dc: {  	v4 =	vadd.s32 $0x283, v4  }
0x1dd: {  	v4 =	vbroadcast v4, $0x0;
	v39 =	vunpack.i.l.bf16.f32 v2  }
0x1de: {  	v2 =	vunpack.i.u.bf16.f32 v2;
	v5 =	vmul.f32 v3, v39  }
0x1df: {  	v2 =	vmul.f32 v3, v2  }
0x1e0: {  	[tilespmem:s24+$0xFFFFFF60] =	vst v5  }
0x1e1: {  	[tilespmem:s24+$0xFFFFFF70] =	vst v2  }
0x1e2: {  	v2 =	vld [tilespmem:s11+$0xFFFFFED0]  }
0x1e3: {  	v3 =	vld.idx.msk [tilespmem:v4+s4+$0x0], $0xffff;
	_ =	sdelay $0x3  }
0x1e4: {  	v40 =	vunpack.i.l.bf16.f32 v2  }
0x1e5: {  	v2 =	vunpack.i.u.bf16.f32 v2;
	v4 =	vmul.f32 v3, v40  }
0x1e6: {  	v2 =	vmul.f32 v3, v2  }
0x1e7: {  	[tilespmem:s24+$0xFFFFFF80] =	vst v4  }
0x1e8: {  	[tilespmem:s24+$0xFFFFFF90] =	vst v2  }
0x1e9: {  	v2 =	vld [tilespmem:s11+$0xFFFFFEE0];
	_ =	sdelay $0x4  }
0x1ea: {  	v41 =	vunpack.i.l.bf16.f32 v2  }
0x1eb: {  	v2 =	vunpack.i.u.bf16.f32 v2;
	v4 =	vmul.f32 v3, v41  }
0x1ec: {  	v2 =	vmul.f32 v3, v2  }
0x1ed: {  	[tilespmem:s24+$0xFFFFFFA0] =	vst v4  }
0x1ee: {  	[tilespmem:s24+$0xFFFFFFB0] =	vst v2  }
0x1ef: {  	v2 =	vld [tilespmem:s11+$0xFFFFFEF0];
	_ =	sdelay $0x4  }
0x1f0: {  	v42 =	vunpack.i.l.bf16.f32 v2  }
0x1f1: {  	v2 =	vunpack.i.u.bf16.f32 v2;
	v4 =	vmul.f32 v3, v42  }
0x1f2: {  	v2 =	vmul.f32 v3, v2  }
0x1f3: {  	[tilespmem:s24+$0xFFFFFFC0] =	vst v4  }
0x1f4: {  	[tilespmem:s24+$0xFFFFFFD0] =	vst v2  }
0x1f5: {  	s6 =	sadd.s32 $0x4, s1;
	v2 =	vld [tilespmem:s11+$0xFFFFFF00]  }
0x1f6: {  	v43 =	vmov s6  }
0x1f7: {  	v4 =	vshrl.u32 v43, $0x3  }
0x1f8: {  	v4 =	vshll.u32 v4, v1  }
0x1f9: {  	v4 =	vadd.s32 $0x284, v4  }
0x1fa: {  	v4 =	vbroadcast v4, $0x0;
	v44 =	vunpack.i.l.bf16.f32 v2  }
0x1fb: {  	v2 =	vunpack.i.u.bf16.f32 v2;
	v5 =	vmul.f32 v3, v44  }
0x1fc: {  	v2 =	vmul.f32 v3, v2  }
0x1fd: {  	[tilespmem:s24+$0xFFFFFFE0] =	vst v5  }
0x1fe: {  	[tilespmem:s24+$0xFFFFFFF0] =	vst v2  }
0x1ff: {  	v2 =	vld [tilespmem:s11+$0xFFFFFF10]  }
0x200: {  	v3 =	vld.idx.msk [tilespmem:v4+s4+$0x0], $0xffff;
	_ =	sdelay $0x3  }
0x201: {  	v45 =	vunpack.i.l.bf16.f32 v2  }
0x202: {  	v2 =	vunpack.i.u.bf16.f32 v2;
	v4 =	vmul.f32 v3, v45  }
0x203: {  	v2 =	vmul.f32 v3, v2  }
0x204: {  	[tilespmem:s24+$0x0] =	vst v4  }
0x205: {  	[tilespmem:s24+$0x10] =	vst v2  }
0x206: {  	v2 =	vld [tilespmem:s11+$0xFFFFFF20];
	_ =	sdelay $0x4  }
0x207: {  	v46 =	vunpack.i.l.bf16.f32 v2  }
0x208: {  	v2 =	vunpack.i.u.bf16.f32 v2;
	v4 =	vmul.f32 v3, v46  }
0x209: {  	v2 =	vmul.f32 v3, v2  }
0x20a: {  	[tilespmem:s24+$0x20] =	vst v4  }
0x20b: {  	[tilespmem:s24+$0x30] =	vst v2  }
0x20c: {  	v2 =	vld [tilespmem:s11+$0xFFFFFF30];
	_ =	sdelay $0x4  }
0x20d: {  	v47 =	vunpack.i.l.bf16.f32 v2  }
0x20e: {  	v2 =	vunpack.i.u.bf16.f32 v2;
	v4 =	vmul.f32 v3, v47  }
0x20f: {  	v2 =	vmul.f32 v3, v2  }
0x210: {  	[tilespmem:s24+$0x40] =	vst v4  }
0x211: {  	[tilespmem:s24+$0x50] =	vst v2  }
0x212: {  	s6 =	sadd.s32 $0x5, s1;
	v2 =	vld [tilespmem:s11+$0xFFFFFF40]  }
0x213: {  	v48 =	vmov s6  }
0x214: {  	v4 =	vshrl.u32 v48, $0x3  }
0x215: {  	v4 =	vshll.u32 v4, v1  }
0x216: {  	v4 =	vadd.s32 $0x285, v4  }
0x217: {  	v4 =	vbroadcast v4, $0x0;
	v49 =	vunpack.i.l.bf16.f32 v2  }
0x218: {  	v2 =	vunpack.i.u.bf16.f32 v2;
	v5 =	vmul.f32 v3, v49  }
0x219: {  	v2 =	vmul.f32 v3, v2  }
0x21a: {  	[tilespmem:s24+$0x60] =	vst v5  }
0x21b: {  	[tilespmem:s24+$0x70] =	vst v2  }
0x21c: {  	v2 =	vld [tilespmem:s11+$0xFFFFFF50]  }
0x21d: {  	v3 =	vld.idx.msk [tilespmem:v4+s4+$0x0], $0xffff;
	_ =	sdelay $0x3  }
0x21e: {  	v50 =	vunpack.i.l.bf16.f32 v2  }
0x21f: {  	v2 =	vunpack.i.u.bf16.f32 v2;
	v4 =	vmul.f32 v3, v50  }
0x220: {  	v2 =	vmul.f32 v3, v2  }
0x221: {  	[tilespmem:s24+$0x80] =	vst v4  }
0x222: {  	[tilespmem:s24+$0x90] =	vst v2  }
0x223: {  	v2 =	vld [tilespmem:s11+$0xFFFFFF60];
	_ =	sdelay $0x4  }
0x224: {  	v51 =	vunpack.i.l.bf16.f32 v2  }
0x225: {  	v2 =	vunpack.i.u.bf16.f32 v2;
	v4 =	vmul.f32 v3, v51  }
0x226: {  	v2 =	vmul.f32 v3, v2  }
0x227: {  	[tilespmem:s24+$0xA0] =	vst v4  }
0x228: {  	[tilespmem:s24+$0xB0] =	vst v2  }
0x229: {  	v2 =	vld [tilespmem:s11+$0xFFFFFF70];
	_ =	sdelay $0x4  }
0x22a: {  	v52 =	vunpack.i.l.bf16.f32 v2  }
0x22b: {  	v2 =	vunpack.i.u.bf16.f32 v2;
	v4 =	vmul.f32 v3, v52  }
0x22c: {  	v2 =	vmul.f32 v3, v2  }
0x22d: {  	[tilespmem:s24+$0xC0] =	vst v4  }
0x22e: {  	[tilespmem:s24+$0xD0] =	vst v2  }
0x22f: {  	s6 =	sadd.s32 $0x6, s1;
	v2 =	vld [tilespmem:s11+$0xFFFFFF80]  }
0x230: {  	v53 =	vmov s6  }
0x231: {  	v4 =	vshrl.u32 v53, $0x3  }
0x232: {  	v4 =	vshll.u32 v4, v1  }
0x233: {  	v4 =	vadd.s32 $0x286, v4  }
0x234: {  	v4 =	vbroadcast v4, $0x0;
	v54 =	vunpack.i.l.bf16.f32 v2  }
0x235: {  	v2 =	vunpack.i.u.bf16.f32 v2;
	v5 =	vmul.f32 v3, v54  }
0x236: {  	v2 =	vmul.f32 v3, v2  }
0x237: {  	[tilespmem:s24+$0xE0] =	vst v5  }
0x238: {  	[tilespmem:s24+$0xF0] =	vst v2  }
0x239: {  	v2 =	vld [tilespmem:s11+$0xFFFFFF90]  }
0x23a: {  	v3 =	vld.idx.msk [tilespmem:v4+s4+$0x0], $0xffff;
	_ =	sdelay $0x3  }
0x23b: {  	v55 =	vunpack.i.l.bf16.f32 v2  }
0x23c: {  	v2 =	vunpack.i.u.bf16.f32 v2;
	v4 =	vmul.f32 v3, v55  }
0x23d: {  	v2 =	vmul.f32 v3, v2  }
0x23e: {  	[tilespmem:s24+$0x100] =	vst v4  }
0x23f: {  	[tilespmem:s24+$0x110] =	vst v2  }
0x240: {  	v2 =	vld [tilespmem:s11+$0xFFFFFFA0];
	_ =	sdelay $0x4  }
0x241: {  	v56 =	vunpack.i.l.bf16.f32 v2  }
0x242: {  	v2 =	vunpack.i.u.bf16.f32 v2;
	v4 =	vmul.f32 v3, v56  }
0x243: {  	v2 =	vmul.f32 v3, v2  }
0x244: {  	[tilespmem:s24+$0x120] =	vst v4  }
0x245: {  	[tilespmem:s24+$0x130] =	vst v2  }
0x246: {  	v2 =	vld [tilespmem:s11+$0xFFFFFFB0];
	_ =	sdelay $0x4  }
0x247: {  	v57 =	vunpack.i.l.bf16.f32 v2  }
0x248: {  	v2 =	vunpack.i.u.bf16.f32 v2;
	v4 =	vmul.f32 v3, v57  }
0x249: {  	v2 =	vmul.f32 v3, v2  }
0x24a: {  	[tilespmem:s24+$0x140] =	vst v4  }
0x24b: {  	[tilespmem:s24+$0x150] =	vst v2  }
0x24c: {  	s6 =	sadd.s32 $0x7, s1;
	v2 =	vld [tilespmem:s11+$0xFFFFFFC0]  }
0x24d: {  	v58 =	vmov s6  }
0x24e: {  	v4 =	vshrl.u32 v58, $0x3  }
0x24f: {  	v4 =	vshll.u32 v4, v1  }
0x250: {  	v4 =	vadd.s32 $0x287, v4  }
0x251: {  	v4 =	vbroadcast v4, $0x0;
	v59 =	vunpack.i.l.bf16.f32 v2  }
0x252: {  	v2 =	vunpack.i.u.bf16.f32 v2;
	v5 =	vmul.f32 v3, v59  }
0x253: {  	v2 =	vmul.f32 v3, v2  }
0x254: {  	[tilespmem:s24+$0x160] =	vst v5  }
0x255: {  	[tilespmem:s24+$0x170] =	vst v2  }
0x256: {  	v2 =	vld [tilespmem:s11+$0xFFFFFFD0]  }
0x257: {  	v3 =	vld.idx.msk [tilespmem:v4+s4+$0x0], $0xffff;
	_ =	sdelay $0x3  }
0x258: {  	v60 =	vunpack.i.l.bf16.f32 v2  }
0x259: {  	v2 =	vunpack.i.u.bf16.f32 v2;
	v4 =	vmul.f32 v3, v60  }
0x25a: {  	v2 =	vmul.f32 v3, v2  }
0x25b: {  	[tilespmem:s24+$0x180] =	vst v4  }
0x25c: {  	[tilespmem:s24+$0x190] =	vst v2  }
0x25d: {  	v2 =	vld [tilespmem:s11+$0xFFFFFFE0];
	_ =	sdelay $0x4  }
0x25e: {  	v61 =	vunpack.i.l.bf16.f32 v2  }
0x25f: {  	v2 =	vunpack.i.u.bf16.f32 v2;
	v4 =	vmul.f32 v3, v61  }
0x260: {  	v2 =	vmul.f32 v3, v2  }
0x261: {  	[tilespmem:s24+$0x1A0] =	vst v4  }
0x262: {  	[tilespmem:s24+$0x1B0] =	vst v2  }
0x263: {  	v2 =	vld [tilespmem:s11+$0xFFFFFFF0];
	_ =	sdelay $0x4  }
0x264: {  	v62 =	vunpack.i.l.bf16.f32 v2  }
0x265: {  	v2 =	vunpack.i.u.bf16.f32 v2;
	v4 =	vmul.f32 v3, v62  }
0x266: {  	v2 =	vmul.f32 v3, v2  }
0x267: {  	[tilespmem:s24+$0x1C0] =	vst v4  }
0x268: {  	[tilespmem:s24+$0x1D0] =	vst v2  }
0x269: {  	v2 =	vld [tilespmem:s11+$0x0];
	_ =	sdelay $0x3  }
0x26a: {  	p2 =	slt.u32 s1, $0x78  }
.Ltmp4:
0x26b: {  	v63 =	vunpack.i.l.bf16.f32 v2;
	(pc) =	sbr.rel @p2 .LBB2_7-.Ltmp4, $4  }
0x26c: {  	v2 =	vunpack.i.u.bf16.f32 v2;
	v4 =	vmul.f32 v3, v63  }
0x26d: {  	v2 =	vmul.f32 v3, v2  }
0x26e: {  	[tilespmem:s24+$0x1E0] =	vst v4  }
0x26f: {  	s1 =	sadd.s32 $0x8, s1;
	s11 =	sadd.s32 $0x200, s11;
	[tilespmem:s24+$0x1F0] =	vst v2;
	s24 =	sadd.s32 $0x400, s24  }
0x270: {  	[spmem:s3] =	stream.indirect.scatter.add.f32 [tilespmem:s8], [sflag:$0x9], $0x80, s14, s31, $0xb8;
	[tilespmem:$0x1FE80] =	vst v63  }
0x271: {  	s1 =	sadd.s32 @!p1 s30, s21  }
0x272: {  	_ =	swait.ge [sflag:s9], $0x4000;
	s1 =	smul.u32 @!p1 $0x30, s1  }
0x273: {  	s6 =	simm.s32 @!p1 $0x0;
	[sflag:s9] =	ssyncset.done $0x0  }
0x274: {  	s11 =	simm.s32 @!p1 $0x180;
	[sflag:s9] =	ssyncadd.s32 $0xFFFFC000;
	s1 =	sadd.s32 @!p1 s2, s1  }
0x275: {  	[tilespmem:s11], [sflag:$0x6] =	stream.linear.gather @!p1 [hbm4b:s1+s6], $0x180, $0x38;
	[tilespmem:$0x1FE80] =	vst v63  }
0x276: {  	s1 =	simm.s32 @!p1 $0x5  }
0x277: {  	_ =	swait.ge @!p1 [sflag:s1], $0x180  }
0x278: {  	[sflag:s1] =	ssyncset.done @!p1 $0x0  }
0x279: {  	s11 =	simm.s32 @!p1 $0x600;
	[sflag:s1] =	ssyncadd.s32 @!p1 $0xFFFFFE80;
	s1 =	simm.s32 @!p1 $0x80  }
0x27a: {  	[tilespmem:s11], [sflag:$0x1] =	stream.indirect.gather @!p1 [hbm4b:s5+s1], $0x40, s6, s1, $0xb8;
	[tilespmem:$0x1FE80] =	vst v63  }
0x27b: {  	_ =	swait.ge [sflag:s16], $0x2000  }
0x27c: {  	s24 =	simm.s32 $0x8800;
	[sflag:s16] =	ssyncset.done $0x0  }
0x27d: {  	s1 =	simm.s32 $0x0;
	s11 =	simm.s32 $0x47F0;
	[sflag:s16] =	ssyncadd.s32 $0xFFFFE000  }
.LBB2_9:
0x27e: {  	v2 =	vmov s1  }
0x27f: {  	v2 =	vshrl.u32 v2, $0x3  }
0x280: {  	v2 =	vshll.u32 v2, v1  }
0x281: {  	v2 =	vadd.s32 $0x400, v2  }
0x282: {  	v2 =	vbroadcast v2, $0x0;
	_ =	sdelay $0x4  }
0x283: {  	v3 =	vld [tilespmem:s11+$0xFFFFFE10]  }
0x284: {  	v2 =	vld.idx.msk [tilespmem:v2+s4+$0x0], $0xffff;
	_ =	sdelay $0x3  }
0x285: {  	v4 =	vunpack.i.l.bf16.f32 v3  }
0x286: {  	v3 =	vunpack.i.u.bf16.f32 v3;
	v4 =	vmul.f32 v2, v4  }
0x287: {  	v3 =	vmul.f32 v2, v3  }
0x288: {  	[tilespmem:s24+$0xFFFFFE00] =	vst v4  }
0x289: {  	[tilespmem:s24+$0xFFFFFE10] =	vst v3  }
0x28a: {  	v3 =	vld [tilespmem:s11+$0xFFFFFE20];
	_ =	sdelay $0x4  }
0x28b: {  	v27 =	vunpack.i.l.bf16.f32 v3  }
0x28c: {  	v3 =	vunpack.i.u.bf16.f32 v3;
	v4 =	vmul.f32 v2, v27  }
0x28d: {  	v3 =	vmul.f32 v2, v3  }
0x28e: {  	[tilespmem:s24+$0xFFFFFE20] =	vst v4  }
0x28f: {  	[tilespmem:s24+$0xFFFFFE30] =	vst v3  }
0x290: {  	v3 =	vld [tilespmem:s11+$0xFFFFFE30];
	_ =	sdelay $0x4  }
0x291: {  	v28 =	vunpack.i.l.bf16.f32 v3  }
0x292: {  	v3 =	vunpack.i.u.bf16.f32 v3;
	v4 =	vmul.f32 v2, v28  }
0x293: {  	v3 =	vmul.f32 v2, v3  }
0x294: {  	[tilespmem:s24+$0xFFFFFE40] =	vst v4  }
0x295: {  	[tilespmem:s24+$0xFFFFFE50] =	vst v3  }
0x296: {  	s6 =	sadd.s32 $0x1, s1;
	v3 =	vld [tilespmem:s11+$0xFFFFFE40]  }
0x297: {  	v29 =	vmov s6  }
0x298: {  	v4 =	vshrl.u32 v29, $0x3  }
0x299: {  	v4 =	vshll.u32 v4, v1  }
0x29a: {  	v4 =	vadd.s32 $0x401, v4  }
0x29b: {  	v4 =	vbroadcast v4, $0x0;
	v5 =	vunpack.i.l.bf16.f32 v3  }
0x29c: {  	v3 =	vunpack.i.u.bf16.f32 v3;
	v5 =	vmul.f32 v2, v5  }
0x29d: {  	v2 =	vmul.f32 v2, v3  }
0x29e: {  	[tilespmem:s24+$0xFFFFFE60] =	vst v5  }
0x29f: {  	[tilespmem:s24+$0xFFFFFE70] =	vst v2  }
0x2a0: {  	v2 =	vld [tilespmem:s11+$0xFFFFFE50]  }
0x2a1: {  	v3 =	vld.idx.msk [tilespmem:v4+s4+$0x0], $0xffff;
	_ =	sdelay $0x3  }
0x2a2: {  	v30 =	vunpack.i.l.bf16.f32 v2  }
0x2a3: {  	v2 =	vunpack.i.u.bf16.f32 v2;
	v4 =	vmul.f32 v3, v30  }
0x2a4: {  	v2 =	vmul.f32 v3, v2  }
0x2a5: {  	[tilespmem:s24+$0xFFFFFE80] =	vst v4  }
0x2a6: {  	[tilespmem:s24+$0xFFFFFE90] =	vst v2  }
0x2a7: {  	v2 =	vld [tilespmem:s11+$0xFFFFFE60];
	_ =	sdelay $0x4  }
0x2a8: {  	v31 =	vunpack.i.l.bf16.f32 v2  }
0x2a9: {  	v2 =	vunpack.i.u.bf16.f32 v2;
	v4 =	vmul.f32 v3, v31  }
0x2aa: {  	v2 =	vmul.f32 v3, v2  }
0x2ab: {  	[tilespmem:s24+$0xFFFFFEA0] =	vst v4  }
0x2ac: {  	[tilespmem:s24+$0xFFFFFEB0] =	vst v2  }
0x2ad: {  	v2 =	vld [tilespmem:s11+$0xFFFFFE70];
	_ =	sdelay $0x4  }
0x2ae: {  	v32 =	vunpack.i.l.bf16.f32 v2  }
0x2af: {  	v2 =	vunpack.i.u.bf16.f32 v2;
	v4 =	vmul.f32 v3, v32  }
0x2b0: {  	v2 =	vmul.f32 v3, v2  }
0x2b1: {  	[tilespmem:s24+$0xFFFFFEC0] =	vst v4  }
0x2b2: {  	[tilespmem:s24+$0xFFFFFED0] =	vst v2  }
0x2b3: {  	s6 =	sadd.s32 $0x2, s1;
	v2 =	vld [tilespmem:s11+$0xFFFFFE80]  }
0x2b4: {  	v33 =	vmov s6  }
0x2b5: {  	v4 =	vshrl.u32 v33, $0x3  }
0x2b6: {  	v4 =	vshll.u32 v4, v1  }
0x2b7: {  	v4 =	vadd.s32 $0x402, v4  }
0x2b8: {  	v4 =	vbroadcast v4, $0x0;
	v34 =	vunpack.i.l.bf16.f32 v2  }
0x2b9: {  	v2 =	vunpack.i.u.bf16.f32 v2;
	v5 =	vmul.f32 v3, v34  }
0x2ba: {  	v2 =	vmul.f32 v3, v2  }
0x2bb: {  	[tilespmem:s24+$0xFFFFFEE0] =	vst v5  }
0x2bc: {  	[tilespmem:s24+$0xFFFFFEF0] =	vst v2  }
0x2bd: {  	v2 =	vld [tilespmem:s11+$0xFFFFFE90]  }
0x2be: {  	v3 =	vld.idx.msk [tilespmem:v4+s4+$0x0], $0xffff;
	_ =	sdelay $0x3  }
0x2bf: {  	v35 =	vunpack.i.l.bf16.f32 v2  }
0x2c0: {  	v2 =	vunpack.i.u.bf16.f32 v2;
	v4 =	vmul.f32 v3, v35  }
0x2c1: {  	v2 =	vmul.f32 v3, v2  }
0x2c2: {  	[tilespmem:s24+$0xFFFFFF00] =	vst v4  }
0x2c3: {  	[tilespmem:s24+$0xFFFFFF10] =	vst v2  }
0x2c4: {  	v2 =	vld [tilespmem:s11+$0xFFFFFEA0];
	_ =	sdelay $0x4  }
0x2c5: {  	v36 =	vunpack.i.l.bf16.f32 v2  }
0x2c6: {  	v2 =	vunpack.i.u.bf16.f32 v2;
	v4 =	vmul.f32 v3, v36  }
0x2c7: {  	v2 =	vmul.f32 v3, v2  }
0x2c8: {  	[tilespmem:s24+$0xFFFFFF20] =	vst v4  }
0x2c9: {  	[tilespmem:s24+$0xFFFFFF30] =	vst v2  }
0x2ca: {  	v2 =	vld [tilespmem:s11+$0xFFFFFEB0];
	_ =	sdelay $0x4  }
0x2cb: {  	v37 =	vunpack.i.l.bf16.f32 v2  }
0x2cc: {  	v2 =	vunpack.i.u.bf16.f32 v2;
	v4 =	vmul.f32 v3, v37  }
0x2cd: {  	v2 =	vmul.f32 v3, v2  }
0x2ce: {  	[tilespmem:s24+$0xFFFFFF40] =	vst v4  }
0x2cf: {  	[tilespmem:s24+$0xFFFFFF50] =	vst v2  }
0x2d0: {  	s6 =	sadd.s32 $0x3, s1;
	v2 =	vld [tilespmem:s11+$0xFFFFFEC0]  }
0x2d1: {  	v38 =	vmov s6  }
0x2d2: {  	v4 =	vshrl.u32 v38, $0x3  }
0x2d3: {  	v4 =	vshll.u32 v4, v1  }
0x2d4: {  	v4 =	vadd.s32 $0x403, v4  }
0x2d5: {  	v4 =	vbroadcast v4, $0x0;
	v39 =	vunpack.i.l.bf16.f32 v2  }
0x2d6: {  	v2 =	vunpack.i.u.bf16.f32 v2;
	v5 =	vmul.f32 v3, v39  }
0x2d7: {  	v2 =	vmul.f32 v3, v2  }
0x2d8: {  	[tilespmem:s24+$0xFFFFFF60] =	vst v5  }
0x2d9: {  	[tilespmem:s24+$0xFFFFFF70] =	vst v2  }
0x2da: {  	v2 =	vld [tilespmem:s11+$0xFFFFFED0]  }
0x2db: {  	v3 =	vld.idx.msk [tilespmem:v4+s4+$0x0], $0xffff;
	_ =	sdelay $0x3  }
0x2dc: {  	v40 =	vunpack.i.l.bf16.f32 v2  }
0x2dd: {  	v2 =	vunpack.i.u.bf16.f32 v2;
	v4 =	vmul.f32 v3, v40  }
0x2de: {  	v2 =	vmul.f32 v3, v2  }
0x2df: {  	[tilespmem:s24+$0xFFFFFF80] =	vst v4  }
0x2e0: {  	[tilespmem:s24+$0xFFFFFF90] =	vst v2  }
0x2e1: {  	v2 =	vld [tilespmem:s11+$0xFFFFFEE0];
	_ =	sdelay $0x4  }
0x2e2: {  	v41 =	vunpack.i.l.bf16.f32 v2  }
0x2e3: {  	v2 =	vunpack.i.u.bf16.f32 v2;
	v4 =	vmul.f32 v3, v41  }
0x2e4: {  	v2 =	vmul.f32 v3, v2  }
0x2e5: {  	[tilespmem:s24+$0xFFFFFFA0] =	vst v4  }
0x2e6: {  	[tilespmem:s24+$0xFFFFFFB0] =	vst v2  }
0x2e7: {  	v2 =	vld [tilespmem:s11+$0xFFFFFEF0];
	_ =	sdelay $0x4  }
0x2e8: {  	v42 =	vunpack.i.l.bf16.f32 v2  }
0x2e9: {  	v2 =	vunpack.i.u.bf16.f32 v2;
	v4 =	vmul.f32 v3, v42  }
0x2ea: {  	v2 =	vmul.f32 v3, v2  }
0x2eb: {  	[tilespmem:s24+$0xFFFFFFC0] =	vst v4  }
0x2ec: {  	[tilespmem:s24+$0xFFFFFFD0] =	vst v2  }
0x2ed: {  	s6 =	sadd.s32 $0x4, s1;
	v2 =	vld [tilespmem:s11+$0xFFFFFF00]  }
0x2ee: {  	v43 =	vmov s6  }
0x2ef: {  	v4 =	vshrl.u32 v43, $0x3  }
0x2f0: {  	v4 =	vshll.u32 v4, v1  }
0x2f1: {  	v4 =	vadd.s32 $0x404, v4  }
0x2f2: {  	v4 =	vbroadcast v4, $0x0;
	v44 =	vunpack.i.l.bf16.f32 v2  }
0x2f3: {  	v2 =	vunpack.i.u.bf16.f32 v2;
	v5 =	vmul.f32 v3, v44  }
0x2f4: {  	v2 =	vmul.f32 v3, v2  }
0x2f5: {  	[tilespmem:s24+$0xFFFFFFE0] =	vst v5  }
0x2f6: {  	[tilespmem:s24+$0xFFFFFFF0] =	vst v2  }
0x2f7: {  	v2 =	vld [tilespmem:s11+$0xFFFFFF10]  }
0x2f8: {  	v3 =	vld.idx.msk [tilespmem:v4+s4+$0x0], $0xffff;
	_ =	sdelay $0x3  }
0x2f9: {  	v45 =	vunpack.i.l.bf16.f32 v2  }
0x2fa: {  	v2 =	vunpack.i.u.bf16.f32 v2;
	v4 =	vmul.f32 v3, v45  }
0x2fb: {  	v2 =	vmul.f32 v3, v2  }
0x2fc: {  	[tilespmem:s24+$0x0] =	vst v4  }
0x2fd: {  	[tilespmem:s24+$0x10] =	vst v2  }
0x2fe: {  	v2 =	vld [tilespmem:s11+$0xFFFFFF20];
	_ =	sdelay $0x4  }
0x2ff: {  	v46 =	vunpack.i.l.bf16.f32 v2  }
0x300: {  	v2 =	vunpack.i.u.bf16.f32 v2;
	v4 =	vmul.f32 v3, v46  }
0x301: {  	v2 =	vmul.f32 v3, v2  }
0x302: {  	[tilespmem:s24+$0x20] =	vst v4  }
0x303: {  	[tilespmem:s24+$0x30] =	vst v2  }
0x304: {  	v2 =	vld [tilespmem:s11+$0xFFFFFF30];
	_ =	sdelay $0x4  }
0x305: {  	v47 =	vunpack.i.l.bf16.f32 v2  }
0x306: {  	v2 =	vunpack.i.u.bf16.f32 v2;
	v4 =	vmul.f32 v3, v47  }
0x307: {  	v2 =	vmul.f32 v3, v2  }
0x308: {  	[tilespmem:s24+$0x40] =	vst v4  }
0x309: {  	[tilespmem:s24+$0x50] =	vst v2  }
0x30a: {  	s6 =	sadd.s32 $0x5, s1;
	v2 =	vld [tilespmem:s11+$0xFFFFFF40]  }
0x30b: {  	v48 =	vmov s6  }
0x30c: {  	v4 =	vshrl.u32 v48, $0x3  }
0x30d: {  	v4 =	vshll.u32 v4, v1  }
0x30e: {  	v4 =	vadd.s32 $0x405, v4  }
0x30f: {  	v4 =	vbroadcast v4, $0x0;
	v49 =	vunpack.i.l.bf16.f32 v2  }
0x310: {  	v2 =	vunpack.i.u.bf16.f32 v2;
	v5 =	vmul.f32 v3, v49  }
0x311: {  	v2 =	vmul.f32 v3, v2  }
0x312: {  	[tilespmem:s24+$0x60] =	vst v5  }
0x313: {  	[tilespmem:s24+$0x70] =	vst v2  }
0x314: {  	v2 =	vld [tilespmem:s11+$0xFFFFFF50]  }
0x315: {  	v3 =	vld.idx.msk [tilespmem:v4+s4+$0x0], $0xffff;
	_ =	sdelay $0x3  }
0x316: {  	v50 =	vunpack.i.l.bf16.f32 v2  }
0x317: {  	v2 =	vunpack.i.u.bf16.f32 v2;
	v4 =	vmul.f32 v3, v50  }
0x318: {  	v2 =	vmul.f32 v3, v2  }
0x319: {  	[tilespmem:s24+$0x80] =	vst v4  }
0x31a: {  	[tilespmem:s24+$0x90] =	vst v2  }
0x31b: {  	v2 =	vld [tilespmem:s11+$0xFFFFFF60];
	_ =	sdelay $0x4  }
0x31c: {  	v51 =	vunpack.i.l.bf16.f32 v2  }
0x31d: {  	v2 =	vunpack.i.u.bf16.f32 v2;
	v4 =	vmul.f32 v3, v51  }
0x31e: {  	v2 =	vmul.f32 v3, v2  }
0x31f: {  	[tilespmem:s24+$0xA0] =	vst v4  }
0x320: {  	[tilespmem:s24+$0xB0] =	vst v2  }
0x321: {  	v2 =	vld [tilespmem:s11+$0xFFFFFF70];
	_ =	sdelay $0x4  }
0x322: {  	v52 =	vunpack.i.l.bf16.f32 v2  }
0x323: {  	v2 =	vunpack.i.u.bf16.f32 v2;
	v4 =	vmul.f32 v3, v52  }
0x324: {  	v2 =	vmul.f32 v3, v2  }
0x325: {  	[tilespmem:s24+$0xC0] =	vst v4  }
0x326: {  	[tilespmem:s24+$0xD0] =	vst v2  }
0x327: {  	s6 =	sadd.s32 $0x6, s1;
	v2 =	vld [tilespmem:s11+$0xFFFFFF80]  }
0x328: {  	v53 =	vmov s6  }
0x329: {  	v4 =	vshrl.u32 v53, $0x3  }
0x32a: {  	v4 =	vshll.u32 v4, v1  }
0x32b: {  	v4 =	vadd.s32 $0x406, v4  }
0x32c: {  	v4 =	vbroadcast v4, $0x0;
	v54 =	vunpack.i.l.bf16.f32 v2  }
0x32d: {  	v2 =	vunpack.i.u.bf16.f32 v2;
	v5 =	vmul.f32 v3, v54  }
0x32e: {  	v2 =	vmul.f32 v3, v2  }
0x32f: {  	[tilespmem:s24+$0xE0] =	vst v5  }
0x330: {  	[tilespmem:s24+$0xF0] =	vst v2  }
0x331: {  	v2 =	vld [tilespmem:s11+$0xFFFFFF90]  }
0x332: {  	v3 =	vld.idx.msk [tilespmem:v4+s4+$0x0], $0xffff;
	_ =	sdelay $0x3  }
0x333: {  	v55 =	vunpack.i.l.bf16.f32 v2  }
0x334: {  	v2 =	vunpack.i.u.bf16.f32 v2;
	v4 =	vmul.f32 v3, v55  }
0x335: {  	v2 =	vmul.f32 v3, v2  }
0x336: {  	[tilespmem:s24+$0x100] =	vst v4  }
0x337: {  	[tilespmem:s24+$0x110] =	vst v2  }
0x338: {  	v2 =	vld [tilespmem:s11+$0xFFFFFFA0];
	_ =	sdelay $0x4  }
0x339: {  	v56 =	vunpack.i.l.bf16.f32 v2  }
0x33a: {  	v2 =	vunpack.i.u.bf16.f32 v2;
	v4 =	vmul.f32 v3, v56  }
0x33b: {  	v2 =	vmul.f32 v3, v2  }
0x33c: {  	[tilespmem:s24+$0x120] =	vst v4  }
0x33d: {  	[tilespmem:s24+$0x130] =	vst v2  }
0x33e: {  	v2 =	vld [tilespmem:s11+$0xFFFFFFB0];
	_ =	sdelay $0x4  }
0x33f: {  	v57 =	vunpack.i.l.bf16.f32 v2  }
0x340: {  	v2 =	vunpack.i.u.bf16.f32 v2;
	v4 =	vmul.f32 v3, v57  }
0x341: {  	v2 =	vmul.f32 v3, v2  }
0x342: {  	[tilespmem:s24+$0x140] =	vst v4  }
0x343: {  	[tilespmem:s24+$0x150] =	vst v2  }
0x344: {  	s6 =	sadd.s32 $0x7, s1;
	v2 =	vld [tilespmem:s11+$0xFFFFFFC0]  }
0x345: {  	v58 =	vmov s6  }
0x346: {  	v4 =	vshrl.u32 v58, $0x3  }
0x347: {  	v4 =	vshll.u32 v4, v1  }
0x348: {  	v4 =	vadd.s32 $0x407, v4  }
0x349: {  	v4 =	vbroadcast v4, $0x0;
	v59 =	vunpack.i.l.bf16.f32 v2  }
0x34a: {  	v2 =	vunpack.i.u.bf16.f32 v2;
	v5 =	vmul.f32 v3, v59  }
0x34b: {  	v2 =	vmul.f32 v3, v2  }
0x34c: {  	[tilespmem:s24+$0x160] =	vst v5  }
0x34d: {  	[tilespmem:s24+$0x170] =	vst v2  }
0x34e: {  	v2 =	vld [tilespmem:s11+$0xFFFFFFD0]  }
0x34f: {  	v3 =	vld.idx.msk [tilespmem:v4+s4+$0x0], $0xffff;
	_ =	sdelay $0x3  }
0x350: {  	v60 =	vunpack.i.l.bf16.f32 v2  }
0x351: {  	v2 =	vunpack.i.u.bf16.f32 v2;
	v4 =	vmul.f32 v3, v60  }
0x352: {  	v2 =	vmul.f32 v3, v2  }
0x353: {  	[tilespmem:s24+$0x180] =	vst v4  }
0x354: {  	[tilespmem:s24+$0x190] =	vst v2  }
0x355: {  	v2 =	vld [tilespmem:s11+$0xFFFFFFE0];
	_ =	sdelay $0x4  }
0x356: {  	v61 =	vunpack.i.l.bf16.f32 v2  }
0x357: {  	v2 =	vunpack.i.u.bf16.f32 v2;
	v4 =	vmul.f32 v3, v61  }
0x358: {  	v2 =	vmul.f32 v3, v2  }
0x359: {  	[tilespmem:s24+$0x1A0] =	vst v4  }
0x35a: {  	[tilespmem:s24+$0x1B0] =	vst v2  }
0x35b: {  	v2 =	vld [tilespmem:s11+$0xFFFFFFF0];
	_ =	sdelay $0x4  }
0x35c: {  	v62 =	vunpack.i.l.bf16.f32 v2  }
0x35d: {  	v2 =	vunpack.i.u.bf16.f32 v2;
	v4 =	vmul.f32 v3, v62  }
0x35e: {  	v2 =	vmul.f32 v3, v2  }
0x35f: {  	[tilespmem:s24+$0x1C0] =	vst v4  }
0x360: {  	[tilespmem:s24+$0x1D0] =	vst v2  }
0x361: {  	v2 =	vld [tilespmem:s11+$0x0];
	_ =	sdelay $0x3  }
0x362: {  	p2 =	slt.u32 s1, $0x78  }
.Ltmp5:
0x363: {  	v63 =	vunpack.i.l.bf16.f32 v2;
	(pc) =	sbr.rel @p2 .LBB2_9-.Ltmp5, $4  }
0x364: {  	v2 =	vunpack.i.u.bf16.f32 v2;
	v4 =	vmul.f32 v3, v63  }
0x365: {  	v2 =	vmul.f32 v3, v2  }
0x366: {  	[tilespmem:s24+$0x1E0] =	vst v4  }
0x367: {  	s1 =	sadd.s32 $0x8, s1;
	s11 =	sadd.s32 $0x200, s11;
	[tilespmem:s24+$0x1F0] =	vst v2;
	s24 =	sadd.s32 $0x400, s24  }
0x368: {  	[spmem:s3] =	stream.indirect.scatter.add.f32 [tilespmem:s8], [sflag:$0x9], $0x80, s17, s31, $0xb8;
	[tilespmem:$0x1FE80] =	vst v63  }
0x369: {  	s1 =	sadd.s32 @!p1 s30, s22  }
0x36a: {  	_ =	swait.ge [sflag:s9], $0x4000;
	s1 =	smul.u32 @!p1 $0x30, s1  }
0x36b: {  	s6 =	simm.s32 @!p1 $0x0;
	[sflag:s9] =	ssyncset.done $0x0  }
0x36c: {  	s11 =	simm.s32 @!p1 $0x300;
	[sflag:s9] =	ssyncadd.s32 $0xFFFFC000;
	s1 =	sadd.s32 @!p1 s2, s1  }
0x36d: {  	[tilespmem:s11], [sflag:$0x7] =	stream.linear.gather @!p1 [hbm4b:s1+s6], $0x180, $0x38;
	[tilespmem:$0x1FE80] =	vst v63  }
0x36e: {  	s1 =	simm.s32 @!p1 $0x6  }
0x36f: {  	_ =	swait.ge @!p1 [sflag:s1], $0x180  }
0x370: {  	s6 =	simm.s32 @!p1 $0x180;
	[sflag:s1] =	ssyncset.done @!p1 $0x0  }
0x371: {  	s11 =	simm.s32 @!p1 $0x2600;
	[sflag:s1] =	ssyncadd.s32 @!p1 $0xFFFFFE80;
	s1 =	simm.s32 @!p1 $0x80  }
0x372: {  	[tilespmem:s11], [sflag:$0x2] =	stream.indirect.gather @!p1 [hbm4b:s5+s1], $0x40, s6, s1, $0xb8;
	[tilespmem:$0x1FE80] =	vst v63  }
0x373: {  	_ =	swait.ge [sflag:s18], $0x2000  }
0x374: {  	s24 =	simm.s32 $0x8800;
	[sflag:s18] =	ssyncset.done $0x0  }
0x375: {  	s1 =	simm.s32 $0x0;
	s11 =	simm.s32 $0x67F0;
	[sflag:s18] =	ssyncadd.s32 $0xFFFFE000  }
.LBB2_11:
0x376: {  	v2 =	vmov s1  }
0x377: {  	v2 =	vshrl.u32 v2, $0x3  }
0x378: {  	v2 =	vshll.u32 v2, v1  }
0x379: {  	v2 =	vadd.s32 $0x580, v2  }
0x37a: {  	v2 =	vbroadcast v2, $0x0;
	_ =	sdelay $0x4  }
0x37b: {  	v3 =	vld [tilespmem:s11+$0xFFFFFE10]  }
0x37c: {  	v2 =	vld.idx.msk [tilespmem:v2+s4+$0x0], $0xffff;
	_ =	sdelay $0x3  }
0x37d: {  	v4 =	vunpack.i.l.bf16.f32 v3  }
0x37e: {  	v3 =	vunpack.i.u.bf16.f32 v3;
	v4 =	vmul.f32 v2, v4  }
0x37f: {  	v3 =	vmul.f32 v2, v3  }
0x380: {  	[tilespmem:s24+$0xFFFFFE00] =	vst v4  }
0x381: {  	[tilespmem:s24+$0xFFFFFE10] =	vst v3  }
0x382: {  	v3 =	vld [tilespmem:s11+$0xFFFFFE20];
	_ =	sdelay $0x4  }
0x383: {  	v27 =	vunpack.i.l.bf16.f32 v3  }
0x384: {  	v3 =	vunpack.i.u.bf16.f32 v3;
	v4 =	vmul.f32 v2, v27  }
0x385: {  	v3 =	vmul.f32 v2, v3  }
0x386: {  	[tilespmem:s24+$0xFFFFFE20] =	vst v4  }
0x387: {  	[tilespmem:s24+$0xFFFFFE30] =	vst v3  }
0x388: {  	v3 =	vld [tilespmem:s11+$0xFFFFFE30];
	_ =	sdelay $0x4  }
0x389: {  	v28 =	vunpack.i.l.bf16.f32 v3  }
0x38a: {  	v3 =	vunpack.i.u.bf16.f32 v3;
	v4 =	vmul.f32 v2, v28  }
0x38b: {  	v3 =	vmul.f32 v2, v3  }
0x38c: {  	[tilespmem:s24+$0xFFFFFE40] =	vst v4  }
0x38d: {  	[tilespmem:s24+$0xFFFFFE50] =	vst v3  }
0x38e: {  	s6 =	sadd.s32 $0x1, s1;
	v3 =	vld [tilespmem:s11+$0xFFFFFE40]  }
0x38f: {  	v29 =	vmov s6  }
0x390: {  	v4 =	vshrl.u32 v29, $0x3  }
0x391: {  	v4 =	vshll.u32 v4, v1  }
0x392: {  	v4 =	vadd.s32 $0x581, v4  }
0x393: {  	v4 =	vbroadcast v4, $0x0;
	v5 =	vunpack.i.l.bf16.f32 v3  }
0x394: {  	v3 =	vunpack.i.u.bf16.f32 v3;
	v5 =	vmul.f32 v2, v5  }
0x395: {  	v2 =	vmul.f32 v2, v3  }
0x396: {  	[tilespmem:s24+$0xFFFFFE60] =	vst v5  }
0x397: {  	[tilespmem:s24+$0xFFFFFE70] =	vst v2  }
0x398: {  	v2 =	vld [tilespmem:s11+$0xFFFFFE50]  }
0x399: {  	v3 =	vld.idx.msk [tilespmem:v4+s4+$0x0], $0xffff;
	_ =	sdelay $0x3  }
0x39a: {  	v30 =	vunpack.i.l.bf16.f32 v2  }
0x39b: {  	v2 =	vunpack.i.u.bf16.f32 v2;
	v4 =	vmul.f32 v3, v30  }
0x39c: {  	v2 =	vmul.f32 v3, v2  }
0x39d: {  	[tilespmem:s24+$0xFFFFFE80] =	vst v4  }
0x39e: {  	[tilespmem:s24+$0xFFFFFE90] =	vst v2  }
0x39f: {  	v2 =	vld [tilespmem:s11+$0xFFFFFE60];
	_ =	sdelay $0x4  }
0x3a0: {  	v31 =	vunpack.i.l.bf16.f32 v2  }
0x3a1: {  	v2 =	vunpack.i.u.bf16.f32 v2;
	v4 =	vmul.f32 v3, v31  }
0x3a2: {  	v2 =	vmul.f32 v3, v2  }
0x3a3: {  	[tilespmem:s24+$0xFFFFFEA0] =	vst v4  }
0x3a4: {  	[tilespmem:s24+$0xFFFFFEB0] =	vst v2  }
0x3a5: {  	v2 =	vld [tilespmem:s11+$0xFFFFFE70];
	_ =	sdelay $0x4  }
0x3a6: {  	v32 =	vunpack.i.l.bf16.f32 v2  }
0x3a7: {  	v2 =	vunpack.i.u.bf16.f32 v2;
	v4 =	vmul.f32 v3, v32  }
0x3a8: {  	v2 =	vmul.f32 v3, v2  }
0x3a9: {  	[tilespmem:s24+$0xFFFFFEC0] =	vst v4  }
0x3aa: {  	[tilespmem:s24+$0xFFFFFED0] =	vst v2  }
0x3ab: {  	s6 =	sadd.s32 $0x2, s1;
	v2 =	vld [tilespmem:s11+$0xFFFFFE80]  }
0x3ac: {  	v33 =	vmov s6  }
0x3ad: {  	v4 =	vshrl.u32 v33, $0x3  }
0x3ae: {  	v4 =	vshll.u32 v4, v1  }
0x3af: {  	v4 =	vadd.s32 $0x582, v4  }
0x3b0: {  	v4 =	vbroadcast v4, $0x0;
	v34 =	vunpack.i.l.bf16.f32 v2  }
0x3b1: {  	v2 =	vunpack.i.u.bf16.f32 v2;
	v5 =	vmul.f32 v3, v34  }
0x3b2: {  	v2 =	vmul.f32 v3, v2  }
0x3b3: {  	[tilespmem:s24+$0xFFFFFEE0] =	vst v5  }
0x3b4: {  	[tilespmem:s24+$0xFFFFFEF0] =	vst v2  }
0x3b5: {  	v2 =	vld [tilespmem:s11+$0xFFFFFE90]  }
0x3b6: {  	v3 =	vld.idx.msk [tilespmem:v4+s4+$0x0], $0xffff;
	_ =	sdelay $0x3  }
0x3b7: {  	v35 =	vunpack.i.l.bf16.f32 v2  }
0x3b8: {  	v2 =	vunpack.i.u.bf16.f32 v2;
	v4 =	vmul.f32 v3, v35  }
0x3b9: {  	v2 =	vmul.f32 v3, v2  }
0x3ba: {  	[tilespmem:s24+$0xFFFFFF00] =	vst v4  }
0x3bb: {  	[tilespmem:s24+$0xFFFFFF10] =	vst v2  }
0x3bc: {  	v2 =	vld [tilespmem:s11+$0xFFFFFEA0];
	_ =	sdelay $0x4  }
0x3bd: {  	v36 =	vunpack.i.l.bf16.f32 v2  }
0x3be: {  	v2 =	vunpack.i.u.bf16.f32 v2;
	v4 =	vmul.f32 v3, v36  }
0x3bf: {  	v2 =	vmul.f32 v3, v2  }
0x3c0: {  	[tilespmem:s24+$0xFFFFFF20] =	vst v4  }
0x3c1: {  	[tilespmem:s24+$0xFFFFFF30] =	vst v2  }
0x3c2: {  	v2 =	vld [tilespmem:s11+$0xFFFFFEB0];
	_ =	sdelay $0x4  }
0x3c3: {  	v37 =	vunpack.i.l.bf16.f32 v2  }
0x3c4: {  	v2 =	vunpack.i.u.bf16.f32 v2;
	v4 =	vmul.f32 v3, v37  }
0x3c5: {  	v2 =	vmul.f32 v3, v2  }
0x3c6: {  	[tilespmem:s24+$0xFFFFFF40] =	vst v4  }
0x3c7: {  	[tilespmem:s24+$0xFFFFFF50] =	vst v2  }
0x3c8: {  	s6 =	sadd.s32 $0x3, s1;
	v2 =	vld [tilespmem:s11+$0xFFFFFEC0]  }
0x3c9: {  	v38 =	vmov s6  }
0x3ca: {  	v4 =	vshrl.u32 v38, $0x3  }
0x3cb: {  	v4 =	vshll.u32 v4, v1  }
0x3cc: {  	v4 =	vadd.s32 $0x583, v4  }
0x3cd: {  	v4 =	vbroadcast v4, $0x0;
	v39 =	vunpack.i.l.bf16.f32 v2  }
0x3ce: {  	v2 =	vunpack.i.u.bf16.f32 v2;
	v5 =	vmul.f32 v3, v39  }
0x3cf: {  	v2 =	vmul.f32 v3, v2  }
0x3d0: {  	[tilespmem:s24+$0xFFFFFF60] =	vst v5  }
0x3d1: {  	[tilespmem:s24+$0xFFFFFF70] =	vst v2  }
0x3d2: {  	v2 =	vld [tilespmem:s11+$0xFFFFFED0]  }
0x3d3: {  	v3 =	vld.idx.msk [tilespmem:v4+s4+$0x0], $0xffff;
	_ =	sdelay $0x3  }
0x3d4: {  	v40 =	vunpack.i.l.bf16.f32 v2  }
0x3d5: {  	v2 =	vunpack.i.u.bf16.f32 v2;
	v4 =	vmul.f32 v3, v40  }
0x3d6: {  	v2 =	vmul.f32 v3, v2  }
0x3d7: {  	[tilespmem:s24+$0xFFFFFF80] =	vst v4  }
0x3d8: {  	[tilespmem:s24+$0xFFFFFF90] =	vst v2  }
0x3d9: {  	v2 =	vld [tilespmem:s11+$0xFFFFFEE0];
	_ =	sdelay $0x4  }
0x3da: {  	v41 =	vunpack.i.l.bf16.f32 v2  }
0x3db: {  	v2 =	vunpack.i.u.bf16.f32 v2;
	v4 =	vmul.f32 v3, v41  }
0x3dc: {  	v2 =	vmul.f32 v3, v2  }
0x3dd: {  	[tilespmem:s24+$0xFFFFFFA0] =	vst v4  }
0x3de: {  	[tilespmem:s24+$0xFFFFFFB0] =	vst v2  }
0x3df: {  	v2 =	vld [tilespmem:s11+$0xFFFFFEF0];
	_ =	sdelay $0x4  }
0x3e0: {  	v42 =	vunpack.i.l.bf16.f32 v2  }
0x3e1: {  	v2 =	vunpack.i.u.bf16.f32 v2;
	v4 =	vmul.f32 v3, v42  }
0x3e2: {  	v2 =	vmul.f32 v3, v2  }
0x3e3: {  	[tilespmem:s24+$0xFFFFFFC0] =	vst v4  }
0x3e4: {  	[tilespmem:s24+$0xFFFFFFD0] =	vst v2  }
0x3e5: {  	s6 =	sadd.s32 $0x4, s1;
	v2 =	vld [tilespmem:s11+$0xFFFFFF00]  }
0x3e6: {  	v43 =	vmov s6  }
0x3e7: {  	v4 =	vshrl.u32 v43, $0x3  }
0x3e8: {  	v4 =	vshll.u32 v4, v1  }
0x3e9: {  	v4 =	vadd.s32 $0x584, v4  }
0x3ea: {  	v4 =	vbroadcast v4, $0x0;
	v44 =	vunpack.i.l.bf16.f32 v2  }
0x3eb: {  	v2 =	vunpack.i.u.bf16.f32 v2;
	v5 =	vmul.f32 v3, v44  }
0x3ec: {  	v2 =	vmul.f32 v3, v2  }
0x3ed: {  	[tilespmem:s24+$0xFFFFFFE0] =	vst v5  }
0x3ee: {  	[tilespmem:s24+$0xFFFFFFF0] =	vst v2  }
0x3ef: {  	v2 =	vld [tilespmem:s11+$0xFFFFFF10]  }
0x3f0: {  	v3 =	vld.idx.msk [tilespmem:v4+s4+$0x0], $0xffff;
	_ =	sdelay $0x3  }
0x3f1: {  	v45 =	vunpack.i.l.bf16.f32 v2  }
0x3f2: {  	v2 =	vunpack.i.u.bf16.f32 v2;
	v4 =	vmul.f32 v3, v45  }
0x3f3: {  	v2 =	vmul.f32 v3, v2  }
0x3f4: {  	[tilespmem:s24+$0x0] =	vst v4  }
0x3f5: {  	[tilespmem:s24+$0x10] =	vst v2  }
0x3f6: {  	v2 =	vld [tilespmem:s11+$0xFFFFFF20];
	_ =	sdelay $0x4  }
0x3f7: {  	v46 =	vunpack.i.l.bf16.f32 v2  }
0x3f8: {  	v2 =	vunpack.i.u.bf16.f32 v2;
	v4 =	vmul.f32 v3, v46  }
0x3f9: {  	v2 =	vmul.f32 v3, v2  }
0x3fa: {  	[tilespmem:s24+$0x20] =	vst v4  }
0x3fb: {  	[tilespmem:s24+$0x30] =	vst v2  }
0x3fc: {  	v2 =	vld [tilespmem:s11+$0xFFFFFF30];
	_ =	sdelay $0x4  }
0x3fd: {  	v47 =	vunpack.i.l.bf16.f32 v2  }
0x3fe: {  	v2 =	vunpack.i.u.bf16.f32 v2;
	v4 =	vmul.f32 v3, v47  }
0x3ff: {  	v2 =	vmul.f32 v3, v2  }
0x400: {  	[tilespmem:s24+$0x40] =	vst v4  }
0x401: {  	[tilespmem:s24+$0x50] =	vst v2  }
0x402: {  	s6 =	sadd.s32 $0x5, s1;
	v2 =	vld [tilespmem:s11+$0xFFFFFF40]  }
0x403: {  	v48 =	vmov s6  }
0x404: {  	v4 =	vshrl.u32 v48, $0x3  }
0x405: {  	v4 =	vshll.u32 v4, v1  }
0x406: {  	v4 =	vadd.s32 $0x585, v4  }
0x407: {  	v4 =	vbroadcast v4, $0x0;
	v49 =	vunpack.i.l.bf16.f32 v2  }
0x408: {  	v2 =	vunpack.i.u.bf16.f32 v2;
	v5 =	vmul.f32 v3, v49  }
0x409: {  	v2 =	vmul.f32 v3, v2  }
0x40a: {  	[tilespmem:s24+$0x60] =	vst v5  }
0x40b: {  	[tilespmem:s24+$0x70] =	vst v2  }
0x40c: {  	v2 =	vld [tilespmem:s11+$0xFFFFFF50]  }
0x40d: {  	v3 =	vld.idx.msk [tilespmem:v4+s4+$0x0], $0xffff;
	_ =	sdelay $0x3  }
0x40e: {  	v50 =	vunpack.i.l.bf16.f32 v2  }
0x40f: {  	v2 =	vunpack.i.u.bf16.f32 v2;
	v4 =	vmul.f32 v3, v50  }
0x410: {  	v2 =	vmul.f32 v3, v2  }
0x411: {  	[tilespmem:s24+$0x80] =	vst v4  }
0x412: {  	[tilespmem:s24+$0x90] =	vst v2  }
0x413: {  	v2 =	vld [tilespmem:s11+$0xFFFFFF60];
	_ =	sdelay $0x4  }
0x414: {  	v51 =	vunpack.i.l.bf16.f32 v2  }
0x415: {  	v2 =	vunpack.i.u.bf16.f32 v2;
	v4 =	vmul.f32 v3, v51  }
0x416: {  	v2 =	vmul.f32 v3, v2  }
0x417: {  	[tilespmem:s24+$0xA0] =	vst v4  }
0x418: {  	[tilespmem:s24+$0xB0] =	vst v2  }
0x419: {  	v2 =	vld [tilespmem:s11+$0xFFFFFF70];
	_ =	sdelay $0x4  }
0x41a: {  	v52 =	vunpack.i.l.bf16.f32 v2  }
0x41b: {  	v2 =	vunpack.i.u.bf16.f32 v2;
	v4 =	vmul.f32 v3, v52  }
0x41c: {  	v2 =	vmul.f32 v3, v2  }
0x41d: {  	[tilespmem:s24+$0xC0] =	vst v4  }
0x41e: {  	[tilespmem:s24+$0xD0] =	vst v2  }
0x41f: {  	s6 =	sadd.s32 $0x6, s1;
	v2 =	vld [tilespmem:s11+$0xFFFFFF80]  }
0x420: {  	v53 =	vmov s6  }
0x421: {  	v4 =	vshrl.u32 v53, $0x3  }
0x422: {  	v4 =	vshll.u32 v4, v1  }
0x423: {  	v4 =	vadd.s32 $0x586, v4  }
0x424: {  	v4 =	vbroadcast v4, $0x0;
	v54 =	vunpack.i.l.bf16.f32 v2  }
0x425: {  	v2 =	vunpack.i.u.bf16.f32 v2;
	v5 =	vmul.f32 v3, v54  }
0x426: {  	v2 =	vmul.f32 v3, v2  }
0x427: {  	[tilespmem:s24+$0xE0] =	vst v5  }
0x428: {  	[tilespmem:s24+$0xF0] =	vst v2  }
0x429: {  	v2 =	vld [tilespmem:s11+$0xFFFFFF90]  }
0x42a: {  	v3 =	vld.idx.msk [tilespmem:v4+s4+$0x0], $0xffff;
	_ =	sdelay $0x3  }
0x42b: {  	v55 =	vunpack.i.l.bf16.f32 v2  }
0x42c: {  	v2 =	vunpack.i.u.bf16.f32 v2;
	v4 =	vmul.f32 v3, v55  }
0x42d: {  	v2 =	vmul.f32 v3, v2  }
0x42e: {  	[tilespmem:s24+$0x100] =	vst v4  }
0x42f: {  	[tilespmem:s24+$0x110] =	vst v2  }
0x430: {  	v2 =	vld [tilespmem:s11+$0xFFFFFFA0];
	_ =	sdelay $0x4  }
0x431: {  	v56 =	vunpack.i.l.bf16.f32 v2  }
0x432: {  	v2 =	vunpack.i.u.bf16.f32 v2;
	v4 =	vmul.f32 v3, v56  }
0x433: {  	v2 =	vmul.f32 v3, v2  }
0x434: {  	[tilespmem:s24+$0x120] =	vst v4  }
0x435: {  	[tilespmem:s24+$0x130] =	vst v2  }
0x436: {  	v2 =	vld [tilespmem:s11+$0xFFFFFFB0];
	_ =	sdelay $0x4  }
0x437: {  	v57 =	vunpack.i.l.bf16.f32 v2  }
0x438: {  	v2 =	vunpack.i.u.bf16.f32 v2;
	v4 =	vmul.f32 v3, v57  }
0x439: {  	v2 =	vmul.f32 v3, v2  }
0x43a: {  	[tilespmem:s24+$0x140] =	vst v4  }
0x43b: {  	[tilespmem:s24+$0x150] =	vst v2  }
0x43c: {  	s6 =	sadd.s32 $0x7, s1;
	v2 =	vld [tilespmem:s11+$0xFFFFFFC0]  }
0x43d: {  	v58 =	vmov s6  }
0x43e: {  	v4 =	vshrl.u32 v58, $0x3  }
0x43f: {  	v4 =	vshll.u32 v4, v1  }
0x440: {  	v4 =	vadd.s32 $0x587, v4  }
0x441: {  	v4 =	vbroadcast v4, $0x0;
	v59 =	vunpack.i.l.bf16.f32 v2  }
0x442: {  	v2 =	vunpack.i.u.bf16.f32 v2;
	v5 =	vmul.f32 v3, v59  }
0x443: {  	v2 =	vmul.f32 v3, v2  }
0x444: {  	[tilespmem:s24+$0x160] =	vst v5  }
0x445: {  	[tilespmem:s24+$0x170] =	vst v2  }
0x446: {  	v2 =	vld [tilespmem:s11+$0xFFFFFFD0]  }
0x447: {  	v3 =	vld.idx.msk [tilespmem:v4+s4+$0x0], $0xffff;
	_ =	sdelay $0x3  }
0x448: {  	v60 =	vunpack.i.l.bf16.f32 v2  }
0x449: {  	v2 =	vunpack.i.u.bf16.f32 v2;
	v4 =	vmul.f32 v3, v60  }
0x44a: {  	v2 =	vmul.f32 v3, v2  }
0x44b: {  	[tilespmem:s24+$0x180] =	vst v4  }
0x44c: {  	[tilespmem:s24+$0x190] =	vst v2  }
0x44d: {  	v2 =	vld [tilespmem:s11+$0xFFFFFFE0];
	_ =	sdelay $0x4  }
0x44e: {  	v61 =	vunpack.i.l.bf16.f32 v2  }
0x44f: {  	v2 =	vunpack.i.u.bf16.f32 v2;
	v4 =	vmul.f32 v3, v61  }
0x450: {  	v2 =	vmul.f32 v3, v2  }
0x451: {  	[tilespmem:s24+$0x1A0] =	vst v4  }
0x452: {  	[tilespmem:s24+$0x1B0] =	vst v2  }
0x453: {  	v2 =	vld [tilespmem:s11+$0xFFFFFFF0];
	_ =	sdelay $0x4  }
0x454: {  	v62 =	vunpack.i.l.bf16.f32 v2  }
0x455: {  	v2 =	vunpack.i.u.bf16.f32 v2;
	v4 =	vmul.f32 v3, v62  }
0x456: {  	v2 =	vmul.f32 v3, v2  }
0x457: {  	[tilespmem:s24+$0x1C0] =	vst v4  }
0x458: {  	[tilespmem:s24+$0x1D0] =	vst v2  }
0x459: {  	v2 =	vld [tilespmem:s11+$0x0];
	_ =	sdelay $0x3  }
0x45a: {  	p2 =	slt.u32 s1, $0x78  }
.Ltmp6:
0x45b: {  	v63 =	vunpack.i.l.bf16.f32 v2;
	(pc) =	sbr.rel @p2 .LBB2_11-.Ltmp6, $4  }
0x45c: {  	v2 =	vunpack.i.u.bf16.f32 v2;
	v4 =	vmul.f32 v3, v63  }
0x45d: {  	v2 =	vmul.f32 v3, v2  }
0x45e: {  	[tilespmem:s24+$0x1E0] =	vst v4  }
0x45f: {  	s1 =	sadd.s32 $0x8, s1;
	s11 =	sadd.s32 $0x200, s11;
	[tilespmem:s24+$0x1F0] =	vst v2;
	s24 =	sadd.s32 $0x400, s24  }
.Ltmp7:
0x460: {  	(pc) =	sbr.rel @p1 .LBB2_14-.Ltmp7, $4  }
0x461: {  	[spmem:s3] =	stream.indirect.scatter.add.f32 [tilespmem:s8], [sflag:$0x9], $0x80, s19, s31, $0xb8;
	[tilespmem:$0x1FE80] =	vst v63  }
0x462: {  	_ =	swait.ge [sflag:s9], $0x4000  }
0x463: {  	[sflag:s9] =	ssyncset.done $0x0  }
0x464: {  	[sflag:s9] =	ssyncadd.s32 $0xFFFFC000  }
0x465: {  	s1 =	sadd.s32 s30, s23  }
0x466: {  	s1 =	smul.u32 $0x30, s1;
	_ =	sdelay $0x1  }
0x467: {  	s1 =	sadd.s32 s2, s1  }
0x468: {  	[tilespmem:s29], [sflag:$0x8] =	stream.linear.gather [hbm4b:s1+s4], $0x180, $0x38;
	[tilespmem:$0x1FE80] =	vst v63  }
.Ltmp8:
0x469: {  	_ = 	snop;
	(pc) =	sbr.rel .LBB2_4-.Ltmp8, $4  }
0x46a: {  	_ =	swait.ge [sflag:s0], $0x180  }
0x46b: {  	[sflag:s0] =	ssyncset.done $0x0  }
0x46c: {  	s15 =	sadd.s32 $0x1, s15;
	[sflag:s0] =	ssyncadd.s32 $0xFFFFFE80  }
0x46d: {  	[tilespmem:s26], [sflag:$0x3] =	stream.indirect.gather [hbm4b:s5+s31], $0x40, s28, s31, $0xb8;
	[tilespmem:$0x1FE80] =	vst v63  }
.LBB2_15:
0x46e: {  	_ =	sfence.sel $0x180000  }
0x46f: {  	[bflag:$0x0] =	sbarrier.arrive $0xFFFF  }
0x470: {  	_ =	strace $0x90000047  }
0x471: {  	s0 =	stileid.u32;
	[bflag:$0x2] =	sbarrier.arrive $0xFFFF  }
0x472: {  	p0 =	sne.s32 s0, $0x0;
	s0 =	rddreg [dreg:$0x3]  }
0x473: {  	s0 =	sadd.s32 @!p0 $0x100000, s0  }
0x474: {  	[sflag:s0] =	ssyncadd.tile.s32 @!p0 $0x1;
	_ =	shalt  }
.Lfunc_end2:
_tile_overlayer_lowered:
.L_overlay_start_2:
0x475: {  	(tag) =	ssettag $0x2  }
0x476: {  	s0 =	rddreg [dreg:$0x0];
	s2 =	stileid.u32  }
0x477: {  	s1 =	rddreg [dreg:$0x1];
	p0 =	sne.s32 s2, $0x0  }
0x478: {  	s3 =	rddreg [dreg:$0x2];
	[bflag:$0x3] =	sbarrier.arrive $0xFFFF;
	s2 =	simm.s32 @!p0 $0x1C09  }
0x479: {  	[timem:s3], [sflag:s2] =	dma.local @!p0 [hbm:s0], s1  }
0x47a: {  	s0 =	simm.s32 @!p0 $0x9  }
0x47b: {  	_ =	swait.ge @!p0 [sflag:s0], s1  }
0x47c: {  	s1 =	ssub.s32 @!p0 $0x0, s1;
	[sflag:s0] =	ssyncset.done @!p0 $0x0  }
0x47d: {  	[sflag:s0] =	ssyncadd.s32 @!p0 s1  }
0x47e: {  	[bflag:$0x3] =	sbarrier.arrive $0xFFFF  }
0x47f: {  	_ =	shalt  }

</sc_bundles>
